<compile_context>
chip_gen: v7x
topology: tpu7x:2x2x1
jax: 0.10.2.dev20260603
libtpu: 0.0.44.dev20260713+nightly
codegen_flags: <defaults>
</compile_context>

<pallas_src>
import functools

import jax
import jax.numpy as jnp
from jax import lax
from jax.experimental import pallas as pl
from jax.experimental.pallas import tpu as pltpu
from jax.experimental.pallas import tpu_sc as plsc

N = 10000
NPAD = 10240
E = 320000
D = 128
DH = D // 2

NC = 2
NS = 16
EPW = E // NS
CHUNK = 80
NCHUNK = EPW // CHUNK
NBUF = 5
ROWS_PER_TILE = NPAD // NS

_mesh = plsc.VectorSubcoreMesh(core_axis_name="c", subcore_axis_name="s")


def _make_sc_agg(do_deg):
    def body(pk_hbm, x_hbm, agg_out, *rest):
        if do_deg:
            deg_out, src_v, dst_v, *rest = rest
            bufs, rest = list(rest[:NBUF]), rest[NBUF:]
            ones_buf, zbuf, zbuf16, acc_sh, deg_sh, *rest = rest
        else:
            src_v, dst_v, *rest = rest
            bufs, rest = list(rest[:NBUF]), rest[NBUF:]
            zbuf, acc_sh, *rest = rest
        gsems = list(rest)
        cid = lax.axis_index("c")
        sid = lax.axis_index("s")

        def _zrow(r, _):
            for k in range(DH // 16):
                zbuf[r, pl.ds(k * 16, 16)] = jnp.zeros((16,), jnp.float32)
            if do_deg:
                zbuf16[r, :] = jnp.zeros((16,), jnp.float32)
            return 0
        lax.fori_loop(0, 64, _zrow, 0)

        if do_deg:
            def _orow(r, _):
                ones_buf[r, :] = jnp.ones((16,), jnp.float32)
                return 0
            lax.fori_loop(0, CHUNK, _orow, 0)

        def _zacc(b, _):
            base = sid * ROWS_PER_TILE + b * 64
            pltpu.sync_copy(zbuf, acc_sh.at[pl.ds(base, 64)])
            if do_deg:
                pltpu.sync_copy(zbuf16, deg_sh.at[pl.ds(base, 64)])
            return 0
        lax.fori_loop(0, ROWS_PER_TILE // 64, _zacc, 0)

        plsc.subcore_barrier()

        pltpu.sync_copy(pk_hbm.at[sid], dst_v)

        def _xform(c):
            for k in range(CHUNK // 16):
                v = dst_v[c, pl.ds(k * 16, 16)]
                s = v & 0xFFFF
                src_v[c, pl.ds(k * 16, 16)] = s + s + cid
                dst_v[c, pl.ds(k * 16, 16)] = v >> 16

        def _xform_loop(c, _):
            _xform(c)
            return 0
        lax.fori_loop(0, NBUF, _xform_loop, 0)

        for k in range(NBUF):
            pltpu.async_copy(x_hbm.at[src_v.at[k]], bufs[k], gsems[k])

        iters = NCHUNK // NBUF

        def _ring(j, _):
            for k in range(NBUF):
                b = j * NBUF + k
                pltpu.make_async_copy(x_hbm.at[src_v.at[b]], bufs[k],
                                      gsems[k]).wait()
                if do_deg:
                    @pl.when(cid == (b % 2))
                    def _():
                        pltpu.sync_copy(ones_buf, deg_sh.at[dst_v.at[b]],
                                        add=True)
                pltpu.sync_copy(bufs[k], acc_sh.at[dst_v.at[b]], add=True)

                @pl.when(j < iters - 1)
                def _():
                    _xform(b + NBUF)
                    pltpu.async_copy(x_hbm.at[src_v.at[b + NBUF]], bufs[k],
                                     gsems[k])
            return 0
        lax.fori_loop(0, iters, _ring, 0)

        plsc.subcore_barrier()

        rows = pl.ds(sid * ROWS_PER_TILE, ROWS_PER_TILE)
        pltpu.sync_copy(acc_sh.at[rows],
                        agg_out.at[rows, pl.ds(cid * DH, DH)])
        if do_deg:
            pltpu.sync_copy(deg_sh.at[rows], deg_out.at[cid, rows])

    out_type = [jax.ShapeDtypeStruct((NPAD, D), jnp.float32)]
    if do_deg:
        out_type.append(jax.ShapeDtypeStruct((NC, NPAD, 16), jnp.float32))
    scratch = [
        pltpu.VMEM((NCHUNK, CHUNK), jnp.int32),
        pltpu.VMEM((NCHUNK, CHUNK), jnp.int32),
    ]
    scratch += [pltpu.VMEM((CHUNK, DH), jnp.float32) for _ in range(NBUF)]
    if do_deg:
        scratch.append(pltpu.VMEM((CHUNK, 16), jnp.float32))
    scratch.append(pltpu.VMEM((64, DH), jnp.float32))
    if do_deg:
        scratch.append(pltpu.VMEM((64, 16), jnp.float32))
    scratch.append(pltpu.VMEM_SHARED((NPAD, DH), jnp.float32))
    if do_deg:
        scratch.append(pltpu.VMEM_SHARED((NPAD, 16), jnp.float32))
    scratch += [pltpu.SemaphoreType.DMA for _ in range(NBUF)]
    return pl.kernel(
        body,
        out_type=out_type,
        mesh=_mesh,
        scratch_types=scratch,
        compiler_params=pltpu.CompilerParams(use_tc_tiling_on_sc=False),
    )


_sc_agg_deg = _make_sc_agg(True)
_sc_agg = _make_sc_agg(False)


BLK = 400
GRID = N // BLK
CBLK = 2000
CGRID = N // CBLK


def _tc_self_body(x_ref, w_ref, out_ref):
    out_ref[...] = jnp.dot(x_ref[...], w_ref[...],
                           preferred_element_type=jnp.float32)


_tc_self = pl.pallas_call(
    _tc_self_body,
    grid=(GRID,),
    in_specs=[
        pl.BlockSpec((BLK, D), lambda i: (i, 0)),
        pl.BlockSpec((D, D), lambda i: (0, 0)),
    ],
    out_specs=pl.BlockSpec((BLK, D), lambda i: (i, 0)),
    out_shape=jax.ShapeDtypeStruct((N, D), jnp.float32),
)


def _tc_combine_body(relu, xs_ref, agg_ref, d0_ref, d1_ref, wn_ref,
                     out_ref, f_ref=None):
    deg16 = jnp.sum(d0_ref[0] + d1_ref[0], axis=1, keepdims=True)
    inv = 16.0 / jnp.maximum(deg16, 16.0)
    mean = agg_ref[...] * inv
    out = xs_ref[...] + jnp.dot(mean, wn_ref[...],
                                preferred_element_type=jnp.float32)
    if relu:
        out = jnp.maximum(out, 0.0)
    out_ref[...] = out
    if f_ref is not None:
        fm = jnp.max(out, axis=0, keepdims=True)

        @pl.when(pl.program_id(0) == 0)
        def _():
            f_ref[...] = fm

        @pl.when(pl.program_id(0) > 0)
        def _():
            f_ref[...] = jnp.maximum(f_ref[...], fm)


_combine_in_specs = [
    pl.BlockSpec((CBLK, D), lambda i: (i, 0)),
    pl.BlockSpec((CBLK, D), lambda i: (i, 0)),
    pl.BlockSpec((1, CBLK, 16), lambda i: (0, i, 0)),
    pl.BlockSpec((1, CBLK, 16), lambda i: (1, i, 0)),
    pl.BlockSpec((D, D), lambda i: (0, 0)),
]

_tc_combine1 = pl.pallas_call(
    functools.partial(_tc_combine_body, True),
    grid=(CGRID,),
    in_specs=_combine_in_specs,
    out_specs=pl.BlockSpec((CBLK, D), lambda i: (i, 0)),
    out_shape=jax.ShapeDtypeStruct((N, D), jnp.float32),
)

_tc_combine2 = pl.pallas_call(
    functools.partial(_tc_combine_body, False),
    grid=(CGRID,),
    in_specs=_combine_in_specs,
    out_specs=[
        pl.BlockSpec((CBLK, D), lambda i: (i, 0)),
        pl.BlockSpec((1, D), lambda i: (0, 0)),
    ],
    out_shape=[
        jax.ShapeDtypeStruct((N, D), jnp.float32),
        jax.ShapeDtypeStruct((1, D), jnp.float32),
    ],
)


def kernel(x, edge_index, W_self1, W_neigh1, W_self2, W_neigh2):
    ei = edge_index.astype(jnp.int32)
    packed = (jnp.left_shift(ei[1], 16) | ei[0]).reshape(NS, NCHUNK, CHUNK)

    agg, degp = _sc_agg_deg(packed, x.reshape(2 * N, DH))
    xs = _tc_self(x, W_self1)
    h = _tc_combine1(xs, agg, degp, degp, W_neigh1)

    (agg2,) = _sc_agg(packed, h.reshape(2 * N, DH))
    hs = _tc_self(h, W_self2)
    e, f = _tc_combine2(hs, agg2, degp, degp, W_neigh2)
    return (f, e)

# --- scband reference (transcript-rebuilt; emitter-appended) ---
"""Pipeline reference for scband-sageencoder-37735582662835 (READ-ONLY COPY).

The authoritative reference and input builder live on the scoring server;
editing this copy changes nothing except your own understanding.
"""

import jax, jax.numpy as jnp
import numpy as np

N_NODES = 10000
N_EDGES = 320000
D_IN = 128
D_HID = 128
D_OUT = 128


def _sage_mean_layer(x, src, dst, W_self, W_neigh, n_nodes):
    # DGL SAGEConv with aggregator_type='mean', bias=False:
    #   h = fc_self(x) + fc_neigh(mean_{u in N(v)} x_u)
    msg = jnp.take(x, src, axis=0)                      # gather src features  [E, d]
    agg = jax.ops.segment_sum(msg, dst, num_segments=n_nodes)   # scatter-add by dst
    deg = jax.ops.segment_sum(jnp.ones((src.shape[0],), dtype=x.dtype), dst, num_segments=n_nodes)
    mean = agg / jnp.clip(deg, 1.0, None)[:, None]      # zero in-degree -> 0 (agg already 0)
    return x @ W_self + mean @ W_neigh


def setup_inputs(seed: int = 0) -> dict:
    key = jax.random.key(seed)
    k0, k1, k2, k3, k4, k5 = jax.random.split(key, 6)
    x = jax.random.normal(k0, (N_NODES, D_IN), dtype=jnp.float32)
    edge_index = jax.random.randint(k1, (2, N_EDGES), 0, N_NODES)
    s1 = 1.0 / np.sqrt(D_IN)
    s2 = 1.0 / np.sqrt(D_HID)
    W_self1 = jax.random.normal(k2, (D_IN, D_HID), dtype=jnp.float32) * s1
    W_neigh1 = jax.random.normal(k3, (D_IN, D_HID), dtype=jnp.float32) * s1
    W_self2 = jax.random.normal(k4, (D_HID, D_OUT), dtype=jnp.float32) * s2
    W_neigh2 = jax.random.normal(k5, (D_HID, D_OUT), dtype=jnp.float32) * s2
    return {
        "x": x,
        "edge_index": edge_index,
        "W_self1": W_self1,
        "W_neigh1": W_neigh1,
        "W_self2": W_self2,
        "W_neigh2": W_neigh2,
    }


def reference(x, edge_index, W_self1, W_neigh1, W_self2, W_neigh2):
    # feat_drop is identity in eval mode; omitted.
    src = edge_index[0]
    dst = edge_index[1]
    h = _sage_mean_layer(x, src, dst, W_self1, W_neigh1, N_NODES)
    h = jax.nn.relu(h)                                  # activation on all but last layer
    e = _sage_mean_layer(h, src, dst, W_self2, W_neigh2, N_NODES)  # last layer: no activation
    f = jnp.max(e, axis=0, keepdims=True)               # MaxPooling readout over single graph -> [1, D_OUT]
    return (f, e)

if __name__ == "__main__":
    import jax
    _d = setup_inputs()
    print(jax.jit(kernel)(*tuple(_d.values())))

</pallas_src>

<mosaic_0001>
#map = affine_map<(d0, d1) -> (0, 0, 0)>
#map1 = affine_map<(d0, d1) -> (0, 0)>
module attributes {stable_mosaic.version = 14 : i64} {
  func.func @body(%arg0: i32, %arg1: i32, %arg2: memref<16x250x80xi32, #tpu.memory_space<hbm>>, %arg3: memref<20000x64xf32, #tpu.memory_space<hbm>>, %arg4: memref<10240x128xf32, #tpu.memory_space<hbm>>, %arg5: memref<250x80xi32, #tpu.memory_space<vmem>>, %arg6: memref<250x80xi32, #tpu.memory_space<vmem>>, %arg7: memref<80x64xf32, #tpu.memory_space<vmem>>, %arg8: memref<80x64xf32, #tpu.memory_space<vmem>>, %arg9: memref<80x64xf32, #tpu.memory_space<vmem>>, %arg10: memref<80x64xf32, #tpu.memory_space<vmem>>, %arg11: memref<80x64xf32, #tpu.memory_space<vmem>>, %arg12: memref<64x64xf32, #tpu.memory_space<vmem>>, %arg13: memref<10240x64xf32, #tpu.memory_space<vmem_shared>>, %arg14: memref<!tpu.dma_semaphore, #tpu.memory_space<semaphore_mem>>, %arg15: memref<!tpu.dma_semaphore, #tpu.memory_space<semaphore_mem>>, %arg16: memref<!tpu.dma_semaphore, #tpu.memory_space<semaphore_mem>>, %arg17: memref<!tpu.dma_semaphore, #tpu.memory_space<semaphore_mem>>, %arg18: memref<!tpu.dma_semaphore, #tpu.memory_space<semaphore_mem>>) attributes {dimension_semantics = [#tpu.dimension_semantics<core_parallel>, #tpu.dimension_semantics<subcore_parallel>], iteration_bounds = array<i64: 2, 16>, scalar_prefetch = 0 : i64, scratch_operands = 14 : i64, tpu.core_type = #tpu.core_type<sc_vector_subcore>, window_params = [{transform_indices = #map}, {transform_indices = #map1}, {transform_indices = #map1}]} {
    %scan3A = arith.constant 0 : i32
    %scan3A_0 = arith.constant 0 : i32
    %scan3A_1 = arith.constant 64 : i32
    %scan3A_2 = arith.addi %scan3A_0, %scan3A_1 : i32
    %scan3A_3 = arith.constant 1 : i32
    %scan3A_4 = scf.for %scan3A_65 = %scan3A_0 to %scan3A_2 step %scan3A_3 iter_args(%scan3A_66 = %scan3A) -> (i32)  : i32 {
      %broadcast_in_dim3A = arith.constant 0.000000e+00 : f32
      %broadcast_in_dim3A_67 = vector.broadcast %broadcast_in_dim3A : f32 to vector<16xf32>
      %swap3A = arith.index_cast %scan3A_65 : i32 to index
      %swap3A_68 = arith.constant 0 : index
      %swap3A_69 = tpu.vector_load %arg12[%swap3A, %swap3A_68] {strides = array<i32>} : memref<64x64xf32, #tpu.memory_space<vmem>>, vector<1x16xf32>,
      %swap3A_70 = vector.shape_cast %swap3A_69 : vector<1x16xf32> to vector<16xf32>
      %swap3A_71 = vector.shape_cast %broadcast_in_dim3A_67 : vector<16xf32> to vector<1x16xf32>
      tpu.vector_store %arg12[%swap3A, %swap3A_68], %swap3A_71 {strides = array<i32>} : memref<64x64xf32, #tpu.memory_space<vmem>>, vector<1x16xf32>,
      %broadcast_in_dim3A_72 = arith.constant 0.000000e+00 : f32
      %broadcast_in_dim3A_73 = vector.broadcast %broadcast_in_dim3A_72 : f32 to vector<16xf32>
      %swap3A_74 = arith.index_cast %scan3A_65 : i32 to index
      %swap3A_75 = arith.constant 16 : index
      %swap3A_76 = tpu.vector_load %arg12[%swap3A_74, %swap3A_75] {strides = array<i32>} : memref<64x64xf32, #tpu.memory_space<vmem>>, vector<1x16xf32>,
      %swap3A_77 = vector.shape_cast %swap3A_76 : vector<1x16xf32> to vector<16xf32>
      %swap3A_78 = vector.shape_cast %broadcast_in_dim3A_73 : vector<16xf32> to vector<1x16xf32>
      tpu.vector_store %arg12[%swap3A_74, %swap3A_75], %swap3A_78 {strides = array<i32>} : memref<64x64xf32, #tpu.memory_space<vmem>>, vector<1x16xf32>,
      %broadcast_in_dim3A_79 = arith.constant 0.000000e+00 : f32
      %broadcast_in_dim3A_80 = vector.broadcast %broadcast_in_dim3A_79 : f32 to vector<16xf32>
      %swap3A_81 = arith.index_cast %scan3A_65 : i32 to index
      %swap3A_82 = arith.constant 32 : index
      %swap3A_83 = tpu.vector_load %arg12[%swap3A_81, %swap3A_82] {strides = array<i32>} : memref<64x64xf32, #tpu.memory_space<vmem>>, vector<1x16xf32>,
      %swap3A_84 = vector.shape_cast %swap3A_83 : vector<1x16xf32> to vector<16xf32>
      %swap3A_85 = vector.shape_cast %broadcast_in_dim3A_80 : vector<16xf32> to vector<1x16xf32>
      tpu.vector_store %arg12[%swap3A_81, %swap3A_82], %swap3A_85 {strides = array<i32>} : memref<64x64xf32, #tpu.memory_space<vmem>>, vector<1x16xf32>,
      %broadcast_in_dim3A_86 = arith.constant 0.000000e+00 : f32
      %broadcast_in_dim3A_87 = vector.broadcast %broadcast_in_dim3A_86 : f32 to vector<16xf32>
      %swap3A_88 = arith.index_cast %scan3A_65 : i32 to index
      %swap3A_89 = arith.constant 48 : index
      %swap3A_90 = tpu.vector_load %arg12[%swap3A_88, %swap3A_89] {strides = array<i32>} : memref<64x64xf32, #tpu.memory_space<vmem>>, vector<1x16xf32>,
      %swap3A_91 = vector.shape_cast %swap3A_90 : vector<1x16xf32> to vector<16xf32>
      %swap3A_92 = vector.shape_cast %broadcast_in_dim3A_87 : vector<16xf32> to vector<1x16xf32>
      tpu.vector_store %arg12[%swap3A_88, %swap3A_89], %swap3A_92 {strides = array<i32>} : memref<64x64xf32, #tpu.memory_space<vmem>>, vector<1x16xf32>,
      %scan3A_93 = arith.constant 0 : i32
      scf.yield %scan3A_93 : i32
    }
    %scan3A_5 = arith.constant 64 : i32
    %scan3A_6 = arith.constant 0 : i32
    %scan3A_7 = arith.constant 0 : i32
    %scan3A_8 = arith.constant 10 : i32
    %scan3A_9 = arith.addi %scan3A_7, %scan3A_8 : i32
    %scan3A_10 = arith.constant 1 : i32
    %scan3A_11 = scf.for %scan3A_65 = %scan3A_7 to %scan3A_9 step %scan3A_10 iter_args(%scan3A_66 = %scan3A_6) -> (i32)  : i32 {
      %mul3A_67 = arith.constant 640 : i32
      %mul3A_68 = arith.muli %arg1, %mul3A_67 : i32
      %mul3A_69 = arith.constant 64 : i32
      %mul3A_70 = arith.muli %scan3A_65, %mul3A_69 : i32
      %add3A = arith.addi %mul3A_68, %mul3A_70 : i32
      "tpu.region"() ({
        %run_scoped3A = tpu.sem_alloc : memref<!tpu.dma_semaphore, #tpu.memory_space<semaphore_mem>>
        %dma_start3A_72 = arith.constant 0 : i32
        %dma_start3A_73 = tpu.memref_slice %arg13[%add3A, %dma_start3A_72] : memref<10240x64xf32, #tpu.memory_space<vmem_shared>> -> memref<64x64xf32, #tpu.memory_space<vmem_shared>>
        %dma_start3A_74 = arith.constant 0 : i32
        %dma_start3A_75 = tpu.memref_slice %arg13[%add3A, %dma_start3A_74] : memref<10240x64xf32, #tpu.memory_space<vmem_shared>> -> memref<64x64xf32, #tpu.memory_space<vmem_shared>>
        tpu.enqueue_dma source(%arg12 : memref<64x64xf32, #tpu.memory_space<vmem>>) target(%dma_start3A_75 : memref<64x64xf32, #tpu.memory_space<vmem_shared>>) target_semaphore(%run_scoped3A : memref<!tpu.dma_semaphore, #tpu.memory_space<semaphore_mem>>)
        %dma_wait3A = arith.constant 0 : i32
        %dma_wait3A_76 = tpu.memref_slice %arg13[%add3A, %dma_wait3A] : memref<10240x64xf32, #tpu.memory_space<vmem_shared>> -> memref<64x64xf32, #tpu.memory_space<vmem_shared>>
        %dma_wait3A_77 = arith.constant 0 : i32
        %dma_wait3A_78 = tpu.memref_slice %arg13[%add3A, %dma_wait3A_77] : memref<10240x64xf32, #tpu.memory_space<vmem_shared>> -> memref<64x64xf32, #tpu.memory_space<vmem_shared>>
        tpu.wait_dma2 semaphore(%run_scoped3A : memref<!tpu.dma_semaphore, #tpu.memory_space<semaphore_mem>>) src(%arg12 : memref<64x64xf32, #tpu.memory_space<vmem>>) dst(%dma_wait3A_78 : memref<64x64xf32, #tpu.memory_space<vmem_shared>>)
        tpu.yield
      }) : () -> ()
      %scan3A_71 = arith.constant 0 : i32
      scf.yield %scan3A_71 : i32
    }
    %scan3A_12 = arith.constant 10 : i32
    %barrier3A = arith.constant 0 : index
    tpu.barrier barrier_id(%barrier3A)
    "tpu.region"() ({
      %run_scoped3A = tpu.sem_alloc : memref<!tpu.dma_semaphore, #tpu.memory_space<semaphore_mem>>
      %dma_start3A_65 = arith.constant 0 : i32
      %dma_start3A_66 = arith.constant 0 : i32
      %dma_start3A_67 = tpu.memref_slice %arg2[%arg1, %dma_start3A_65, %dma_start3A_66] : memref<16x250x80xi32, #tpu.memory_space<hbm>> -> memref<1x250x80xi32, #tpu.memory_space<hbm>>
      %dma_start3A_68 = tpu.memref_squeeze %dma_start3A_67 : memref<1x250x80xi32, #tpu.memory_space<hbm>> -> memref<250x80xi32, #tpu.memory_space<hbm>>
      %dma_start3A_69 = arith.constant 0 : i32
      %dma_start3A_70 = arith.constant 0 : i32
      %dma_start3A_71 = tpu.memref_slice %arg2[%arg1, %dma_start3A_69, %dma_start3A_70] : memref<16x250x80xi32, #tpu.memory_space<hbm>> -> memref<1x250x80xi32, #tpu.memory_space<hbm>>
      %dma_start3A_72 = tpu.memref_squeeze %dma_start3A_71 : memref<1x250x80xi32, #tpu.memory_space<hbm>> -> memref<250x80xi32, #tpu.memory_space<hbm>>
      tpu.enqueue_dma source(%dma_start3A_72 : memref<250x80xi32, #tpu.memory_space<hbm>>) target(%arg6 : memref<250x80xi32, #tpu.memory_space<vmem>>) target_semaphore(%run_scoped3A : memref<!tpu.dma_semaphore, #tpu.memory_space<semaphore_mem>>)
      %dma_wait3A = arith.constant 0 : i32
      %dma_wait3A_73 = arith.constant 0 : i32
      %dma_wait3A_74 = tpu.memref_slice %arg2[%arg1, %dma_wait3A, %dma_wait3A_73] : memref<16x250x80xi32, #tpu.memory_space<hbm>> -> memref<1x250x80xi32, #tpu.memory_space<hbm>>
      %dma_wait3A_75 = tpu.memref_squeeze %dma_wait3A_74 : memref<1x250x80xi32, #tpu.memory_space<hbm>> -> memref<250x80xi32, #tpu.memory_space<hbm>>
      %dma_wait3A_76 = arith.constant 0 : i32
      %dma_wait3A_77 = arith.constant 0 : i32
      %dma_wait3A_78 = tpu.memref_slice %arg2[%arg1, %dma_wait3A_76, %dma_wait3A_77] : memref<16x250x80xi32, #tpu.memory_space<hbm>> -> memref<1x250x80xi32, #tpu.memory_space<hbm>>
      %dma_wait3A_79 = tpu.memref_squeeze %dma_wait3A_78 : memref<1x250x80xi32, #tpu.memory_space<hbm>> -> memref<250x80xi32, #tpu.memory_space<hbm>>
      tpu.wait_dma2 semaphore(%run_scoped3A : memref<!tpu.dma_semaphore, #tpu.memory_space<semaphore_mem>>) src(%dma_wait3A_79 : memref<250x80xi32, #tpu.memory_space<hbm>>) dst(%arg6 : memref<250x80xi32, #tpu.memory_space<vmem>>)
      tpu.yield
    }) : () -> ()
    %scan3A_13 = arith.constant 0 : i32
    %scan3A_14 = arith.constant 0 : i32
    %scan3A_15 = arith.constant 5 : i32
    %scan3A_16 = arith.addi %scan3A_14, %scan3A_15 : i32
    %scan3A_17 = arith.constant 1 : i32
    %scan3A_18 = scf.for %scan3A_65 = %scan3A_14 to %scan3A_16 step %scan3A_17 iter_args(%scan3A_66 = %scan3A_13) -> (i32)  : i32 {
      %get3A = arith.index_cast %scan3A_65 : i32 to index
      %get3A_67 = arith.constant 0 : index
      %get3A_68 = tpu.vector_load %arg6[%get3A, %get3A_67] {strides = array<i32>} : memref<250x80xi32, #tpu.memory_space<vmem>>, vector<1x16xi32>,
      %get3A_69 = vector.shape_cast %get3A_68 : vector<1x16xi32> to vector<16xi32>
      %and3A = arith.constant 65535 : i32
      %and3A_70 = vector.broadcast %and3A : i32 to vector<16xi32>
      %and3A_71 = arith.andi %get3A_69, %and3A_70 : vector<16xi32>
      %add3A = arith.addi %and3A_71, %and3A_71 : vector<16xi32>
      %add3A_72 = vector.broadcast %arg0 : i32 to vector<16xi32>
      %add3A_73 = arith.addi %add3A, %add3A_72 : vector<16xi32>
      %swap3A = arith.index_cast %scan3A_65 : i32 to index
      %swap3A_74 = arith.constant 0 : index
      %swap3A_75 = tpu.vector_load %arg5[%swap3A, %swap3A_74] {strides = array<i32>} : memref<250x80xi32, #tpu.memory_space<vmem>>, vector<1x16xi32>,
      %swap3A_76 = vector.shape_cast %swap3A_75 : vector<1x16xi32> to vector<16xi32>
      %swap3A_77 = vector.shape_cast %add3A_73 : vector<16xi32> to vector<1x16xi32>
      tpu.vector_store %arg5[%swap3A, %swap3A_74], %swap3A_77 {strides = array<i32>} : memref<250x80xi32, #tpu.memory_space<vmem>>, vector<1x16xi32>,
      %shift_right_arithmetic3A = arith.constant 16 : i32
      %shift_right_arithmetic3A_78 = vector.broadcast %shift_right_arithmetic3A : i32 to vector<16xi32>
      %shift_right_arithmetic3A_79 = arith.shrsi %get3A_69, %shift_right_arithmetic3A_78 : vector<16xi32>
      %swap3A_80 = arith.index_cast %scan3A_65 : i32 to index
      %swap3A_81 = arith.constant 0 : index
      %swap3A_82 = tpu.vector_load %arg6[%swap3A_80, %swap3A_81] {strides = array<i32>} : memref<250x80xi32, #tpu.memory_space<vmem>>, vector<1x16xi32>,
      %swap3A_83 = vector.shape_cast %swap3A_82 : vector<1x16xi32> to vector<16xi32>
      %swap3A_84 = vector.shape_cast %shift_right_arithmetic3A_79 : vector<16xi32> to vector<1x16xi32>
      tpu.vector_store %arg6[%swap3A_80, %swap3A_81], %swap3A_84 {strides = array<i32>} : memref<250x80xi32, #tpu.memory_space<vmem>>, vector<1x16xi32>,
      %get3A_85 = arith.index_cast %scan3A_65 : i32 to index
      %get3A_86 = arith.constant 16 : index
      %get3A_87 = tpu.vector_load %arg6[%get3A_85, %get3A_86] {strides = array<i32>} : memref<250x80xi32, #tpu.memory_space<vmem>>, vector<1x16xi32>,
      %get3A_88 = vector.shape_cast %get3A_87 : vector<1x16xi32> to vector<16xi32>
      %and3A_89 = arith.constant 65535 : i32
      %and3A_90 = vector.broadcast %and3A_89 : i32 to vector<16xi32>
      %and3A_91 = arith.andi %get3A_88, %and3A_90 : vector<16xi32>
      %add3A_92 = arith.addi %and3A_91, %and3A_91 : vector<16xi32>
      %add3A_93 = vector.broadcast %arg0 : i32 to vector<16xi32>
      %add3A_94 = arith.addi %add3A_92, %add3A_93 : vector<16xi32>
      %swap3A_95 = arith.index_cast %scan3A_65 : i32 to index
      %swap3A_96 = arith.constant 16 : index
      %swap3A_97 = tpu.vector_load %arg5[%swap3A_95, %swap3A_96] {strides = array<i32>} : memref<250x80xi32, #tpu.memory_space<vmem>>, vector<1x16xi32>,
      %swap3A_98 = vector.shape_cast %swap3A_97 : vector<1x16xi32> to vector<16xi32>
      %swap3A_99 = vector.shape_cast %add3A_94 : vector<16xi32> to vector<1x16xi32>
      tpu.vector_store %arg5[%swap3A_95, %swap3A_96], %swap3A_99 {strides = array<i32>} : memref<250x80xi32, #tpu.memory_space<vmem>>, vector<1x16xi32>,
      %shift_right_arithmetic3A_100 = arith.constant 16 : i32
      %shift_right_arithmetic3A_101 = vector.broadcast %shift_right_arithmetic3A_100 : i32 to vector<16xi32>
      %shift_right_arithmetic3A_102 = arith.shrsi %get3A_88, %shift_right_arithmetic3A_101 : vector<16xi32>
      %swap3A_103 = arith.index_cast %scan3A_65 : i32 to index
      %swap3A_104 = arith.constant 16 : index
      %swap3A_105 = tpu.vector_load %arg6[%swap3A_103, %swap3A_104] {strides = array<i32>} : memref<250x80xi32, #tpu.memory_space<vmem>>, vector<1x16xi32>,
      %swap3A_106 = vector.shape_cast %swap3A_105 : vector<1x16xi32> to vector<16xi32>
      %swap3A_107 = vector.shape_cast %shift_right_arithmetic3A_102 : vector<16xi32> to vector<1x16xi32>
      tpu.vector_store %arg6[%swap3A_103, %swap3A_104], %swap3A_107 {strides = array<i32>} : memref<250x80xi32, #tpu.memory_space<vmem>>, vector<1x16xi32>,
      %get3A_108 = arith.index_cast %scan3A_65 : i32 to index
      %get3A_109 = arith.constant 32 : index
      %get3A_110 = tpu.vector_load %arg6[%get3A_108, %get3A_109] {strides = array<i32>} : memref<250x80xi32, #tpu.memory_space<vmem>>, vector<1x16xi32>,
      %get3A_111 = vector.shape_cast %get3A_110 : vector<1x16xi32> to vector<16xi32>
      %and3A_112 = arith.constant 65535 : i32
      %and3A_113 = vector.broadcast %and3A_112 : i32 to vector<16xi32>
      %and3A_114 = arith.andi %get3A_111, %and3A_113 : vector<16xi32>
      %add3A_115 = arith.addi %and3A_114, %and3A_114 : vector<16xi32>
      %add3A_116 = vector.broadcast %arg0 : i32 to vector<16xi32>
      %add3A_117 = arith.addi %add3A_115, %add3A_116 : vector<16xi32>
      %swap3A_118 = arith.index_cast %scan3A_65 : i32 to index
      %swap3A_119 = arith.constant 32 : index
      %swap3A_120 = tpu.vector_load %arg5[%swap3A_118, %swap3A_119] {strides = array<i32>} : memref<250x80xi32, #tpu.memory_space<vmem>>, vector<1x16xi32>,
      %swap3A_121 = vector.shape_cast %swap3A_120 : vector<1x16xi32> to vector<16xi32>
      %swap3A_122 = vector.shape_cast %add3A_117 : vector<16xi32> to vector<1x16xi32>
      tpu.vector_store %arg5[%swap3A_118, %swap3A_119], %swap3A_122 {strides = array<i32>} : memref<250x80xi32, #tpu.memory_space<vmem>>, vector<1x16xi32>,
      %shift_right_arithmetic3A_123 = arith.constant 16 : i32
      %shift_right_arithmetic3A_124 = vector.broadcast %shift_right_arithmetic3A_123 : i32 to vector<16xi32>
      %shift_right_arithmetic3A_125 = arith.shrsi %get3A_111, %shift_right_arithmetic3A_124 : vector<16xi32>
      %swap3A_126 = arith.index_cast %scan3A_65 : i32 to index
      %swap3A_127 = arith.constant 32 : index
      %swap3A_128 = tpu.vector_load %arg6[%swap3A_126, %swap3A_127] {strides = array<i32>} : memref<250x80xi32, #tpu.memory_space<vmem>>, vector<1x16xi32>,
      %swap3A_129 = vector.shape_cast %swap3A_128 : vector<1x16xi32> to vector<16xi32>
      %swap3A_130 = vector.shape_cast %shift_right_arithmetic3A_125 : vector<16xi32> to vector<1x16xi32>
      tpu.vector_store %arg6[%swap3A_126, %swap3A_127], %swap3A_130 {strides = array<i32>} : memref<250x80xi32, #tpu.memory_space<vmem>>, vector<1x16xi32>,
      %get3A_131 = arith.index_cast %scan3A_65 : i32 to index
      %get3A_132 = arith.constant 48 : index
      %get3A_133 = tpu.vector_load %arg6[%get3A_131, %get3A_132] {strides = array<i32>} : memref<250x80xi32, #tpu.memory_space<vmem>>, vector<1x16xi32>,
      %get3A_134 = vector.shape_cast %get3A_133 : vector<1x16xi32> to vector<16xi32>
      %and3A_135 = arith.constant 65535 : i32
      %and3A_136 = vector.broadcast %and3A_135 : i32 to vector<16xi32>
      %and3A_137 = arith.andi %get3A_134, %and3A_136 : vector<16xi32>
      %add3A_138 = arith.addi %and3A_137, %and3A_137 : vector<16xi32>
      %add3A_139 = vector.broadcast %arg0 : i32 to vector<16xi32>
      %add3A_140 = arith.addi %add3A_138, %add3A_139 : vector<16xi32>
      %swap3A_141 = arith.index_cast %scan3A_65 : i32 to index
      %swap3A_142 = arith.constant 48 : index
      %swap3A_143 = tpu.vector_load %arg5[%swap3A_141, %swap3A_142] {strides = array<i32>} : memref<250x80xi32, #tpu.memory_space<vmem>>, vector<1x16xi32>,
      %swap3A_144 = vector.shape_cast %swap3A_143 : vector<1x16xi32> to vector<16xi32>
      %swap3A_145 = vector.shape_cast %add3A_140 : vector<16xi32> to vector<1x16xi32>
      tpu.vector_store %arg5[%swap3A_141, %swap3A_142], %swap3A_145 {strides = array<i32>} : memref<250x80xi32, #tpu.memory_space<vmem>>, vector<1x16xi32>,
      %shift_right_arithmetic3A_146 = arith.constant 16 : i32
      %shift_right_arithmetic3A_147 = vector.broadcast %shift_right_arithmetic3A_146 : i32 to vector<16xi32>
      %shift_right_arithmetic3A_148 = arith.shrsi %get3A_134, %shift_right_arithmetic3A_147 : vector<16xi32>
      %swap3A_149 = arith.index_cast %scan3A_65 : i32 to index
      %swap3A_150 = arith.constant 48 : index
      %swap3A_151 = tpu.vector_load %arg6[%swap3A_149, %swap3A_150] {strides = array<i32>} : memref<250x80xi32, #tpu.memory_space<vmem>>, vector<1x16xi32>,
      %swap3A_152 = vector.shape_cast %swap3A_151 : vector<1x16xi32> to vector<16xi32>
      %swap3A_153 = vector.shape_cast %shift_right_arithmetic3A_148 : vector<16xi32> to vector<1x16xi32>
      tpu.vector_store %arg6[%swap3A_149, %swap3A_150], %swap3A_153 {strides = array<i32>} : memref<250x80xi32, #tpu.memory_space<vmem>>, vector<1x16xi32>,
      %get3A_154 = arith.index_cast %scan3A_65 : i32 to index
      %get3A_155 = arith.constant 64 : index
      %get3A_156 = tpu.vector_load %arg6[%get3A_154, %get3A_155] {strides = array<i32>} : memref<250x80xi32, #tpu.memory_space<vmem>>, vector<1x16xi32>,
      %get3A_157 = vector.shape_cast %get3A_156 : vector<1x16xi32> to vector<16xi32>
      %and3A_158 = arith.constant 65535 : i32
      %and3A_159 = vector.broadcast %and3A_158 : i32 to vector<16xi32>
      %and3A_160 = arith.andi %get3A_157, %and3A_159 : vector<16xi32>
      %add3A_161 = arith.addi %and3A_160, %and3A_160 : vector<16xi32>
      %add3A_162 = vector.broadcast %arg0 : i32 to vector<16xi32>
      %add3A_163 = arith.addi %add3A_161, %add3A_162 : vector<16xi32>
      %swap3A_164 = arith.index_cast %scan3A_65 : i32 to index
      %swap3A_165 = arith.constant 64 : index
      %swap3A_166 = tpu.vector_load %arg5[%swap3A_164, %swap3A_165] {strides = array<i32>} : memref<250x80xi32, #tpu.memory_space<vmem>>, vector<1x16xi32>,
      %swap3A_167 = vector.shape_cast %swap3A_166 : vector<1x16xi32> to vector<16xi32>
      %swap3A_168 = vector.shape_cast %add3A_163 : vector<16xi32> to vector<1x16xi32>
      tpu.vector_store %arg5[%swap3A_164, %swap3A_165], %swap3A_168 {strides = array<i32>} : memref<250x80xi32, #tpu.memory_space<vmem>>, vector<1x16xi32>,
      %shift_right_arithmetic3A_169 = arith.constant 16 : i32
      %shift_right_arithmetic3A_170 = vector.broadcast %shift_right_arithmetic3A_169 : i32 to vector<16xi32>
      %shift_right_arithmetic3A_171 = arith.shrsi %get3A_157, %shift_right_arithmetic3A_170 : vector<16xi32>
      %swap3A_172 = arith.index_cast %scan3A_65 : i32 to index
      %swap3A_173 = arith.constant 64 : index
      %swap3A_174 = tpu.vector_load %arg6[%swap3A_172, %swap3A_173] {strides = array<i32>} : memref<250x80xi32, #tpu.memory_space<vmem>>, vector<1x16xi32>,
      %swap3A_175 = vector.shape_cast %swap3A_174 : vector<1x16xi32> to vector<16xi32>
      %swap3A_176 = vector.shape_cast %shift_right_arithmetic3A_171 : vector<16xi32> to vector<1x16xi32>
      tpu.vector_store %arg6[%swap3A_172, %swap3A_173], %swap3A_176 {strides = array<i32>} : memref<250x80xi32, #tpu.memory_space<vmem>>, vector<1x16xi32>,
      %scan3A_177 = arith.constant 0 : i32
      scf.yield %scan3A_177 : i32
    }
    %scan3A_19 = arith.constant 5 : i32
    %dma_start3A = arith.constant 0 : i32
    %dma_start3A_20 = arith.constant 0 : i32
    %dma_start3A_21 = tpu.memref_slice %arg5[%dma_start3A, %dma_start3A_20] : memref<250x80xi32, #tpu.memory_space<vmem>> -> memref<1x80xi32, #tpu.memory_space<vmem>>
    %dma_start3A_22 = tpu.memref_squeeze %dma_start3A_21 : memref<1x80xi32, #tpu.memory_space<vmem>> -> memref<80xi32, #tpu.memory_space<vmem>>
    %dma_start3A_23 = arith.constant 0 : i32
    %dma_start3A_24 = arith.constant 0 : i32
    %dma_start3A_25 = tpu.memref_slice %arg3[%dma_start3A_23, %dma_start3A_24] : memref<20000x64xf32, #tpu.memory_space<hbm>> -> memref<20000x64xf32, #tpu.memory_space<hbm>>
    tpu.enqueue_indirect_dma source(%dma_start3A_25 : memref<20000x64xf32, #tpu.memory_space<hbm>>) target(%arg7 : memref<80x64xf32, #tpu.memory_space<vmem>>) offsets(%dma_start3A_22 : memref<80xi32, #tpu.memory_space<vmem>>) semaphore(%arg14 : memref<!tpu.dma_semaphore, #tpu.memory_space<semaphore_mem>>)
    %dma_start3A_26 = arith.constant 1 : i32
    %dma_start3A_27 = arith.constant 0 : i32
    %dma_start3A_28 = tpu.memref_slice %arg5[%dma_start3A_26, %dma_start3A_27] : memref<250x80xi32, #tpu.memory_space<vmem>> -> memref<1x80xi32, #tpu.memory_space<vmem>>
    %dma_start3A_29 = tpu.memref_squeeze %dma_start3A_28 : memref<1x80xi32, #tpu.memory_space<vmem>> -> memref<80xi32, #tpu.memory_space<vmem>>
    %dma_start3A_30 = arith.constant 0 : i32
    %dma_start3A_31 = arith.constant 0 : i32
    %dma_start3A_32 = tpu.memref_slice %arg3[%dma_start3A_30, %dma_start3A_31] : memref<20000x64xf32, #tpu.memory_space<hbm>> -> memref<20000x64xf32, #tpu.memory_space<hbm>>
    tpu.enqueue_indirect_dma source(%dma_start3A_32 : memref<20000x64xf32, #tpu.memory_space<hbm>>) target(%arg8 : memref<80x64xf32, #tpu.memory_space<vmem>>) offsets(%dma_start3A_29 : memref<80xi32, #tpu.memory_space<vmem>>) semaphore(%arg15 : memref<!tpu.dma_semaphore, #tpu.memory_space<semaphore_mem>>)
    %dma_start3A_33 = arith.constant 2 : i32
    %dma_start3A_34 = arith.constant 0 : i32
    %dma_start3A_35 = tpu.memref_slice %arg5[%dma_start3A_33, %dma_start3A_34] : memref<250x80xi32, #tpu.memory_space<vmem>> -> memref<1x80xi32, #tpu.memory_space<vmem>>
    %dma_start3A_36 = tpu.memref_squeeze %dma_start3A_35 : memref<1x80xi32, #tpu.memory_space<vmem>> -> memref<80xi32, #tpu.memory_space<vmem>>
    %dma_start3A_37 = arith.constant 0 : i32
    %dma_start3A_38 = arith.constant 0 : i32
    %dma_start3A_39 = tpu.memref_slice %arg3[%dma_start3A_37, %dma_start3A_38] : memref<20000x64xf32, #tpu.memory_space<hbm>> -> memref<20000x64xf32, #tpu.memory_space<hbm>>
    tpu.enqueue_indirect_dma source(%dma_start3A_39 : memref<20000x64xf32, #tpu.memory_space<hbm>>) target(%arg9 : memref<80x64xf32, #tpu.memory_space<vmem>>) offsets(%dma_start3A_36 : memref<80xi32, #tpu.memory_space<vmem>>) semaphore(%arg16 : memref<!tpu.dma_semaphore, #tpu.memory_space<semaphore_mem>>)
    %dma_start3A_40 = arith.constant 3 : i32
    %dma_start3A_41 = arith.constant 0 : i32
    %dma_start3A_42 = tpu.memref_slice %arg5[%dma_start3A_40, %dma_start3A_41] : memref<250x80xi32, #tpu.memory_space<vmem>> -> memref<1x80xi32, #tpu.memory_space<vmem>>
    %dma_start3A_43 = tpu.memref_squeeze %dma_start3A_42 : memref<1x80xi32, #tpu.memory_space<vmem>> -> memref<80xi32, #tpu.memory_space<vmem>>
    %dma_start3A_44 = arith.constant 0 : i32
    %dma_start3A_45 = arith.constant 0 : i32
    %dma_start3A_46 = tpu.memref_slice %arg3[%dma_start3A_44, %dma_start3A_45] : memref<20000x64xf32, #tpu.memory_space<hbm>> -> memref<20000x64xf32, #tpu.memory_space<hbm>>
    tpu.enqueue_indirect_dma source(%dma_start3A_46 : memref<20000x64xf32, #tpu.memory_space<hbm>>) target(%arg10 : memref<80x64xf32, #tpu.memory_space<vmem>>) offsets(%dma_start3A_43 : memref<80xi32, #tpu.memory_space<vmem>>) semaphore(%arg17 : memref<!tpu.dma_semaphore, #tpu.memory_space<semaphore_mem>>)
    %dma_start3A_47 = arith.constant 4 : i32
    %dma_start3A_48 = arith.constant 0 : i32
    %dma_start3A_49 = tpu.memref_slice %arg5[%dma_start3A_47, %dma_start3A_48] : memref<250x80xi32, #tpu.memory_space<vmem>> -> memref<1x80xi32, #tpu.memory_space<vmem>>
    %dma_start3A_50 = tpu.memref_squeeze %dma_start3A_49 : memref<1x80xi32, #tpu.memory_space<vmem>> -> memref<80xi32, #tpu.memory_space<vmem>>
    %dma_start3A_51 = arith.constant 0 : i32
    %dma_start3A_52 = arith.constant 0 : i32
    %dma_start3A_53 = tpu.memref_slice %arg3[%dma_start3A_51, %dma_start3A_52] : memref<20000x64xf32, #tpu.memory_space<hbm>> -> memref<20000x64xf32, #tpu.memory_space<hbm>>
    tpu.enqueue_indirect_dma source(%dma_start3A_53 : memref<20000x64xf32, #tpu.memory_space<hbm>>) target(%arg11 : memref<80x64xf32, #tpu.memory_space<vmem>>) offsets(%dma_start3A_50 : memref<80xi32, #tpu.memory_space<vmem>>) semaphore(%arg18 : memref<!tpu.dma_semaphore, #tpu.memory_space<semaphore_mem>>)
    %scan3A_54 = arith.constant 0 : i32
    %scan3A_55 = arith.constant 0 : i32
    %scan3A_56 = arith.constant 50 : i32
    %scan3A_57 = arith.addi %scan3A_55, %scan3A_56 : i32
    %scan3A_58 = arith.constant 1 : i32
    %scan3A_59 = scf.for %scan3A_65 = %scan3A_55 to %scan3A_57 step %scan3A_58 iter_args(%scan3A_66 = %scan3A_54) -> (i32)  : i32 {
      %mul3A_67 = arith.constant 5 : i32
      %mul3A_68 = arith.muli %scan3A_65, %mul3A_67 : i32
      %add3A = arith.constant 0 : i32
      %add3A_69 = arith.addi %mul3A_68, %add3A : i32
      %dma_wait3A = arith.constant 0 : i32
      %dma_wait3A_70 = tpu.memref_slice %arg5[%add3A_69, %dma_wait3A] : memref<250x80xi32, #tpu.memory_space<vmem>> -> memref<1x80xi32, #tpu.memory_space<vmem>>
      %dma_wait3A_71 = tpu.memref_squeeze %dma_wait3A_70 : memref<1x80xi32, #tpu.memory_space<vmem>> -> memref<80xi32, #tpu.memory_space<vmem>>
      %dma_wait3A_72 = arith.constant 0 : i32
      %dma_wait3A_73 = arith.constant 0 : i32
      %dma_wait3A_74 = tpu.memref_slice %arg3[%dma_wait3A_72, %dma_wait3A_73] : memref<20000x64xf32, #tpu.memory_space<hbm>> -> memref<20000x64xf32, #tpu.memory_space<hbm>>
      tpu.wait_indirect_dma semaphore(%arg14 : memref<!tpu.dma_semaphore, #tpu.memory_space<semaphore_mem>>) src(%dma_wait3A_74 : memref<20000x64xf32, #tpu.memory_space<hbm>>) dst(%arg7 : memref<80x64xf32, #tpu.memory_space<vmem>>)
      "tpu.region"() ({
        %run_scoped3A = tpu.sem_alloc : memref<!tpu.dma_semaphore, #tpu.memory_space<semaphore_mem>>
        %dma_start3A_138 = arith.constant 0 : i32
        %dma_start3A_139 = tpu.memref_slice %arg6[%add3A_69, %dma_start3A_138] : memref<250x80xi32, #tpu.memory_space<vmem>> -> memref<1x80xi32, #tpu.memory_space<vmem>>
        %dma_start3A_140 = tpu.memref_squeeze %dma_start3A_139 : memref<1x80xi32, #tpu.memory_space<vmem>> -> memref<80xi32, #tpu.memory_space<vmem>>
        %dma_start3A_141 = arith.constant 0 : i32
        %dma_start3A_142 = arith.constant 0 : i32
        %dma_start3A_143 = tpu.memref_slice %arg13[%dma_start3A_141, %dma_start3A_142] : memref<10240x64xf32, #tpu.memory_space<vmem_shared>> -> memref<10240x64xf32, #tpu.memory_space<vmem_shared>>
        tpu.enqueue_indirect_dma source(%arg7 : memref<80x64xf32, #tpu.memory_space<vmem>>) target(%dma_start3A_143 : memref<10240x64xf32, #tpu.memory_space<vmem_shared>>) offsets(%dma_start3A_140 : memref<80xi32, #tpu.memory_space<vmem>>) semaphore(%run_scoped3A : memref<!tpu.dma_semaphore, #tpu.memory_space<semaphore_mem>>) {add = true}
        %dma_wait3A_144 = arith.constant 0 : i32
        %dma_wait3A_145 = tpu.memref_slice %arg6[%add3A_69, %dma_wait3A_144] : memref<250x80xi32, #tpu.memory_space<vmem>> -> memref<1x80xi32, #tpu.memory_space<vmem>>
        %dma_wait3A_146 = tpu.memref_squeeze %dma_wait3A_145 : memref<1x80xi32, #tpu.memory_space<vmem>> -> memref<80xi32, #tpu.memory_space<vmem>>
        %dma_wait3A_147 = arith.constant 0 : i32
        %dma_wait3A_148 = arith.constant 0 : i32
        %dma_wait3A_149 = tpu.memref_slice %arg13[%dma_wait3A_147, %dma_wait3A_148] : memref<10240x64xf32, #tpu.memory_space<vmem_shared>> -> memref<10240x64xf32, #tpu.memory_space<vmem_shared>>
        tpu.wait_indirect_dma semaphore(%run_scoped3A : memref<!tpu.dma_semaphore, #tpu.memory_space<semaphore_mem>>) src(%arg7 : memref<80x64xf32, #tpu.memory_space<vmem>>) dst(%dma_wait3A_149 : memref<10240x64xf32, #tpu.memory_space<vmem_shared>>)
        tpu.yield
      }) : () -> ()
      %lt3A = arith.constant 49 : i32
      %lt3A_75 = arith.cmpi slt, %scan3A_65, %lt3A : i32
      %convert_element_type3A = arith.extui %lt3A_75 : i1 to i32
      %cond3A = arith.constant 0 : i32
      %cond3A_76 = arith.cmpi ne, %convert_element_type3A, %cond3A : i32
      scf.if %cond3A_76 {
        %add3A_138 = arith.constant 5 : i32
        %add3A_139 = arith.addi %add3A_69, %add3A_138 : i32
        %get3A = arith.index_cast %add3A_139 : i32 to index
        %get3A_140 = arith.constant 0 : index
        %get3A_141 = tpu.vector_load %arg6[%get3A, %get3A_140] {strides = array<i32>} : memref<250x80xi32, #tpu.memory_space<vmem>>, vector<1x16xi32>,
        %get3A_142 = vector.shape_cast %get3A_141 : vector<1x16xi32> to vector<16xi32>
        %and3A = arith.constant 65535 : i32
        %and3A_143 = vector.broadcast %and3A : i32 to vector<16xi32>
        %and3A_144 = arith.andi %get3A_142, %and3A_143 : vector<16xi32>
        %add3A_145 = arith.addi %and3A_144, %and3A_144 : vector<16xi32>
        %add3A_146 = vector.broadcast %arg0 : i32 to vector<16xi32>
        %add3A_147 = arith.addi %add3A_145, %add3A_146 : vector<16xi32>
        %swap3A = arith.index_cast %add3A_139 : i32 to index
        %swap3A_148 = arith.constant 0 : index
        %swap3A_149 = tpu.vector_load %arg5[%swap3A, %swap3A_148] {strides = array<i32>} : memref<250x80xi32, #tpu.memory_space<vmem>>, vector<1x16xi32>,
        %swap3A_150 = vector.shape_cast %swap3A_149 : vector<1x16xi32> to vector<16xi32>
        %swap3A_151 = vector.shape_cast %add3A_147 : vector<16xi32> to vector<1x16xi32>
        tpu.vector_store %arg5[%swap3A, %swap3A_148], %swap3A_151 {strides = array<i32>} : memref<250x80xi32, #tpu.memory_space<vmem>>, vector<1x16xi32>,
        %shift_right_arithmetic3A = arith.constant 16 : i32
        %shift_right_arithmetic3A_152 = vector.broadcast %shift_right_arithmetic3A : i32 to vector<16xi32>
        %shift_right_arithmetic3A_153 = arith.shrsi %get3A_142, %shift_right_arithmetic3A_152 : vector<16xi32>
        %swap3A_154 = arith.index_cast %add3A_139 : i32 to index
        %swap3A_155 = arith.constant 0 : index
        %swap3A_156 = tpu.vector_load %arg6[%swap3A_154, %swap3A_155] {strides = array<i32>} : memref<250x80xi32, #tpu.memory_space<vmem>>, vector<1x16xi32>,
        %swap3A_157 = vector.shape_cast %swap3A_156 : vector<1x16xi32> to vector<16xi32>
        %swap3A_158 = vector.shape_cast %shift_right_arithmetic3A_153 : vector<16xi32> to vector<1x16xi32>
        tpu.vector_store %arg6[%swap3A_154, %swap3A_155], %swap3A_158 {strides = array<i32>} : memref<250x80xi32, #tpu.memory_space<vmem>>, vector<1x16xi32>,
        %get3A_159 = arith.index_cast %add3A_139 : i32 to index
        %get3A_160 = arith.constant 16 : index
        %get3A_161 = tpu.vector_load %arg6[%get3A_159, %get3A_160] {strides = array<i32>} : memref<250x80xi32, #tpu.memory_space<vmem>>, vector<1x16xi32>,
        %get3A_162 = vector.shape_cast %get3A_161 : vector<1x16xi32> to vector<16xi32>
        %and3A_163 = arith.constant 65535 : i32
        %and3A_164 = vector.broadcast %and3A_163 : i32 to vector<16xi32>
        %and3A_165 = arith.andi %get3A_162, %and3A_164 : vector<16xi32>
        %add3A_166 = arith.addi %and3A_165, %and3A_165 : vector<16xi32>
        %add3A_167 = vector.broadcast %arg0 : i32 to vector<16xi32>
        %add3A_168 = arith.addi %add3A_166, %add3A_167 : vector<16xi32>
        %swap3A_169 = arith.index_cast %add3A_139 : i32 to index
        %swap3A_170 = arith.constant 16 : index
        %swap3A_171 = tpu.vector_load %arg5[%swap3A_169, %swap3A_170] {strides = array<i32>} : memref<250x80xi32, #tpu.memory_space<vmem>>, vector<1x16xi32>,
        %swap3A_172 = vector.shape_cast %swap3A_171 : vector<1x16xi32> to vector<16xi32>
        %swap3A_173 = vector.shape_cast %add3A_168 : vector<16xi32> to vector<1x16xi32>
        tpu.vector_store %arg5[%swap3A_169, %swap3A_170], %swap3A_173 {strides = array<i32>} : memref<250x80xi32, #tpu.memory_space<vmem>>, vector<1x16xi32>,
        %shift_right_arithmetic3A_174 = arith.constant 16 : i32
        %shift_right_arithmetic3A_175 = vector.broadcast %shift_right_arithmetic3A_174 : i32 to vector<16xi32>
        %shift_right_arithmetic3A_176 = arith.shrsi %get3A_162, %shift_right_arithmetic3A_175 : vector<16xi32>
        %swap3A_177 = arith.index_cast %add3A_139 : i32 to index
        %swap3A_178 = arith.constant 16 : index
        %swap3A_179 = tpu.vector_load %arg6[%swap3A_177, %swap3A_178] {strides = array<i32>} : memref<250x80xi32, #tpu.memory_space<vmem>>, vector<1x16xi32>,
        %swap3A_180 = vector.shape_cast %swap3A_179 : vector<1x16xi32> to vector<16xi32>
        %swap3A_181 = vector.shape_cast %shift_right_arithmetic3A_176 : vector<16xi32> to vector<1x16xi32>
        tpu.vector_store %arg6[%swap3A_177, %swap3A_178], %swap3A_181 {strides = array<i32>} : memref<250x80xi32, #tpu.memory_space<vmem>>, vector<1x16xi32>,
        %get3A_182 = arith.index_cast %add3A_139 : i32 to index
        %get3A_183 = arith.constant 32 : index
        %get3A_184 = tpu.vector_load %arg6[%get3A_182, %get3A_183] {strides = array<i32>} : memref<250x80xi32, #tpu.memory_space<vmem>>, vector<1x16xi32>,
        %get3A_185 = vector.shape_cast %get3A_184 : vector<1x16xi32> to vector<16xi32>
        %and3A_186 = arith.constant 65535 : i32
        %and3A_187 = vector.broadcast %and3A_186 : i32 to vector<16xi32>
        %and3A_188 = arith.andi %get3A_185, %and3A_187 : vector<16xi32>
        %add3A_189 = arith.addi %and3A_188, %and3A_188 : vector<16xi32>
        %add3A_190 = vector.broadcast %arg0 : i32 to vector<16xi32>
        %add3A_191 = arith.addi %add3A_189, %add3A_190 : vector<16xi32>
        %swap3A_192 = arith.index_cast %add3A_139 : i32 to index
        %swap3A_193 = arith.constant 32 : index
        %swap3A_194 = tpu.vector_load %arg5[%swap3A_192, %swap3A_193] {strides = array<i32>} : memref<250x80xi32, #tpu.memory_space<vmem>>, vector<1x16xi32>,
        %swap3A_195 = vector.shape_cast %swap3A_194 : vector<1x16xi32> to vector<16xi32>
        %swap3A_196 = vector.shape_cast %add3A_191 : vector<16xi32> to vector<1x16xi32>
        tpu.vector_store %arg5[%swap3A_192, %swap3A_193], %swap3A_196 {strides = array<i32>} : memref<250x80xi32, #tpu.memory_space<vmem>>, vector<1x16xi32>,
        %shift_right_arithmetic3A_197 = arith.constant 16 : i32
        %shift_right_arithmetic3A_198 = vector.broadcast %shift_right_arithmetic3A_197 : i32 to vector<16xi32>
        %shift_right_arithmetic3A_199 = arith.shrsi %get3A_185, %shift_right_arithmetic3A_198 : vector<16xi32>
        %swap3A_200 = arith.index_cast %add3A_139 : i32 to index
        %swap3A_201 = arith.constant 32 : index
        %swap3A_202 = tpu.vector_load %arg6[%swap3A_200, %swap3A_201] {strides = array<i32>} : memref<250x80xi32, #tpu.memory_space<vmem>>, vector<1x16xi32>,
        %swap3A_203 = vector.shape_cast %swap3A_202 : vector<1x16xi32> to vector<16xi32>
        %swap3A_204 = vector.shape_cast %shift_right_arithmetic3A_199 : vector<16xi32> to vector<1x16xi32>
        tpu.vector_store %arg6[%swap3A_200, %swap3A_201], %swap3A_204 {strides = array<i32>} : memref<250x80xi32, #tpu.memory_space<vmem>>, vector<1x16xi32>,
        %get3A_205 = arith.index_cast %add3A_139 : i32 to index
        %get3A_206 = arith.constant 48 : index
        %get3A_207 = tpu.vector_load %arg6[%get3A_205, %get3A_206] {strides = array<i32>} : memref<250x80xi32, #tpu.memory_space<vmem>>, vector<1x16xi32>,
        %get3A_208 = vector.shape_cast %get3A_207 : vector<1x16xi32> to vector<16xi32>
        %and3A_209 = arith.constant 65535 : i32
        %and3A_210 = vector.broadcast %and3A_209 : i32 to vector<16xi32>
        %and3A_211 = arith.andi %get3A_208, %and3A_210 : vector<16xi32>
        %add3A_212 = arith.addi %and3A_211, %and3A_211 : vector<16xi32>
        %add3A_213 = vector.broadcast %arg0 : i32 to vector<16xi32>
        %add3A_214 = arith.addi %add3A_212, %add3A_213 : vector<16xi32>
        %swap3A_215 = arith.index_cast %add3A_139 : i32 to index
        %swap3A_216 = arith.constant 48 : index
        %swap3A_217 = tpu.vector_load %arg5[%swap3A_215, %swap3A_216] {strides = array<i32>} : memref<250x80xi32, #tpu.memory_space<vmem>>, vector<1x16xi32>,
        %swap3A_218 = vector.shape_cast %swap3A_217 : vector<1x16xi32> to vector<16xi32>
        %swap3A_219 = vector.shape_cast %add3A_214 : vector<16xi32> to vector<1x16xi32>
        tpu.vector_store %arg5[%swap3A_215, %swap3A_216], %swap3A_219 {strides = array<i32>} : memref<250x80xi32, #tpu.memory_space<vmem>>, vector<1x16xi32>,
        %shift_right_arithmetic3A_220 = arith.constant 16 : i32
        %shift_right_arithmetic3A_221 = vector.broadcast %shift_right_arithmetic3A_220 : i32 to vector<16xi32>
        %shift_right_arithmetic3A_222 = arith.shrsi %get3A_208, %shift_right_arithmetic3A_221 : vector<16xi32>
        %swap3A_223 = arith.index_cast %add3A_139 : i32 to index
        %swap3A_224 = arith.constant 48 : index
        %swap3A_225 = tpu.vector_load %arg6[%swap3A_223, %swap3A_224] {strides = array<i32>} : memref<250x80xi32, #tpu.memory_space<vmem>>, vector<1x16xi32>,
        %swap3A_226 = vector.shape_cast %swap3A_225 : vector<1x16xi32> to vector<16xi32>
        %swap3A_227 = vector.shape_cast %shift_right_arithmetic3A_222 : vector<16xi32> to vector<1x16xi32>
        tpu.vector_store %arg6[%swap3A_223, %swap3A_224], %swap3A_227 {strides = array<i32>} : memref<250x80xi32, #tpu.memory_space<vmem>>, vector<1x16xi32>,
        %get3A_228 = arith.index_cast %add3A_139 : i32 to index
        %get3A_229 = arith.constant 64 : index
        %get3A_230 = tpu.vector_load %arg6[%get3A_228, %get3A_229] {strides = array<i32>} : memref<250x80xi32, #tpu.memory_space<vmem>>, vector<1x16xi32>,
        %get3A_231 = vector.shape_cast %get3A_230 : vector<1x16xi32> to vector<16xi32>
        %and3A_232 = arith.constant 65535 : i32
        %and3A_233 = vector.broadcast %and3A_232 : i32 to vector<16xi32>
        %and3A_234 = arith.andi %get3A_231, %and3A_233 : vector<16xi32>
        %add3A_235 = arith.addi %and3A_234, %and3A_234 : vector<16xi32>
        %add3A_236 = vector.broadcast %arg0 : i32 to vector<16xi32>
        %add3A_237 = arith.addi %add3A_235, %add3A_236 : vector<16xi32>
        %swap3A_238 = arith.index_cast %add3A_139 : i32 to index
        %swap3A_239 = arith.constant 64 : index
        %swap3A_240 = tpu.vector_load %arg5[%swap3A_238, %swap3A_239] {strides = array<i32>} : memref<250x80xi32, #tpu.memory_space<vmem>>, vector<1x16xi32>,
        %swap3A_241 = vector.shape_cast %swap3A_240 : vector<1x16xi32> to vector<16xi32>
        %swap3A_242 = vector.shape_cast %add3A_237 : vector<16xi32> to vector<1x16xi32>
        tpu.vector_store %arg5[%swap3A_238, %swap3A_239], %swap3A_242 {strides = array<i32>} : memref<250x80xi32, #tpu.memory_space<vmem>>, vector<1x16xi32>,
        %shift_right_arithmetic3A_243 = arith.constant 16 : i32
        %shift_right_arithmetic3A_244 = vector.broadcast %shift_right_arithmetic3A_243 : i32 to vector<16xi32>
        %shift_right_arithmetic3A_245 = arith.shrsi %get3A_231, %shift_right_arithmetic3A_244 : vector<16xi32>
        %swap3A_246 = arith.index_cast %add3A_139 : i32 to index
        %swap3A_247 = arith.constant 64 : index
        %swap3A_248 = tpu.vector_load %arg6[%swap3A_246, %swap3A_247] {strides = array<i32>} : memref<250x80xi32, #tpu.memory_space<vmem>>, vector<1x16xi32>,
        %swap3A_249 = vector.shape_cast %swap3A_248 : vector<1x16xi32> to vector<16xi32>
        %swap3A_250 = vector.shape_cast %shift_right_arithmetic3A_245 : vector<16xi32> to vector<1x16xi32>
        tpu.vector_store %arg6[%swap3A_246, %swap3A_247], %swap3A_250 {strides = array<i32>} : memref<250x80xi32, #tpu.memory_space<vmem>>, vector<1x16xi32>,
        %add3A_251 = arith.constant 5 : i32
        %add3A_252 = arith.addi %add3A_69, %add3A_251 : i32
        %dma_start3A_253 = arith.constant 0 : i32
        %dma_start3A_254 = tpu.memref_slice %arg5[%add3A_252, %dma_start3A_253] : memref<250x80xi32, #tpu.memory_space<vmem>> -> memref<1x80xi32, #tpu.memory_space<vmem>>
        %dma_start3A_255 = tpu.memref_squeeze %dma_start3A_254 : memref<1x80xi32, #tpu.memory_space<vmem>> -> memref<80xi32, #tpu.memory_space<vmem>>
        %dma_start3A_256 = arith.constant 0 : i32
        %dma_start3A_257 = arith.constant 0 : i32
        %dma_start3A_258 = tpu.memref_slice %arg3[%dma_start3A_256, %dma_start3A_257] : memref<20000x64xf32, #tpu.memory_space<hbm>> -> memref<20000x64xf32, #tpu.memory_space<hbm>>
        tpu.enqueue_indirect_dma source(%dma_start3A_258 : memref<20000x64xf32, #tpu.memory_space<hbm>>) target(%arg7 : memref<80x64xf32, #tpu.memory_space<vmem>>) offsets(%dma_start3A_255 : memref<80xi32, #tpu.memory_space<vmem>>) semaphore(%arg14 : memref<!tpu.dma_semaphore, #tpu.memory_space<semaphore_mem>>)
      } else {
      }
      %mul3A_77 = arith.constant 5 : i32
      %mul3A_78 = arith.muli %scan3A_65, %mul3A_77 : i32
      %add3A_79 = arith.constant 1 : i32
      %add3A_80 = arith.addi %mul3A_78, %add3A_79 : i32
      %dma_wait3A_81 = arith.constant 0 : i32
      %dma_wait3A_82 = tpu.memref_slice %arg5[%add3A_80, %dma_wait3A_81] : memref<250x80xi32, #tpu.memory_space<vmem>> -> memref<1x80xi32, #tpu.memory_space<vmem>>
      %dma_wait3A_83 = tpu.memref_squeeze %dma_wait3A_82 : memref<1x80xi32, #tpu.memory_space<vmem>> -> memref<80xi32, #tpu.memory_space<vmem>>
      %dma_wait3A_84 = arith.constant 0 : i32
      %dma_wait3A_85 = arith.constant 0 : i32
      %dma_wait3A_86 = tpu.memref_slice %arg3[%dma_wait3A_84, %dma_wait3A_85] : memref<20000x64xf32, #tpu.memory_space<hbm>> -> memref<20000x64xf32, #tpu.memory_space<hbm>>
      tpu.wait_indirect_dma semaphore(%arg15 : memref<!tpu.dma_semaphore, #tpu.memory_space<semaphore_mem>>) src(%dma_wait3A_86 : memref<20000x64xf32, #tpu.memory_space<hbm>>) dst(%arg8 : memref<80x64xf32, #tpu.memory_space<vmem>>)
      "tpu.region"() ({
        %run_scoped3A = tpu.sem_alloc : memref<!tpu.dma_semaphore, #tpu.memory_space<semaphore_mem>>
        %dma_start3A_138 = arith.constant 0 : i32
        %dma_start3A_139 = tpu.memref_slice %arg6[%add3A_80, %dma_start3A_138] : memref<250x80xi32, #tpu.memory_space<vmem>> -> memref<1x80xi32, #tpu.memory_space<vmem>>
        %dma_start3A_140 = tpu.memref_squeeze %dma_start3A_139 : memref<1x80xi32, #tpu.memory_space<vmem>> -> memref<80xi32, #tpu.memory_space<vmem>>
        %dma_start3A_141 = arith.constant 0 : i32
        %dma_start3A_142 = arith.constant 0 : i32
        %dma_start3A_143 = tpu.memref_slice %arg13[%dma_start3A_141, %dma_start3A_142] : memref<10240x64xf32, #tpu.memory_space<vmem_shared>> -> memref<10240x64xf32, #tpu.memory_space<vmem_shared>>
        tpu.enqueue_indirect_dma source(%arg8 : memref<80x64xf32, #tpu.memory_space<vmem>>) target(%dma_start3A_143 : memref<10240x64xf32, #tpu.memory_space<vmem_shared>>) offsets(%dma_start3A_140 : memref<80xi32, #tpu.memory_space<vmem>>) semaphore(%run_scoped3A : memref<!tpu.dma_semaphore, #tpu.memory_space<semaphore_mem>>) {add = true}
        %dma_wait3A_144 = arith.constant 0 : i32
        %dma_wait3A_145 = tpu.memref_slice %arg6[%add3A_80, %dma_wait3A_144] : memref<250x80xi32, #tpu.memory_space<vmem>> -> memref<1x80xi32, #tpu.memory_space<vmem>>
        %dma_wait3A_146 = tpu.memref_squeeze %dma_wait3A_145 : memref<1x80xi32, #tpu.memory_space<vmem>> -> memref<80xi32, #tpu.memory_space<vmem>>
        %dma_wait3A_147 = arith.constant 0 : i32
        %dma_wait3A_148 = arith.constant 0 : i32
        %dma_wait3A_149 = tpu.memref_slice %arg13[%dma_wait3A_147, %dma_wait3A_148] : memref<10240x64xf32, #tpu.memory_space<vmem_shared>> -> memref<10240x64xf32, #tpu.memory_space<vmem_shared>>
        tpu.wait_indirect_dma semaphore(%run_scoped3A : memref<!tpu.dma_semaphore, #tpu.memory_space<semaphore_mem>>) src(%arg8 : memref<80x64xf32, #tpu.memory_space<vmem>>) dst(%dma_wait3A_149 : memref<10240x64xf32, #tpu.memory_space<vmem_shared>>)
        tpu.yield
      }) : () -> ()
      %lt3A_87 = arith.constant 49 : i32
      %lt3A_88 = arith.cmpi slt, %scan3A_65, %lt3A_87 : i32
      %convert_element_type3A_89 = arith.extui %lt3A_88 : i1 to i32
      %cond3A_90 = arith.constant 0 : i32
      %cond3A_91 = arith.cmpi ne, %convert_element_type3A_89, %cond3A_90 : i32
      scf.if %cond3A_91 {
        %add3A_138 = arith.constant 5 : i32
        %add3A_139 = arith.addi %add3A_80, %add3A_138 : i32
        %get3A = arith.index_cast %add3A_139 : i32 to index
        %get3A_140 = arith.constant 0 : index
        %get3A_141 = tpu.vector_load %arg6[%get3A, %get3A_140] {strides = array<i32>} : memref<250x80xi32, #tpu.memory_space<vmem>>, vector<1x16xi32>,
        %get3A_142 = vector.shape_cast %get3A_141 : vector<1x16xi32> to vector<16xi32>
        %and3A = arith.constant 65535 : i32
        %and3A_143 = vector.broadcast %and3A : i32 to vector<16xi32>
        %and3A_144 = arith.andi %get3A_142, %and3A_143 : vector<16xi32>
        %add3A_145 = arith.addi %and3A_144, %and3A_144 : vector<16xi32>
        %add3A_146 = vector.broadcast %arg0 : i32 to vector<16xi32>
        %add3A_147 = arith.addi %add3A_145, %add3A_146 : vector<16xi32>
        %swap3A = arith.index_cast %add3A_139 : i32 to index
        %swap3A_148 = arith.constant 0 : index
        %swap3A_149 = tpu.vector_load %arg5[%swap3A, %swap3A_148] {strides = array<i32>} : memref<250x80xi32, #tpu.memory_space<vmem>>, vector<1x16xi32>,
        %swap3A_150 = vector.shape_cast %swap3A_149 : vector<1x16xi32> to vector<16xi32>
        %swap3A_151 = vector.shape_cast %add3A_147 : vector<16xi32> to vector<1x16xi32>
        tpu.vector_store %arg5[%swap3A, %swap3A_148], %swap3A_151 {strides = array<i32>} : memref<250x80xi32, #tpu.memory_space<vmem>>, vector<1x16xi32>,
        %shift_right_arithmetic3A = arith.constant 16 : i32
        %shift_right_arithmetic3A_152 = vector.broadcast %shift_right_arithmetic3A : i32 to vector<16xi32>
        %shift_right_arithmetic3A_153 = arith.shrsi %get3A_142, %shift_right_arithmetic3A_152 : vector<16xi32>
        %swap3A_154 = arith.index_cast %add3A_139 : i32 to index
        %swap3A_155 = arith.constant 0 : index
        %swap3A_156 = tpu.vector_load %arg6[%swap3A_154, %swap3A_155] {strides = array<i32>} : memref<250x80xi32, #tpu.memory_space<vmem>>, vector<1x16xi32>,
        %swap3A_157 = vector.shape_cast %swap3A_156 : vector<1x16xi32> to vector<16xi32>
        %swap3A_158 = vector.shape_cast %shift_right_arithmetic3A_153 : vector<16xi32> to vector<1x16xi32>
        tpu.vector_store %arg6[%swap3A_154, %swap3A_155], %swap3A_158 {strides = array<i32>} : memref<250x80xi32, #tpu.memory_space<vmem>>, vector<1x16xi32>,
        %get3A_159 = arith.index_cast %add3A_139 : i32 to index
        %get3A_160 = arith.constant 16 : index
        %get3A_161 = tpu.vector_load %arg6[%get3A_159, %get3A_160] {strides = array<i32>} : memref<250x80xi32, #tpu.memory_space<vmem>>, vector<1x16xi32>,
        %get3A_162 = vector.shape_cast %get3A_161 : vector<1x16xi32> to vector<16xi32>
        %and3A_163 = arith.constant 65535 : i32
        %and3A_164 = vector.broadcast %and3A_163 : i32 to vector<16xi32>
        %and3A_165 = arith.andi %get3A_162, %and3A_164 : vector<16xi32>
        %add3A_166 = arith.addi %and3A_165, %and3A_165 : vector<16xi32>
        %add3A_167 = vector.broadcast %arg0 : i32 to vector<16xi32>
        %add3A_168 = arith.addi %add3A_166, %add3A_167 : vector<16xi32>
        %swap3A_169 = arith.index_cast %add3A_139 : i32 to index
        %swap3A_170 = arith.constant 16 : index
        %swap3A_171 = tpu.vector_load %arg5[%swap3A_169, %swap3A_170] {strides = array<i32>} : memref<250x80xi32, #tpu.memory_space<vmem>>, vector<1x16xi32>,
        %swap3A_172 = vector.shape_cast %swap3A_171 : vector<1x16xi32> to vector<16xi32>
        %swap3A_173 = vector.shape_cast %add3A_168 : vector<16xi32> to vector<1x16xi32>
        tpu.vector_store %arg5[%swap3A_169, %swap3A_170], %swap3A_173 {strides = array<i32>} : memref<250x80xi32, #tpu.memory_space<vmem>>, vector<1x16xi32>,
        %shift_right_arithmetic3A_174 = arith.constant 16 : i32
        %shift_right_arithmetic3A_175 = vector.broadcast %shift_right_arithmetic3A_174 : i32 to vector<16xi32>
        %shift_right_arithmetic3A_176 = arith.shrsi %get3A_162, %shift_right_arithmetic3A_175 : vector<16xi32>
        %swap3A_177 = arith.index_cast %add3A_139 : i32 to index
        %swap3A_178 = arith.constant 16 : index
        %swap3A_179 = tpu.vector_load %arg6[%swap3A_177, %swap3A_178] {strides = array<i32>} : memref<250x80xi32, #tpu.memory_space<vmem>>, vector<1x16xi32>,
        %swap3A_180 = vector.shape_cast %swap3A_179 : vector<1x16xi32> to vector<16xi32>
        %swap3A_181 = vector.shape_cast %shift_right_arithmetic3A_176 : vector<16xi32> to vector<1x16xi32>
        tpu.vector_store %arg6[%swap3A_177, %swap3A_178], %swap3A_181 {strides = array<i32>} : memref<250x80xi32, #tpu.memory_space<vmem>>, vector<1x16xi32>,
        %get3A_182 = arith.index_cast %add3A_139 : i32 to index
        %get3A_183 = arith.constant 32 : index
        %get3A_184 = tpu.vector_load %arg6[%get3A_182, %get3A_183] {strides = array<i32>} : memref<250x80xi32, #tpu.memory_space<vmem>>, vector<1x16xi32>,
        %get3A_185 = vector.shape_cast %get3A_184 : vector<1x16xi32> to vector<16xi32>
        %and3A_186 = arith.constant 65535 : i32
        %and3A_187 = vector.broadcast %and3A_186 : i32 to vector<16xi32>
        %and3A_188 = arith.andi %get3A_185, %and3A_187 : vector<16xi32>
        %add3A_189 = arith.addi %and3A_188, %and3A_188 : vector<16xi32>
        %add3A_190 = vector.broadcast %arg0 : i32 to vector<16xi32>
        %add3A_191 = arith.addi %add3A_189, %add3A_190 : vector<16xi32>
        %swap3A_192 = arith.index_cast %add3A_139 : i32 to index
        %swap3A_193 = arith.constant 32 : index
        %swap3A_194 = tpu.vector_load %arg5[%swap3A_192, %swap3A_193] {strides = array<i32>} : memref<250x80xi32, #tpu.memory_space<vmem>>, vector<1x16xi32>,
        %swap3A_195 = vector.shape_cast %swap3A_194 : vector<1x16xi32> to vector<16xi32>
        %swap3A_196 = vector.shape_cast %add3A_191 : vector<16xi32> to vector<1x16xi32>
        tpu.vector_store %arg5[%swap3A_192, %swap3A_193], %swap3A_196 {strides = array<i32>} : memref<250x80xi32, #tpu.memory_space<vmem>>, vector<1x16xi32>,
        %shift_right_arithmetic3A_197 = arith.constant 16 : i32
        %shift_right_arithmetic3A_198 = vector.broadcast %shift_right_arithmetic3A_197 : i32 to vector<16xi32>
        %shift_right_arithmetic3A_199 = arith.shrsi %get3A_185, %shift_right_arithmetic3A_198 : vector<16xi32>
        %swap3A_200 = arith.index_cast %add3A_139 : i32 to index
        %swap3A_201 = arith.constant 32 : index
        %swap3A_202 = tpu.vector_load %arg6[%swap3A_200, %swap3A_201] {strides = array<i32>} : memref<250x80xi32, #tpu.memory_space<vmem>>, vector<1x16xi32>,
        %swap3A_203 = vector.shape_cast %swap3A_202 : vector<1x16xi32> to vector<16xi32>
        %swap3A_204 = vector.shape_cast %shift_right_arithmetic3A_199 : vector<16xi32> to vector<1x16xi32>
        tpu.vector_store %arg6[%swap3A_200, %swap3A_201], %swap3A_204 {strides = array<i32>} : memref<250x80xi32, #tpu.memory_space<vmem>>, vector<1x16xi32>,
        %get3A_205 = arith.index_cast %add3A_139 : i32 to index
        %get3A_206 = arith.constant 48 : index
        %get3A_207 = tpu.vector_load %arg6[%get3A_205, %get3A_206] {strides = array<i32>} : memref<250x80xi32, #tpu.memory_space<vmem>>, vector<1x16xi32>,
        %get3A_208 = vector.shape_cast %get3A_207 : vector<1x16xi32> to vector<16xi32>
        %and3A_209 = arith.constant 65535 : i32
        %and3A_210 = vector.broadcast %and3A_209 : i32 to vector<16xi32>
        %and3A_211 = arith.andi %get3A_208, %and3A_210 : vector<16xi32>
        %add3A_212 = arith.addi %and3A_211, %and3A_211 : vector<16xi32>
        %add3A_213 = vector.broadcast %arg0 : i32 to vector<16xi32>
        %add3A_214 = arith.addi %add3A_212, %add3A_213 : vector<16xi32>
        %swap3A_215 = arith.index_cast %add3A_139 : i32 to index
        %swap3A_216 = arith.constant 48 : index
        %swap3A_217 = tpu.vector_load %arg5[%swap3A_215, %swap3A_216] {strides = array<i32>} : memref<250x80xi32, #tpu.memory_space<vmem>>, vector<1x16xi32>,
        %swap3A_218 = vector.shape_cast %swap3A_217 : vector<1x16xi32> to vector<16xi32>
        %swap3A_219 = vector.shape_cast %add3A_214 : vector<16xi32> to vector<1x16xi32>
        tpu.vector_store %arg5[%swap3A_215, %swap3A_216], %swap3A_219 {strides = array<i32>} : memref<250x80xi32, #tpu.memory_space<vmem>>, vector<1x16xi32>,
        %shift_right_arithmetic3A_220 = arith.constant 16 : i32
        %shift_right_arithmetic3A_221 = vector.broadcast %shift_right_arithmetic3A_220 : i32 to vector<16xi32>
        %shift_right_arithmetic3A_222 = arith.shrsi %get3A_208, %shift_right_arithmetic3A_221 : vector<16xi32>
        %swap3A_223 = arith.index_cast %add3A_139 : i32 to index
        %swap3A_224 = arith.constant 48 : index
        %swap3A_225 = tpu.vector_load %arg6[%swap3A_223, %swap3A_224] {strides = array<i32>} : memref<250x80xi32, #tpu.memory_space<vmem>>, vector<1x16xi32>,
        %swap3A_226 = vector.shape_cast %swap3A_225 : vector<1x16xi32> to vector<16xi32>
        %swap3A_227 = vector.shape_cast %shift_right_arithmetic3A_222 : vector<16xi32> to vector<1x16xi32>
        tpu.vector_store %arg6[%swap3A_223, %swap3A_224], %swap3A_227 {strides = array<i32>} : memref<250x80xi32, #tpu.memory_space<vmem>>, vector<1x16xi32>,
        %get3A_228 = arith.index_cast %add3A_139 : i32 to index
        %get3A_229 = arith.constant 64 : index
        %get3A_230 = tpu.vector_load %arg6[%get3A_228, %get3A_229] {strides = array<i32>} : memref<250x80xi32, #tpu.memory_space<vmem>>, vector<1x16xi32>,
        %get3A_231 = vector.shape_cast %get3A_230 : vector<1x16xi32> to vector<16xi32>
        %and3A_232 = arith.constant 65535 : i32
        %and3A_233 = vector.broadcast %and3A_232 : i32 to vector<16xi32>
        %and3A_234 = arith.andi %get3A_231, %and3A_233 : vector<16xi32>
        %add3A_235 = arith.addi %and3A_234, %and3A_234 : vector<16xi32>
        %add3A_236 = vector.broadcast %arg0 : i32 to vector<16xi32>
        %add3A_237 = arith.addi %add3A_235, %add3A_236 : vector<16xi32>
        %swap3A_238 = arith.index_cast %add3A_139 : i32 to index
        %swap3A_239 = arith.constant 64 : index
        %swap3A_240 = tpu.vector_load %arg5[%swap3A_238, %swap3A_239] {strides = array<i32>} : memref<250x80xi32, #tpu.memory_space<vmem>>, vector<1x16xi32>,
        %swap3A_241 = vector.shape_cast %swap3A_240 : vector<1x16xi32> to vector<16xi32>
        %swap3A_242 = vector.shape_cast %add3A_237 : vector<16xi32> to vector<1x16xi32>
        tpu.vector_store %arg5[%swap3A_238, %swap3A_239], %swap3A_242 {strides = array<i32>} : memref<250x80xi32, #tpu.memory_space<vmem>>, vector<1x16xi32>,
        %shift_right_arithmetic3A_243 = arith.constant 16 : i32
        %shift_right_arithmetic3A_244 = vector.broadcast %shift_right_arithmetic3A_243 : i32 to vector<16xi32>
        %shift_right_arithmetic3A_245 = arith.shrsi %get3A_231, %shift_right_arithmetic3A_244 : vector<16xi32>
        %swap3A_246 = arith.index_cast %add3A_139 : i32 to index
        %swap3A_247 = arith.constant 64 : index
        %swap3A_248 = tpu.vector_load %arg6[%swap3A_246, %swap3A_247] {strides = array<i32>} : memref<250x80xi32, #tpu.memory_space<vmem>>, vector<1x16xi32>,
        %swap3A_249 = vector.shape_cast %swap3A_248 : vector<1x16xi32> to vector<16xi32>
        %swap3A_250 = vector.shape_cast %shift_right_arithmetic3A_245 : vector<16xi32> to vector<1x16xi32>
        tpu.vector_store %arg6[%swap3A_246, %swap3A_247], %swap3A_250 {strides = array<i32>} : memref<250x80xi32, #tpu.memory_space<vmem>>, vector<1x16xi32>,
        %add3A_251 = arith.constant 5 : i32
        %add3A_252 = arith.addi %add3A_80, %add3A_251 : i32
        %dma_start3A_253 = arith.constant 0 : i32
        %dma_start3A_254 = tpu.memref_slice %arg5[%add3A_252, %dma_start3A_253] : memref<250x80xi32, #tpu.memory_space<vmem>> -> memref<1x80xi32, #tpu.memory_space<vmem>>
        %dma_start3A_255 = tpu.memref_squeeze %dma_start3A_254 : memref<1x80xi32, #tpu.memory_space<vmem>> -> memref<80xi32, #tpu.memory_space<vmem>>
        %dma_start3A_256 = arith.constant 0 : i32
        %dma_start3A_257 = arith.constant 0 : i32
        %dma_start3A_258 = tpu.memref_slice %arg3[%dma_start3A_256, %dma_start3A_257] : memref<20000x64xf32, #tpu.memory_space<hbm>> -> memref<20000x64xf32, #tpu.memory_space<hbm>>
        tpu.enqueue_indirect_dma source(%dma_start3A_258 : memref<20000x64xf32, #tpu.memory_space<hbm>>) target(%arg8 : memref<80x64xf32, #tpu.memory_space<vmem>>) offsets(%dma_start3A_255 : memref<80xi32, #tpu.memory_space<vmem>>) semaphore(%arg15 : memref<!tpu.dma_semaphore, #tpu.memory_space<semaphore_mem>>)
      } else {
      }
      %mul3A_92 = arith.constant 5 : i32
      %mul3A_93 = arith.muli %scan3A_65, %mul3A_92 : i32
      %add3A_94 = arith.constant 2 : i32
      %add3A_95 = arith.addi %mul3A_93, %add3A_94 : i32
      %dma_wait3A_96 = arith.constant 0 : i32
      %dma_wait3A_97 = tpu.memref_slice %arg5[%add3A_95, %dma_wait3A_96] : memref<250x80xi32, #tpu.memory_space<vmem>> -> memref<1x80xi32, #tpu.memory_space<vmem>>
      %dma_wait3A_98 = tpu.memref_squeeze %dma_wait3A_97 : memref<1x80xi32, #tpu.memory_space<vmem>> -> memref<80xi32, #tpu.memory_space<vmem>>
      %dma_wait3A_99 = arith.constant 0 : i32
      %dma_wait3A_100 = arith.constant 0 : i32
      %dma_wait3A_101 = tpu.memref_slice %arg3[%dma_wait3A_99, %dma_wait3A_100] : memref<20000x64xf32, #tpu.memory_space<hbm>> -> memref<20000x64xf32, #tpu.memory_space<hbm>>
      tpu.wait_indirect_dma semaphore(%arg16 : memref<!tpu.dma_semaphore, #tpu.memory_space<semaphore_mem>>) src(%dma_wait3A_101 : memref<20000x64xf32, #tpu.memory_space<hbm>>) dst(%arg9 : memref<80x64xf32, #tpu.memory_space<vmem>>)
      "tpu.region"() ({
        %run_scoped3A = tpu.sem_alloc : memref<!tpu.dma_semaphore, #tpu.memory_space<semaphore_mem>>
        %dma_start3A_138 = arith.constant 0 : i32
        %dma_start3A_139 = tpu.memref_slice %arg6[%add3A_95, %dma_start3A_138] : memref<250x80xi32, #tpu.memory_space<vmem>> -> memref<1x80xi32, #tpu.memory_space<vmem>>
        %dma_start3A_140 = tpu.memref_squeeze %dma_start3A_139 : memref<1x80xi32, #tpu.memory_space<vmem>> -> memref<80xi32, #tpu.memory_space<vmem>>
        %dma_start3A_141 = arith.constant 0 : i32
        %dma_start3A_142 = arith.constant 0 : i32
        %dma_start3A_143 = tpu.memref_slice %arg13[%dma_start3A_141, %dma_start3A_142] : memref<10240x64xf32, #tpu.memory_space<vmem_shared>> -> memref<10240x64xf32, #tpu.memory_space<vmem_shared>>
        tpu.enqueue_indirect_dma source(%arg9 : memref<80x64xf32, #tpu.memory_space<vmem>>) target(%dma_start3A_143 : memref<10240x64xf32, #tpu.memory_space<vmem_shared>>) offsets(%dma_start3A_140 : memref<80xi32, #tpu.memory_space<vmem>>) semaphore(%run_scoped3A : memref<!tpu.dma_semaphore, #tpu.memory_space<semaphore_mem>>) {add = true}
        %dma_wait3A_144 = arith.constant 0 : i32
        %dma_wait3A_145 = tpu.memref_slice %arg6[%add3A_95, %dma_wait3A_144] : memref<250x80xi32, #tpu.memory_space<vmem>> -> memref<1x80xi32, #tpu.memory_space<vmem>>
        %dma_wait3A_146 = tpu.memref_squeeze %dma_wait3A_145 : memref<1x80xi32, #tpu.memory_space<vmem>> -> memref<80xi32, #tpu.memory_space<vmem>>
        %dma_wait3A_147 = arith.constant 0 : i32
        %dma_wait3A_148 = arith.constant 0 : i32
        %dma_wait3A_149 = tpu.memref_slice %arg13[%dma_wait3A_147, %dma_wait3A_148] : memref<10240x64xf32, #tpu.memory_space<vmem_shared>> -> memref<10240x64xf32, #tpu.memory_space<vmem_shared>>
        tpu.wait_indirect_dma semaphore(%run_scoped3A : memref<!tpu.dma_semaphore, #tpu.memory_space<semaphore_mem>>) src(%arg9 : memref<80x64xf32, #tpu.memory_space<vmem>>) dst(%dma_wait3A_149 : memref<10240x64xf32, #tpu.memory_space<vmem_shared>>)
        tpu.yield
      }) : () -> ()
      %lt3A_102 = arith.constant 49 : i32
      %lt3A_103 = arith.cmpi slt, %scan3A_65, %lt3A_102 : i32
      %convert_element_type3A_104 = arith.extui %lt3A_103 : i1 to i32
      %cond3A_105 = arith.constant 0 : i32
      %cond3A_106 = arith.cmpi ne, %convert_element_type3A_104, %cond3A_105 : i32
      scf.if %cond3A_106 {
        %add3A_138 = arith.constant 5 : i32
        %add3A_139 = arith.addi %add3A_95, %add3A_138 : i32
        %get3A = arith.index_cast %add3A_139 : i32 to index
        %get3A_140 = arith.constant 0 : index
        %get3A_141 = tpu.vector_load %arg6[%get3A, %get3A_140] {strides = array<i32>} : memref<250x80xi32, #tpu.memory_space<vmem>>, vector<1x16xi32>,
        %get3A_142 = vector.shape_cast %get3A_141 : vector<1x16xi32> to vector<16xi32>
        %and3A = arith.constant 65535 : i32
        %and3A_143 = vector.broadcast %and3A : i32 to vector<16xi32>
        %and3A_144 = arith.andi %get3A_142, %and3A_143 : vector<16xi32>
        %add3A_145 = arith.addi %and3A_144, %and3A_144 : vector<16xi32>
        %add3A_146 = vector.broadcast %arg0 : i32 to vector<16xi32>
        %add3A_147 = arith.addi %add3A_145, %add3A_146 : vector<16xi32>
        %swap3A = arith.index_cast %add3A_139 : i32 to index
        %swap3A_148 = arith.constant 0 : index
        %swap3A_149 = tpu.vector_load %arg5[%swap3A, %swap3A_148] {strides = array<i32>} : memref<250x80xi32, #tpu.memory_space<vmem>>, vector<1x16xi32>,
        %swap3A_150 = vector.shape_cast %swap3A_149 : vector<1x16xi32> to vector<16xi32>
        %swap3A_151 = vector.shape_cast %add3A_147 : vector<16xi32> to vector<1x16xi32>
        tpu.vector_store %arg5[%swap3A, %swap3A_148], %swap3A_151 {strides = array<i32>} : memref<250x80xi32, #tpu.memory_space<vmem>>, vector<1x16xi32>,
        %shift_right_arithmetic3A = arith.constant 16 : i32
        %shift_right_arithmetic3A_152 = vector.broadcast %shift_right_arithmetic3A : i32 to vector<16xi32>
        %shift_right_arithmetic3A_153 = arith.shrsi %get3A_142, %shift_right_arithmetic3A_152 : vector<16xi32>
        %swap3A_154 = arith.index_cast %add3A_139 : i32 to index
        %swap3A_155 = arith.constant 0 : index
        %swap3A_156 = tpu.vector_load %arg6[%swap3A_154, %swap3A_155] {strides = array<i32>} : memref<250x80xi32, #tpu.memory_space<vmem>>, vector<1x16xi32>,
        %swap3A_157 = vector.shape_cast %swap3A_156 : vector<1x16xi32> to vector<16xi32>
        %swap3A_158 = vector.shape_cast %shift_right_arithmetic3A_153 : vector<16xi32> to vector<1x16xi32>
        tpu.vector_store %arg6[%swap3A_154, %swap3A_155], %swap3A_158 {strides = array<i32>} : memref<250x80xi32, #tpu.memory_space<vmem>>, vector<1x16xi32>,
        %get3A_159 = arith.index_cast %add3A_139 : i32 to index
        %get3A_160 = arith.constant 16 : index
        %get3A_161 = tpu.vector_load %arg6[%get3A_159, %get3A_160] {strides = array<i32>} : memref<250x80xi32, #tpu.memory_space<vmem>>, vector<1x16xi32>,
        %get3A_162 = vector.shape_cast %get3A_161 : vector<1x16xi32> to vector<16xi32>
        %and3A_163 = arith.constant 65535 : i32
        %and3A_164 = vector.broadcast %and3A_163 : i32 to vector<16xi32>
        %and3A_165 = arith.andi %get3A_162, %and3A_164 : vector<16xi32>
        %add3A_166 = arith.addi %and3A_165, %and3A_165 : vector<16xi32>
        %add3A_167 = vector.broadcast %arg0 : i32 to vector<16xi32>
        %add3A_168 = arith.addi %add3A_166, %add3A_167 : vector<16xi32>
        %swap3A_169 = arith.index_cast %add3A_139 : i32 to index
        %swap3A_170 = arith.constant 16 : index
        %swap3A_171 = tpu.vector_load %arg5[%swap3A_169, %swap3A_170] {strides = array<i32>} : memref<250x80xi32, #tpu.memory_space<vmem>>, vector<1x16xi32>,
        %swap3A_172 = vector.shape_cast %swap3A_171 : vector<1x16xi32> to vector<16xi32>
        %swap3A_173 = vector.shape_cast %add3A_168 : vector<16xi32> to vector<1x16xi32>
        tpu.vector_store %arg5[%swap3A_169, %swap3A_170], %swap3A_173 {strides = array<i32>} : memref<250x80xi32, #tpu.memory_space<vmem>>, vector<1x16xi32>,
        %shift_right_arithmetic3A_174 = arith.constant 16 : i32
        %shift_right_arithmetic3A_175 = vector.broadcast %shift_right_arithmetic3A_174 : i32 to vector<16xi32>
        %shift_right_arithmetic3A_176 = arith.shrsi %get3A_162, %shift_right_arithmetic3A_175 : vector<16xi32>
        %swap3A_177 = arith.index_cast %add3A_139 : i32 to index
        %swap3A_178 = arith.constant 16 : index
        %swap3A_179 = tpu.vector_load %arg6[%swap3A_177, %swap3A_178] {strides = array<i32>} : memref<250x80xi32, #tpu.memory_space<vmem>>, vector<1x16xi32>,
        %swap3A_180 = vector.shape_cast %swap3A_179 : vector<1x16xi32> to vector<16xi32>
        %swap3A_181 = vector.shape_cast %shift_right_arithmetic3A_176 : vector<16xi32> to vector<1x16xi32>
        tpu.vector_store %arg6[%swap3A_177, %swap3A_178], %swap3A_181 {strides = array<i32>} : memref<250x80xi32, #tpu.memory_space<vmem>>, vector<1x16xi32>,
        %get3A_182 = arith.index_cast %add3A_139 : i32 to index
        %get3A_183 = arith.constant 32 : index
        %get3A_184 = tpu.vector_load %arg6[%get3A_182, %get3A_183] {strides = array<i32>} : memref<250x80xi32, #tpu.memory_space<vmem>>, vector<1x16xi32>,
        %get3A_185 = vector.shape_cast %get3A_184 : vector<1x16xi32> to vector<16xi32>
        %and3A_186 = arith.constant 65535 : i32
        %and3A_187 = vector.broadcast %and3A_186 : i32 to vector<16xi32>
        %and3A_188 = arith.andi %get3A_185, %and3A_187 : vector<16xi32>
        %add3A_189 = arith.addi %and3A_188, %and3A_188 : vector<16xi32>
        %add3A_190 = vector.broadcast %arg0 : i32 to vector<16xi32>
        %add3A_191 = arith.addi %add3A_189, %add3A_190 : vector<16xi32>
        %swap3A_192 = arith.index_cast %add3A_139 : i32 to index
        %swap3A_193 = arith.constant 32 : index
        %swap3A_194 = tpu.vector_load %arg5[%swap3A_192, %swap3A_193] {strides = array<i32>} : memref<250x80xi32, #tpu.memory_space<vmem>>, vector<1x16xi32>,
        %swap3A_195 = vector.shape_cast %swap3A_194 : vector<1x16xi32> to vector<16xi32>
        %swap3A_196 = vector.shape_cast %add3A_191 : vector<16xi32> to vector<1x16xi32>
        tpu.vector_store %arg5[%swap3A_192, %swap3A_193], %swap3A_196 {strides = array<i32>} : memref<250x80xi32, #tpu.memory_space<vmem>>, vector<1x16xi32>,
        %shift_right_arithmetic3A_197 = arith.constant 16 : i32
        %shift_right_arithmetic3A_198 = vector.broadcast %shift_right_arithmetic3A_197 : i32 to vector<16xi32>
        %shift_right_arithmetic3A_199 = arith.shrsi %get3A_185, %shift_right_arithmetic3A_198 : vector<16xi32>
        %swap3A_200 = arith.index_cast %add3A_139 : i32 to index
        %swap3A_201 = arith.constant 32 : index
        %swap3A_202 = tpu.vector_load %arg6[%swap3A_200, %swap3A_201] {strides = array<i32>} : memref<250x80xi32, #tpu.memory_space<vmem>>, vector<1x16xi32>,
        %swap3A_203 = vector.shape_cast %swap3A_202 : vector<1x16xi32> to vector<16xi32>
        %swap3A_204 = vector.shape_cast %shift_right_arithmetic3A_199 : vector<16xi32> to vector<1x16xi32>
        tpu.vector_store %arg6[%swap3A_200, %swap3A_201], %swap3A_204 {strides = array<i32>} : memref<250x80xi32, #tpu.memory_space<vmem>>, vector<1x16xi32>,
        %get3A_205 = arith.index_cast %add3A_139 : i32 to index
        %get3A_206 = arith.constant 48 : index
        %get3A_207 = tpu.vector_load %arg6[%get3A_205, %get3A_206] {strides = array<i32>} : memref<250x80xi32, #tpu.memory_space<vmem>>, vector<1x16xi32>,
        %get3A_208 = vector.shape_cast %get3A_207 : vector<1x16xi32> to vector<16xi32>
        %and3A_209 = arith.constant 65535 : i32
        %and3A_210 = vector.broadcast %and3A_209 : i32 to vector<16xi32>
        %and3A_211 = arith.andi %get3A_208, %and3A_210 : vector<16xi32>
        %add3A_212 = arith.addi %and3A_211, %and3A_211 : vector<16xi32>
        %add3A_213 = vector.broadcast %arg0 : i32 to vector<16xi32>
        %add3A_214 = arith.addi %add3A_212, %add3A_213 : vector<16xi32>
        %swap3A_215 = arith.index_cast %add3A_139 : i32 to index
        %swap3A_216 = arith.constant 48 : index
        %swap3A_217 = tpu.vector_load %arg5[%swap3A_215, %swap3A_216] {strides = array<i32>} : memref<250x80xi32, #tpu.memory_space<vmem>>, vector<1x16xi32>,
        %swap3A_218 = vector.shape_cast %swap3A_217 : vector<1x16xi32> to vector<16xi32>
        %swap3A_219 = vector.shape_cast %add3A_214 : vector<16xi32> to vector<1x16xi32>
        tpu.vector_store %arg5[%swap3A_215, %swap3A_216], %swap3A_219 {strides = array<i32>} : memref<250x80xi32, #tpu.memory_space<vmem>>, vector<1x16xi32>,
        %shift_right_arithmetic3A_220 = arith.constant 16 : i32
        %shift_right_arithmetic3A_221 = vector.broadcast %shift_right_arithmetic3A_220 : i32 to vector<16xi32>
        %shift_right_arithmetic3A_222 = arith.shrsi %get3A_208, %shift_right_arithmetic3A_221 : vector<16xi32>
        %swap3A_223 = arith.index_cast %add3A_139 : i32 to index
        %swap3A_224 = arith.constant 48 : index
        %swap3A_225 = tpu.vector_load %arg6[%swap3A_223, %swap3A_224] {strides = array<i32>} : memref<250x80xi32, #tpu.memory_space<vmem>>, vector<1x16xi32>,
        %swap3A_226 = vector.shape_cast %swap3A_225 : vector<1x16xi32> to vector<16xi32>
        %swap3A_227 = vector.shape_cast %shift_right_arithmetic3A_222 : vector<16xi32> to vector<1x16xi32>
        tpu.vector_store %arg6[%swap3A_223, %swap3A_224], %swap3A_227 {strides = array<i32>} : memref<250x80xi32, #tpu.memory_space<vmem>>, vector<1x16xi32>,
        %get3A_228 = arith.index_cast %add3A_139 : i32 to index
        %get3A_229 = arith.constant 64 : index
        %get3A_230 = tpu.vector_load %arg6[%get3A_228, %get3A_229] {strides = array<i32>} : memref<250x80xi32, #tpu.memory_space<vmem>>, vector<1x16xi32>,
        %get3A_231 = vector.shape_cast %get3A_230 : vector<1x16xi32> to vector<16xi32>
        %and3A_232 = arith.constant 65535 : i32
        %and3A_233 = vector.broadcast %and3A_232 : i32 to vector<16xi32>
        %and3A_234 = arith.andi %get3A_231, %and3A_233 : vector<16xi32>
        %add3A_235 = arith.addi %and3A_234, %and3A_234 : vector<16xi32>
        %add3A_236 = vector.broadcast %arg0 : i32 to vector<16xi32>
        %add3A_237 = arith.addi %add3A_235, %add3A_236 : vector<16xi32>
        %swap3A_238 = arith.index_cast %add3A_139 : i32 to index
        %swap3A_239 = arith.constant 64 : index
        %swap3A_240 = tpu.vector_load %arg5[%swap3A_238, %swap3A_239] {strides = array<i32>} : memref<250x80xi32, #tpu.memory_space<vmem>>, vector<1x16xi32>,
        %swap3A_241 = vector.shape_cast %swap3A_240 : vector<1x16xi32> to vector<16xi32>
        %swap3A_242 = vector.shape_cast %add3A_237 : vector<16xi32> to vector<1x16xi32>
        tpu.vector_store %arg5[%swap3A_238, %swap3A_239], %swap3A_242 {strides = array<i32>} : memref<250x80xi32, #tpu.memory_space<vmem>>, vector<1x16xi32>,
        %shift_right_arithmetic3A_243 = arith.constant 16 : i32
        %shift_right_arithmetic3A_244 = vector.broadcast %shift_right_arithmetic3A_243 : i32 to vector<16xi32>
        %shift_right_arithmetic3A_245 = arith.shrsi %get3A_231, %shift_right_arithmetic3A_244 : vector<16xi32>
        %swap3A_246 = arith.index_cast %add3A_139 : i32 to index
        %swap3A_247 = arith.constant 64 : index
        %swap3A_248 = tpu.vector_load %arg6[%swap3A_246, %swap3A_247] {strides = array<i32>} : memref<250x80xi32, #tpu.memory_space<vmem>>, vector<1x16xi32>,
        %swap3A_249 = vector.shape_cast %swap3A_248 : vector<1x16xi32> to vector<16xi32>
        %swap3A_250 = vector.shape_cast %shift_right_arithmetic3A_245 : vector<16xi32> to vector<1x16xi32>
        tpu.vector_store %arg6[%swap3A_246, %swap3A_247], %swap3A_250 {strides = array<i32>} : memref<250x80xi32, #tpu.memory_space<vmem>>, vector<1x16xi32>,
        %add3A_251 = arith.constant 5 : i32
        %add3A_252 = arith.addi %add3A_95, %add3A_251 : i32
        %dma_start3A_253 = arith.constant 0 : i32
        %dma_start3A_254 = tpu.memref_slice %arg5[%add3A_252, %dma_start3A_253] : memref<250x80xi32, #tpu.memory_space<vmem>> -> memref<1x80xi32, #tpu.memory_space<vmem>>
        %dma_start3A_255 = tpu.memref_squeeze %dma_start3A_254 : memref<1x80xi32, #tpu.memory_space<vmem>> -> memref<80xi32, #tpu.memory_space<vmem>>
        %dma_start3A_256 = arith.constant 0 : i32
        %dma_start3A_257 = arith.constant 0 : i32
        %dma_start3A_258 = tpu.memref_slice %arg3[%dma_start3A_256, %dma_start3A_257] : memref<20000x64xf32, #tpu.memory_space<hbm>> -> memref<20000x64xf32, #tpu.memory_space<hbm>>
        tpu.enqueue_indirect_dma source(%dma_start3A_258 : memref<20000x64xf32, #tpu.memory_space<hbm>>) target(%arg9 : memref<80x64xf32, #tpu.memory_space<vmem>>) offsets(%dma_start3A_255 : memref<80xi32, #tpu.memory_space<vmem>>) semaphore(%arg16 : memref<!tpu.dma_semaphore, #tpu.memory_space<semaphore_mem>>)
      } else {
      }
      %mul3A_107 = arith.constant 5 : i32
      %mul3A_108 = arith.muli %scan3A_65, %mul3A_107 : i32
      %add3A_109 = arith.constant 3 : i32
      %add3A_110 = arith.addi %mul3A_108, %add3A_109 : i32
      %dma_wait3A_111 = arith.constant 0 : i32
      %dma_wait3A_112 = tpu.memref_slice %arg5[%add3A_110, %dma_wait3A_111] : memref<250x80xi32, #tpu.memory_space<vmem>> -> memref<1x80xi32, #tpu.memory_space<vmem>>
      %dma_wait3A_113 = tpu.memref_squeeze %dma_wait3A_112 : memref<1x80xi32, #tpu.memory_space<vmem>> -> memref<80xi32, #tpu.memory_space<vmem>>
      %dma_wait3A_114 = arith.constant 0 : i32
      %dma_wait3A_115 = arith.constant 0 : i32
      %dma_wait3A_116 = tpu.memref_slice %arg3[%dma_wait3A_114, %dma_wait3A_115] : memref<20000x64xf32, #tpu.memory_space<hbm>> -> memref<20000x64xf32, #tpu.memory_space<hbm>>
      tpu.wait_indirect_dma semaphore(%arg17 : memref<!tpu.dma_semaphore, #tpu.memory_space<semaphore_mem>>) src(%dma_wait3A_116 : memref<20000x64xf32, #tpu.memory_space<hbm>>) dst(%arg10 : memref<80x64xf32, #tpu.memory_space<vmem>>)
      "tpu.region"() ({
        %run_scoped3A = tpu.sem_alloc : memref<!tpu.dma_semaphore, #tpu.memory_space<semaphore_mem>>
        %dma_start3A_138 = arith.constant 0 : i32
        %dma_start3A_139 = tpu.memref_slice %arg6[%add3A_110, %dma_start3A_138] : memref<250x80xi32, #tpu.memory_space<vmem>> -> memref<1x80xi32, #tpu.memory_space<vmem>>
        %dma_start3A_140 = tpu.memref_squeeze %dma_start3A_139 : memref<1x80xi32, #tpu.memory_space<vmem>> -> memref<80xi32, #tpu.memory_space<vmem>>
        %dma_start3A_141 = arith.constant 0 : i32
        %dma_start3A_142 = arith.constant 0 : i32
        %dma_start3A_143 = tpu.memref_slice %arg13[%dma_start3A_141, %dma_start3A_142] : memref<10240x64xf32, #tpu.memory_space<vmem_shared>> -> memref<10240x64xf32, #tpu.memory_space<vmem_shared>>
        tpu.enqueue_indirect_dma source(%arg10 : memref<80x64xf32, #tpu.memory_space<vmem>>) target(%dma_start3A_143 : memref<10240x64xf32, #tpu.memory_space<vmem_shared>>) offsets(%dma_start3A_140 : memref<80xi32, #tpu.memory_space<vmem>>) semaphore(%run_scoped3A : memref<!tpu.dma_semaphore, #tpu.memory_space<semaphore_mem>>) {add = true}
        %dma_wait3A_144 = arith.constant 0 : i32
        %dma_wait3A_145 = tpu.memref_slice %arg6[%add3A_110, %dma_wait3A_144] : memref<250x80xi32, #tpu.memory_space<vmem>> -> memref<1x80xi32, #tpu.memory_space<vmem>>
        %dma_wait3A_146 = tpu.memref_squeeze %dma_wait3A_145 : memref<1x80xi32, #tpu.memory_space<vmem>> -> memref<80xi32, #tpu.memory_space<vmem>>
        %dma_wait3A_147 = arith.constant 0 : i32
        %dma_wait3A_148 = arith.constant 0 : i32
        %dma_wait3A_149 = tpu.memref_slice %arg13[%dma_wait3A_147, %dma_wait3A_148] : memref<10240x64xf32, #tpu.memory_space<vmem_shared>> -> memref<10240x64xf32, #tpu.memory_space<vmem_shared>>
        tpu.wait_indirect_dma semaphore(%run_scoped3A : memref<!tpu.dma_semaphore, #tpu.memory_space<semaphore_mem>>) src(%arg10 : memref<80x64xf32, #tpu.memory_space<vmem>>) dst(%dma_wait3A_149 : memref<10240x64xf32, #tpu.memory_space<vmem_shared>>)
        tpu.yield
      }) : () -> ()
      %lt3A_117 = arith.constant 49 : i32
      %lt3A_118 = arith.cmpi slt, %scan3A_65, %lt3A_117 : i32
      %convert_element_type3A_119 = arith.extui %lt3A_118 : i1 to i32
      %cond3A_120 = arith.constant 0 : i32
      %cond3A_121 = arith.cmpi ne, %convert_element_type3A_119, %cond3A_120 : i32
      scf.if %cond3A_121 {
        %add3A_138 = arith.constant 5 : i32
        %add3A_139 = arith.addi %add3A_110, %add3A_138 : i32
        %get3A = arith.index_cast %add3A_139 : i32 to index
        %get3A_140 = arith.constant 0 : index
        %get3A_141 = tpu.vector_load %arg6[%get3A, %get3A_140] {strides = array<i32>} : memref<250x80xi32, #tpu.memory_space<vmem>>, vector<1x16xi32>,
        %get3A_142 = vector.shape_cast %get3A_141 : vector<1x16xi32> to vector<16xi32>
        %and3A = arith.constant 65535 : i32
        %and3A_143 = vector.broadcast %and3A : i32 to vector<16xi32>
        %and3A_144 = arith.andi %get3A_142, %and3A_143 : vector<16xi32>
        %add3A_145 = arith.addi %and3A_144, %and3A_144 : vector<16xi32>
        %add3A_146 = vector.broadcast %arg0 : i32 to vector<16xi32>
        %add3A_147 = arith.addi %add3A_145, %add3A_146 : vector<16xi32>
        %swap3A = arith.index_cast %add3A_139 : i32 to index
        %swap3A_148 = arith.constant 0 : index
        %swap3A_149 = tpu.vector_load %arg5[%swap3A, %swap3A_148] {strides = array<i32>} : memref<250x80xi32, #tpu.memory_space<vmem>>, vector<1x16xi32>,
        %swap3A_150 = vector.shape_cast %swap3A_149 : vector<1x16xi32> to vector<16xi32>
        %swap3A_151 = vector.shape_cast %add3A_147 : vector<16xi32> to vector<1x16xi32>
        tpu.vector_store %arg5[%swap3A, %swap3A_148], %swap3A_151 {strides = array<i32>} : memref<250x80xi32, #tpu.memory_space<vmem>>, vector<1x16xi32>,
        %shift_right_arithmetic3A = arith.constant 16 : i32
        %shift_right_arithmetic3A_152 = vector.broadcast %shift_right_arithmetic3A : i32 to vector<16xi32>
        %shift_right_arithmetic3A_153 = arith.shrsi %get3A_142, %shift_right_arithmetic3A_152 : vector<16xi32>
        %swap3A_154 = arith.index_cast %add3A_139 : i32 to index
        %swap3A_155 = arith.constant 0 : index
        %swap3A_156 = tpu.vector_load %arg6[%swap3A_154, %swap3A_155] {strides = array<i32>} : memref<250x80xi32, #tpu.memory_space<vmem>>, vector<1x16xi32>,
        %swap3A_157 = vector.shape_cast %swap3A_156 : vector<1x16xi32> to vector<16xi32>
        %swap3A_158 = vector.shape_cast %shift_right_arithmetic3A_153 : vector<16xi32> to vector<1x16xi32>
        tpu.vector_store %arg6[%swap3A_154, %swap3A_155], %swap3A_158 {strides = array<i32>} : memref<250x80xi32, #tpu.memory_space<vmem>>, vector<1x16xi32>,
        %get3A_159 = arith.index_cast %add3A_139 : i32 to index
        %get3A_160 = arith.constant 16 : index
        %get3A_161 = tpu.vector_load %arg6[%get3A_159, %get3A_160] {strides = array<i32>} : memref<250x80xi32, #tpu.memory_space<vmem>>, vector<1x16xi32>,
        %get3A_162 = vector.shape_cast %get3A_161 : vector<1x16xi32> to vector<16xi32>
        %and3A_163 = arith.constant 65535 : i32
        %and3A_164 = vector.broadcast %and3A_163 : i32 to vector<16xi32>
        %and3A_165 = arith.andi %get3A_162, %and3A_164 : vector<16xi32>
        %add3A_166 = arith.addi %and3A_165, %and3A_165 : vector<16xi32>
        %add3A_167 = vector.broadcast %arg0 : i32 to vector<16xi32>
        %add3A_168 = arith.addi %add3A_166, %add3A_167 : vector<16xi32>
        %swap3A_169 = arith.index_cast %add3A_139 : i32 to index
        %swap3A_170 = arith.constant 16 : index
        %swap3A_171 = tpu.vector_load %arg5[%swap3A_169, %swap3A_170] {strides = array<i32>} : memref<250x80xi32, #tpu.memory_space<vmem>>, vector<1x16xi32>,
        %swap3A_172 = vector.shape_cast %swap3A_171 : vector<1x16xi32> to vector<16xi32>
        %swap3A_173 = vector.shape_cast %add3A_168 : vector<16xi32> to vector<1x16xi32>
        tpu.vector_store %arg5[%swap3A_169, %swap3A_170], %swap3A_173 {strides = array<i32>} : memref<250x80xi32, #tpu.memory_space<vmem>>, vector<1x16xi32>,
        %shift_right_arithmetic3A_174 = arith.constant 16 : i32
        %shift_right_arithmetic3A_175 = vector.broadcast %shift_right_arithmetic3A_174 : i32 to vector<16xi32>
        %shift_right_arithmetic3A_176 = arith.shrsi %get3A_162, %shift_right_arithmetic3A_175 : vector<16xi32>
        %swap3A_177 = arith.index_cast %add3A_139 : i32 to index
        %swap3A_178 = arith.constant 16 : index
        %swap3A_179 = tpu.vector_load %arg6[%swap3A_177, %swap3A_178] {strides = array<i32>} : memref<250x80xi32, #tpu.memory_space<vmem>>, vector<1x16xi32>,
        %swap3A_180 = vector.shape_cast %swap3A_179 : vector<1x16xi32> to vector<16xi32>
        %swap3A_181 = vector.shape_cast %shift_right_arithmetic3A_176 : vector<16xi32> to vector<1x16xi32>
        tpu.vector_store %arg6[%swap3A_177, %swap3A_178], %swap3A_181 {strides = array<i32>} : memref<250x80xi32, #tpu.memory_space<vmem>>, vector<1x16xi32>,
        %get3A_182 = arith.index_cast %add3A_139 : i32 to index
        %get3A_183 = arith.constant 32 : index
        %get3A_184 = tpu.vector_load %arg6[%get3A_182, %get3A_183] {strides = array<i32>} : memref<250x80xi32, #tpu.memory_space<vmem>>, vector<1x16xi32>,
        %get3A_185 = vector.shape_cast %get3A_184 : vector<1x16xi32> to vector<16xi32>
        %and3A_186 = arith.constant 65535 : i32
        %and3A_187 = vector.broadcast %and3A_186 : i32 to vector<16xi32>
        %and3A_188 = arith.andi %get3A_185, %and3A_187 : vector<16xi32>
        %add3A_189 = arith.addi %and3A_188, %and3A_188 : vector<16xi32>
        %add3A_190 = vector.broadcast %arg0 : i32 to vector<16xi32>
        %add3A_191 = arith.addi %add3A_189, %add3A_190 : vector<16xi32>
        %swap3A_192 = arith.index_cast %add3A_139 : i32 to index
        %swap3A_193 = arith.constant 32 : index
        %swap3A_194 = tpu.vector_load %arg5[%swap3A_192, %swap3A_193] {strides = array<i32>} : memref<250x80xi32, #tpu.memory_space<vmem>>, vector<1x16xi32>,
        %swap3A_195 = vector.shape_cast %swap3A_194 : vector<1x16xi32> to vector<16xi32>
        %swap3A_196 = vector.shape_cast %add3A_191 : vector<16xi32> to vector<1x16xi32>
        tpu.vector_store %arg5[%swap3A_192, %swap3A_193], %swap3A_196 {strides = array<i32>} : memref<250x80xi32, #tpu.memory_space<vmem>>, vector<1x16xi32>,
        %shift_right_arithmetic3A_197 = arith.constant 16 : i32
        %shift_right_arithmetic3A_198 = vector.broadcast %shift_right_arithmetic3A_197 : i32 to vector<16xi32>
        %shift_right_arithmetic3A_199 = arith.shrsi %get3A_185, %shift_right_arithmetic3A_198 : vector<16xi32>
        %swap3A_200 = arith.index_cast %add3A_139 : i32 to index
        %swap3A_201 = arith.constant 32 : index
        %swap3A_202 = tpu.vector_load %arg6[%swap3A_200, %swap3A_201] {strides = array<i32>} : memref<250x80xi32, #tpu.memory_space<vmem>>, vector<1x16xi32>,
        %swap3A_203 = vector.shape_cast %swap3A_202 : vector<1x16xi32> to vector<16xi32>
        %swap3A_204 = vector.shape_cast %shift_right_arithmetic3A_199 : vector<16xi32> to vector<1x16xi32>
        tpu.vector_store %arg6[%swap3A_200, %swap3A_201], %swap3A_204 {strides = array<i32>} : memref<250x80xi32, #tpu.memory_space<vmem>>, vector<1x16xi32>,
        %get3A_205 = arith.index_cast %add3A_139 : i32 to index
        %get3A_206 = arith.constant 48 : index
        %get3A_207 = tpu.vector_load %arg6[%get3A_205, %get3A_206] {strides = array<i32>} : memref<250x80xi32, #tpu.memory_space<vmem>>, vector<1x16xi32>,
        %get3A_208 = vector.shape_cast %get3A_207 : vector<1x16xi32> to vector<16xi32>
        %and3A_209 = arith.constant 65535 : i32
        %and3A_210 = vector.broadcast %and3A_209 : i32 to vector<16xi32>
        %and3A_211 = arith.andi %get3A_208, %and3A_210 : vector<16xi32>
        %add3A_212 = arith.addi %and3A_211, %and3A_211 : vector<16xi32>
        %add3A_213 = vector.broadcast %arg0 : i32 to vector<16xi32>
        %add3A_214 = arith.addi %add3A_212, %add3A_213 : vector<16xi32>
        %swap3A_215 = arith.index_cast %add3A_139 : i32 to index
        %swap3A_216 = arith.constant 48 : index
        %swap3A_217 = tpu.vector_load %arg5[%swap3A_215, %swap3A_216] {strides = array<i32>} : memref<250x80xi32, #tpu.memory_space<vmem>>, vector<1x16xi32>,
        %swap3A_218 = vector.shape_cast %swap3A_217 : vector<1x16xi32> to vector<16xi32>
        %swap3A_219 = vector.shape_cast %add3A_214 : vector<16xi32> to vector<1x16xi32>
        tpu.vector_store %arg5[%swap3A_215, %swap3A_216], %swap3A_219 {strides = array<i32>} : memref<250x80xi32, #tpu.memory_space<vmem>>, vector<1x16xi32>,
        %shift_right_arithmetic3A_220 = arith.constant 16 : i32
        %shift_right_arithmetic3A_221 = vector.broadcast %shift_right_arithmetic3A_220 : i32 to vector<16xi32>
        %shift_right_arithmetic3A_222 = arith.shrsi %get3A_208, %shift_right_arithmetic3A_221 : vector<16xi32>
        %swap3A_223 = arith.index_cast %add3A_139 : i32 to index
        %swap3A_224 = arith.constant 48 : index
        %swap3A_225 = tpu.vector_load %arg6[%swap3A_223, %swap3A_224] {strides = array<i32>} : memref<250x80xi32, #tpu.memory_space<vmem>>, vector<1x16xi32>,
        %swap3A_226 = vector.shape_cast %swap3A_225 : vector<1x16xi32> to vector<16xi32>
        %swap3A_227 = vector.shape_cast %shift_right_arithmetic3A_222 : vector<16xi32> to vector<1x16xi32>
        tpu.vector_store %arg6[%swap3A_223, %swap3A_224], %swap3A_227 {strides = array<i32>} : memref<250x80xi32, #tpu.memory_space<vmem>>, vector<1x16xi32>,
        %get3A_228 = arith.index_cast %add3A_139 : i32 to index
        %get3A_229 = arith.constant 64 : index
        %get3A_230 = tpu.vector_load %arg6[%get3A_228, %get3A_229] {strides = array<i32>} : memref<250x80xi32, #tpu.memory_space<vmem>>, vector<1x16xi32>,
        %get3A_231 = vector.shape_cast %get3A_230 : vector<1x16xi32> to vector<16xi32>
        %and3A_232 = arith.constant 65535 : i32
        %and3A_233 = vector.broadcast %and3A_232 : i32 to vector<16xi32>
        %and3A_234 = arith.andi %get3A_231, %and3A_233 : vector<16xi32>
        %add3A_235 = arith.addi %and3A_234, %and3A_234 : vector<16xi32>
        %add3A_236 = vector.broadcast %arg0 : i32 to vector<16xi32>
        %add3A_237 = arith.addi %add3A_235, %add3A_236 : vector<16xi32>
        %swap3A_238 = arith.index_cast %add3A_139 : i32 to index
        %swap3A_239 = arith.constant 64 : index
        %swap3A_240 = tpu.vector_load %arg5[%swap3A_238, %swap3A_239] {strides = array<i32>} : memref<250x80xi32, #tpu.memory_space<vmem>>, vector<1x16xi32>,
        %swap3A_241 = vector.shape_cast %swap3A_240 : vector<1x16xi32> to vector<16xi32>
        %swap3A_242 = vector.shape_cast %add3A_237 : vector<16xi32> to vector<1x16xi32>
        tpu.vector_store %arg5[%swap3A_238, %swap3A_239], %swap3A_242 {strides = array<i32>} : memref<250x80xi32, #tpu.memory_space<vmem>>, vector<1x16xi32>,
        %shift_right_arithmetic3A_243 = arith.constant 16 : i32
        %shift_right_arithmetic3A_244 = vector.broadcast %shift_right_arithmetic3A_243 : i32 to vector<16xi32>
        %shift_right_arithmetic3A_245 = arith.shrsi %get3A_231, %shift_right_arithmetic3A_244 : vector<16xi32>
        %swap3A_246 = arith.index_cast %add3A_139 : i32 to index
        %swap3A_247 = arith.constant 64 : index
        %swap3A_248 = tpu.vector_load %arg6[%swap3A_246, %swap3A_247] {strides = array<i32>} : memref<250x80xi32, #tpu.memory_space<vmem>>, vector<1x16xi32>,
        %swap3A_249 = vector.shape_cast %swap3A_248 : vector<1x16xi32> to vector<16xi32>
        %swap3A_250 = vector.shape_cast %shift_right_arithmetic3A_245 : vector<16xi32> to vector<1x16xi32>
        tpu.vector_store %arg6[%swap3A_246, %swap3A_247], %swap3A_250 {strides = array<i32>} : memref<250x80xi32, #tpu.memory_space<vmem>>, vector<1x16xi32>,
        %add3A_251 = arith.constant 5 : i32
        %add3A_252 = arith.addi %add3A_110, %add3A_251 : i32
        %dma_start3A_253 = arith.constant 0 : i32
        %dma_start3A_254 = tpu.memref_slice %arg5[%add3A_252, %dma_start3A_253] : memref<250x80xi32, #tpu.memory_space<vmem>> -> memref<1x80xi32, #tpu.memory_space<vmem>>
        %dma_start3A_255 = tpu.memref_squeeze %dma_start3A_254 : memref<1x80xi32, #tpu.memory_space<vmem>> -> memref<80xi32, #tpu.memory_space<vmem>>
        %dma_start3A_256 = arith.constant 0 : i32
        %dma_start3A_257 = arith.constant 0 : i32
        %dma_start3A_258 = tpu.memref_slice %arg3[%dma_start3A_256, %dma_start3A_257] : memref<20000x64xf32, #tpu.memory_space<hbm>> -> memref<20000x64xf32, #tpu.memory_space<hbm>>
        tpu.enqueue_indirect_dma source(%dma_start3A_258 : memref<20000x64xf32, #tpu.memory_space<hbm>>) target(%arg10 : memref<80x64xf32, #tpu.memory_space<vmem>>) offsets(%dma_start3A_255 : memref<80xi32, #tpu.memory_space<vmem>>) semaphore(%arg17 : memref<!tpu.dma_semaphore, #tpu.memory_space<semaphore_mem>>)
      } else {
      }
      %mul3A_122 = arith.constant 5 : i32
      %mul3A_123 = arith.muli %scan3A_65, %mul3A_122 : i32
      %add3A_124 = arith.constant 4 : i32
      %add3A_125 = arith.addi %mul3A_123, %add3A_124 : i32
      %dma_wait3A_126 = arith.constant 0 : i32
      %dma_wait3A_127 = tpu.memref_slice %arg5[%add3A_125, %dma_wait3A_126] : memref<250x80xi32, #tpu.memory_space<vmem>> -> memref<1x80xi32, #tpu.memory_space<vmem>>
      %dma_wait3A_128 = tpu.memref_squeeze %dma_wait3A_127 : memref<1x80xi32, #tpu.memory_space<vmem>> -> memref<80xi32, #tpu.memory_space<vmem>>
      %dma_wait3A_129 = arith.constant 0 : i32
      %dma_wait3A_130 = arith.constant 0 : i32
      %dma_wait3A_131 = tpu.memref_slice %arg3[%dma_wait3A_129, %dma_wait3A_130] : memref<20000x64xf32, #tpu.memory_space<hbm>> -> memref<20000x64xf32, #tpu.memory_space<hbm>>
      tpu.wait_indirect_dma semaphore(%arg18 : memref<!tpu.dma_semaphore, #tpu.memory_space<semaphore_mem>>) src(%dma_wait3A_131 : memref<20000x64xf32, #tpu.memory_space<hbm>>) dst(%arg11 : memref<80x64xf32, #tpu.memory_space<vmem>>)
      "tpu.region"() ({
        %run_scoped3A = tpu.sem_alloc : memref<!tpu.dma_semaphore, #tpu.memory_space<semaphore_mem>>
        %dma_start3A_138 = arith.constant 0 : i32
        %dma_start3A_139 = tpu.memref_slice %arg6[%add3A_125, %dma_start3A_138] : memref<250x80xi32, #tpu.memory_space<vmem>> -> memref<1x80xi32, #tpu.memory_space<vmem>>
        %dma_start3A_140 = tpu.memref_squeeze %dma_start3A_139 : memref<1x80xi32, #tpu.memory_space<vmem>> -> memref<80xi32, #tpu.memory_space<vmem>>
        %dma_start3A_141 = arith.constant 0 : i32
        %dma_start3A_142 = arith.constant 0 : i32
        %dma_start3A_143 = tpu.memref_slice %arg13[%dma_start3A_141, %dma_start3A_142] : memref<10240x64xf32, #tpu.memory_space<vmem_shared>> -> memref<10240x64xf32, #tpu.memory_space<vmem_shared>>
        tpu.enqueue_indirect_dma source(%arg11 : memref<80x64xf32, #tpu.memory_space<vmem>>) target(%dma_start3A_143 : memref<10240x64xf32, #tpu.memory_space<vmem_shared>>) offsets(%dma_start3A_140 : memref<80xi32, #tpu.memory_space<vmem>>) semaphore(%run_scoped3A : memref<!tpu.dma_semaphore, #tpu.memory_space<semaphore_mem>>) {add = true}
        %dma_wait3A_144 = arith.constant 0 : i32
        %dma_wait3A_145 = tpu.memref_slice %arg6[%add3A_125, %dma_wait3A_144] : memref<250x80xi32, #tpu.memory_space<vmem>> -> memref<1x80xi32, #tpu.memory_space<vmem>>
        %dma_wait3A_146 = tpu.memref_squeeze %dma_wait3A_145 : memref<1x80xi32, #tpu.memory_space<vmem>> -> memref<80xi32, #tpu.memory_space<vmem>>
        %dma_wait3A_147 = arith.constant 0 : i32
        %dma_wait3A_148 = arith.constant 0 : i32
        %dma_wait3A_149 = tpu.memref_slice %arg13[%dma_wait3A_147, %dma_wait3A_148] : memref<10240x64xf32, #tpu.memory_space<vmem_shared>> -> memref<10240x64xf32, #tpu.memory_space<vmem_shared>>
        tpu.wait_indirect_dma semaphore(%run_scoped3A : memref<!tpu.dma_semaphore, #tpu.memory_space<semaphore_mem>>) src(%arg11 : memref<80x64xf32, #tpu.memory_space<vmem>>) dst(%dma_wait3A_149 : memref<10240x64xf32, #tpu.memory_space<vmem_shared>>)
        tpu.yield
      }) : () -> ()
      %lt3A_132 = arith.constant 49 : i32
      %lt3A_133 = arith.cmpi slt, %scan3A_65, %lt3A_132 : i32
      %convert_element_type3A_134 = arith.extui %lt3A_133 : i1 to i32
      %cond3A_135 = arith.constant 0 : i32
      %cond3A_136 = arith.cmpi ne, %convert_element_type3A_134, %cond3A_135 : i32
      scf.if %cond3A_136 {
        %add3A_138 = arith.constant 5 : i32
        %add3A_139 = arith.addi %add3A_125, %add3A_138 : i32
        %get3A = arith.index_cast %add3A_139 : i32 to index
        %get3A_140 = arith.constant 0 : index
        %get3A_141 = tpu.vector_load %arg6[%get3A, %get3A_140] {strides = array<i32>} : memref<250x80xi32, #tpu.memory_space<vmem>>, vector<1x16xi32>,
        %get3A_142 = vector.shape_cast %get3A_141 : vector<1x16xi32> to vector<16xi32>
        %and3A = arith.constant 65535 : i32
        %and3A_143 = vector.broadcast %and3A : i32 to vector<16xi32>
        %and3A_144 = arith.andi %get3A_142, %and3A_143 : vector<16xi32>
        %add3A_145 = arith.addi %and3A_144, %and3A_144 : vector<16xi32>
        %add3A_146 = vector.broadcast %arg0 : i32 to vector<16xi32>
        %add3A_147 = arith.addi %add3A_145, %add3A_146 : vector<16xi32>
        %swap3A = arith.index_cast %add3A_139 : i32 to index
        %swap3A_148 = arith.constant 0 : index
        %swap3A_149 = tpu.vector_load %arg5[%swap3A, %swap3A_148] {strides = array<i32>} : memref<250x80xi32, #tpu.memory_space<vmem>>, vector<1x16xi32>,
        %swap3A_150 = vector.shape_cast %swap3A_149 : vector<1x16xi32> to vector<16xi32>
        %swap3A_151 = vector.shape_cast %add3A_147 : vector<16xi32> to vector<1x16xi32>
        tpu.vector_store %arg5[%swap3A, %swap3A_148], %swap3A_151 {strides = array<i32>} : memref<250x80xi32, #tpu.memory_space<vmem>>, vector<1x16xi32>,
        %shift_right_arithmetic3A = arith.constant 16 : i32
        %shift_right_arithmetic3A_152 = vector.broadcast %shift_right_arithmetic3A : i32 to vector<16xi32>
        %shift_right_arithmetic3A_153 = arith.shrsi %get3A_142, %shift_right_arithmetic3A_152 : vector<16xi32>
        %swap3A_154 = arith.index_cast %add3A_139 : i32 to index
        %swap3A_155 = arith.constant 0 : index
        %swap3A_156 = tpu.vector_load %arg6[%swap3A_154, %swap3A_155] {strides = array<i32>} : memref<250x80xi32, #tpu.memory_space<vmem>>, vector<1x16xi32>,
        %swap3A_157 = vector.shape_cast %swap3A_156 : vector<1x16xi32> to vector<16xi32>
        %swap3A_158 = vector.shape_cast %shift_right_arithmetic3A_153 : vector<16xi32> to vector<1x16xi32>
        tpu.vector_store %arg6[%swap3A_154, %swap3A_155], %swap3A_158 {strides = array<i32>} : memref<250x80xi32, #tpu.memory_space<vmem>>, vector<1x16xi32>,
        %get3A_159 = arith.index_cast %add3A_139 : i32 to index
        %get3A_160 = arith.constant 16 : index
        %get3A_161 = tpu.vector_load %arg6[%get3A_159, %get3A_160] {strides = array<i32>} : memref<250x80xi32, #tpu.memory_space<vmem>>, vector<1x16xi32>,
        %get3A_162 = vector.shape_cast %get3A_161 : vector<1x16xi32> to vector<16xi32>
        %and3A_163 = arith.constant 65535 : i32
        %and3A_164 = vector.broadcast %and3A_163 : i32 to vector<16xi32>
        %and3A_165 = arith.andi %get3A_162, %and3A_164 : vector<16xi32>
        %add3A_166 = arith.addi %and3A_165, %and3A_165 : vector<16xi32>
        %add3A_167 = vector.broadcast %arg0 : i32 to vector<16xi32>
        %add3A_168 = arith.addi %add3A_166, %add3A_167 : vector<16xi32>
        %swap3A_169 = arith.index_cast %add3A_139 : i32 to index
        %swap3A_170 = arith.constant 16 : index
        %swap3A_171 = tpu.vector_load %arg5[%swap3A_169, %swap3A_170] {strides = array<i32>} : memref<250x80xi32, #tpu.memory_space<vmem>>, vector<1x16xi32>,
        %swap3A_172 = vector.shape_cast %swap3A_171 : vector<1x16xi32> to vector<16xi32>
        %swap3A_173 = vector.shape_cast %add3A_168 : vector<16xi32> to vector<1x16xi32>
        tpu.vector_store %arg5[%swap3A_169, %swap3A_170], %swap3A_173 {strides = array<i32>} : memref<250x80xi32, #tpu.memory_space<vmem>>, vector<1x16xi32>,
        %shift_right_arithmetic3A_174 = arith.constant 16 : i32
        %shift_right_arithmetic3A_175 = vector.broadcast %shift_right_arithmetic3A_174 : i32 to vector<16xi32>
        %shift_right_arithmetic3A_176 = arith.shrsi %get3A_162, %shift_right_arithmetic3A_175 : vector<16xi32>
        %swap3A_177 = arith.index_cast %add3A_139 : i32 to index
        %swap3A_178 = arith.constant 16 : index
        %swap3A_179 = tpu.vector_load %arg6[%swap3A_177, %swap3A_178] {strides = array<i32>} : memref<250x80xi32, #tpu.memory_space<vmem>>, vector<1x16xi32>,
        %swap3A_180 = vector.shape_cast %swap3A_179 : vector<1x16xi32> to vector<16xi32>
        %swap3A_181 = vector.shape_cast %shift_right_arithmetic3A_176 : vector<16xi32> to vector<1x16xi32>
        tpu.vector_store %arg6[%swap3A_177, %swap3A_178], %swap3A_181 {strides = array<i32>} : memref<250x80xi32, #tpu.memory_space<vmem>>, vector<1x16xi32>,
        %get3A_182 = arith.index_cast %add3A_139 : i32 to index
        %get3A_183 = arith.constant 32 : index
        %get3A_184 = tpu.vector_load %arg6[%get3A_182, %get3A_183] {strides = array<i32>} : memref<250x80xi32, #tpu.memory_space<vmem>>, vector<1x16xi32>,
        %get3A_185 = vector.shape_cast %get3A_184 : vector<1x16xi32> to vector<16xi32>
        %and3A_186 = arith.constant 65535 : i32
        %and3A_187 = vector.broadcast %and3A_186 : i32 to vector<16xi32>
        %and3A_188 = arith.andi %get3A_185, %and3A_187 : vector<16xi32>
        %add3A_189 = arith.addi %and3A_188, %and3A_188 : vector<16xi32>
        %add3A_190 = vector.broadcast %arg0 : i32 to vector<16xi32>
        %add3A_191 = arith.addi %add3A_189, %add3A_190 : vector<16xi32>
        %swap3A_192 = arith.index_cast %add3A_139 : i32 to index
        %swap3A_193 = arith.constant 32 : index
        %swap3A_194 = tpu.vector_load %arg5[%swap3A_192, %swap3A_193] {strides = array<i32>} : memref<250x80xi32, #tpu.memory_space<vmem>>, vector<1x16xi32>,
        %swap3A_195 = vector.shape_cast %swap3A_194 : vector<1x16xi32> to vector<16xi32>
        %swap3A_196 = vector.shape_cast %add3A_191 : vector<16xi32> to vector<1x16xi32>
        tpu.vector_store %arg5[%swap3A_192, %swap3A_193], %swap3A_196 {strides = array<i32>} : memref<250x80xi32, #tpu.memory_space<vmem>>, vector<1x16xi32>,
        %shift_right_arithmetic3A_197 = arith.constant 16 : i32
        %shift_right_arithmetic3A_198 = vector.broadcast %shift_right_arithmetic3A_197 : i32 to vector<16xi32>
        %shift_right_arithmetic3A_199 = arith.shrsi %get3A_185, %shift_right_arithmetic3A_198 : vector<16xi32>
        %swap3A_200 = arith.index_cast %add3A_139 : i32 to index
        %swap3A_201 = arith.constant 32 : index
        %swap3A_202 = tpu.vector_load %arg6[%swap3A_200, %swap3A_201] {strides = array<i32>} : memref<250x80xi32, #tpu.memory_space<vmem>>, vector<1x16xi32>,
        %swap3A_203 = vector.shape_cast %swap3A_202 : vector<1x16xi32> to vector<16xi32>
        %swap3A_204 = vector.shape_cast %shift_right_arithmetic3A_199 : vector<16xi32> to vector<1x16xi32>
        tpu.vector_store %arg6[%swap3A_200, %swap3A_201], %swap3A_204 {strides = array<i32>} : memref<250x80xi32, #tpu.memory_space<vmem>>, vector<1x16xi32>,
        %get3A_205 = arith.index_cast %add3A_139 : i32 to index
        %get3A_206 = arith.constant 48 : index
        %get3A_207 = tpu.vector_load %arg6[%get3A_205, %get3A_206] {strides = array<i32>} : memref<250x80xi32, #tpu.memory_space<vmem>>, vector<1x16xi32>,
        %get3A_208 = vector.shape_cast %get3A_207 : vector<1x16xi32> to vector<16xi32>
        %and3A_209 = arith.constant 65535 : i32
        %and3A_210 = vector.broadcast %and3A_209 : i32 to vector<16xi32>
        %and3A_211 = arith.andi %get3A_208, %and3A_210 : vector<16xi32>
        %add3A_212 = arith.addi %and3A_211, %and3A_211 : vector<16xi32>
        %add3A_213 = vector.broadcast %arg0 : i32 to vector<16xi32>
        %add3A_214 = arith.addi %add3A_212, %add3A_213 : vector<16xi32>
        %swap3A_215 = arith.index_cast %add3A_139 : i32 to index
        %swap3A_216 = arith.constant 48 : index
        %swap3A_217 = tpu.vector_load %arg5[%swap3A_215, %swap3A_216] {strides = array<i32>} : memref<250x80xi32, #tpu.memory_space<vmem>>, vector<1x16xi32>,
        %swap3A_218 = vector.shape_cast %swap3A_217 : vector<1x16xi32> to vector<16xi32>
        %swap3A_219 = vector.shape_cast %add3A_214 : vector<16xi32> to vector<1x16xi32>
        tpu.vector_store %arg5[%swap3A_215, %swap3A_216], %swap3A_219 {strides = array<i32>} : memref<250x80xi32, #tpu.memory_space<vmem>>, vector<1x16xi32>,
        %shift_right_arithmetic3A_220 = arith.constant 16 : i32
        %shift_right_arithmetic3A_221 = vector.broadcast %shift_right_arithmetic3A_220 : i32 to vector<16xi32>
        %shift_right_arithmetic3A_222 = arith.shrsi %get3A_208, %shift_right_arithmetic3A_221 : vector<16xi32>
        %swap3A_223 = arith.index_cast %add3A_139 : i32 to index
        %swap3A_224 = arith.constant 48 : index
        %swap3A_225 = tpu.vector_load %arg6[%swap3A_223, %swap3A_224] {strides = array<i32>} : memref<250x80xi32, #tpu.memory_space<vmem>>, vector<1x16xi32>,
        %swap3A_226 = vector.shape_cast %swap3A_225 : vector<1x16xi32> to vector<16xi32>
        %swap3A_227 = vector.shape_cast %shift_right_arithmetic3A_222 : vector<16xi32> to vector<1x16xi32>
        tpu.vector_store %arg6[%swap3A_223, %swap3A_224], %swap3A_227 {strides = array<i32>} : memref<250x80xi32, #tpu.memory_space<vmem>>, vector<1x16xi32>,
        %get3A_228 = arith.index_cast %add3A_139 : i32 to index
        %get3A_229 = arith.constant 64 : index
        %get3A_230 = tpu.vector_load %arg6[%get3A_228, %get3A_229] {strides = array<i32>} : memref<250x80xi32, #tpu.memory_space<vmem>>, vector<1x16xi32>,
        %get3A_231 = vector.shape_cast %get3A_230 : vector<1x16xi32> to vector<16xi32>
        %and3A_232 = arith.constant 65535 : i32
        %and3A_233 = vector.broadcast %and3A_232 : i32 to vector<16xi32>
        %and3A_234 = arith.andi %get3A_231, %and3A_233 : vector<16xi32>
        %add3A_235 = arith.addi %and3A_234, %and3A_234 : vector<16xi32>
        %add3A_236 = vector.broadcast %arg0 : i32 to vector<16xi32>
        %add3A_237 = arith.addi %add3A_235, %add3A_236 : vector<16xi32>
        %swap3A_238 = arith.index_cast %add3A_139 : i32 to index
        %swap3A_239 = arith.constant 64 : index
        %swap3A_240 = tpu.vector_load %arg5[%swap3A_238, %swap3A_239] {strides = array<i32>} : memref<250x80xi32, #tpu.memory_space<vmem>>, vector<1x16xi32>,
        %swap3A_241 = vector.shape_cast %swap3A_240 : vector<1x16xi32> to vector<16xi32>
        %swap3A_242 = vector.shape_cast %add3A_237 : vector<16xi32> to vector<1x16xi32>
        tpu.vector_store %arg5[%swap3A_238, %swap3A_239], %swap3A_242 {strides = array<i32>} : memref<250x80xi32, #tpu.memory_space<vmem>>, vector<1x16xi32>,
        %shift_right_arithmetic3A_243 = arith.constant 16 : i32
        %shift_right_arithmetic3A_244 = vector.broadcast %shift_right_arithmetic3A_243 : i32 to vector<16xi32>
        %shift_right_arithmetic3A_245 = arith.shrsi %get3A_231, %shift_right_arithmetic3A_244 : vector<16xi32>
        %swap3A_246 = arith.index_cast %add3A_139 : i32 to index
        %swap3A_247 = arith.constant 64 : index
        %swap3A_248 = tpu.vector_load %arg6[%swap3A_246, %swap3A_247] {strides = array<i32>} : memref<250x80xi32, #tpu.memory_space<vmem>>, vector<1x16xi32>,
        %swap3A_249 = vector.shape_cast %swap3A_248 : vector<1x16xi32> to vector<16xi32>
        %swap3A_250 = vector.shape_cast %shift_right_arithmetic3A_245 : vector<16xi32> to vector<1x16xi32>
        tpu.vector_store %arg6[%swap3A_246, %swap3A_247], %swap3A_250 {strides = array<i32>} : memref<250x80xi32, #tpu.memory_space<vmem>>, vector<1x16xi32>,
        %add3A_251 = arith.constant 5 : i32
        %add3A_252 = arith.addi %add3A_125, %add3A_251 : i32
        %dma_start3A_253 = arith.constant 0 : i32
        %dma_start3A_254 = tpu.memref_slice %arg5[%add3A_252, %dma_start3A_253] : memref<250x80xi32, #tpu.memory_space<vmem>> -> memref<1x80xi32, #tpu.memory_space<vmem>>
        %dma_start3A_255 = tpu.memref_squeeze %dma_start3A_254 : memref<1x80xi32, #tpu.memory_space<vmem>> -> memref<80xi32, #tpu.memory_space<vmem>>
        %dma_start3A_256 = arith.constant 0 : i32
        %dma_start3A_257 = arith.constant 0 : i32
        %dma_start3A_258 = tpu.memref_slice %arg3[%dma_start3A_256, %dma_start3A_257] : memref<20000x64xf32, #tpu.memory_space<hbm>> -> memref<20000x64xf32, #tpu.memory_space<hbm>>
        tpu.enqueue_indirect_dma source(%dma_start3A_258 : memref<20000x64xf32, #tpu.memory_space<hbm>>) target(%arg11 : memref<80x64xf32, #tpu.memory_space<vmem>>) offsets(%dma_start3A_255 : memref<80xi32, #tpu.memory_space<vmem>>) semaphore(%arg18 : memref<!tpu.dma_semaphore, #tpu.memory_space<semaphore_mem>>)
      } else {
      }
      %scan3A_137 = arith.constant 0 : i32
      scf.yield %scan3A_137 : i32
    }
    %scan3A_60 = arith.constant 50 : i32
    %barrier3A_61 = arith.constant 0 : index
    tpu.barrier barrier_id(%barrier3A_61)
    %mul3A = arith.constant 640 : i32
    %mul3A_62 = arith.muli %arg1, %mul3A : i32
    %mul3A_63 = arith.constant 64 : i32
    %mul3A_64 = arith.muli %arg0, %mul3A_63 : i32
    "tpu.region"() ({
      %run_scoped3A = tpu.sem_alloc : memref<!tpu.dma_semaphore, #tpu.memory_space<semaphore_mem>>
      %dma_start3A_65 = tpu.memref_slice %arg4[%mul3A_62, %mul3A_64] : memref<10240x128xf32, #tpu.memory_space<hbm>> -> memref<640x64xf32, #tpu.memory_space<hbm>>
      %dma_start3A_66 = arith.constant 0 : i32
      %dma_start3A_67 = tpu.memref_slice %arg13[%mul3A_62, %dma_start3A_66] : memref<10240x64xf32, #tpu.memory_space<vmem_shared>> -> memref<640x64xf32, #tpu.memory_space<vmem_shared>>
      tpu.enqueue_dma source(%dma_start3A_67 : memref<640x64xf32, #tpu.memory_space<vmem_shared>>) target(%dma_start3A_65 : memref<640x64xf32, #tpu.memory_space<hbm>>) target_semaphore(%run_scoped3A : memref<!tpu.dma_semaphore, #tpu.memory_space<semaphore_mem>>)
      %dma_wait3A = tpu.memref_slice %arg4[%mul3A_62, %mul3A_64] : memref<10240x128xf32, #tpu.memory_space<hbm>> -> memref<640x64xf32, #tpu.memory_space<hbm>>
      %dma_wait3A_68 = arith.constant 0 : i32
      %dma_wait3A_69 = tpu.memref_slice %arg13[%mul3A_62, %dma_wait3A_68] : memref<10240x64xf32, #tpu.memory_space<vmem_shared>> -> memref<640x64xf32, #tpu.memory_space<vmem_shared>>
      tpu.wait_dma2 semaphore(%run_scoped3A : memref<!tpu.dma_semaphore, #tpu.memory_space<semaphore_mem>>) src(%dma_wait3A_69 : memref<640x64xf32, #tpu.memory_space<vmem_shared>>) dst(%dma_wait3A : memref<640x64xf32, #tpu.memory_space<hbm>>)
      tpu.yield
    }) : () -> ()
    return
  }
}

#map = affine_map<(d0, d1) -> (0, 0, 0)>
#map1 = affine_map<(d0, d1) -> (0, 0)>
module attributes {stable_mosaic.version = 14 : i64} {
  func.func @body(%arg0: i32, %arg1: i32, %arg2: memref<16x250x80xi32, #tpu.memory_space<hbm>>, %arg3: memref<20000x64xf32, #tpu.memory_space<hbm>>, %arg4: memref<10240x128xf32, #tpu.memory_space<hbm>>, %arg5: memref<2x10240x16xf32, #tpu.memory_space<hbm>>, %arg6: memref<250x80xi32, #tpu.memory_space<vmem>>, %arg7: memref<250x80xi32, #tpu.memory_space<vmem>>, %arg8: memref<80x64xf32, #tpu.memory_space<vmem>>, %arg9: memref<80x64xf32, #tpu.memory_space<vmem>>, %arg10: memref<80x64xf32, #tpu.memory_space<vmem>>, %arg11: memref<80x64xf32, #tpu.memory_space<vmem>>, %arg12: memref<80x64xf32, #tpu.memory_space<vmem>>, %arg13: memref<80x16xf32, #tpu.memory_space<vmem>>, %arg14: memref<64x64xf32, #tpu.memory_space<vmem>>, %arg15: memref<64x16xf32, #tpu.memory_space<vmem>>, %arg16: memref<10240x64xf32, #tpu.memory_space<vmem_shared>>, %arg17: memref<10240x16xf32, #tpu.memory_space<vmem_shared>>, %arg18: memref<!tpu.dma_semaphore, #tpu.memory_space<semaphore_mem>>, %arg19: memref<!tpu.dma_semaphore, #tpu.memory_space<semaphore_mem>>, %arg20: memref<!tpu.dma_semaphore, #tpu.memory_space<semaphore_mem>>, %arg21: memref<!tpu.dma_semaphore, #tpu.memory_space<semaphore_mem>>, %arg22: memref<!tpu.dma_semaphore, #tpu.memory_space<semaphore_mem>>) attributes {dimension_semantics = [#tpu.dimension_semantics<core_parallel>, #tpu.dimension_semantics<subcore_parallel>], iteration_bounds = array<i64: 2, 16>, scalar_prefetch = 0 : i64, scratch_operands = 17 : i64, tpu.core_type = #tpu.core_type<sc_vector_subcore>, window_params = [{transform_indices = #map}, {transform_indices = #map1}, {transform_indices = #map1}, {transform_indices = #map}]} {
    %scan3A = arith.constant 0 : i32
    %scan3A_0 = arith.constant 0 : i32
    %scan3A_1 = arith.constant 64 : i32
    %scan3A_2 = arith.addi %scan3A_0, %scan3A_1 : i32
    %scan3A_3 = arith.constant 1 : i32
    %scan3A_4 = scf.for %scan3A_72 = %scan3A_0 to %scan3A_2 step %scan3A_3 iter_args(%scan3A_73 = %scan3A) -> (i32)  : i32 {
      %broadcast_in_dim3A = arith.constant 0.000000e+00 : f32
      %broadcast_in_dim3A_74 = vector.broadcast %broadcast_in_dim3A : f32 to vector<16xf32>
      %swap3A = arith.index_cast %scan3A_72 : i32 to index
      %swap3A_75 = arith.constant 0 : index
      %swap3A_76 = tpu.vector_load %arg14[%swap3A, %swap3A_75] {strides = array<i32>} : memref<64x64xf32, #tpu.memory_space<vmem>>, vector<1x16xf32>,
      %swap3A_77 = vector.shape_cast %swap3A_76 : vector<1x16xf32> to vector<16xf32>
      %swap3A_78 = vector.shape_cast %broadcast_in_dim3A_74 : vector<16xf32> to vector<1x16xf32>
      tpu.vector_store %arg14[%swap3A, %swap3A_75], %swap3A_78 {strides = array<i32>} : memref<64x64xf32, #tpu.memory_space<vmem>>, vector<1x16xf32>,
      %broadcast_in_dim3A_79 = arith.constant 0.000000e+00 : f32
      %broadcast_in_dim3A_80 = vector.broadcast %broadcast_in_dim3A_79 : f32 to vector<16xf32>
      %swap3A_81 = arith.index_cast %scan3A_72 : i32 to index
      %swap3A_82 = arith.constant 16 : index
      %swap3A_83 = tpu.vector_load %arg14[%swap3A_81, %swap3A_82] {strides = array<i32>} : memref<64x64xf32, #tpu.memory_space<vmem>>, vector<1x16xf32>,
      %swap3A_84 = vector.shape_cast %swap3A_83 : vector<1x16xf32> to vector<16xf32>
      %swap3A_85 = vector.shape_cast %broadcast_in_dim3A_80 : vector<16xf32> to vector<1x16xf32>
      tpu.vector_store %arg14[%swap3A_81, %swap3A_82], %swap3A_85 {strides = array<i32>} : memref<64x64xf32, #tpu.memory_space<vmem>>, vector<1x16xf32>,
      %broadcast_in_dim3A_86 = arith.constant 0.000000e+00 : f32
      %broadcast_in_dim3A_87 = vector.broadcast %broadcast_in_dim3A_86 : f32 to vector<16xf32>
      %swap3A_88 = arith.index_cast %scan3A_72 : i32 to index
      %swap3A_89 = arith.constant 32 : index
      %swap3A_90 = tpu.vector_load %arg14[%swap3A_88, %swap3A_89] {strides = array<i32>} : memref<64x64xf32, #tpu.memory_space<vmem>>, vector<1x16xf32>,
      %swap3A_91 = vector.shape_cast %swap3A_90 : vector<1x16xf32> to vector<16xf32>
      %swap3A_92 = vector.shape_cast %broadcast_in_dim3A_87 : vector<16xf32> to vector<1x16xf32>
      tpu.vector_store %arg14[%swap3A_88, %swap3A_89], %swap3A_92 {strides = array<i32>} : memref<64x64xf32, #tpu.memory_space<vmem>>, vector<1x16xf32>,
      %broadcast_in_dim3A_93 = arith.constant 0.000000e+00 : f32
      %broadcast_in_dim3A_94 = vector.broadcast %broadcast_in_dim3A_93 : f32 to vector<16xf32>
      %swap3A_95 = arith.index_cast %scan3A_72 : i32 to index
      %swap3A_96 = arith.constant 48 : index
      %swap3A_97 = tpu.vector_load %arg14[%swap3A_95, %swap3A_96] {strides = array<i32>} : memref<64x64xf32, #tpu.memory_space<vmem>>, vector<1x16xf32>,
      %swap3A_98 = vector.shape_cast %swap3A_97 : vector<1x16xf32> to vector<16xf32>
      %swap3A_99 = vector.shape_cast %broadcast_in_dim3A_94 : vector<16xf32> to vector<1x16xf32>
      tpu.vector_store %arg14[%swap3A_95, %swap3A_96], %swap3A_99 {strides = array<i32>} : memref<64x64xf32, #tpu.memory_space<vmem>>, vector<1x16xf32>,
      %broadcast_in_dim3A_100 = arith.constant 0.000000e+00 : f32
      %broadcast_in_dim3A_101 = vector.broadcast %broadcast_in_dim3A_100 : f32 to vector<16xf32>
      %swap3A_102 = arith.index_cast %scan3A_72 : i32 to index
      %swap3A_103 = arith.constant 0 : index
      %swap3A_104 = tpu.vector_load %arg15[%swap3A_102, %swap3A_103] {strides = array<i32>} : memref<64x16xf32, #tpu.memory_space<vmem>>, vector<1x16xf32>,
      %swap3A_105 = vector.shape_cast %swap3A_104 : vector<1x16xf32> to vector<16xf32>
      %swap3A_106 = vector.shape_cast %broadcast_in_dim3A_101 : vector<16xf32> to vector<1x16xf32>
      tpu.vector_store %arg15[%swap3A_102, %swap3A_103], %swap3A_106 {strides = array<i32>} : memref<64x16xf32, #tpu.memory_space<vmem>>, vector<1x16xf32>,
      %scan3A_107 = arith.constant 0 : i32
      scf.yield %scan3A_107 : i32
    }
    %scan3A_5 = arith.constant 64 : i32
    %scan3A_6 = arith.constant 0 : i32
    %scan3A_7 = arith.constant 0 : i32
    %scan3A_8 = arith.constant 80 : i32
    %scan3A_9 = arith.addi %scan3A_7, %scan3A_8 : i32
    %scan3A_10 = arith.constant 1 : i32
    %scan3A_11 = scf.for %scan3A_72 = %scan3A_7 to %scan3A_9 step %scan3A_10 iter_args(%scan3A_73 = %scan3A_6) -> (i32)  : i32 {
      %broadcast_in_dim3A = arith.constant 1.000000e+00 : f32
      %broadcast_in_dim3A_74 = vector.broadcast %broadcast_in_dim3A : f32 to vector<16xf32>
      %swap3A = arith.index_cast %scan3A_72 : i32 to index
      %swap3A_75 = arith.constant 0 : index
      %swap3A_76 = tpu.vector_load %arg13[%swap3A, %swap3A_75] {strides = array<i32>} : memref<80x16xf32, #tpu.memory_space<vmem>>, vector<1x16xf32>,
      %swap3A_77 = vector.shape_cast %swap3A_76 : vector<1x16xf32> to vector<16xf32>
      %swap3A_78 = vector.shape_cast %broadcast_in_dim3A_74 : vector<16xf32> to vector<1x16xf32>
      tpu.vector_store %arg13[%swap3A, %swap3A_75], %swap3A_78 {strides = array<i32>} : memref<80x16xf32, #tpu.memory_space<vmem>>, vector<1x16xf32>,
      %scan3A_79 = arith.constant 0 : i32
      scf.yield %scan3A_79 : i32
    }
    %scan3A_12 = arith.constant 80 : i32
    %scan3A_13 = arith.constant 0 : i32
    %scan3A_14 = arith.constant 0 : i32
    %scan3A_15 = arith.constant 10 : i32
    %scan3A_16 = arith.addi %scan3A_14, %scan3A_15 : i32
    %scan3A_17 = arith.constant 1 : i32
    %scan3A_18 = scf.for %scan3A_72 = %scan3A_14 to %scan3A_16 step %scan3A_17 iter_args(%scan3A_73 = %scan3A_13) -> (i32)  : i32 {
      %mul3A_74 = arith.constant 640 : i32
      %mul3A_75 = arith.muli %arg1, %mul3A_74 : i32
      %mul3A_76 = arith.constant 64 : i32
      %mul3A_77 = arith.muli %scan3A_72, %mul3A_76 : i32
      %add3A = arith.addi %mul3A_75, %mul3A_77 : i32
      "tpu.region"() ({
        %run_scoped3A = tpu.sem_alloc : memref<!tpu.dma_semaphore, #tpu.memory_space<semaphore_mem>>
        %dma_start3A_79 = arith.constant 0 : i32
        %dma_start3A_80 = tpu.memref_slice %arg16[%add3A, %dma_start3A_79] : memref<10240x64xf32, #tpu.memory_space<vmem_shared>> -> memref<64x64xf32, #tpu.memory_space<vmem_shared>>
        %dma_start3A_81 = arith.constant 0 : i32
        %dma_start3A_82 = tpu.memref_slice %arg16[%add3A, %dma_start3A_81] : memref<10240x64xf32, #tpu.memory_space<vmem_shared>> -> memref<64x64xf32, #tpu.memory_space<vmem_shared>>
        tpu.enqueue_dma source(%arg14 : memref<64x64xf32, #tpu.memory_space<vmem>>) target(%dma_start3A_82 : memref<64x64xf32, #tpu.memory_space<vmem_shared>>) target_semaphore(%run_scoped3A : memref<!tpu.dma_semaphore, #tpu.memory_space<semaphore_mem>>)
        %dma_wait3A = arith.constant 0 : i32
        %dma_wait3A_83 = tpu.memref_slice %arg16[%add3A, %dma_wait3A] : memref<10240x64xf32, #tpu.memory_space<vmem_shared>> -> memref<64x64xf32, #tpu.memory_space<vmem_shared>>
        %dma_wait3A_84 = arith.constant 0 : i32
        %dma_wait3A_85 = tpu.memref_slice %arg16[%add3A, %dma_wait3A_84] : memref<10240x64xf32, #tpu.memory_space<vmem_shared>> -> memref<64x64xf32, #tpu.memory_space<vmem_shared>>
        tpu.wait_dma2 semaphore(%run_scoped3A : memref<!tpu.dma_semaphore, #tpu.memory_space<semaphore_mem>>) src(%arg14 : memref<64x64xf32, #tpu.memory_space<vmem>>) dst(%dma_wait3A_85 : memref<64x64xf32, #tpu.memory_space<vmem_shared>>)
        tpu.yield
      }) : () -> ()
      "tpu.region"() ({
        %run_scoped3A = tpu.sem_alloc : memref<!tpu.dma_semaphore, #tpu.memory_space<semaphore_mem>>
        %dma_start3A_79 = arith.constant 0 : i32
        %dma_start3A_80 = tpu.memref_slice %arg17[%add3A, %dma_start3A_79] : memref<10240x16xf32, #tpu.memory_space<vmem_shared>> -> memref<64x16xf32, #tpu.memory_space<vmem_shared>>
        %dma_start3A_81 = arith.constant 0 : i32
        %dma_start3A_82 = tpu.memref_slice %arg17[%add3A, %dma_start3A_81] : memref<10240x16xf32, #tpu.memory_space<vmem_shared>> -> memref<64x16xf32, #tpu.memory_space<vmem_shared>>
        tpu.enqueue_dma source(%arg15 : memref<64x16xf32, #tpu.memory_space<vmem>>) target(%dma_start3A_82 : memref<64x16xf32, #tpu.memory_space<vmem_shared>>) target_semaphore(%run_scoped3A : memref<!tpu.dma_semaphore, #tpu.memory_space<semaphore_mem>>)
        %dma_wait3A = arith.constant 0 : i32
        %dma_wait3A_83 = tpu.memref_slice %arg17[%add3A, %dma_wait3A] : memref<10240x16xf32, #tpu.memory_space<vmem_shared>> -> memref<64x16xf32, #tpu.memory_space<vmem_shared>>
        %dma_wait3A_84 = arith.constant 0 : i32
        %dma_wait3A_85 = tpu.memref_slice %arg17[%add3A, %dma_wait3A_84] : memref<10240x16xf32, #tpu.memory_space<vmem_shared>> -> memref<64x16xf32, #tpu.memory_space<vmem_shared>>
        tpu.wait_dma2 semaphore(%run_scoped3A : memref<!tpu.dma_semaphore, #tpu.memory_space<semaphore_mem>>) src(%arg15 : memref<64x16xf32, #tpu.memory_space<vmem>>) dst(%dma_wait3A_85 : memref<64x16xf32, #tpu.memory_space<vmem_shared>>)
        tpu.yield
      }) : () -> ()
      %scan3A_78 = arith.constant 0 : i32
      scf.yield %scan3A_78 : i32
    }
    %scan3A_19 = arith.constant 10 : i32
    %barrier3A = arith.constant 0 : index
    tpu.barrier barrier_id(%barrier3A)
    "tpu.region"() ({
      %run_scoped3A = tpu.sem_alloc : memref<!tpu.dma_semaphore, #tpu.memory_space<semaphore_mem>>
      %dma_start3A_72 = arith.constant 0 : i32
      %dma_start3A_73 = arith.constant 0 : i32
      %dma_start3A_74 = tpu.memref_slice %arg2[%arg1, %dma_start3A_72, %dma_start3A_73] : memref<16x250x80xi32, #tpu.memory_space<hbm>> -> memref<1x250x80xi32, #tpu.memory_space<hbm>>
      %dma_start3A_75 = tpu.memref_squeeze %dma_start3A_74 : memref<1x250x80xi32, #tpu.memory_space<hbm>> -> memref<250x80xi32, #tpu.memory_space<hbm>>
      %dma_start3A_76 = arith.constant 0 : i32
      %dma_start3A_77 = arith.constant 0 : i32
      %dma_start3A_78 = tpu.memref_slice %arg2[%arg1, %dma_start3A_76, %dma_start3A_77] : memref<16x250x80xi32, #tpu.memory_space<hbm>> -> memref<1x250x80xi32, #tpu.memory_space<hbm>>
      %dma_start3A_79 = tpu.memref_squeeze %dma_start3A_78 : memref<1x250x80xi32, #tpu.memory_space<hbm>> -> memref<250x80xi32, #tpu.memory_space<hbm>>
      tpu.enqueue_dma source(%dma_start3A_79 : memref<250x80xi32, #tpu.memory_space<hbm>>) target(%arg7 : memref<250x80xi32, #tpu.memory_space<vmem>>) target_semaphore(%run_scoped3A : memref<!tpu.dma_semaphore, #tpu.memory_space<semaphore_mem>>)
      %dma_wait3A = arith.constant 0 : i32
      %dma_wait3A_80 = arith.constant 0 : i32
      %dma_wait3A_81 = tpu.memref_slice %arg2[%arg1, %dma_wait3A, %dma_wait3A_80] : memref<16x250x80xi32, #tpu.memory_space<hbm>> -> memref<1x250x80xi32, #tpu.memory_space<hbm>>
      %dma_wait3A_82 = tpu.memref_squeeze %dma_wait3A_81 : memref<1x250x80xi32, #tpu.memory_space<hbm>> -> memref<250x80xi32, #tpu.memory_space<hbm>>
      %dma_wait3A_83 = arith.constant 0 : i32
      %dma_wait3A_84 = arith.constant 0 : i32
      %dma_wait3A_85 = tpu.memref_slice %arg2[%arg1, %dma_wait3A_83, %dma_wait3A_84] : memref<16x250x80xi32, #tpu.memory_space<hbm>> -> memref<1x250x80xi32, #tpu.memory_space<hbm>>
      %dma_wait3A_86 = tpu.memref_squeeze %dma_wait3A_85 : memref<1x250x80xi32, #tpu.memory_space<hbm>> -> memref<250x80xi32, #tpu.memory_space<hbm>>
      tpu.wait_dma2 semaphore(%run_scoped3A : memref<!tpu.dma_semaphore, #tpu.memory_space<semaphore_mem>>) src(%dma_wait3A_86 : memref<250x80xi32, #tpu.memory_space<hbm>>) dst(%arg7 : memref<250x80xi32, #tpu.memory_space<vmem>>)
      tpu.yield
    }) : () -> ()
    %scan3A_20 = arith.constant 0 : i32
    %scan3A_21 = arith.constant 0 : i32
    %scan3A_22 = arith.constant 5 : i32
    %scan3A_23 = arith.addi %scan3A_21, %scan3A_22 : i32
    %scan3A_24 = arith.constant 1 : i32
    %scan3A_25 = scf.for %scan3A_72 = %scan3A_21 to %scan3A_23 step %scan3A_24 iter_args(%scan3A_73 = %scan3A_20) -> (i32)  : i32 {
      %get3A = arith.index_cast %scan3A_72 : i32 to index
      %get3A_74 = arith.constant 0 : index
      %get3A_75 = tpu.vector_load %arg7[%get3A, %get3A_74] {strides = array<i32>} : memref<250x80xi32, #tpu.memory_space<vmem>>, vector<1x16xi32>,
      %get3A_76 = vector.shape_cast %get3A_75 : vector<1x16xi32> to vector<16xi32>
      %and3A = arith.constant 65535 : i32
      %and3A_77 = vector.broadcast %and3A : i32 to vector<16xi32>
      %and3A_78 = arith.andi %get3A_76, %and3A_77 : vector<16xi32>
      %add3A = arith.addi %and3A_78, %and3A_78 : vector<16xi32>
      %add3A_79 = vector.broadcast %arg0 : i32 to vector<16xi32>
      %add3A_80 = arith.addi %add3A, %add3A_79 : vector<16xi32>
      %swap3A = arith.index_cast %scan3A_72 : i32 to index
      %swap3A_81 = arith.constant 0 : index
      %swap3A_82 = tpu.vector_load %arg6[%swap3A, %swap3A_81] {strides = array<i32>} : memref<250x80xi32, #tpu.memory_space<vmem>>, vector<1x16xi32>,
      %swap3A_83 = vector.shape_cast %swap3A_82 : vector<1x16xi32> to vector<16xi32>
      %swap3A_84 = vector.shape_cast %add3A_80 : vector<16xi32> to vector<1x16xi32>
      tpu.vector_store %arg6[%swap3A, %swap3A_81], %swap3A_84 {strides = array<i32>} : memref<250x80xi32, #tpu.memory_space<vmem>>, vector<1x16xi32>,
      %shift_right_arithmetic3A = arith.constant 16 : i32
      %shift_right_arithmetic3A_85 = vector.broadcast %shift_right_arithmetic3A : i32 to vector<16xi32>
      %shift_right_arithmetic3A_86 = arith.shrsi %get3A_76, %shift_right_arithmetic3A_85 : vector<16xi32>
      %swap3A_87 = arith.index_cast %scan3A_72 : i32 to index
      %swap3A_88 = arith.constant 0 : index
      %swap3A_89 = tpu.vector_load %arg7[%swap3A_87, %swap3A_88] {strides = array<i32>} : memref<250x80xi32, #tpu.memory_space<vmem>>, vector<1x16xi32>,
      %swap3A_90 = vector.shape_cast %swap3A_89 : vector<1x16xi32> to vector<16xi32>
      %swap3A_91 = vector.shape_cast %shift_right_arithmetic3A_86 : vector<16xi32> to vector<1x16xi32>
      tpu.vector_store %arg7[%swap3A_87, %swap3A_88], %swap3A_91 {strides = array<i32>} : memref<250x80xi32, #tpu.memory_space<vmem>>, vector<1x16xi32>,
      %get3A_92 = arith.index_cast %scan3A_72 : i32 to index
      %get3A_93 = arith.constant 16 : index
      %get3A_94 = tpu.vector_load %arg7[%get3A_92, %get3A_93] {strides = array<i32>} : memref<250x80xi32, #tpu.memory_space<vmem>>, vector<1x16xi32>,
      %get3A_95 = vector.shape_cast %get3A_94 : vector<1x16xi32> to vector<16xi32>
      %and3A_96 = arith.constant 65535 : i32
      %and3A_97 = vector.broadcast %and3A_96 : i32 to vector<16xi32>
      %and3A_98 = arith.andi %get3A_95, %and3A_97 : vector<16xi32>
      %add3A_99 = arith.addi %and3A_98, %and3A_98 : vector<16xi32>
      %add3A_100 = vector.broadcast %arg0 : i32 to vector<16xi32>
      %add3A_101 = arith.addi %add3A_99, %add3A_100 : vector<16xi32>
      %swap3A_102 = arith.index_cast %scan3A_72 : i32 to index
      %swap3A_103 = arith.constant 16 : index
      %swap3A_104 = tpu.vector_load %arg6[%swap3A_102, %swap3A_103] {strides = array<i32>} : memref<250x80xi32, #tpu.memory_space<vmem>>, vector<1x16xi32>,
      %swap3A_105 = vector.shape_cast %swap3A_104 : vector<1x16xi32> to vector<16xi32>
      %swap3A_106 = vector.shape_cast %add3A_101 : vector<16xi32> to vector<1x16xi32>
      tpu.vector_store %arg6[%swap3A_102, %swap3A_103], %swap3A_106 {strides = array<i32>} : memref<250x80xi32, #tpu.memory_space<vmem>>, vector<1x16xi32>,
      %shift_right_arithmetic3A_107 = arith.constant 16 : i32
      %shift_right_arithmetic3A_108 = vector.broadcast %shift_right_arithmetic3A_107 : i32 to vector<16xi32>
      %shift_right_arithmetic3A_109 = arith.shrsi %get3A_95, %shift_right_arithmetic3A_108 : vector<16xi32>
      %swap3A_110 = arith.index_cast %scan3A_72 : i32 to index
      %swap3A_111 = arith.constant 16 : index
      %swap3A_112 = tpu.vector_load %arg7[%swap3A_110, %swap3A_111] {strides = array<i32>} : memref<250x80xi32, #tpu.memory_space<vmem>>, vector<1x16xi32>,
      %swap3A_113 = vector.shape_cast %swap3A_112 : vector<1x16xi32> to vector<16xi32>
      %swap3A_114 = vector.shape_cast %shift_right_arithmetic3A_109 : vector<16xi32> to vector<1x16xi32>
      tpu.vector_store %arg7[%swap3A_110, %swap3A_111], %swap3A_114 {strides = array<i32>} : memref<250x80xi32, #tpu.memory_space<vmem>>, vector<1x16xi32>,
      %get3A_115 = arith.index_cast %scan3A_72 : i32 to index
      %get3A_116 = arith.constant 32 : index
      %get3A_117 = tpu.vector_load %arg7[%get3A_115, %get3A_116] {strides = array<i32>} : memref<250x80xi32, #tpu.memory_space<vmem>>, vector<1x16xi32>,
      %get3A_118 = vector.shape_cast %get3A_117 : vector<1x16xi32> to vector<16xi32>
      %and3A_119 = arith.constant 65535 : i32
      %and3A_120 = vector.broadcast %and3A_119 : i32 to vector<16xi32>
      %and3A_121 = arith.andi %get3A_118, %and3A_120 : vector<16xi32>
      %add3A_122 = arith.addi %and3A_121, %and3A_121 : vector<16xi32>
      %add3A_123 = vector.broadcast %arg0 : i32 to vector<16xi32>
      %add3A_124 = arith.addi %add3A_122, %add3A_123 : vector<16xi32>
      %swap3A_125 = arith.index_cast %scan3A_72 : i32 to index
      %swap3A_126 = arith.constant 32 : index
      %swap3A_127 = tpu.vector_load %arg6[%swap3A_125, %swap3A_126] {strides = array<i32>} : memref<250x80xi32, #tpu.memory_space<vmem>>, vector<1x16xi32>,
      %swap3A_128 = vector.shape_cast %swap3A_127 : vector<1x16xi32> to vector<16xi32>
      %swap3A_129 = vector.shape_cast %add3A_124 : vector<16xi32> to vector<1x16xi32>
      tpu.vector_store %arg6[%swap3A_125, %swap3A_126], %swap3A_129 {strides = array<i32>} : memref<250x80xi32, #tpu.memory_space<vmem>>, vector<1x16xi32>,
      %shift_right_arithmetic3A_130 = arith.constant 16 : i32
      %shift_right_arithmetic3A_131 = vector.broadcast %shift_right_arithmetic3A_130 : i32 to vector<16xi32>
      %shift_right_arithmetic3A_132 = arith.shrsi %get3A_118, %shift_right_arithmetic3A_131 : vector<16xi32>
      %swap3A_133 = arith.index_cast %scan3A_72 : i32 to index
      %swap3A_134 = arith.constant 32 : index
      %swap3A_135 = tpu.vector_load %arg7[%swap3A_133, %swap3A_134] {strides = array<i32>} : memref<250x80xi32, #tpu.memory_space<vmem>>, vector<1x16xi32>,
      %swap3A_136 = vector.shape_cast %swap3A_135 : vector<1x16xi32> to vector<16xi32>
      %swap3A_137 = vector.shape_cast %shift_right_arithmetic3A_132 : vector<16xi32> to vector<1x16xi32>
      tpu.vector_store %arg7[%swap3A_133, %swap3A_134], %swap3A_137 {strides = array<i32>} : memref<250x80xi32, #tpu.memory_space<vmem>>, vector<1x16xi32>,
      %get3A_138 = arith.index_cast %scan3A_72 : i32 to index
      %get3A_139 = arith.constant 48 : index
      %get3A_140 = tpu.vector_load %arg7[%get3A_138, %get3A_139] {strides = array<i32>} : memref<250x80xi32, #tpu.memory_space<vmem>>, vector<1x16xi32>,
      %get3A_141 = vector.shape_cast %get3A_140 : vector<1x16xi32> to vector<16xi32>
      %and3A_142 = arith.constant 65535 : i32
      %and3A_143 = vector.broadcast %and3A_142 : i32 to vector<16xi32>
      %and3A_144 = arith.andi %get3A_141, %and3A_143 : vector<16xi32>
      %add3A_145 = arith.addi %and3A_144, %and3A_144 : vector<16xi32>
      %add3A_146 = vector.broadcast %arg0 : i32 to vector<16xi32>
      %add3A_147 = arith.addi %add3A_145, %add3A_146 : vector<16xi32>
      %swap3A_148 = arith.index_cast %scan3A_72 : i32 to index
      %swap3A_149 = arith.constant 48 : index
      %swap3A_150 = tpu.vector_load %arg6[%swap3A_148, %swap3A_149] {strides = array<i32>} : memref<250x80xi32, #tpu.memory_space<vmem>>, vector<1x16xi32>,
      %swap3A_151 = vector.shape_cast %swap3A_150 : vector<1x16xi32> to vector<16xi32>
      %swap3A_152 = vector.shape_cast %add3A_147 : vector<16xi32> to vector<1x16xi32>
      tpu.vector_store %arg6[%swap3A_148, %swap3A_149], %swap3A_152 {strides = array<i32>} : memref<250x80xi32, #tpu.memory_space<vmem>>, vector<1x16xi32>,
      %shift_right_arithmetic3A_153 = arith.constant 16 : i32
      %shift_right_arithmetic3A_154 = vector.broadcast %shift_right_arithmetic3A_153 : i32 to vector<16xi32>
      %shift_right_arithmetic3A_155 = arith.shrsi %get3A_141, %shift_right_arithmetic3A_154 : vector<16xi32>
      %swap3A_156 = arith.index_cast %scan3A_72 : i32 to index
      %swap3A_157 = arith.constant 48 : index
      %swap3A_158 = tpu.vector_load %arg7[%swap3A_156, %swap3A_157] {strides = array<i32>} : memref<250x80xi32, #tpu.memory_space<vmem>>, vector<1x16xi32>,
      %swap3A_159 = vector.shape_cast %swap3A_158 : vector<1x16xi32> to vector<16xi32>
      %swap3A_160 = vector.shape_cast %shift_right_arithmetic3A_155 : vector<16xi32> to vector<1x16xi32>
      tpu.vector_store %arg7[%swap3A_156, %swap3A_157], %swap3A_160 {strides = array<i32>} : memref<250x80xi32, #tpu.memory_space<vmem>>, vector<1x16xi32>,
      %get3A_161 = arith.index_cast %scan3A_72 : i32 to index
      %get3A_162 = arith.constant 64 : index
      %get3A_163 = tpu.vector_load %arg7[%get3A_161, %get3A_162] {strides = array<i32>} : memref<250x80xi32, #tpu.memory_space<vmem>>, vector<1x16xi32>,
      %get3A_164 = vector.shape_cast %get3A_163 : vector<1x16xi32> to vector<16xi32>
      %and3A_165 = arith.constant 65535 : i32
      %and3A_166 = vector.broadcast %and3A_165 : i32 to vector<16xi32>
      %and3A_167 = arith.andi %get3A_164, %and3A_166 : vector<16xi32>
      %add3A_168 = arith.addi %and3A_167, %and3A_167 : vector<16xi32>
      %add3A_169 = vector.broadcast %arg0 : i32 to vector<16xi32>
      %add3A_170 = arith.addi %add3A_168, %add3A_169 : vector<16xi32>
      %swap3A_171 = arith.index_cast %scan3A_72 : i32 to index
      %swap3A_172 = arith.constant 64 : index
      %swap3A_173 = tpu.vector_load %arg6[%swap3A_171, %swap3A_172] {strides = array<i32>} : memref<250x80xi32, #tpu.memory_space<vmem>>, vector<1x16xi32>,
      %swap3A_174 = vector.shape_cast %swap3A_173 : vector<1x16xi32> to vector<16xi32>
      %swap3A_175 = vector.shape_cast %add3A_170 : vector<16xi32> to vector<1x16xi32>
      tpu.vector_store %arg6[%swap3A_171, %swap3A_172], %swap3A_175 {strides = array<i32>} : memref<250x80xi32, #tpu.memory_space<vmem>>, vector<1x16xi32>,
      %shift_right_arithmetic3A_176 = arith.constant 16 : i32
      %shift_right_arithmetic3A_177 = vector.broadcast %shift_right_arithmetic3A_176 : i32 to vector<16xi32>
      %shift_right_arithmetic3A_178 = arith.shrsi %get3A_164, %shift_right_arithmetic3A_177 : vector<16xi32>
      %swap3A_179 = arith.index_cast %scan3A_72 : i32 to index
      %swap3A_180 = arith.constant 64 : index
      %swap3A_181 = tpu.vector_load %arg7[%swap3A_179, %swap3A_180] {strides = array<i32>} : memref<250x80xi32, #tpu.memory_space<vmem>>, vector<1x16xi32>,
      %swap3A_182 = vector.shape_cast %swap3A_181 : vector<1x16xi32> to vector<16xi32>
      %swap3A_183 = vector.shape_cast %shift_right_arithmetic3A_178 : vector<16xi32> to vector<1x16xi32>
      tpu.vector_store %arg7[%swap3A_179, %swap3A_180], %swap3A_183 {strides = array<i32>} : memref<250x80xi32, #tpu.memory_space<vmem>>, vector<1x16xi32>,
      %scan3A_184 = arith.constant 0 : i32
      scf.yield %scan3A_184 : i32
    }
    %scan3A_26 = arith.constant 5 : i32
    %dma_start3A = arith.constant 0 : i32
    %dma_start3A_27 = arith.constant 0 : i32
    %dma_start3A_28 = tpu.memref_slice %arg6[%dma_start3A, %dma_start3A_27] : memref<250x80xi32, #tpu.memory_space<vmem>> -> memref<1x80xi32, #tpu.memory_space<vmem>>
    %dma_start3A_29 = tpu.memref_squeeze %dma_start3A_28 : memref<1x80xi32, #tpu.memory_space<vmem>> -> memref<80xi32, #tpu.memory_space<vmem>>
    %dma_start3A_30 = arith.constant 0 : i32
    %dma_start3A_31 = arith.constant 0 : i32
    %dma_start3A_32 = tpu.memref_slice %arg3[%dma_start3A_30, %dma_start3A_31] : memref<20000x64xf32, #tpu.memory_space<hbm>> -> memref<20000x64xf32, #tpu.memory_space<hbm>>
    tpu.enqueue_indirect_dma source(%dma_start3A_32 : memref<20000x64xf32, #tpu.memory_space<hbm>>) target(%arg8 : memref<80x64xf32, #tpu.memory_space<vmem>>) offsets(%dma_start3A_29 : memref<80xi32, #tpu.memory_space<vmem>>) semaphore(%arg18 : memref<!tpu.dma_semaphore, #tpu.memory_space<semaphore_mem>>)
    %dma_start3A_33 = arith.constant 1 : i32
    %dma_start3A_34 = arith.constant 0 : i32
    %dma_start3A_35 = tpu.memref_slice %arg6[%dma_start3A_33, %dma_start3A_34] : memref<250x80xi32, #tpu.memory_space<vmem>> -> memref<1x80xi32, #tpu.memory_space<vmem>>
    %dma_start3A_36 = tpu.memref_squeeze %dma_start3A_35 : memref<1x80xi32, #tpu.memory_space<vmem>> -> memref<80xi32, #tpu.memory_space<vmem>>
    %dma_start3A_37 = arith.constant 0 : i32
    %dma_start3A_38 = arith.constant 0 : i32
    %dma_start3A_39 = tpu.memref_slice %arg3[%dma_start3A_37, %dma_start3A_38] : memref<20000x64xf32, #tpu.memory_space<hbm>> -> memref<20000x64xf32, #tpu.memory_space<hbm>>
    tpu.enqueue_indirect_dma source(%dma_start3A_39 : memref<20000x64xf32, #tpu.memory_space<hbm>>) target(%arg9 : memref<80x64xf32, #tpu.memory_space<vmem>>) offsets(%dma_start3A_36 : memref<80xi32, #tpu.memory_space<vmem>>) semaphore(%arg19 : memref<!tpu.dma_semaphore, #tpu.memory_space<semaphore_mem>>)
    %dma_start3A_40 = arith.constant 2 : i32
    %dma_start3A_41 = arith.constant 0 : i32
    %dma_start3A_42 = tpu.memref_slice %arg6[%dma_start3A_40, %dma_start3A_41] : memref<250x80xi32, #tpu.memory_space<vmem>> -> memref<1x80xi32, #tpu.memory_space<vmem>>
    %dma_start3A_43 = tpu.memref_squeeze %dma_start3A_42 : memref<1x80xi32, #tpu.memory_space<vmem>> -> memref<80xi32, #tpu.memory_space<vmem>>
    %dma_start3A_44 = arith.constant 0 : i32
    %dma_start3A_45 = arith.constant 0 : i32
    %dma_start3A_46 = tpu.memref_slice %arg3[%dma_start3A_44, %dma_start3A_45] : memref<20000x64xf32, #tpu.memory_space<hbm>> -> memref<20000x64xf32, #tpu.memory_space<hbm>>
    tpu.enqueue_indirect_dma source(%dma_start3A_46 : memref<20000x64xf32, #tpu.memory_space<hbm>>) target(%arg10 : memref<80x64xf32, #tpu.memory_space<vmem>>) offsets(%dma_start3A_43 : memref<80xi32, #tpu.memory_space<vmem>>) semaphore(%arg20 : memref<!tpu.dma_semaphore, #tpu.memory_space<semaphore_mem>>)
    %dma_start3A_47 = arith.constant 3 : i32
    %dma_start3A_48 = arith.constant 0 : i32
    %dma_start3A_49 = tpu.memref_slice %arg6[%dma_start3A_47, %dma_start3A_48] : memref<250x80xi32, #tpu.memory_space<vmem>> -> memref<1x80xi32, #tpu.memory_space<vmem>>
    %dma_start3A_50 = tpu.memref_squeeze %dma_start3A_49 : memref<1x80xi32, #tpu.memory_space<vmem>> -> memref<80xi32, #tpu.memory_space<vmem>>
    %dma_start3A_51 = arith.constant 0 : i32
    %dma_start3A_52 = arith.constant 0 : i32
    %dma_start3A_53 = tpu.memref_slice %arg3[%dma_start3A_51, %dma_start3A_52] : memref<20000x64xf32, #tpu.memory_space<hbm>> -> memref<20000x64xf32, #tpu.memory_space<hbm>>
    tpu.enqueue_indirect_dma source(%dma_start3A_53 : memref<20000x64xf32, #tpu.memory_space<hbm>>) target(%arg11 : memref<80x64xf32, #tpu.memory_space<vmem>>) offsets(%dma_start3A_50 : memref<80xi32, #tpu.memory_space<vmem>>) semaphore(%arg21 : memref<!tpu.dma_semaphore, #tpu.memory_space<semaphore_mem>>)
    %dma_start3A_54 = arith.constant 4 : i32
    %dma_start3A_55 = arith.constant 0 : i32
    %dma_start3A_56 = tpu.memref_slice %arg6[%dma_start3A_54, %dma_start3A_55] : memref<250x80xi32, #tpu.memory_space<vmem>> -> memref<1x80xi32, #tpu.memory_space<vmem>>
    %dma_start3A_57 = tpu.memref_squeeze %dma_start3A_56 : memref<1x80xi32, #tpu.memory_space<vmem>> -> memref<80xi32, #tpu.memory_space<vmem>>
    %dma_start3A_58 = arith.constant 0 : i32
    %dma_start3A_59 = arith.constant 0 : i32
    %dma_start3A_60 = tpu.memref_slice %arg3[%dma_start3A_58, %dma_start3A_59] : memref<20000x64xf32, #tpu.memory_space<hbm>> -> memref<20000x64xf32, #tpu.memory_space<hbm>>
    tpu.enqueue_indirect_dma source(%dma_start3A_60 : memref<20000x64xf32, #tpu.memory_space<hbm>>) target(%arg12 : memref<80x64xf32, #tpu.memory_space<vmem>>) offsets(%dma_start3A_57 : memref<80xi32, #tpu.memory_space<vmem>>) semaphore(%arg22 : memref<!tpu.dma_semaphore, #tpu.memory_space<semaphore_mem>>)
    %scan3A_61 = arith.constant 0 : i32
    %scan3A_62 = arith.constant 0 : i32
    %scan3A_63 = arith.constant 50 : i32
    %scan3A_64 = arith.addi %scan3A_62, %scan3A_63 : i32
    %scan3A_65 = arith.constant 1 : i32
    %scan3A_66 = scf.for %scan3A_72 = %scan3A_62 to %scan3A_64 step %scan3A_65 iter_args(%scan3A_73 = %scan3A_61) -> (i32)  : i32 {
      %mul3A_74 = arith.constant 5 : i32
      %mul3A_75 = arith.muli %scan3A_72, %mul3A_74 : i32
      %add3A = arith.constant 0 : i32
      %add3A_76 = arith.addi %mul3A_75, %add3A : i32
      %dma_wait3A = arith.constant 0 : i32
      %dma_wait3A_77 = tpu.memref_slice %arg6[%add3A_76, %dma_wait3A] : memref<250x80xi32, #tpu.memory_space<vmem>> -> memref<1x80xi32, #tpu.memory_space<vmem>>
      %dma_wait3A_78 = tpu.memref_squeeze %dma_wait3A_77 : memref<1x80xi32, #tpu.memory_space<vmem>> -> memref<80xi32, #tpu.memory_space<vmem>>
      %dma_wait3A_79 = arith.constant 0 : i32
      %dma_wait3A_80 = arith.constant 0 : i32
      %dma_wait3A_81 = tpu.memref_slice %arg3[%dma_wait3A_79, %dma_wait3A_80] : memref<20000x64xf32, #tpu.memory_space<hbm>> -> memref<20000x64xf32, #tpu.memory_space<hbm>>
      tpu.wait_indirect_dma semaphore(%arg18 : memref<!tpu.dma_semaphore, #tpu.memory_space<semaphore_mem>>) src(%dma_wait3A_81 : memref<20000x64xf32, #tpu.memory_space<hbm>>) dst(%arg8 : memref<80x64xf32, #tpu.memory_space<vmem>>)
      %jit3A = arith.constant 2 : i32
      %eq3A = arith.constant 0 : i32
      %eq3A_82 = arith.cmpi eq, %jit3A, %eq3A : i32
      %jit3A_83 = arith.constant 1 : i32
      %select_n3A = arith.select %eq3A_82, %jit3A_83, %jit3A : i32
      %rem3A = arith.remsi %add3A_76, %select_n3A : i32
      %ne3A = arith.constant 0 : i32
      %ne3A_84 = arith.cmpi ne, %rem3A, %ne3A : i32
      %lt3A = arith.constant 0 : i32
      %lt3A_85 = arith.cmpi slt, %rem3A, %lt3A : i32
      %lt3A_86 = arith.constant 0 : i32
      %lt3A_87 = arith.cmpi slt, %select_n3A, %lt3A_86 : i32
      %ne3A_88 = arith.xori %lt3A_85, %lt3A_87 : i1
      %and3A = arith.andi %ne3A_88, %ne3A_84 : i1
      %add3A_89 = arith.addi %rem3A, %select_n3A : i32
      %select_n3A_90 = arith.select %and3A, %add3A_89, %rem3A : i32
      %eq3A_91 = arith.cmpi eq, %arg0, %select_n3A_90 : i32
      %convert_element_type3A = arith.extui %eq3A_91 : i1 to i32
      %cond3A = arith.constant 0 : i32
      %cond3A_92 = arith.cmpi ne, %convert_element_type3A, %cond3A : i32
      scf.if %cond3A_92 {
        "tpu.region"() ({
          %run_scoped3A = tpu.sem_alloc : memref<!tpu.dma_semaphore, #tpu.memory_space<semaphore_mem>>
          %dma_start3A_239 = arith.constant 0 : i32
          %dma_start3A_240 = tpu.memref_slice %arg7[%add3A_76, %dma_start3A_239] : memref<250x80xi32, #tpu.memory_space<vmem>> -> memref<1x80xi32, #tpu.memory_space<vmem>>
          %dma_start3A_241 = tpu.memref_squeeze %dma_start3A_240 : memref<1x80xi32, #tpu.memory_space<vmem>> -> memref<80xi32, #tpu.memory_space<vmem>>
          %dma_start3A_242 = arith.constant 0 : i32
          %dma_start3A_243 = arith.constant 0 : i32
          %dma_start3A_244 = tpu.memref_slice %arg17[%dma_start3A_242, %dma_start3A_243] : memref<10240x16xf32, #tpu.memory_space<vmem_shared>> -> memref<10240x16xf32, #tpu.memory_space<vmem_shared>>
          tpu.enqueue_indirect_dma source(%arg13 : memref<80x16xf32, #tpu.memory_space<vmem>>) target(%dma_start3A_244 : memref<10240x16xf32, #tpu.memory_space<vmem_shared>>) offsets(%dma_start3A_241 : memref<80xi32, #tpu.memory_space<vmem>>) semaphore(%run_scoped3A : memref<!tpu.dma_semaphore, #tpu.memory_space<semaphore_mem>>) {add = true}
          %dma_wait3A_245 = arith.constant 0 : i32
          %dma_wait3A_246 = tpu.memref_slice %arg7[%add3A_76, %dma_wait3A_245] : memref<250x80xi32, #tpu.memory_space<vmem>> -> memref<1x80xi32, #tpu.memory_space<vmem>>
          %dma_wait3A_247 = tpu.memref_squeeze %dma_wait3A_246 : memref<1x80xi32, #tpu.memory_space<vmem>> -> memref<80xi32, #tpu.memory_space<vmem>>
          %dma_wait3A_248 = arith.constant 0 : i32
          %dma_wait3A_249 = arith.constant 0 : i32
          %dma_wait3A_250 = tpu.memref_slice %arg17[%dma_wait3A_248, %dma_wait3A_249] : memref<10240x16xf32, #tpu.memory_space<vmem_shared>> -> memref<10240x16xf32, #tpu.memory_space<vmem_shared>>
          tpu.wait_indirect_dma semaphore(%run_scoped3A : memref<!tpu.dma_semaphore, #tpu.memory_space<semaphore_mem>>) src(%arg13 : memref<80x16xf32, #tpu.memory_space<vmem>>) dst(%dma_wait3A_250 : memref<10240x16xf32, #tpu.memory_space<vmem_shared>>)
          tpu.yield
        }) : () -> ()
      } else {
      }
      "tpu.region"() ({
        %run_scoped3A = tpu.sem_alloc : memref<!tpu.dma_semaphore, #tpu.memory_space<semaphore_mem>>
        %dma_start3A_239 = arith.constant 0 : i32
        %dma_start3A_240 = tpu.memref_slice %arg7[%add3A_76, %dma_start3A_239] : memref<250x80xi32, #tpu.memory_space<vmem>> -> memref<1x80xi32, #tpu.memory_space<vmem>>
        %dma_start3A_241 = tpu.memref_squeeze %dma_start3A_240 : memref<1x80xi32, #tpu.memory_space<vmem>> -> memref<80xi32, #tpu.memory_space<vmem>>
        %dma_start3A_242 = arith.constant 0 : i32
        %dma_start3A_243 = arith.constant 0 : i32
        %dma_start3A_244 = tpu.memref_slice %arg16[%dma_start3A_242, %dma_start3A_243] : memref<10240x64xf32, #tpu.memory_space<vmem_shared>> -> memref<10240x64xf32, #tpu.memory_space<vmem_shared>>
        tpu.enqueue_indirect_dma source(%arg8 : memref<80x64xf32, #tpu.memory_space<vmem>>) target(%dma_start3A_244 : memref<10240x64xf32, #tpu.memory_space<vmem_shared>>) offsets(%dma_start3A_241 : memref<80xi32, #tpu.memory_space<vmem>>) semaphore(%run_scoped3A : memref<!tpu.dma_semaphore, #tpu.memory_space<semaphore_mem>>) {add = true}
        %dma_wait3A_245 = arith.constant 0 : i32
        %dma_wait3A_246 = tpu.memref_slice %arg7[%add3A_76, %dma_wait3A_245] : memref<250x80xi32, #tpu.memory_space<vmem>> -> memref<1x80xi32, #tpu.memory_space<vmem>>
        %dma_wait3A_247 = tpu.memref_squeeze %dma_wait3A_246 : memref<1x80xi32, #tpu.memory_space<vmem>> -> memref<80xi32, #tpu.memory_space<vmem>>
        %dma_wait3A_248 = arith.constant 0 : i32
        %dma_wait3A_249 = arith.constant 0 : i32
        %dma_wait3A_250 = tpu.memref_slice %arg16[%dma_wait3A_248, %dma_wait3A_249] : memref<10240x64xf32, #tpu.memory_space<vmem_shared>> -> memref<10240x64xf32, #tpu.memory_space<vmem_shared>>
        tpu.wait_indirect_dma semaphore(%run_scoped3A : memref<!tpu.dma_semaphore, #tpu.memory_space<semaphore_mem>>) src(%arg8 : memref<80x64xf32, #tpu.memory_space<vmem>>) dst(%dma_wait3A_250 : memref<10240x64xf32, #tpu.memory_space<vmem_shared>>)
        tpu.yield
      }) : () -> ()
      %lt3A_93 = arith.constant 49 : i32
      %lt3A_94 = arith.cmpi slt, %scan3A_72, %lt3A_93 : i32
      %convert_element_type3A_95 = arith.extui %lt3A_94 : i1 to i32
      %cond3A_96 = arith.constant 0 : i32
      %cond3A_97 = arith.cmpi ne, %convert_element_type3A_95, %cond3A_96 : i32
      scf.if %cond3A_97 {
        %add3A_239 = arith.constant 5 : i32
        %add3A_240 = arith.addi %add3A_76, %add3A_239 : i32
        %get3A = arith.index_cast %add3A_240 : i32 to index
        %get3A_241 = arith.constant 0 : index
        %get3A_242 = tpu.vector_load %arg7[%get3A, %get3A_241] {strides = array<i32>} : memref<250x80xi32, #tpu.memory_space<vmem>>, vector<1x16xi32>,
        %get3A_243 = vector.shape_cast %get3A_242 : vector<1x16xi32> to vector<16xi32>
        %and3A_244 = arith.constant 65535 : i32
        %and3A_245 = vector.broadcast %and3A_244 : i32 to vector<16xi32>
        %and3A_246 = arith.andi %get3A_243, %and3A_245 : vector<16xi32>
        %add3A_247 = arith.addi %and3A_246, %and3A_246 : vector<16xi32>
        %add3A_248 = vector.broadcast %arg0 : i32 to vector<16xi32>
        %add3A_249 = arith.addi %add3A_247, %add3A_248 : vector<16xi32>
        %swap3A = arith.index_cast %add3A_240 : i32 to index
        %swap3A_250 = arith.constant 0 : index
        %swap3A_251 = tpu.vector_load %arg6[%swap3A, %swap3A_250] {strides = array<i32>} : memref<250x80xi32, #tpu.memory_space<vmem>>, vector<1x16xi32>,
        %swap3A_252 = vector.shape_cast %swap3A_251 : vector<1x16xi32> to vector<16xi32>
        %swap3A_253 = vector.shape_cast %add3A_249 : vector<16xi32> to vector<1x16xi32>
        tpu.vector_store %arg6[%swap3A, %swap3A_250], %swap3A_253 {strides = array<i32>} : memref<250x80xi32, #tpu.memory_space<vmem>>, vector<1x16xi32>,
        %shift_right_arithmetic3A = arith.constant 16 : i32
        %shift_right_arithmetic3A_254 = vector.broadcast %shift_right_arithmetic3A : i32 to vector<16xi32>
        %shift_right_arithmetic3A_255 = arith.shrsi %get3A_243, %shift_right_arithmetic3A_254 : vector<16xi32>
        %swap3A_256 = arith.index_cast %add3A_240 : i32 to index
        %swap3A_257 = arith.constant 0 : index
        %swap3A_258 = tpu.vector_load %arg7[%swap3A_256, %swap3A_257] {strides = array<i32>} : memref<250x80xi32, #tpu.memory_space<vmem>>, vector<1x16xi32>,
        %swap3A_259 = vector.shape_cast %swap3A_258 : vector<1x16xi32> to vector<16xi32>
        %swap3A_260 = vector.shape_cast %shift_right_arithmetic3A_255 : vector<16xi32> to vector<1x16xi32>
        tpu.vector_store %arg7[%swap3A_256, %swap3A_257], %swap3A_260 {strides = array<i32>} : memref<250x80xi32, #tpu.memory_space<vmem>>, vector<1x16xi32>,
        %get3A_261 = arith.index_cast %add3A_240 : i32 to index
        %get3A_262 = arith.constant 16 : index
        %get3A_263 = tpu.vector_load %arg7[%get3A_261, %get3A_262] {strides = array<i32>} : memref<250x80xi32, #tpu.memory_space<vmem>>, vector<1x16xi32>,
        %get3A_264 = vector.shape_cast %get3A_263 : vector<1x16xi32> to vector<16xi32>
        %and3A_265 = arith.constant 65535 : i32
        %and3A_266 = vector.broadcast %and3A_265 : i32 to vector<16xi32>
        %and3A_267 = arith.andi %get3A_264, %and3A_266 : vector<16xi32>
        %add3A_268 = arith.addi %and3A_267, %and3A_267 : vector<16xi32>
        %add3A_269 = vector.broadcast %arg0 : i32 to vector<16xi32>
        %add3A_270 = arith.addi %add3A_268, %add3A_269 : vector<16xi32>
        %swap3A_271 = arith.index_cast %add3A_240 : i32 to index
        %swap3A_272 = arith.constant 16 : index
        %swap3A_273 = tpu.vector_load %arg6[%swap3A_271, %swap3A_272] {strides = array<i32>} : memref<250x80xi32, #tpu.memory_space<vmem>>, vector<1x16xi32>,
        %swap3A_274 = vector.shape_cast %swap3A_273 : vector<1x16xi32> to vector<16xi32>
        %swap3A_275 = vector.shape_cast %add3A_270 : vector<16xi32> to vector<1x16xi32>
        tpu.vector_store %arg6[%swap3A_271, %swap3A_272], %swap3A_275 {strides = array<i32>} : memref<250x80xi32, #tpu.memory_space<vmem>>, vector<1x16xi32>,
        %shift_right_arithmetic3A_276 = arith.constant 16 : i32
        %shift_right_arithmetic3A_277 = vector.broadcast %shift_right_arithmetic3A_276 : i32 to vector<16xi32>
        %shift_right_arithmetic3A_278 = arith.shrsi %get3A_264, %shift_right_arithmetic3A_277 : vector<16xi32>
        %swap3A_279 = arith.index_cast %add3A_240 : i32 to index
        %swap3A_280 = arith.constant 16 : index
        %swap3A_281 = tpu.vector_load %arg7[%swap3A_279, %swap3A_280] {strides = array<i32>} : memref<250x80xi32, #tpu.memory_space<vmem>>, vector<1x16xi32>,
        %swap3A_282 = vector.shape_cast %swap3A_281 : vector<1x16xi32> to vector<16xi32>
        %swap3A_283 = vector.shape_cast %shift_right_arithmetic3A_278 : vector<16xi32> to vector<1x16xi32>
        tpu.vector_store %arg7[%swap3A_279, %swap3A_280], %swap3A_283 {strides = array<i32>} : memref<250x80xi32, #tpu.memory_space<vmem>>, vector<1x16xi32>,
        %get3A_284 = arith.index_cast %add3A_240 : i32 to index
        %get3A_285 = arith.constant 32 : index
        %get3A_286 = tpu.vector_load %arg7[%get3A_284, %get3A_285] {strides = array<i32>} : memref<250x80xi32, #tpu.memory_space<vmem>>, vector<1x16xi32>,
        %get3A_287 = vector.shape_cast %get3A_286 : vector<1x16xi32> to vector<16xi32>
        %and3A_288 = arith.constant 65535 : i32
        %and3A_289 = vector.broadcast %and3A_288 : i32 to vector<16xi32>
        %and3A_290 = arith.andi %get3A_287, %and3A_289 : vector<16xi32>
        %add3A_291 = arith.addi %and3A_290, %and3A_290 : vector<16xi32>
        %add3A_292 = vector.broadcast %arg0 : i32 to vector<16xi32>
        %add3A_293 = arith.addi %add3A_291, %add3A_292 : vector<16xi32>
        %swap3A_294 = arith.index_cast %add3A_240 : i32 to index
        %swap3A_295 = arith.constant 32 : index
        %swap3A_296 = tpu.vector_load %arg6[%swap3A_294, %swap3A_295] {strides = array<i32>} : memref<250x80xi32, #tpu.memory_space<vmem>>, vector<1x16xi32>,
        %swap3A_297 = vector.shape_cast %swap3A_296 : vector<1x16xi32> to vector<16xi32>
        %swap3A_298 = vector.shape_cast %add3A_293 : vector<16xi32> to vector<1x16xi32>
        tpu.vector_store %arg6[%swap3A_294, %swap3A_295], %swap3A_298 {strides = array<i32>} : memref<250x80xi32, #tpu.memory_space<vmem>>, vector<1x16xi32>,
        %shift_right_arithmetic3A_299 = arith.constant 16 : i32
        %shift_right_arithmetic3A_300 = vector.broadcast %shift_right_arithmetic3A_299 : i32 to vector<16xi32>
        %shift_right_arithmetic3A_301 = arith.shrsi %get3A_287, %shift_right_arithmetic3A_300 : vector<16xi32>
        %swap3A_302 = arith.index_cast %add3A_240 : i32 to index
        %swap3A_303 = arith.constant 32 : index
        %swap3A_304 = tpu.vector_load %arg7[%swap3A_302, %swap3A_303] {strides = array<i32>} : memref<250x80xi32, #tpu.memory_space<vmem>>, vector<1x16xi32>,
        %swap3A_305 = vector.shape_cast %swap3A_304 : vector<1x16xi32> to vector<16xi32>
        %swap3A_306 = vector.shape_cast %shift_right_arithmetic3A_301 : vector<16xi32> to vector<1x16xi32>
        tpu.vector_store %arg7[%swap3A_302, %swap3A_303], %swap3A_306 {strides = array<i32>} : memref<250x80xi32, #tpu.memory_space<vmem>>, vector<1x16xi32>,
        %get3A_307 = arith.index_cast %add3A_240 : i32 to index
        %get3A_308 = arith.constant 48 : index
        %get3A_309 = tpu.vector_load %arg7[%get3A_307, %get3A_308] {strides = array<i32>} : memref<250x80xi32, #tpu.memory_space<vmem>>, vector<1x16xi32>,
        %get3A_310 = vector.shape_cast %get3A_309 : vector<1x16xi32> to vector<16xi32>
        %and3A_311 = arith.constant 65535 : i32
        %and3A_312 = vector.broadcast %and3A_311 : i32 to vector<16xi32>
        %and3A_313 = arith.andi %get3A_310, %and3A_312 : vector<16xi32>
        %add3A_314 = arith.addi %and3A_313, %and3A_313 : vector<16xi32>
        %add3A_315 = vector.broadcast %arg0 : i32 to vector<16xi32>
        %add3A_316 = arith.addi %add3A_314, %add3A_315 : vector<16xi32>
        %swap3A_317 = arith.index_cast %add3A_240 : i32 to index
        %swap3A_318 = arith.constant 48 : index
        %swap3A_319 = tpu.vector_load %arg6[%swap3A_317, %swap3A_318] {strides = array<i32>} : memref<250x80xi32, #tpu.memory_space<vmem>>, vector<1x16xi32>,
        %swap3A_320 = vector.shape_cast %swap3A_319 : vector<1x16xi32> to vector<16xi32>
        %swap3A_321 = vector.shape_cast %add3A_316 : vector<16xi32> to vector<1x16xi32>
        tpu.vector_store %arg6[%swap3A_317, %swap3A_318], %swap3A_321 {strides = array<i32>} : memref<250x80xi32, #tpu.memory_space<vmem>>, vector<1x16xi32>,
        %shift_right_arithmetic3A_322 = arith.constant 16 : i32
        %shift_right_arithmetic3A_323 = vector.broadcast %shift_right_arithmetic3A_322 : i32 to vector<16xi32>
        %shift_right_arithmetic3A_324 = arith.shrsi %get3A_310, %shift_right_arithmetic3A_323 : vector<16xi32>
        %swap3A_325 = arith.index_cast %add3A_240 : i32 to index
        %swap3A_326 = arith.constant 48 : index
        %swap3A_327 = tpu.vector_load %arg7[%swap3A_325, %swap3A_326] {strides = array<i32>} : memref<250x80xi32, #tpu.memory_space<vmem>>, vector<1x16xi32>,
        %swap3A_328 = vector.shape_cast %swap3A_327 : vector<1x16xi32> to vector<16xi32>
        %swap3A_329 = vector.shape_cast %shift_right_arithmetic3A_324 : vector<16xi32> to vector<1x16xi32>
        tpu.vector_store %arg7[%swap3A_325, %swap3A_326], %swap3A_329 {strides = array<i32>} : memref<250x80xi32, #tpu.memory_space<vmem>>, vector<1x16xi32>,
        %get3A_330 = arith.index_cast %add3A_240 : i32 to index
        %get3A_331 = arith.constant 64 : index
        %get3A_332 = tpu.vector_load %arg7[%get3A_330, %get3A_331] {strides = array<i32>} : memref<250x80xi32, #tpu.memory_space<vmem>>, vector<1x16xi32>,
        %get3A_333 = vector.shape_cast %get3A_332 : vector<1x16xi32> to vector<16xi32>
        %and3A_334 = arith.constant 65535 : i32
        %and3A_335 = vector.broadcast %and3A_334 : i32 to vector<16xi32>
        %and3A_336 = arith.andi %get3A_333, %and3A_335 : vector<16xi32>
        %add3A_337 = arith.addi %and3A_336, %and3A_336 : vector<16xi32>
        %add3A_338 = vector.broadcast %arg0 : i32 to vector<16xi32>
        %add3A_339 = arith.addi %add3A_337, %add3A_338 : vector<16xi32>
        %swap3A_340 = arith.index_cast %add3A_240 : i32 to index
        %swap3A_341 = arith.constant 64 : index
        %swap3A_342 = tpu.vector_load %arg6[%swap3A_340, %swap3A_341] {strides = array<i32>} : memref<250x80xi32, #tpu.memory_space<vmem>>, vector<1x16xi32>,
        %swap3A_343 = vector.shape_cast %swap3A_342 : vector<1x16xi32> to vector<16xi32>
        %swap3A_344 = vector.shape_cast %add3A_339 : vector<16xi32> to vector<1x16xi32>
        tpu.vector_store %arg6[%swap3A_340, %swap3A_341], %swap3A_344 {strides = array<i32>} : memref<250x80xi32, #tpu.memory_space<vmem>>, vector<1x16xi32>,
        %shift_right_arithmetic3A_345 = arith.constant 16 : i32
        %shift_right_arithmetic3A_346 = vector.broadcast %shift_right_arithmetic3A_345 : i32 to vector<16xi32>
        %shift_right_arithmetic3A_347 = arith.shrsi %get3A_333, %shift_right_arithmetic3A_346 : vector<16xi32>
        %swap3A_348 = arith.index_cast %add3A_240 : i32 to index
        %swap3A_349 = arith.constant 64 : index
        %swap3A_350 = tpu.vector_load %arg7[%swap3A_348, %swap3A_349] {strides = array<i32>} : memref<250x80xi32, #tpu.memory_space<vmem>>, vector<1x16xi32>,
        %swap3A_351 = vector.shape_cast %swap3A_350 : vector<1x16xi32> to vector<16xi32>
        %swap3A_352 = vector.shape_cast %shift_right_arithmetic3A_347 : vector<16xi32> to vector<1x16xi32>
        tpu.vector_store %arg7[%swap3A_348, %swap3A_349], %swap3A_352 {strides = array<i32>} : memref<250x80xi32, #tpu.memory_space<vmem>>, vector<1x16xi32>,
        %add3A_353 = arith.constant 5 : i32
        %add3A_354 = arith.addi %add3A_76, %add3A_353 : i32
        %dma_start3A_355 = arith.constant 0 : i32
        %dma_start3A_356 = tpu.memref_slice %arg6[%add3A_354, %dma_start3A_355] : memref<250x80xi32, #tpu.memory_space<vmem>> -> memref<1x80xi32, #tpu.memory_space<vmem>>
        %dma_start3A_357 = tpu.memref_squeeze %dma_start3A_356 : memref<1x80xi32, #tpu.memory_space<vmem>> -> memref<80xi32, #tpu.memory_space<vmem>>
        %dma_start3A_358 = arith.constant 0 : i32
        %dma_start3A_359 = arith.constant 0 : i32
        %dma_start3A_360 = tpu.memref_slice %arg3[%dma_start3A_358, %dma_start3A_359] : memref<20000x64xf32, #tpu.memory_space<hbm>> -> memref<20000x64xf32, #tpu.memory_space<hbm>>
        tpu.enqueue_indirect_dma source(%dma_start3A_360 : memref<20000x64xf32, #tpu.memory_space<hbm>>) target(%arg8 : memref<80x64xf32, #tpu.memory_space<vmem>>) offsets(%dma_start3A_357 : memref<80xi32, #tpu.memory_space<vmem>>) semaphore(%arg18 : memref<!tpu.dma_semaphore, #tpu.memory_space<semaphore_mem>>)
      } else {
      }
      %mul3A_98 = arith.constant 5 : i32
      %mul3A_99 = arith.muli %scan3A_72, %mul3A_98 : i32
      %add3A_100 = arith.constant 1 : i32
      %add3A_101 = arith.addi %mul3A_99, %add3A_100 : i32
      %dma_wait3A_102 = arith.constant 0 : i32
      %dma_wait3A_103 = tpu.memref_slice %arg6[%add3A_101, %dma_wait3A_102] : memref<250x80xi32, #tpu.memory_space<vmem>> -> memref<1x80xi32, #tpu.memory_space<vmem>>
      %dma_wait3A_104 = tpu.memref_squeeze %dma_wait3A_103 : memref<1x80xi32, #tpu.memory_space<vmem>> -> memref<80xi32, #tpu.memory_space<vmem>>
      %dma_wait3A_105 = arith.constant 0 : i32
      %dma_wait3A_106 = arith.constant 0 : i32
      %dma_wait3A_107 = tpu.memref_slice %arg3[%dma_wait3A_105, %dma_wait3A_106] : memref<20000x64xf32, #tpu.memory_space<hbm>> -> memref<20000x64xf32, #tpu.memory_space<hbm>>
      tpu.wait_indirect_dma semaphore(%arg19 : memref<!tpu.dma_semaphore, #tpu.memory_space<semaphore_mem>>) src(%dma_wait3A_107 : memref<20000x64xf32, #tpu.memory_space<hbm>>) dst(%arg9 : memref<80x64xf32, #tpu.memory_space<vmem>>)
      %jit3A_108 = arith.constant 2 : i32
      %eq3A_109 = arith.constant 0 : i32
      %eq3A_110 = arith.cmpi eq, %jit3A_108, %eq3A_109 : i32
      %jit3A_111 = arith.constant 1 : i32
      %select_n3A_112 = arith.select %eq3A_110, %jit3A_111, %jit3A_108 : i32
      %rem3A_113 = arith.remsi %add3A_101, %select_n3A_112 : i32
      %ne3A_114 = arith.constant 0 : i32
      %ne3A_115 = arith.cmpi ne, %rem3A_113, %ne3A_114 : i32
      %lt3A_116 = arith.constant 0 : i32
      %lt3A_117 = arith.cmpi slt, %rem3A_113, %lt3A_116 : i32
      %lt3A_118 = arith.constant 0 : i32
      %lt3A_119 = arith.cmpi slt, %select_n3A_112, %lt3A_118 : i32
      %ne3A_120 = arith.xori %lt3A_117, %lt3A_119 : i1
      %and3A_121 = arith.andi %ne3A_120, %ne3A_115 : i1
      %add3A_122 = arith.addi %rem3A_113, %select_n3A_112 : i32
      %select_n3A_123 = arith.select %and3A_121, %add3A_122, %rem3A_113 : i32
      %eq3A_124 = arith.cmpi eq, %arg0, %select_n3A_123 : i32
      %convert_element_type3A_125 = arith.extui %eq3A_124 : i1 to i32
      %cond3A_126 = arith.constant 0 : i32
      %cond3A_127 = arith.cmpi ne, %convert_element_type3A_125, %cond3A_126 : i32
      scf.if %cond3A_127 {
        "tpu.region"() ({
          %run_scoped3A = tpu.sem_alloc : memref<!tpu.dma_semaphore, #tpu.memory_space<semaphore_mem>>
          %dma_start3A_239 = arith.constant 0 : i32
          %dma_start3A_240 = tpu.memref_slice %arg7[%add3A_101, %dma_start3A_239] : memref<250x80xi32, #tpu.memory_space<vmem>> -> memref<1x80xi32, #tpu.memory_space<vmem>>
          %dma_start3A_241 = tpu.memref_squeeze %dma_start3A_240 : memref<1x80xi32, #tpu.memory_space<vmem>> -> memref<80xi32, #tpu.memory_space<vmem>>
          %dma_start3A_242 = arith.constant 0 : i32
          %dma_start3A_243 = arith.constant 0 : i32
          %dma_start3A_244 = tpu.memref_slice %arg17[%dma_start3A_242, %dma_start3A_243] : memref<10240x16xf32, #tpu.memory_space<vmem_shared>> -> memref<10240x16xf32, #tpu.memory_space<vmem_shared>>
          tpu.enqueue_indirect_dma source(%arg13 : memref<80x16xf32, #tpu.memory_space<vmem>>) target(%dma_start3A_244 : memref<10240x16xf32, #tpu.memory_space<vmem_shared>>) offsets(%dma_start3A_241 : memref<80xi32, #tpu.memory_space<vmem>>) semaphore(%run_scoped3A : memref<!tpu.dma_semaphore, #tpu.memory_space<semaphore_mem>>) {add = true}
          %dma_wait3A_245 = arith.constant 0 : i32
          %dma_wait3A_246 = tpu.memref_slice %arg7[%add3A_101, %dma_wait3A_245] : memref<250x80xi32, #tpu.memory_space<vmem>> -> memref<1x80xi32, #tpu.memory_space<vmem>>
          %dma_wait3A_247 = tpu.memref_squeeze %dma_wait3A_246 : memref<1x80xi32, #tpu.memory_space<vmem>> -> memref<80xi32, #tpu.memory_space<vmem>>
          %dma_wait3A_248 = arith.constant 0 : i32
          %dma_wait3A_249 = arith.constant 0 : i32
          %dma_wait3A_250 = tpu.memref_slice %arg17[%dma_wait3A_248, %dma_wait3A_249] : memref<10240x16xf32, #tpu.memory_space<vmem_shared>> -> memref<10240x16xf32, #tpu.memory_space<vmem_shared>>
          tpu.wait_indirect_dma semaphore(%run_scoped3A : memref<!tpu.dma_semaphore, #tpu.memory_space<semaphore_mem>>) src(%arg13 : memref<80x16xf32, #tpu.memory_space<vmem>>) dst(%dma_wait3A_250 : memref<10240x16xf32, #tpu.memory_space<vmem_shared>>)
          tpu.yield
        }) : () -> ()
      } else {
      }
      "tpu.region"() ({
        %run_scoped3A = tpu.sem_alloc : memref<!tpu.dma_semaphore, #tpu.memory_space<semaphore_mem>>
        %dma_start3A_239 = arith.constant 0 : i32
        %dma_start3A_240 = tpu.memref_slice %arg7[%add3A_101, %dma_start3A_239] : memref<250x80xi32, #tpu.memory_space<vmem>> -> memref<1x80xi32, #tpu.memory_space<vmem>>
        %dma_start3A_241 = tpu.memref_squeeze %dma_start3A_240 : memref<1x80xi32, #tpu.memory_space<vmem>> -> memref<80xi32, #tpu.memory_space<vmem>>
        %dma_start3A_242 = arith.constant 0 : i32
        %dma_start3A_243 = arith.constant 0 : i32
        %dma_start3A_244 = tpu.memref_slice %arg16[%dma_start3A_242, %dma_start3A_243] : memref<10240x64xf32, #tpu.memory_space<vmem_shared>> -> memref<10240x64xf32, #tpu.memory_space<vmem_shared>>
        tpu.enqueue_indirect_dma source(%arg9 : memref<80x64xf32, #tpu.memory_space<vmem>>) target(%dma_start3A_244 : memref<10240x64xf32, #tpu.memory_space<vmem_shared>>) offsets(%dma_start3A_241 : memref<80xi32, #tpu.memory_space<vmem>>) semaphore(%run_scoped3A : memref<!tpu.dma_semaphore, #tpu.memory_space<semaphore_mem>>) {add = true}
        %dma_wait3A_245 = arith.constant 0 : i32
        %dma_wait3A_246 = tpu.memref_slice %arg7[%add3A_101, %dma_wait3A_245] : memref<250x80xi32, #tpu.memory_space<vmem>> -> memref<1x80xi32, #tpu.memory_space<vmem>>
        %dma_wait3A_247 = tpu.memref_squeeze %dma_wait3A_246 : memref<1x80xi32, #tpu.memory_space<vmem>> -> memref<80xi32, #tpu.memory_space<vmem>>
        %dma_wait3A_248 = arith.constant 0 : i32
        %dma_wait3A_249 = arith.constant 0 : i32
        %dma_wait3A_250 = tpu.memref_slice %arg16[%dma_wait3A_248, %dma_wait3A_249] : memref<10240x64xf32, #tpu.memory_space<vmem_shared>> -> memref<10240x64xf32, #tpu.memory_space<vmem_shared>>
        tpu.wait_indirect_dma semaphore(%run_scoped3A : memref<!tpu.dma_semaphore, #tpu.memory_space<semaphore_mem>>) src(%arg9 : memref<80x64xf32, #tpu.memory_space<vmem>>) dst(%dma_wait3A_250 : memref<10240x64xf32, #tpu.memory_space<vmem_shared>>)
        tpu.yield
      }) : () -> ()
      %lt3A_128 = arith.constant 49 : i32
      %lt3A_129 = arith.cmpi slt, %scan3A_72, %lt3A_128 : i32
      %convert_element_type3A_130 = arith.extui %lt3A_129 : i1 to i32
      %cond3A_131 = arith.constant 0 : i32
      %cond3A_132 = arith.cmpi ne, %convert_element_type3A_130, %cond3A_131 : i32
      scf.if %cond3A_132 {
        %add3A_239 = arith.constant 5 : i32
        %add3A_240 = arith.addi %add3A_101, %add3A_239 : i32
        %get3A = arith.index_cast %add3A_240 : i32 to index
        %get3A_241 = arith.constant 0 : index
        %get3A_242 = tpu.vector_load %arg7[%get3A, %get3A_241] {strides = array<i32>} : memref<250x80xi32, #tpu.memory_space<vmem>>, vector<1x16xi32>,
        %get3A_243 = vector.shape_cast %get3A_242 : vector<1x16xi32> to vector<16xi32>
        %and3A_244 = arith.constant 65535 : i32
        %and3A_245 = vector.broadcast %and3A_244 : i32 to vector<16xi32>
        %and3A_246 = arith.andi %get3A_243, %and3A_245 : vector<16xi32>
        %add3A_247 = arith.addi %and3A_246, %and3A_246 : vector<16xi32>
        %add3A_248 = vector.broadcast %arg0 : i32 to vector<16xi32>
        %add3A_249 = arith.addi %add3A_247, %add3A_248 : vector<16xi32>
        %swap3A = arith.index_cast %add3A_240 : i32 to index
        %swap3A_250 = arith.constant 0 : index
        %swap3A_251 = tpu.vector_load %arg6[%swap3A, %swap3A_250] {strides = array<i32>} : memref<250x80xi32, #tpu.memory_space<vmem>>, vector<1x16xi32>,
        %swap3A_252 = vector.shape_cast %swap3A_251 : vector<1x16xi32> to vector<16xi32>
        %swap3A_253 = vector.shape_cast %add3A_249 : vector<16xi32> to vector<1x16xi32>
        tpu.vector_store %arg6[%swap3A, %swap3A_250], %swap3A_253 {strides = array<i32>} : memref<250x80xi32, #tpu.memory_space<vmem>>, vector<1x16xi32>,
        %shift_right_arithmetic3A = arith.constant 16 : i32
        %shift_right_arithmetic3A_254 = vector.broadcast %shift_right_arithmetic3A : i32 to vector<16xi32>
        %shift_right_arithmetic3A_255 = arith.shrsi %get3A_243, %shift_right_arithmetic3A_254 : vector<16xi32>
        %swap3A_256 = arith.index_cast %add3A_240 : i32 to index
        %swap3A_257 = arith.constant 0 : index
        %swap3A_258 = tpu.vector_load %arg7[%swap3A_256, %swap3A_257] {strides = array<i32>} : memref<250x80xi32, #tpu.memory_space<vmem>>, vector<1x16xi32>,
        %swap3A_259 = vector.shape_cast %swap3A_258 : vector<1x16xi32> to vector<16xi32>
        %swap3A_260 = vector.shape_cast %shift_right_arithmetic3A_255 : vector<16xi32> to vector<1x16xi32>
        tpu.vector_store %arg7[%swap3A_256, %swap3A_257], %swap3A_260 {strides = array<i32>} : memref<250x80xi32, #tpu.memory_space<vmem>>, vector<1x16xi32>,
        %get3A_261 = arith.index_cast %add3A_240 : i32 to index
        %get3A_262 = arith.constant 16 : index
        %get3A_263 = tpu.vector_load %arg7[%get3A_261, %get3A_262] {strides = array<i32>} : memref<250x80xi32, #tpu.memory_space<vmem>>, vector<1x16xi32>,
        %get3A_264 = vector.shape_cast %get3A_263 : vector<1x16xi32> to vector<16xi32>
        %and3A_265 = arith.constant 65535 : i32
        %and3A_266 = vector.broadcast %and3A_265 : i32 to vector<16xi32>
        %and3A_267 = arith.andi %get3A_264, %and3A_266 : vector<16xi32>
        %add3A_268 = arith.addi %and3A_267, %and3A_267 : vector<16xi32>
        %add3A_269 = vector.broadcast %arg0 : i32 to vector<16xi32>
        %add3A_270 = arith.addi %add3A_268, %add3A_269 : vector<16xi32>
        %swap3A_271 = arith.index_cast %add3A_240 : i32 to index
        %swap3A_272 = arith.constant 16 : index
        %swap3A_273 = tpu.vector_load %arg6[%swap3A_271, %swap3A_272] {strides = array<i32>} : memref<250x80xi32, #tpu.memory_space<vmem>>, vector<1x16xi32>,
        %swap3A_274 = vector.shape_cast %swap3A_273 : vector<1x16xi32> to vector<16xi32>
        %swap3A_275 = vector.shape_cast %add3A_270 : vector<16xi32> to vector<1x16xi32>
        tpu.vector_store %arg6[%swap3A_271, %swap3A_272], %swap3A_275 {strides = array<i32>} : memref<250x80xi32, #tpu.memory_space<vmem>>, vector<1x16xi32>,
        %shift_right_arithmetic3A_276 = arith.constant 16 : i32
        %shift_right_arithmetic3A_277 = vector.broadcast %shift_right_arithmetic3A_276 : i32 to vector<16xi32>
        %shift_right_arithmetic3A_278 = arith.shrsi %get3A_264, %shift_right_arithmetic3A_277 : vector<16xi32>
        %swap3A_279 = arith.index_cast %add3A_240 : i32 to index
        %swap3A_280 = arith.constant 16 : index
        %swap3A_281 = tpu.vector_load %arg7[%swap3A_279, %swap3A_280] {strides = array<i32>} : memref<250x80xi32, #tpu.memory_space<vmem>>, vector<1x16xi32>,
        %swap3A_282 = vector.shape_cast %swap3A_281 : vector<1x16xi32> to vector<16xi32>
        %swap3A_283 = vector.shape_cast %shift_right_arithmetic3A_278 : vector<16xi32> to vector<1x16xi32>
        tpu.vector_store %arg7[%swap3A_279, %swap3A_280], %swap3A_283 {strides = array<i32>} : memref<250x80xi32, #tpu.memory_space<vmem>>, vector<1x16xi32>,
        %get3A_284 = arith.index_cast %add3A_240 : i32 to index
        %get3A_285 = arith.constant 32 : index
        %get3A_286 = tpu.vector_load %arg7[%get3A_284, %get3A_285] {strides = array<i32>} : memref<250x80xi32, #tpu.memory_space<vmem>>, vector<1x16xi32>,
        %get3A_287 = vector.shape_cast %get3A_286 : vector<1x16xi32> to vector<16xi32>
        %and3A_288 = arith.constant 65535 : i32
        %and3A_289 = vector.broadcast %and3A_288 : i32 to vector<16xi32>
        %and3A_290 = arith.andi %get3A_287, %and3A_289 : vector<16xi32>
        %add3A_291 = arith.addi %and3A_290, %and3A_290 : vector<16xi32>
        %add3A_292 = vector.broadcast %arg0 : i32 to vector<16xi32>
        %add3A_293 = arith.addi %add3A_291, %add3A_292 : vector<16xi32>
        %swap3A_294 = arith.index_cast %add3A_240 : i32 to index
        %swap3A_295 = arith.constant 32 : index
        %swap3A_296 = tpu.vector_load %arg6[%swap3A_294, %swap3A_295] {strides = array<i32>} : memref<250x80xi32, #tpu.memory_space<vmem>>, vector<1x16xi32>,
        %swap3A_297 = vector.shape_cast %swap3A_296 : vector<1x16xi32> to vector<16xi32>
        %swap3A_298 = vector.shape_cast %add3A_293 : vector<16xi32> to vector<1x16xi32>
        tpu.vector_store %arg6[%swap3A_294, %swap3A_295], %swap3A_298 {strides = array<i32>} : memref<250x80xi32, #tpu.memory_space<vmem>>, vector<1x16xi32>,
        %shift_right_arithmetic3A_299 = arith.constant 16 : i32
        %shift_right_arithmetic3A_300 = vector.broadcast %shift_right_arithmetic3A_299 : i32 to vector<16xi32>
        %shift_right_arithmetic3A_301 = arith.shrsi %get3A_287, %shift_right_arithmetic3A_300 : vector<16xi32>
        %swap3A_302 = arith.index_cast %add3A_240 : i32 to index
        %swap3A_303 = arith.constant 32 : index
        %swap3A_304 = tpu.vector_load %arg7[%swap3A_302, %swap3A_303] {strides = array<i32>} : memref<250x80xi32, #tpu.memory_space<vmem>>, vector<1x16xi32>,
        %swap3A_305 = vector.shape_cast %swap3A_304 : vector<1x16xi32> to vector<16xi32>
        %swap3A_306 = vector.shape_cast %shift_right_arithmetic3A_301 : vector<16xi32> to vector<1x16xi32>
        tpu.vector_store %arg7[%swap3A_302, %swap3A_303], %swap3A_306 {strides = array<i32>} : memref<250x80xi32, #tpu.memory_space<vmem>>, vector<1x16xi32>,
        %get3A_307 = arith.index_cast %add3A_240 : i32 to index
        %get3A_308 = arith.constant 48 : index
        %get3A_309 = tpu.vector_load %arg7[%get3A_307, %get3A_308] {strides = array<i32>} : memref<250x80xi32, #tpu.memory_space<vmem>>, vector<1x16xi32>,
        %get3A_310 = vector.shape_cast %get3A_309 : vector<1x16xi32> to vector<16xi32>
        %and3A_311 = arith.constant 65535 : i32
        %and3A_312 = vector.broadcast %and3A_311 : i32 to vector<16xi32>
        %and3A_313 = arith.andi %get3A_310, %and3A_312 : vector<16xi32>
        %add3A_314 = arith.addi %and3A_313, %and3A_313 : vector<16xi32>
        %add3A_315 = vector.broadcast %arg0 : i32 to vector<16xi32>
        %add3A_316 = arith.addi %add3A_314, %add3A_315 : vector<16xi32>
        %swap3A_317 = arith.index_cast %add3A_240 : i32 to index
        %swap3A_318 = arith.constant 48 : index
        %swap3A_319 = tpu.vector_load %arg6[%swap3A_317, %swap3A_318] {strides = array<i32>} : memref<250x80xi32, #tpu.memory_space<vmem>>, vector<1x16xi32>,
        %swap3A_320 = vector.shape_cast %swap3A_319 : vector<1x16xi32> to vector<16xi32>
        %swap3A_321 = vector.shape_cast %add3A_316 : vector<16xi32> to vector<1x16xi32>
        tpu.vector_store %arg6[%swap3A_317, %swap3A_318], %swap3A_321 {strides = array<i32>} : memref<250x80xi32, #tpu.memory_space<vmem>>, vector<1x16xi32>,
        %shift_right_arithmetic3A_322 = arith.constant 16 : i32
        %shift_right_arithmetic3A_323 = vector.broadcast %shift_right_arithmetic3A_322 : i32 to vector<16xi32>
        %shift_right_arithmetic3A_324 = arith.shrsi %get3A_310, %shift_right_arithmetic3A_323 : vector<16xi32>
        %swap3A_325 = arith.index_cast %add3A_240 : i32 to index
        %swap3A_326 = arith.constant 48 : index
        %swap3A_327 = tpu.vector_load %arg7[%swap3A_325, %swap3A_326] {strides = array<i32>} : memref<250x80xi32, #tpu.memory_space<vmem>>, vector<1x16xi32>,
        %swap3A_328 = vector.shape_cast %swap3A_327 : vector<1x16xi32> to vector<16xi32>
        %swap3A_329 = vector.shape_cast %shift_right_arithmetic3A_324 : vector<16xi32> to vector<1x16xi32>
        tpu.vector_store %arg7[%swap3A_325, %swap3A_326], %swap3A_329 {strides = array<i32>} : memref<250x80xi32, #tpu.memory_space<vmem>>, vector<1x16xi32>,
        %get3A_330 = arith.index_cast %add3A_240 : i32 to index
        %get3A_331 = arith.constant 64 : index
        %get3A_332 = tpu.vector_load %arg7[%get3A_330, %get3A_331] {strides = array<i32>} : memref<250x80xi32, #tpu.memory_space<vmem>>, vector<1x16xi32>,
        %get3A_333 = vector.shape_cast %get3A_332 : vector<1x16xi32> to vector<16xi32>
        %and3A_334 = arith.constant 65535 : i32
        %and3A_335 = vector.broadcast %and3A_334 : i32 to vector<16xi32>
        %and3A_336 = arith.andi %get3A_333, %and3A_335 : vector<16xi32>
        %add3A_337 = arith.addi %and3A_336, %and3A_336 : vector<16xi32>
        %add3A_338 = vector.broadcast %arg0 : i32 to vector<16xi32>
        %add3A_339 = arith.addi %add3A_337, %add3A_338 : vector<16xi32>
        %swap3A_340 = arith.index_cast %add3A_240 : i32 to index
        %swap3A_341 = arith.constant 64 : index
        %swap3A_342 = tpu.vector_load %arg6[%swap3A_340, %swap3A_341] {strides = array<i32>} : memref<250x80xi32, #tpu.memory_space<vmem>>, vector<1x16xi32>,
        %swap3A_343 = vector.shape_cast %swap3A_342 : vector<1x16xi32> to vector<16xi32>
        %swap3A_344 = vector.shape_cast %add3A_339 : vector<16xi32> to vector<1x16xi32>
        tpu.vector_store %arg6[%swap3A_340, %swap3A_341], %swap3A_344 {strides = array<i32>} : memref<250x80xi32, #tpu.memory_space<vmem>>, vector<1x16xi32>,
        %shift_right_arithmetic3A_345 = arith.constant 16 : i32
        %shift_right_arithmetic3A_346 = vector.broadcast %shift_right_arithmetic3A_345 : i32 to vector<16xi32>
        %shift_right_arithmetic3A_347 = arith.shrsi %get3A_333, %shift_right_arithmetic3A_346 : vector<16xi32>
        %swap3A_348 = arith.index_cast %add3A_240 : i32 to index
        %swap3A_349 = arith.constant 64 : index
        %swap3A_350 = tpu.vector_load %arg7[%swap3A_348, %swap3A_349] {strides = array<i32>} : memref<250x80xi32, #tpu.memory_space<vmem>>, vector<1x16xi32>,
        %swap3A_351 = vector.shape_cast %swap3A_350 : vector<1x16xi32> to vector<16xi32>
        %swap3A_352 = vector.shape_cast %shift_right_arithmetic3A_347 : vector<16xi32> to vector<1x16xi32>
        tpu.vector_store %arg7[%swap3A_348, %swap3A_349], %swap3A_352 {strides = array<i32>} : memref<250x80xi32, #tpu.memory_space<vmem>>, vector<1x16xi32>,
        %add3A_353 = arith.constant 5 : i32
        %add3A_354 = arith.addi %add3A_101, %add3A_353 : i32
        %dma_start3A_355 = arith.constant 0 : i32
        %dma_start3A_356 = tpu.memref_slice %arg6[%add3A_354, %dma_start3A_355] : memref<250x80xi32, #tpu.memory_space<vmem>> -> memref<1x80xi32, #tpu.memory_space<vmem>>
        %dma_start3A_357 = tpu.memref_squeeze %dma_start3A_356 : memref<1x80xi32, #tpu.memory_space<vmem>> -> memref<80xi32, #tpu.memory_space<vmem>>
        %dma_start3A_358 = arith.constant 0 : i32
        %dma_start3A_359 = arith.constant 0 : i32
        %dma_start3A_360 = tpu.memref_slice %arg3[%dma_start3A_358, %dma_start3A_359] : memref<20000x64xf32, #tpu.memory_space<hbm>> -> memref<20000x64xf32, #tpu.memory_space<hbm>>
        tpu.enqueue_indirect_dma source(%dma_start3A_360 : memref<20000x64xf32, #tpu.memory_space<hbm>>) target(%arg9 : memref<80x64xf32, #tpu.memory_space<vmem>>) offsets(%dma_start3A_357 : memref<80xi32, #tpu.memory_space<vmem>>) semaphore(%arg19 : memref<!tpu.dma_semaphore, #tpu.memory_space<semaphore_mem>>)
      } else {
      }
      %mul3A_133 = arith.constant 5 : i32
      %mul3A_134 = arith.muli %scan3A_72, %mul3A_133 : i32
      %add3A_135 = arith.constant 2 : i32
      %add3A_136 = arith.addi %mul3A_134, %add3A_135 : i32
      %dma_wait3A_137 = arith.constant 0 : i32
      %dma_wait3A_138 = tpu.memref_slice %arg6[%add3A_136, %dma_wait3A_137] : memref<250x80xi32, #tpu.memory_space<vmem>> -> memref<1x80xi32, #tpu.memory_space<vmem>>
      %dma_wait3A_139 = tpu.memref_squeeze %dma_wait3A_138 : memref<1x80xi32, #tpu.memory_space<vmem>> -> memref<80xi32, #tpu.memory_space<vmem>>
      %dma_wait3A_140 = arith.constant 0 : i32
      %dma_wait3A_141 = arith.constant 0 : i32
      %dma_wait3A_142 = tpu.memref_slice %arg3[%dma_wait3A_140, %dma_wait3A_141] : memref<20000x64xf32, #tpu.memory_space<hbm>> -> memref<20000x64xf32, #tpu.memory_space<hbm>>
      tpu.wait_indirect_dma semaphore(%arg20 : memref<!tpu.dma_semaphore, #tpu.memory_space<semaphore_mem>>) src(%dma_wait3A_142 : memref<20000x64xf32, #tpu.memory_space<hbm>>) dst(%arg10 : memref<80x64xf32, #tpu.memory_space<vmem>>)
      %jit3A_143 = arith.constant 2 : i32
      %eq3A_144 = arith.constant 0 : i32
      %eq3A_145 = arith.cmpi eq, %jit3A_143, %eq3A_144 : i32
      %jit3A_146 = arith.constant 1 : i32
      %select_n3A_147 = arith.select %eq3A_145, %jit3A_146, %jit3A_143 : i32
      %rem3A_148 = arith.remsi %add3A_136, %select_n3A_147 : i32
      %ne3A_149 = arith.constant 0 : i32
      %ne3A_150 = arith.cmpi ne, %rem3A_148, %ne3A_149 : i32
      %lt3A_151 = arith.constant 0 : i32
      %lt3A_152 = arith.cmpi slt, %rem3A_148, %lt3A_151 : i32
      %lt3A_153 = arith.constant 0 : i32
      %lt3A_154 = arith.cmpi slt, %select_n3A_147, %lt3A_153 : i32
      %ne3A_155 = arith.xori %lt3A_152, %lt3A_154 : i1
      %and3A_156 = arith.andi %ne3A_155, %ne3A_150 : i1
      %add3A_157 = arith.addi %rem3A_148, %select_n3A_147 : i32
      %select_n3A_158 = arith.select %and3A_156, %add3A_157, %rem3A_148 : i32
      %eq3A_159 = arith.cmpi eq, %arg0, %select_n3A_158 : i32
      %convert_element_type3A_160 = arith.extui %eq3A_159 : i1 to i32
      %cond3A_161 = arith.constant 0 : i32
      %cond3A_162 = arith.cmpi ne, %convert_element_type3A_160, %cond3A_161 : i32
      scf.if %cond3A_162 {
        "tpu.region"() ({
          %run_scoped3A = tpu.sem_alloc : memref<!tpu.dma_semaphore, #tpu.memory_space<semaphore_mem>>
          %dma_start3A_239 = arith.constant 0 : i32
          %dma_start3A_240 = tpu.memref_slice %arg7[%add3A_136, %dma_start3A_239] : memref<250x80xi32, #tpu.memory_space<vmem>> -> memref<1x80xi32, #tpu.memory_space<vmem>>
          %dma_start3A_241 = tpu.memref_squeeze %dma_start3A_240 : memref<1x80xi32, #tpu.memory_space<vmem>> -> memref<80xi32, #tpu.memory_space<vmem>>
          %dma_start3A_242 = arith.constant 0 : i32
          %dma_start3A_243 = arith.constant 0 : i32
          %dma_start3A_244 = tpu.memref_slice %arg17[%dma_start3A_242, %dma_start3A_243] : memref<10240x16xf32, #tpu.memory_space<vmem_shared>> -> memref<10240x16xf32, #tpu.memory_space<vmem_shared>>
          tpu.enqueue_indirect_dma source(%arg13 : memref<80x16xf32, #tpu.memory_space<vmem>>) target(%dma_start3A_244 : memref<10240x16xf32, #tpu.memory_space<vmem_shared>>) offsets(%dma_start3A_241 : memref<80xi32, #tpu.memory_space<vmem>>) semaphore(%run_scoped3A : memref<!tpu.dma_semaphore, #tpu.memory_space<semaphore_mem>>) {add = true}
          %dma_wait3A_245 = arith.constant 0 : i32
          %dma_wait3A_246 = tpu.memref_slice %arg7[%add3A_136, %dma_wait3A_245] : memref<250x80xi32, #tpu.memory_space<vmem>> -> memref<1x80xi32, #tpu.memory_space<vmem>>
          %dma_wait3A_247 = tpu.memref_squeeze %dma_wait3A_246 : memref<1x80xi32, #tpu.memory_space<vmem>> -> memref<80xi32, #tpu.memory_space<vmem>>
          %dma_wait3A_248 = arith.constant 0 : i32
          %dma_wait3A_249 = arith.constant 0 : i32
          %dma_wait3A_250 = tpu.memref_slice %arg17[%dma_wait3A_248, %dma_wait3A_249] : memref<10240x16xf32, #tpu.memory_space<vmem_shared>> -> memref<10240x16xf32, #tpu.memory_space<vmem_shared>>
          tpu.wait_indirect_dma semaphore(%run_scoped3A : memref<!tpu.dma_semaphore, #tpu.memory_space<semaphore_mem>>) src(%arg13 : memref<80x16xf32, #tpu.memory_space<vmem>>) dst(%dma_wait3A_250 : memref<10240x16xf32, #tpu.memory_space<vmem_shared>>)
          tpu.yield
        }) : () -> ()
      } else {
      }
      "tpu.region"() ({
        %run_scoped3A = tpu.sem_alloc : memref<!tpu.dma_semaphore, #tpu.memory_space<semaphore_mem>>
        %dma_start3A_239 = arith.constant 0 : i32
        %dma_start3A_240 = tpu.memref_slice %arg7[%add3A_136, %dma_start3A_239] : memref<250x80xi32, #tpu.memory_space<vmem>> -> memref<1x80xi32, #tpu.memory_space<vmem>>
        %dma_start3A_241 = tpu.memref_squeeze %dma_start3A_240 : memref<1x80xi32, #tpu.memory_space<vmem>> -> memref<80xi32, #tpu.memory_space<vmem>>
        %dma_start3A_242 = arith.constant 0 : i32
        %dma_start3A_243 = arith.constant 0 : i32
        %dma_start3A_244 = tpu.memref_slice %arg16[%dma_start3A_242, %dma_start3A_243] : memref<10240x64xf32, #tpu.memory_space<vmem_shared>> -> memref<10240x64xf32, #tpu.memory_space<vmem_shared>>
        tpu.enqueue_indirect_dma source(%arg10 : memref<80x64xf32, #tpu.memory_space<vmem>>) target(%dma_start3A_244 : memref<10240x64xf32, #tpu.memory_space<vmem_shared>>) offsets(%dma_start3A_241 : memref<80xi32, #tpu.memory_space<vmem>>) semaphore(%run_scoped3A : memref<!tpu.dma_semaphore, #tpu.memory_space<semaphore_mem>>) {add = true}
        %dma_wait3A_245 = arith.constant 0 : i32
        %dma_wait3A_246 = tpu.memref_slice %arg7[%add3A_136, %dma_wait3A_245] : memref<250x80xi32, #tpu.memory_space<vmem>> -> memref<1x80xi32, #tpu.memory_space<vmem>>
        %dma_wait3A_247 = tpu.memref_squeeze %dma_wait3A_246 : memref<1x80xi32, #tpu.memory_space<vmem>> -> memref<80xi32, #tpu.memory_space<vmem>>
        %dma_wait3A_248 = arith.constant 0 : i32
        %dma_wait3A_249 = arith.constant 0 : i32
        %dma_wait3A_250 = tpu.memref_slice %arg16[%dma_wait3A_248, %dma_wait3A_249] : memref<10240x64xf32, #tpu.memory_space<vmem_shared>> -> memref<10240x64xf32, #tpu.memory_space<vmem_shared>>
        tpu.wait_indirect_dma semaphore(%run_scoped3A : memref<!tpu.dma_semaphore, #tpu.memory_space<semaphore_mem>>) src(%arg10 : memref<80x64xf32, #tpu.memory_space<vmem>>) dst(%dma_wait3A_250 : memref<10240x64xf32, #tpu.memory_space<vmem_shared>>)
        tpu.yield
      }) : () -> ()
      %lt3A_163 = arith.constant 49 : i32
      %lt3A_164 = arith.cmpi slt, %scan3A_72, %lt3A_163 : i32
      %convert_element_type3A_165 = arith.extui %lt3A_164 : i1 to i32
      %cond3A_166 = arith.constant 0 : i32
      %cond3A_167 = arith.cmpi ne, %convert_element_type3A_165, %cond3A_166 : i32
      scf.if %cond3A_167 {
        %add3A_239 = arith.constant 5 : i32
        %add3A_240 = arith.addi %add3A_136, %add3A_239 : i32
        %get3A = arith.index_cast %add3A_240 : i32 to index
        %get3A_241 = arith.constant 0 : index
        %get3A_242 = tpu.vector_load %arg7[%get3A, %get3A_241] {strides = array<i32>} : memref<250x80xi32, #tpu.memory_space<vmem>>, vector<1x16xi32>,
        %get3A_243 = vector.shape_cast %get3A_242 : vector<1x16xi32> to vector<16xi32>
        %and3A_244 = arith.constant 65535 : i32
        %and3A_245 = vector.broadcast %and3A_244 : i32 to vector<16xi32>
        %and3A_246 = arith.andi %get3A_243, %and3A_245 : vector<16xi32>
        %add3A_247 = arith.addi %and3A_246, %and3A_246 : vector<16xi32>
        %add3A_248 = vector.broadcast %arg0 : i32 to vector<16xi32>
        %add3A_249 = arith.addi %add3A_247, %add3A_248 : vector<16xi32>
        %swap3A = arith.index_cast %add3A_240 : i32 to index
        %swap3A_250 = arith.constant 0 : index
        %swap3A_251 = tpu.vector_load %arg6[%swap3A, %swap3A_250] {strides = array<i32>} : memref<250x80xi32, #tpu.memory_space<vmem>>, vector<1x16xi32>,
        %swap3A_252 = vector.shape_cast %swap3A_251 : vector<1x16xi32> to vector<16xi32>
        %swap3A_253 = vector.shape_cast %add3A_249 : vector<16xi32> to vector<1x16xi32>
        tpu.vector_store %arg6[%swap3A, %swap3A_250], %swap3A_253 {strides = array<i32>} : memref<250x80xi32, #tpu.memory_space<vmem>>, vector<1x16xi32>,
        %shift_right_arithmetic3A = arith.constant 16 : i32
        %shift_right_arithmetic3A_254 = vector.broadcast %shift_right_arithmetic3A : i32 to vector<16xi32>
        %shift_right_arithmetic3A_255 = arith.shrsi %get3A_243, %shift_right_arithmetic3A_254 : vector<16xi32>
        %swap3A_256 = arith.index_cast %add3A_240 : i32 to index
        %swap3A_257 = arith.constant 0 : index
        %swap3A_258 = tpu.vector_load %arg7[%swap3A_256, %swap3A_257] {strides = array<i32>} : memref<250x80xi32, #tpu.memory_space<vmem>>, vector<1x16xi32>,
        %swap3A_259 = vector.shape_cast %swap3A_258 : vector<1x16xi32> to vector<16xi32>
        %swap3A_260 = vector.shape_cast %shift_right_arithmetic3A_255 : vector<16xi32> to vector<1x16xi32>
        tpu.vector_store %arg7[%swap3A_256, %swap3A_257], %swap3A_260 {strides = array<i32>} : memref<250x80xi32, #tpu.memory_space<vmem>>, vector<1x16xi32>,
        %get3A_261 = arith.index_cast %add3A_240 : i32 to index
        %get3A_262 = arith.constant 16 : index
        %get3A_263 = tpu.vector_load %arg7[%get3A_261, %get3A_262] {strides = array<i32>} : memref<250x80xi32, #tpu.memory_space<vmem>>, vector<1x16xi32>,
        %get3A_264 = vector.shape_cast %get3A_263 : vector<1x16xi32> to vector<16xi32>
        %and3A_265 = arith.constant 65535 : i32
        %and3A_266 = vector.broadcast %and3A_265 : i32 to vector<16xi32>
        %and3A_267 = arith.andi %get3A_264, %and3A_266 : vector<16xi32>
        %add3A_268 = arith.addi %and3A_267, %and3A_267 : vector<16xi32>
        %add3A_269 = vector.broadcast %arg0 : i32 to vector<16xi32>
        %add3A_270 = arith.addi %add3A_268, %add3A_269 : vector<16xi32>
        %swap3A_271 = arith.index_cast %add3A_240 : i32 to index
        %swap3A_272 = arith.constant 16 : index
        %swap3A_273 = tpu.vector_load %arg6[%swap3A_271, %swap3A_272] {strides = array<i32>} : memref<250x80xi32, #tpu.memory_space<vmem>>, vector<1x16xi32>,
        %swap3A_274 = vector.shape_cast %swap3A_273 : vector<1x16xi32> to vector<16xi32>
        %swap3A_275 = vector.shape_cast %add3A_270 : vector<16xi32> to vector<1x16xi32>
        tpu.vector_store %arg6[%swap3A_271, %swap3A_272], %swap3A_275 {strides = array<i32>} : memref<250x80xi32, #tpu.memory_space<vmem>>, vector<1x16xi32>,
        %shift_right_arithmetic3A_276 = arith.constant 16 : i32
        %shift_right_arithmetic3A_277 = vector.broadcast %shift_right_arithmetic3A_276 : i32 to vector<16xi32>
        %shift_right_arithmetic3A_278 = arith.shrsi %get3A_264, %shift_right_arithmetic3A_277 : vector<16xi32>
        %swap3A_279 = arith.index_cast %add3A_240 : i32 to index
        %swap3A_280 = arith.constant 16 : index
        %swap3A_281 = tpu.vector_load %arg7[%swap3A_279, %swap3A_280] {strides = array<i32>} : memref<250x80xi32, #tpu.memory_space<vmem>>, vector<1x16xi32>,
        %swap3A_282 = vector.shape_cast %swap3A_281 : vector<1x16xi32> to vector<16xi32>
        %swap3A_283 = vector.shape_cast %shift_right_arithmetic3A_278 : vector<16xi32> to vector<1x16xi32>
        tpu.vector_store %arg7[%swap3A_279, %swap3A_280], %swap3A_283 {strides = array<i32>} : memref<250x80xi32, #tpu.memory_space<vmem>>, vector<1x16xi32>,
        %get3A_284 = arith.index_cast %add3A_240 : i32 to index
        %get3A_285 = arith.constant 32 : index
        %get3A_286 = tpu.vector_load %arg7[%get3A_284, %get3A_285] {strides = array<i32>} : memref<250x80xi32, #tpu.memory_space<vmem>>, vector<1x16xi32>,
        %get3A_287 = vector.shape_cast %get3A_286 : vector<1x16xi32> to vector<16xi32>
        %and3A_288 = arith.constant 65535 : i32
        %and3A_289 = vector.broadcast %and3A_288 : i32 to vector<16xi32>
        %and3A_290 = arith.andi %get3A_287, %and3A_289 : vector<16xi32>
        %add3A_291 = arith.addi %and3A_290, %and3A_290 : vector<16xi32>
        %add3A_292 = vector.broadcast %arg0 : i32 to vector<16xi32>
        %add3A_293 = arith.addi %add3A_291, %add3A_292 : vector<16xi32>
        %swap3A_294 = arith.index_cast %add3A_240 : i32 to index
        %swap3A_295 = arith.constant 32 : index
        %swap3A_296 = tpu.vector_load %arg6[%swap3A_294, %swap3A_295] {strides = array<i32>} : memref<250x80xi32, #tpu.memory_space<vmem>>, vector<1x16xi32>,
        %swap3A_297 = vector.shape_cast %swap3A_296 : vector<1x16xi32> to vector<16xi32>
        %swap3A_298 = vector.shape_cast %add3A_293 : vector<16xi32> to vector<1x16xi32>
        tpu.vector_store %arg6[%swap3A_294, %swap3A_295], %swap3A_298 {strides = array<i32>} : memref<250x80xi32, #tpu.memory_space<vmem>>, vector<1x16xi32>,
        %shift_right_arithmetic3A_299 = arith.constant 16 : i32
        %shift_right_arithmetic3A_300 = vector.broadcast %shift_right_arithmetic3A_299 : i32 to vector<16xi32>
        %shift_right_arithmetic3A_301 = arith.shrsi %get3A_287, %shift_right_arithmetic3A_300 : vector<16xi32>
        %swap3A_302 = arith.index_cast %add3A_240 : i32 to index
        %swap3A_303 = arith.constant 32 : index
        %swap3A_304 = tpu.vector_load %arg7[%swap3A_302, %swap3A_303] {strides = array<i32>} : memref<250x80xi32, #tpu.memory_space<vmem>>, vector<1x16xi32>,
        %swap3A_305 = vector.shape_cast %swap3A_304 : vector<1x16xi32> to vector<16xi32>
        %swap3A_306 = vector.shape_cast %shift_right_arithmetic3A_301 : vector<16xi32> to vector<1x16xi32>
        tpu.vector_store %arg7[%swap3A_302, %swap3A_303], %swap3A_306 {strides = array<i32>} : memref<250x80xi32, #tpu.memory_space<vmem>>, vector<1x16xi32>,
        %get3A_307 = arith.index_cast %add3A_240 : i32 to index
        %get3A_308 = arith.constant 48 : index
        %get3A_309 = tpu.vector_load %arg7[%get3A_307, %get3A_308] {strides = array<i32>} : memref<250x80xi32, #tpu.memory_space<vmem>>, vector<1x16xi32>,
        %get3A_310 = vector.shape_cast %get3A_309 : vector<1x16xi32> to vector<16xi32>
        %and3A_311 = arith.constant 65535 : i32
        %and3A_312 = vector.broadcast %and3A_311 : i32 to vector<16xi32>
        %and3A_313 = arith.andi %get3A_310, %and3A_312 : vector<16xi32>
        %add3A_314 = arith.addi %and3A_313, %and3A_313 : vector<16xi32>
        %add3A_315 = vector.broadcast %arg0 : i32 to vector<16xi32>
        %add3A_316 = arith.addi %add3A_314, %add3A_315 : vector<16xi32>
        %swap3A_317 = arith.index_cast %add3A_240 : i32 to index
        %swap3A_318 = arith.constant 48 : index
        %swap3A_319 = tpu.vector_load %arg6[%swap3A_317, %swap3A_318] {strides = array<i32>} : memref<250x80xi32, #tpu.memory_space<vmem>>, vector<1x16xi32>,
        %swap3A_320 = vector.shape_cast %swap3A_319 : vector<1x16xi32> to vector<16xi32>
        %swap3A_321 = vector.shape_cast %add3A_316 : vector<16xi32> to vector<1x16xi32>
        tpu.vector_store %arg6[%swap3A_317, %swap3A_318], %swap3A_321 {strides = array<i32>} : memref<250x80xi32, #tpu.memory_space<vmem>>, vector<1x16xi32>,
        %shift_right_arithmetic3A_322 = arith.constant 16 : i32
        %shift_right_arithmetic3A_323 = vector.broadcast %shift_right_arithmetic3A_322 : i32 to vector<16xi32>
        %shift_right_arithmetic3A_324 = arith.shrsi %get3A_310, %shift_right_arithmetic3A_323 : vector<16xi32>
        %swap3A_325 = arith.index_cast %add3A_240 : i32 to index
        %swap3A_326 = arith.constant 48 : index
        %swap3A_327 = tpu.vector_load %arg7[%swap3A_325, %swap3A_326] {strides = array<i32>} : memref<250x80xi32, #tpu.memory_space<vmem>>, vector<1x16xi32>,
        %swap3A_328 = vector.shape_cast %swap3A_327 : vector<1x16xi32> to vector<16xi32>
        %swap3A_329 = vector.shape_cast %shift_right_arithmetic3A_324 : vector<16xi32> to vector<1x16xi32>
        tpu.vector_store %arg7[%swap3A_325, %swap3A_326], %swap3A_329 {strides = array<i32>} : memref<250x80xi32, #tpu.memory_space<vmem>>, vector<1x16xi32>,
        %get3A_330 = arith.index_cast %add3A_240 : i32 to index
        %get3A_331 = arith.constant 64 : index
        %get3A_332 = tpu.vector_load %arg7[%get3A_330, %get3A_331] {strides = array<i32>} : memref<250x80xi32, #tpu.memory_space<vmem>>, vector<1x16xi32>,
        %get3A_333 = vector.shape_cast %get3A_332 : vector<1x16xi32> to vector<16xi32>
        %and3A_334 = arith.constant 65535 : i32
        %and3A_335 = vector.broadcast %and3A_334 : i32 to vector<16xi32>
        %and3A_336 = arith.andi %get3A_333, %and3A_335 : vector<16xi32>
        %add3A_337 = arith.addi %and3A_336, %and3A_336 : vector<16xi32>
        %add3A_338 = vector.broadcast %arg0 : i32 to vector<16xi32>
        %add3A_339 = arith.addi %add3A_337, %add3A_338 : vector<16xi32>
        %swap3A_340 = arith.index_cast %add3A_240 : i32 to index
        %swap3A_341 = arith.constant 64 : index
        %swap3A_342 = tpu.vector_load %arg6[%swap3A_340, %swap3A_341] {strides = array<i32>} : memref<250x80xi32, #tpu.memory_space<vmem>>, vector<1x16xi32>,
        %swap3A_343 = vector.shape_cast %swap3A_342 : vector<1x16xi32> to vector<16xi32>
        %swap3A_344 = vector.shape_cast %add3A_339 : vector<16xi32> to vector<1x16xi32>
        tpu.vector_store %arg6[%swap3A_340, %swap3A_341], %swap3A_344 {strides = array<i32>} : memref<250x80xi32, #tpu.memory_space<vmem>>, vector<1x16xi32>,
        %shift_right_arithmetic3A_345 = arith.constant 16 : i32
        %shift_right_arithmetic3A_346 = vector.broadcast %shift_right_arithmetic3A_345 : i32 to vector<16xi32>
        %shift_right_arithmetic3A_347 = arith.shrsi %get3A_333, %shift_right_arithmetic3A_346 : vector<16xi32>
        %swap3A_348 = arith.index_cast %add3A_240 : i32 to index
        %swap3A_349 = arith.constant 64 : index
        %swap3A_350 = tpu.vector_load %arg7[%swap3A_348, %swap3A_349] {strides = array<i32>} : memref<250x80xi32, #tpu.memory_space<vmem>>, vector<1x16xi32>,
        %swap3A_351 = vector.shape_cast %swap3A_350 : vector<1x16xi32> to vector<16xi32>
        %swap3A_352 = vector.shape_cast %shift_right_arithmetic3A_347 : vector<16xi32> to vector<1x16xi32>
        tpu.vector_store %arg7[%swap3A_348, %swap3A_349], %swap3A_352 {strides = array<i32>} : memref<250x80xi32, #tpu.memory_space<vmem>>, vector<1x16xi32>,
        %add3A_353 = arith.constant 5 : i32
        %add3A_354 = arith.addi %add3A_136, %add3A_353 : i32
        %dma_start3A_355 = arith.constant 0 : i32
        %dma_start3A_356 = tpu.memref_slice %arg6[%add3A_354, %dma_start3A_355] : memref<250x80xi32, #tpu.memory_space<vmem>> -> memref<1x80xi32, #tpu.memory_space<vmem>>
        %dma_start3A_357 = tpu.memref_squeeze %dma_start3A_356 : memref<1x80xi32, #tpu.memory_space<vmem>> -> memref<80xi32, #tpu.memory_space<vmem>>
        %dma_start3A_358 = arith.constant 0 : i32
        %dma_start3A_359 = arith.constant 0 : i32
        %dma_start3A_360 = tpu.memref_slice %arg3[%dma_start3A_358, %dma_start3A_359] : memref<20000x64xf32, #tpu.memory_space<hbm>> -> memref<20000x64xf32, #tpu.memory_space<hbm>>
        tpu.enqueue_indirect_dma source(%dma_start3A_360 : memref<20000x64xf32, #tpu.memory_space<hbm>>) target(%arg10 : memref<80x64xf32, #tpu.memory_space<vmem>>) offsets(%dma_start3A_357 : memref<80xi32, #tpu.memory_space<vmem>>) semaphore(%arg20 : memref<!tpu.dma_semaphore, #tpu.memory_space<semaphore_mem>>)
      } else {
      }
      %mul3A_168 = arith.constant 5 : i32
      %mul3A_169 = arith.muli %scan3A_72, %mul3A_168 : i32
      %add3A_170 = arith.constant 3 : i32
      %add3A_171 = arith.addi %mul3A_169, %add3A_170 : i32
      %dma_wait3A_172 = arith.constant 0 : i32
      %dma_wait3A_173 = tpu.memref_slice %arg6[%add3A_171, %dma_wait3A_172] : memref<250x80xi32, #tpu.memory_space<vmem>> -> memref<1x80xi32, #tpu.memory_space<vmem>>
      %dma_wait3A_174 = tpu.memref_squeeze %dma_wait3A_173 : memref<1x80xi32, #tpu.memory_space<vmem>> -> memref<80xi32, #tpu.memory_space<vmem>>
      %dma_wait3A_175 = arith.constant 0 : i32
      %dma_wait3A_176 = arith.constant 0 : i32
      %dma_wait3A_177 = tpu.memref_slice %arg3[%dma_wait3A_175, %dma_wait3A_176] : memref<20000x64xf32, #tpu.memory_space<hbm>> -> memref<20000x64xf32, #tpu.memory_space<hbm>>
      tpu.wait_indirect_dma semaphore(%arg21 : memref<!tpu.dma_semaphore, #tpu.memory_space<semaphore_mem>>) src(%dma_wait3A_177 : memref<20000x64xf32, #tpu.memory_space<hbm>>) dst(%arg11 : memref<80x64xf32, #tpu.memory_space<vmem>>)
      %jit3A_178 = arith.constant 2 : i32
      %eq3A_179 = arith.constant 0 : i32
      %eq3A_180 = arith.cmpi eq, %jit3A_178, %eq3A_179 : i32
      %jit3A_181 = arith.constant 1 : i32
      %select_n3A_182 = arith.select %eq3A_180, %jit3A_181, %jit3A_178 : i32
      %rem3A_183 = arith.remsi %add3A_171, %select_n3A_182 : i32
      %ne3A_184 = arith.constant 0 : i32
      %ne3A_185 = arith.cmpi ne, %rem3A_183, %ne3A_184 : i32
      %lt3A_186 = arith.constant 0 : i32
      %lt3A_187 = arith.cmpi slt, %rem3A_183, %lt3A_186 : i32
      %lt3A_188 = arith.constant 0 : i32
      %lt3A_189 = arith.cmpi slt, %select_n3A_182, %lt3A_188 : i32
      %ne3A_190 = arith.xori %lt3A_187, %lt3A_189 : i1
      %and3A_191 = arith.andi %ne3A_190, %ne3A_185 : i1
      %add3A_192 = arith.addi %rem3A_183, %select_n3A_182 : i32
      %select_n3A_193 = arith.select %and3A_191, %add3A_192, %rem3A_183 : i32
      %eq3A_194 = arith.cmpi eq, %arg0, %select_n3A_193 : i32
      %convert_element_type3A_195 = arith.extui %eq3A_194 : i1 to i32
      %cond3A_196 = arith.constant 0 : i32
      %cond3A_197 = arith.cmpi ne, %convert_element_type3A_195, %cond3A_196 : i32
      scf.if %cond3A_197 {
        "tpu.region"() ({
          %run_scoped3A = tpu.sem_alloc : memref<!tpu.dma_semaphore, #tpu.memory_space<semaphore_mem>>
          %dma_start3A_239 = arith.constant 0 : i32
          %dma_start3A_240 = tpu.memref_slice %arg7[%add3A_171, %dma_start3A_239] : memref<250x80xi32, #tpu.memory_space<vmem>> -> memref<1x80xi32, #tpu.memory_space<vmem>>
          %dma_start3A_241 = tpu.memref_squeeze %dma_start3A_240 : memref<1x80xi32, #tpu.memory_space<vmem>> -> memref<80xi32, #tpu.memory_space<vmem>>
          %dma_start3A_242 = arith.constant 0 : i32
          %dma_start3A_243 = arith.constant 0 : i32
          %dma_start3A_244 = tpu.memref_slice %arg17[%dma_start3A_242, %dma_start3A_243] : memref<10240x16xf32, #tpu.memory_space<vmem_shared>> -> memref<10240x16xf32, #tpu.memory_space<vmem_shared>>
          tpu.enqueue_indirect_dma source(%arg13 : memref<80x16xf32, #tpu.memory_space<vmem>>) target(%dma_start3A_244 : memref<10240x16xf32, #tpu.memory_space<vmem_shared>>) offsets(%dma_start3A_241 : memref<80xi32, #tpu.memory_space<vmem>>) semaphore(%run_scoped3A : memref<!tpu.dma_semaphore, #tpu.memory_space<semaphore_mem>>) {add = true}
          %dma_wait3A_245 = arith.constant 0 : i32
          %dma_wait3A_246 = tpu.memref_slice %arg7[%add3A_171, %dma_wait3A_245] : memref<250x80xi32, #tpu.memory_space<vmem>> -> memref<1x80xi32, #tpu.memory_space<vmem>>
          %dma_wait3A_247 = tpu.memref_squeeze %dma_wait3A_246 : memref<1x80xi32, #tpu.memory_space<vmem>> -> memref<80xi32, #tpu.memory_space<vmem>>
          %dma_wait3A_248 = arith.constant 0 : i32
          %dma_wait3A_249 = arith.constant 0 : i32
          %dma_wait3A_250 = tpu.memref_slice %arg17[%dma_wait3A_248, %dma_wait3A_249] : memref<10240x16xf32, #tpu.memory_space<vmem_shared>> -> memref<10240x16xf32, #tpu.memory_space<vmem_shared>>
          tpu.wait_indirect_dma semaphore(%run_scoped3A : memref<!tpu.dma_semaphore, #tpu.memory_space<semaphore_mem>>) src(%arg13 : memref<80x16xf32, #tpu.memory_space<vmem>>) dst(%dma_wait3A_250 : memref<10240x16xf32, #tpu.memory_space<vmem_shared>>)
          tpu.yield
        }) : () -> ()
      } else {
      }
      "tpu.region"() ({
        %run_scoped3A = tpu.sem_alloc : memref<!tpu.dma_semaphore, #tpu.memory_space<semaphore_mem>>
        %dma_start3A_239 = arith.constant 0 : i32
        %dma_start3A_240 = tpu.memref_slice %arg7[%add3A_171, %dma_start3A_239] : memref<250x80xi32, #tpu.memory_space<vmem>> -> memref<1x80xi32, #tpu.memory_space<vmem>>
        %dma_start3A_241 = tpu.memref_squeeze %dma_start3A_240 : memref<1x80xi32, #tpu.memory_space<vmem>> -> memref<80xi32, #tpu.memory_space<vmem>>
        %dma_start3A_242 = arith.constant 0 : i32
        %dma_start3A_243 = arith.constant 0 : i32
        %dma_start3A_244 = tpu.memref_slice %arg16[%dma_start3A_242, %dma_start3A_243] : memref<10240x64xf32, #tpu.memory_space<vmem_shared>> -> memref<10240x64xf32, #tpu.memory_space<vmem_shared>>
        tpu.enqueue_indirect_dma source(%arg11 : memref<80x64xf32, #tpu.memory_space<vmem>>) target(%dma_start3A_244 : memref<10240x64xf32, #tpu.memory_space<vmem_shared>>) offsets(%dma_start3A_241 : memref<80xi32, #tpu.memory_space<vmem>>) semaphore(%run_scoped3A : memref<!tpu.dma_semaphore, #tpu.memory_space<semaphore_mem>>) {add = true}
        %dma_wait3A_245 = arith.constant 0 : i32
        %dma_wait3A_246 = tpu.memref_slice %arg7[%add3A_171, %dma_wait3A_245] : memref<250x80xi32, #tpu.memory_space<vmem>> -> memref<1x80xi32, #tpu.memory_space<vmem>>
        %dma_wait3A_247 = tpu.memref_squeeze %dma_wait3A_246 : memref<1x80xi32, #tpu.memory_space<vmem>> -> memref<80xi32, #tpu.memory_space<vmem>>
        %dma_wait3A_248 = arith.constant 0 : i32
        %dma_wait3A_249 = arith.constant 0 : i32
        %dma_wait3A_250 = tpu.memref_slice %arg16[%dma_wait3A_248, %dma_wait3A_249] : memref<10240x64xf32, #tpu.memory_space<vmem_shared>> -> memref<10240x64xf32, #tpu.memory_space<vmem_shared>>
        tpu.wait_indirect_dma semaphore(%run_scoped3A : memref<!tpu.dma_semaphore, #tpu.memory_space<semaphore_mem>>) src(%arg11 : memref<80x64xf32, #tpu.memory_space<vmem>>) dst(%dma_wait3A_250 : memref<10240x64xf32, #tpu.memory_space<vmem_shared>>)
        tpu.yield
      }) : () -> ()
      %lt3A_198 = arith.constant 49 : i32
      %lt3A_199 = arith.cmpi slt, %scan3A_72, %lt3A_198 : i32
      %convert_element_type3A_200 = arith.extui %lt3A_199 : i1 to i32
      %cond3A_201 = arith.constant 0 : i32
      %cond3A_202 = arith.cmpi ne, %convert_element_type3A_200, %cond3A_201 : i32
      scf.if %cond3A_202 {
        %add3A_239 = arith.constant 5 : i32
        %add3A_240 = arith.addi %add3A_171, %add3A_239 : i32
        %get3A = arith.index_cast %add3A_240 : i32 to index
        %get3A_241 = arith.constant 0 : index
        %get3A_242 = tpu.vector_load %arg7[%get3A, %get3A_241] {strides = array<i32>} : memref<250x80xi32, #tpu.memory_space<vmem>>, vector<1x16xi32>,
        %get3A_243 = vector.shape_cast %get3A_242 : vector<1x16xi32> to vector<16xi32>
        %and3A_244 = arith.constant 65535 : i32
        %and3A_245 = vector.broadcast %and3A_244 : i32 to vector<16xi32>
        %and3A_246 = arith.andi %get3A_243, %and3A_245 : vector<16xi32>
        %add3A_247 = arith.addi %and3A_246, %and3A_246 : vector<16xi32>
        %add3A_248 = vector.broadcast %arg0 : i32 to vector<16xi32>
        %add3A_249 = arith.addi %add3A_247, %add3A_248 : vector<16xi32>
        %swap3A = arith.index_cast %add3A_240 : i32 to index
        %swap3A_250 = arith.constant 0 : index
        %swap3A_251 = tpu.vector_load %arg6[%swap3A, %swap3A_250] {strides = array<i32>} : memref<250x80xi32, #tpu.memory_space<vmem>>, vector<1x16xi32>,
        %swap3A_252 = vector.shape_cast %swap3A_251 : vector<1x16xi32> to vector<16xi32>
        %swap3A_253 = vector.shape_cast %add3A_249 : vector<16xi32> to vector<1x16xi32>
        tpu.vector_store %arg6[%swap3A, %swap3A_250], %swap3A_253 {strides = array<i32>} : memref<250x80xi32, #tpu.memory_space<vmem>>, vector<1x16xi32>,
        %shift_right_arithmetic3A = arith.constant 16 : i32
        %shift_right_arithmetic3A_254 = vector.broadcast %shift_right_arithmetic3A : i32 to vector<16xi32>
        %shift_right_arithmetic3A_255 = arith.shrsi %get3A_243, %shift_right_arithmetic3A_254 : vector<16xi32>
        %swap3A_256 = arith.index_cast %add3A_240 : i32 to index
        %swap3A_257 = arith.constant 0 : index
        %swap3A_258 = tpu.vector_load %arg7[%swap3A_256, %swap3A_257] {strides = array<i32>} : memref<250x80xi32, #tpu.memory_space<vmem>>, vector<1x16xi32>,
        %swap3A_259 = vector.shape_cast %swap3A_258 : vector<1x16xi32> to vector<16xi32>
        %swap3A_260 = vector.shape_cast %shift_right_arithmetic3A_255 : vector<16xi32> to vector<1x16xi32>
        tpu.vector_store %arg7[%swap3A_256, %swap3A_257], %swap3A_260 {strides = array<i32>} : memref<250x80xi32, #tpu.memory_space<vmem>>, vector<1x16xi32>,
        %get3A_261 = arith.index_cast %add3A_240 : i32 to index
        %get3A_262 = arith.constant 16 : index
        %get3A_263 = tpu.vector_load %arg7[%get3A_261, %get3A_262] {strides = array<i32>} : memref<250x80xi32, #tpu.memory_space<vmem>>, vector<1x16xi32>,
        %get3A_264 = vector.shape_cast %get3A_263 : vector<1x16xi32> to vector<16xi32>
        %and3A_265 = arith.constant 65535 : i32
        %and3A_266 = vector.broadcast %and3A_265 : i32 to vector<16xi32>
        %and3A_267 = arith.andi %get3A_264, %and3A_266 : vector<16xi32>
        %add3A_268 = arith.addi %and3A_267, %and3A_267 : vector<16xi32>
        %add3A_269 = vector.broadcast %arg0 : i32 to vector<16xi32>
        %add3A_270 = arith.addi %add3A_268, %add3A_269 : vector<16xi32>
        %swap3A_271 = arith.index_cast %add3A_240 : i32 to index
        %swap3A_272 = arith.constant 16 : index
        %swap3A_273 = tpu.vector_load %arg6[%swap3A_271, %swap3A_272] {strides = array<i32>} : memref<250x80xi32, #tpu.memory_space<vmem>>, vector<1x16xi32>,
        %swap3A_274 = vector.shape_cast %swap3A_273 : vector<1x16xi32> to vector<16xi32>
        %swap3A_275 = vector.shape_cast %add3A_270 : vector<16xi32> to vector<1x16xi32>
        tpu.vector_store %arg6[%swap3A_271, %swap3A_272], %swap3A_275 {strides = array<i32>} : memref<250x80xi32, #tpu.memory_space<vmem>>, vector<1x16xi32>,
        %shift_right_arithmetic3A_276 = arith.constant 16 : i32
        %shift_right_arithmetic3A_277 = vector.broadcast %shift_right_arithmetic3A_276 : i32 to vector<16xi32>
        %shift_right_arithmetic3A_278 = arith.shrsi %get3A_264, %shift_right_arithmetic3A_277 : vector<16xi32>
        %swap3A_279 = arith.index_cast %add3A_240 : i32 to index
        %swap3A_280 = arith.constant 16 : index
        %swap3A_281 = tpu.vector_load %arg7[%swap3A_279, %swap3A_280] {strides = array<i32>} : memref<250x80xi32, #tpu.memory_space<vmem>>, vector<1x16xi32>,
        %swap3A_282 = vector.shape_cast %swap3A_281 : vector<1x16xi32> to vector<16xi32>
        %swap3A_283 = vector.shape_cast %shift_right_arithmetic3A_278 : vector<16xi32> to vector<1x16xi32>
        tpu.vector_store %arg7[%swap3A_279, %swap3A_280], %swap3A_283 {strides = array<i32>} : memref<250x80xi32, #tpu.memory_space<vmem>>, vector<1x16xi32>,
        %get3A_284 = arith.index_cast %add3A_240 : i32 to index
        %get3A_285 = arith.constant 32 : index
        %get3A_286 = tpu.vector_load %arg7[%get3A_284, %get3A_285] {strides = array<i32>} : memref<250x80xi32, #tpu.memory_space<vmem>>, vector<1x16xi32>,
        %get3A_287 = vector.shape_cast %get3A_286 : vector<1x16xi32> to vector<16xi32>
        %and3A_288 = arith.constant 65535 : i32
        %and3A_289 = vector.broadcast %and3A_288 : i32 to vector<16xi32>
        %and3A_290 = arith.andi %get3A_287, %and3A_289 : vector<16xi32>
        %add3A_291 = arith.addi %and3A_290, %and3A_290 : vector<16xi32>
        %add3A_292 = vector.broadcast %arg0 : i32 to vector<16xi32>
        %add3A_293 = arith.addi %add3A_291, %add3A_292 : vector<16xi32>
        %swap3A_294 = arith.index_cast %add3A_240 : i32 to index
        %swap3A_295 = arith.constant 32 : index
        %swap3A_296 = tpu.vector_load %arg6[%swap3A_294, %swap3A_295] {strides = array<i32>} : memref<250x80xi32, #tpu.memory_space<vmem>>, vector<1x16xi32>,
        %swap3A_297 = vector.shape_cast %swap3A_296 : vector<1x16xi32> to vector<16xi32>
        %swap3A_298 = vector.shape_cast %add3A_293 : vector<16xi32> to vector<1x16xi32>
        tpu.vector_store %arg6[%swap3A_294, %swap3A_295], %swap3A_298 {strides = array<i32>} : memref<250x80xi32, #tpu.memory_space<vmem>>, vector<1x16xi32>,
        %shift_right_arithmetic3A_299 = arith.constant 16 : i32
        %shift_right_arithmetic3A_300 = vector.broadcast %shift_right_arithmetic3A_299 : i32 to vector<16xi32>
        %shift_right_arithmetic3A_301 = arith.shrsi %get3A_287, %shift_right_arithmetic3A_300 : vector<16xi32>
        %swap3A_302 = arith.index_cast %add3A_240 : i32 to index
        %swap3A_303 = arith.constant 32 : index
        %swap3A_304 = tpu.vector_load %arg7[%swap3A_302, %swap3A_303] {strides = array<i32>} : memref<250x80xi32, #tpu.memory_space<vmem>>, vector<1x16xi32>,
        %swap3A_305 = vector.shape_cast %swap3A_304 : vector<1x16xi32> to vector<16xi32>
        %swap3A_306 = vector.shape_cast %shift_right_arithmetic3A_301 : vector<16xi32> to vector<1x16xi32>
        tpu.vector_store %arg7[%swap3A_302, %swap3A_303], %swap3A_306 {strides = array<i32>} : memref<250x80xi32, #tpu.memory_space<vmem>>, vector<1x16xi32>,
        %get3A_307 = arith.index_cast %add3A_240 : i32 to index
        %get3A_308 = arith.constant 48 : index
        %get3A_309 = tpu.vector_load %arg7[%get3A_307, %get3A_308] {strides = array<i32>} : memref<250x80xi32, #tpu.memory_space<vmem>>, vector<1x16xi32>,
        %get3A_310 = vector.shape_cast %get3A_309 : vector<1x16xi32> to vector<16xi32>
        %and3A_311 = arith.constant 65535 : i32
        %and3A_312 = vector.broadcast %and3A_311 : i32 to vector<16xi32>
        %and3A_313 = arith.andi %get3A_310, %and3A_312 : vector<16xi32>
        %add3A_314 = arith.addi %and3A_313, %and3A_313 : vector<16xi32>
        %add3A_315 = vector.broadcast %arg0 : i32 to vector<16xi32>
        %add3A_316 = arith.addi %add3A_314, %add3A_315 : vector<16xi32>
        %swap3A_317 = arith.index_cast %add3A_240 : i32 to index
        %swap3A_318 = arith.constant 48 : index
        %swap3A_319 = tpu.vector_load %arg6[%swap3A_317, %swap3A_318] {strides = array<i32>} : memref<250x80xi32, #tpu.memory_space<vmem>>, vector<1x16xi32>,
        %swap3A_320 = vector.shape_cast %swap3A_319 : vector<1x16xi32> to vector<16xi32>
        %swap3A_321 = vector.shape_cast %add3A_316 : vector<16xi32> to vector<1x16xi32>
        tpu.vector_store %arg6[%swap3A_317, %swap3A_318], %swap3A_321 {strides = array<i32>} : memref<250x80xi32, #tpu.memory_space<vmem>>, vector<1x16xi32>,
        %shift_right_arithmetic3A_322 = arith.constant 16 : i32
        %shift_right_arithmetic3A_323 = vector.broadcast %shift_right_arithmetic3A_322 : i32 to vector<16xi32>
        %shift_right_arithmetic3A_324 = arith.shrsi %get3A_310, %shift_right_arithmetic3A_323 : vector<16xi32>
        %swap3A_325 = arith.index_cast %add3A_240 : i32 to index
        %swap3A_326 = arith.constant 48 : index
        %swap3A_327 = tpu.vector_load %arg7[%swap3A_325, %swap3A_326] {strides = array<i32>} : memref<250x80xi32, #tpu.memory_space<vmem>>, vector<1x16xi32>,
        %swap3A_328 = vector.shape_cast %swap3A_327 : vector<1x16xi32> to vector<16xi32>
        %swap3A_329 = vector.shape_cast %shift_right_arithmetic3A_324 : vector<16xi32> to vector<1x16xi32>
        tpu.vector_store %arg7[%swap3A_325, %swap3A_326], %swap3A_329 {strides = array<i32>} : memref<250x80xi32, #tpu.memory_space<vmem>>, vector<1x16xi32>,
        %get3A_330 = arith.index_cast %add3A_240 : i32 to index
        %get3A_331 = arith.constant 64 : index
        %get3A_332 = tpu.vector_load %arg7[%get3A_330, %get3A_331] {strides = array<i32>} : memref<250x80xi32, #tpu.memory_space<vmem>>, vector<1x16xi32>,
        %get3A_333 = vector.shape_cast %get3A_332 : vector<1x16xi32> to vector<16xi32>
        %and3A_334 = arith.constant 65535 : i32
        %and3A_335 = vector.broadcast %and3A_334 : i32 to vector<16xi32>
        %and3A_336 = arith.andi %get3A_333, %and3A_335 : vector<16xi32>
        %add3A_337 = arith.addi %and3A_336, %and3A_336 : vector<16xi32>
        %add3A_338 = vector.broadcast %arg0 : i32 to vector<16xi32>
        %add3A_339 = arith.addi %add3A_337, %add3A_338 : vector<16xi32>
        %swap3A_340 = arith.index_cast %add3A_240 : i32 to index
        %swap3A_341 = arith.constant 64 : index
        %swap3A_342 = tpu.vector_load %arg6[%swap3A_340, %swap3A_341] {strides = array<i32>} : memref<250x80xi32, #tpu.memory_space<vmem>>, vector<1x16xi32>,
        %swap3A_343 = vector.shape_cast %swap3A_342 : vector<1x16xi32> to vector<16xi32>
        %swap3A_344 = vector.shape_cast %add3A_339 : vector<16xi32> to vector<1x16xi32>
        tpu.vector_store %arg6[%swap3A_340, %swap3A_341], %swap3A_344 {strides = array<i32>} : memref<250x80xi32, #tpu.memory_space<vmem>>, vector<1x16xi32>,
        %shift_right_arithmetic3A_345 = arith.constant 16 : i32
        %shift_right_arithmetic3A_346 = vector.broadcast %shift_right_arithmetic3A_345 : i32 to vector<16xi32>
        %shift_right_arithmetic3A_347 = arith.shrsi %get3A_333, %shift_right_arithmetic3A_346 : vector<16xi32>
        %swap3A_348 = arith.index_cast %add3A_240 : i32 to index
        %swap3A_349 = arith.constant 64 : index
        %swap3A_350 = tpu.vector_load %arg7[%swap3A_348, %swap3A_349] {strides = array<i32>} : memref<250x80xi32, #tpu.memory_space<vmem>>, vector<1x16xi32>,
        %swap3A_351 = vector.shape_cast %swap3A_350 : vector<1x16xi32> to vector<16xi32>
        %swap3A_352 = vector.shape_cast %shift_right_arithmetic3A_347 : vector<16xi32> to vector<1x16xi32>
        tpu.vector_store %arg7[%swap3A_348, %swap3A_349], %swap3A_352 {strides = array<i32>} : memref<250x80xi32, #tpu.memory_space<vmem>>, vector<1x16xi32>,
        %add3A_353 = arith.constant 5 : i32
        %add3A_354 = arith.addi %add3A_171, %add3A_353 : i32
        %dma_start3A_355 = arith.constant 0 : i32
        %dma_start3A_356 = tpu.memref_slice %arg6[%add3A_354, %dma_start3A_355] : memref<250x80xi32, #tpu.memory_space<vmem>> -> memref<1x80xi32, #tpu.memory_space<vmem>>
        %dma_start3A_357 = tpu.memref_squeeze %dma_start3A_356 : memref<1x80xi32, #tpu.memory_space<vmem>> -> memref<80xi32, #tpu.memory_space<vmem>>
        %dma_start3A_358 = arith.constant 0 : i32
        %dma_start3A_359 = arith.constant 0 : i32
        %dma_start3A_360 = tpu.memref_slice %arg3[%dma_start3A_358, %dma_start3A_359] : memref<20000x64xf32, #tpu.memory_space<hbm>> -> memref<20000x64xf32, #tpu.memory_space<hbm>>
        tpu.enqueue_indirect_dma source(%dma_start3A_360 : memref<20000x64xf32, #tpu.memory_space<hbm>>) target(%arg11 : memref<80x64xf32, #tpu.memory_space<vmem>>) offsets(%dma_start3A_357 : memref<80xi32, #tpu.memory_space<vmem>>) semaphore(%arg21 : memref<!tpu.dma_semaphore, #tpu.memory_space<semaphore_mem>>)
      } else {
      }
      %mul3A_203 = arith.constant 5 : i32
      %mul3A_204 = arith.muli %scan3A_72, %mul3A_203 : i32
      %add3A_205 = arith.constant 4 : i32
      %add3A_206 = arith.addi %mul3A_204, %add3A_205 : i32
      %dma_wait3A_207 = arith.constant 0 : i32
      %dma_wait3A_208 = tpu.memref_slice %arg6[%add3A_206, %dma_wait3A_207] : memref<250x80xi32, #tpu.memory_space<vmem>> -> memref<1x80xi32, #tpu.memory_space<vmem>>
      %dma_wait3A_209 = tpu.memref_squeeze %dma_wait3A_208 : memref<1x80xi32, #tpu.memory_space<vmem>> -> memref<80xi32, #tpu.memory_space<vmem>>
      %dma_wait3A_210 = arith.constant 0 : i32
      %dma_wait3A_211 = arith.constant 0 : i32
      %dma_wait3A_212 = tpu.memref_slice %arg3[%dma_wait3A_210, %dma_wait3A_211] : memref<20000x64xf32, #tpu.memory_space<hbm>> -> memref<20000x64xf32, #tpu.memory_space<hbm>>
      tpu.wait_indirect_dma semaphore(%arg22 : memref<!tpu.dma_semaphore, #tpu.memory_space<semaphore_mem>>) src(%dma_wait3A_212 : memref<20000x64xf32, #tpu.memory_space<hbm>>) dst(%arg12 : memref<80x64xf32, #tpu.memory_space<vmem>>)
      %jit3A_213 = arith.constant 2 : i32
      %eq3A_214 = arith.constant 0 : i32
      %eq3A_215 = arith.cmpi eq, %jit3A_213, %eq3A_214 : i32
      %jit3A_216 = arith.constant 1 : i32
      %select_n3A_217 = arith.select %eq3A_215, %jit3A_216, %jit3A_213 : i32
      %rem3A_218 = arith.remsi %add3A_206, %select_n3A_217 : i32
      %ne3A_219 = arith.constant 0 : i32
      %ne3A_220 = arith.cmpi ne, %rem3A_218, %ne3A_219 : i32
      %lt3A_221 = arith.constant 0 : i32
      %lt3A_222 = arith.cmpi slt, %rem3A_218, %lt3A_221 : i32
      %lt3A_223 = arith.constant 0 : i32
      %lt3A_224 = arith.cmpi slt, %select_n3A_217, %lt3A_223 : i32
      %ne3A_225 = arith.xori %lt3A_222, %lt3A_224 : i1
      %and3A_226 = arith.andi %ne3A_225, %ne3A_220 : i1
      %add3A_227 = arith.addi %rem3A_218, %select_n3A_217 : i32
      %select_n3A_228 = arith.select %and3A_226, %add3A_227, %rem3A_218 : i32
      %eq3A_229 = arith.cmpi eq, %arg0, %select_n3A_228 : i32
      %convert_element_type3A_230 = arith.extui %eq3A_229 : i1 to i32
      %cond3A_231 = arith.constant 0 : i32
      %cond3A_232 = arith.cmpi ne, %convert_element_type3A_230, %cond3A_231 : i32
      scf.if %cond3A_232 {
        "tpu.region"() ({
          %run_scoped3A = tpu.sem_alloc : memref<!tpu.dma_semaphore, #tpu.memory_space<semaphore_mem>>
          %dma_start3A_239 = arith.constant 0 : i32
          %dma_start3A_240 = tpu.memref_slice %arg7[%add3A_206, %dma_start3A_239] : memref<250x80xi32, #tpu.memory_space<vmem>> -> memref<1x80xi32, #tpu.memory_space<vmem>>
          %dma_start3A_241 = tpu.memref_squeeze %dma_start3A_240 : memref<1x80xi32, #tpu.memory_space<vmem>> -> memref<80xi32, #tpu.memory_space<vmem>>
          %dma_start3A_242 = arith.constant 0 : i32
          %dma_start3A_243 = arith.constant 0 : i32
          %dma_start3A_244 = tpu.memref_slice %arg17[%dma_start3A_242, %dma_start3A_243] : memref<10240x16xf32, #tpu.memory_space<vmem_shared>> -> memref<10240x16xf32, #tpu.memory_space<vmem_shared>>
          tpu.enqueue_indirect_dma source(%arg13 : memref<80x16xf32, #tpu.memory_space<vmem>>) target(%dma_start3A_244 : memref<10240x16xf32, #tpu.memory_space<vmem_shared>>) offsets(%dma_start3A_241 : memref<80xi32, #tpu.memory_space<vmem>>) semaphore(%run_scoped3A : memref<!tpu.dma_semaphore, #tpu.memory_space<semaphore_mem>>) {add = true}
          %dma_wait3A_245 = arith.constant 0 : i32
          %dma_wait3A_246 = tpu.memref_slice %arg7[%add3A_206, %dma_wait3A_245] : memref<250x80xi32, #tpu.memory_space<vmem>> -> memref<1x80xi32, #tpu.memory_space<vmem>>
          %dma_wait3A_247 = tpu.memref_squeeze %dma_wait3A_246 : memref<1x80xi32, #tpu.memory_space<vmem>> -> memref<80xi32, #tpu.memory_space<vmem>>
          %dma_wait3A_248 = arith.constant 0 : i32
          %dma_wait3A_249 = arith.constant 0 : i32
          %dma_wait3A_250 = tpu.memref_slice %arg17[%dma_wait3A_248, %dma_wait3A_249] : memref<10240x16xf32, #tpu.memory_space<vmem_shared>> -> memref<10240x16xf32, #tpu.memory_space<vmem_shared>>
          tpu.wait_indirect_dma semaphore(%run_scoped3A : memref<!tpu.dma_semaphore, #tpu.memory_space<semaphore_mem>>) src(%arg13 : memref<80x16xf32, #tpu.memory_space<vmem>>) dst(%dma_wait3A_250 : memref<10240x16xf32, #tpu.memory_space<vmem_shared>>)
          tpu.yield
        }) : () -> ()
      } else {
      }
      "tpu.region"() ({
        %run_scoped3A = tpu.sem_alloc : memref<!tpu.dma_semaphore, #tpu.memory_space<semaphore_mem>>
        %dma_start3A_239 = arith.constant 0 : i32
        %dma_start3A_240 = tpu.memref_slice %arg7[%add3A_206, %dma_start3A_239] : memref<250x80xi32, #tpu.memory_space<vmem>> -> memref<1x80xi32, #tpu.memory_space<vmem>>
        %dma_start3A_241 = tpu.memref_squeeze %dma_start3A_240 : memref<1x80xi32, #tpu.memory_space<vmem>> -> memref<80xi32, #tpu.memory_space<vmem>>
        %dma_start3A_242 = arith.constant 0 : i32
        %dma_start3A_243 = arith.constant 0 : i32
        %dma_start3A_244 = tpu.memref_slice %arg16[%dma_start3A_242, %dma_start3A_243] : memref<10240x64xf32, #tpu.memory_space<vmem_shared>> -> memref<10240x64xf32, #tpu.memory_space<vmem_shared>>
        tpu.enqueue_indirect_dma source(%arg12 : memref<80x64xf32, #tpu.memory_space<vmem>>) target(%dma_start3A_244 : memref<10240x64xf32, #tpu.memory_space<vmem_shared>>) offsets(%dma_start3A_241 : memref<80xi32, #tpu.memory_space<vmem>>) semaphore(%run_scoped3A : memref<!tpu.dma_semaphore, #tpu.memory_space<semaphore_mem>>) {add = true}
        %dma_wait3A_245 = arith.constant 0 : i32
        %dma_wait3A_246 = tpu.memref_slice %arg7[%add3A_206, %dma_wait3A_245] : memref<250x80xi32, #tpu.memory_space<vmem>> -> memref<1x80xi32, #tpu.memory_space<vmem>>
        %dma_wait3A_247 = tpu.memref_squeeze %dma_wait3A_246 : memref<1x80xi32, #tpu.memory_space<vmem>> -> memref<80xi32, #tpu.memory_space<vmem>>
        %dma_wait3A_248 = arith.constant 0 : i32
        %dma_wait3A_249 = arith.constant 0 : i32
        %dma_wait3A_250 = tpu.memref_slice %arg16[%dma_wait3A_248, %dma_wait3A_249] : memref<10240x64xf32, #tpu.memory_space<vmem_shared>> -> memref<10240x64xf32, #tpu.memory_space<vmem_shared>>
        tpu.wait_indirect_dma semaphore(%run_scoped3A : memref<!tpu.dma_semaphore, #tpu.memory_space<semaphore_mem>>) src(%arg12 : memref<80x64xf32, #tpu.memory_space<vmem>>) dst(%dma_wait3A_250 : memref<10240x64xf32, #tpu.memory_space<vmem_shared>>)
        tpu.yield
      }) : () -> ()
      %lt3A_233 = arith.constant 49 : i32
      %lt3A_234 = arith.cmpi slt, %scan3A_72, %lt3A_233 : i32
      %convert_element_type3A_235 = arith.extui %lt3A_234 : i1 to i32
      %cond3A_236 = arith.constant 0 : i32
      %cond3A_237 = arith.cmpi ne, %convert_element_type3A_235, %cond3A_236 : i32
      scf.if %cond3A_237 {
        %add3A_239 = arith.constant 5 : i32
        %add3A_240 = arith.addi %add3A_206, %add3A_239 : i32
        %get3A = arith.index_cast %add3A_240 : i32 to index
        %get3A_241 = arith.constant 0 : index
        %get3A_242 = tpu.vector_load %arg7[%get3A, %get3A_241] {strides = array<i32>} : memref<250x80xi32, #tpu.memory_space<vmem>>, vector<1x16xi32>,
        %get3A_243 = vector.shape_cast %get3A_242 : vector<1x16xi32> to vector<16xi32>
        %and3A_244 = arith.constant 65535 : i32
        %and3A_245 = vector.broadcast %and3A_244 : i32 to vector<16xi32>
        %and3A_246 = arith.andi %get3A_243, %and3A_245 : vector<16xi32>
        %add3A_247 = arith.addi %and3A_246, %and3A_246 : vector<16xi32>
        %add3A_248 = vector.broadcast %arg0 : i32 to vector<16xi32>
        %add3A_249 = arith.addi %add3A_247, %add3A_248 : vector<16xi32>
        %swap3A = arith.index_cast %add3A_240 : i32 to index
        %swap3A_250 = arith.constant 0 : index
        %swap3A_251 = tpu.vector_load %arg6[%swap3A, %swap3A_250] {strides = array<i32>} : memref<250x80xi32, #tpu.memory_space<vmem>>, vector<1x16xi32>,
        %swap3A_252 = vector.shape_cast %swap3A_251 : vector<1x16xi32> to vector<16xi32>
        %swap3A_253 = vector.shape_cast %add3A_249 : vector<16xi32> to vector<1x16xi32>
        tpu.vector_store %arg6[%swap3A, %swap3A_250], %swap3A_253 {strides = array<i32>} : memref<250x80xi32, #tpu.memory_space<vmem>>, vector<1x16xi32>,
        %shift_right_arithmetic3A = arith.constant 16 : i32
        %shift_right_arithmetic3A_254 = vector.broadcast %shift_right_arithmetic3A : i32 to vector<16xi32>
        %shift_right_arithmetic3A_255 = arith.shrsi %get3A_243, %shift_right_arithmetic3A_254 : vector<16xi32>
        %swap3A_256 = arith.index_cast %add3A_240 : i32 to index
        %swap3A_257 = arith.constant 0 : index
        %swap3A_258 = tpu.vector_load %arg7[%swap3A_256, %swap3A_257] {strides = array<i32>} : memref<250x80xi32, #tpu.memory_space<vmem>>, vector<1x16xi32>,
        %swap3A_259 = vector.shape_cast %swap3A_258 : vector<1x16xi32> to vector<16xi32>
        %swap3A_260 = vector.shape_cast %shift_right_arithmetic3A_255 : vector<16xi32> to vector<1x16xi32>
        tpu.vector_store %arg7[%swap3A_256, %swap3A_257], %swap3A_260 {strides = array<i32>} : memref<250x80xi32, #tpu.memory_space<vmem>>, vector<1x16xi32>,
        %get3A_261 = arith.index_cast %add3A_240 : i32 to index
        %get3A_262 = arith.constant 16 : index
        %get3A_263 = tpu.vector_load %arg7[%get3A_261, %get3A_262] {strides = array<i32>} : memref<250x80xi32, #tpu.memory_space<vmem>>, vector<1x16xi32>,
        %get3A_264 = vector.shape_cast %get3A_263 : vector<1x16xi32> to vector<16xi32>
        %and3A_265 = arith.constant 65535 : i32
        %and3A_266 = vector.broadcast %and3A_265 : i32 to vector<16xi32>
        %and3A_267 = arith.andi %get3A_264, %and3A_266 : vector<16xi32>
        %add3A_268 = arith.addi %and3A_267, %and3A_267 : vector<16xi32>
        %add3A_269 = vector.broadcast %arg0 : i32 to vector<16xi32>
        %add3A_270 = arith.addi %add3A_268, %add3A_269 : vector<16xi32>
        %swap3A_271 = arith.index_cast %add3A_240 : i32 to index
        %swap3A_272 = arith.constant 16 : index
        %swap3A_273 = tpu.vector_load %arg6[%swap3A_271, %swap3A_272] {strides = array<i32>} : memref<250x80xi32, #tpu.memory_space<vmem>>, vector<1x16xi32>,
        %swap3A_274 = vector.shape_cast %swap3A_273 : vector<1x16xi32> to vector<16xi32>
        %swap3A_275 = vector.shape_cast %add3A_270 : vector<16xi32> to vector<1x16xi32>
        tpu.vector_store %arg6[%swap3A_271, %swap3A_272], %swap3A_275 {strides = array<i32>} : memref<250x80xi32, #tpu.memory_space<vmem>>, vector<1x16xi32>,
        %shift_right_arithmetic3A_276 = arith.constant 16 : i32
        %shift_right_arithmetic3A_277 = vector.broadcast %shift_right_arithmetic3A_276 : i32 to vector<16xi32>
        %shift_right_arithmetic3A_278 = arith.shrsi %get3A_264, %shift_right_arithmetic3A_277 : vector<16xi32>
        %swap3A_279 = arith.index_cast %add3A_240 : i32 to index
        %swap3A_280 = arith.constant 16 : index
        %swap3A_281 = tpu.vector_load %arg7[%swap3A_279, %swap3A_280] {strides = array<i32>} : memref<250x80xi32, #tpu.memory_space<vmem>>, vector<1x16xi32>,
        %swap3A_282 = vector.shape_cast %swap3A_281 : vector<1x16xi32> to vector<16xi32>
        %swap3A_283 = vector.shape_cast %shift_right_arithmetic3A_278 : vector<16xi32> to vector<1x16xi32>
        tpu.vector_store %arg7[%swap3A_279, %swap3A_280], %swap3A_283 {strides = array<i32>} : memref<250x80xi32, #tpu.memory_space<vmem>>, vector<1x16xi32>,
        %get3A_284 = arith.index_cast %add3A_240 : i32 to index
        %get3A_285 = arith.constant 32 : index
        %get3A_286 = tpu.vector_load %arg7[%get3A_284, %get3A_285] {strides = array<i32>} : memref<250x80xi32, #tpu.memory_space<vmem>>, vector<1x16xi32>,
        %get3A_287 = vector.shape_cast %get3A_286 : vector<1x16xi32> to vector<16xi32>
        %and3A_288 = arith.constant 65535 : i32
        %and3A_289 = vector.broadcast %and3A_288 : i32 to vector<16xi32>
        %and3A_290 = arith.andi %get3A_287, %and3A_289 : vector<16xi32>
        %add3A_291 = arith.addi %and3A_290, %and3A_290 : vector<16xi32>
        %add3A_292 = vector.broadcast %arg0 : i32 to vector<16xi32>
        %add3A_293 = arith.addi %add3A_291, %add3A_292 : vector<16xi32>
        %swap3A_294 = arith.index_cast %add3A_240 : i32 to index
        %swap3A_295 = arith.constant 32 : index
        %swap3A_296 = tpu.vector_load %arg6[%swap3A_294, %swap3A_295] {strides = array<i32>} : memref<250x80xi32, #tpu.memory_space<vmem>>, vector<1x16xi32>,
        %swap3A_297 = vector.shape_cast %swap3A_296 : vector<1x16xi32> to vector<16xi32>
        %swap3A_298 = vector.shape_cast %add3A_293 : vector<16xi32> to vector<1x16xi32>
        tpu.vector_store %arg6[%swap3A_294, %swap3A_295], %swap3A_298 {strides = array<i32>} : memref<250x80xi32, #tpu.memory_space<vmem>>, vector<1x16xi32>,
        %shift_right_arithmetic3A_299 = arith.constant 16 : i32
        %shift_right_arithmetic3A_300 = vector.broadcast %shift_right_arithmetic3A_299 : i32 to vector<16xi32>
        %shift_right_arithmetic3A_301 = arith.shrsi %get3A_287, %shift_right_arithmetic3A_300 : vector<16xi32>
        %swap3A_302 = arith.index_cast %add3A_240 : i32 to index
        %swap3A_303 = arith.constant 32 : index
        %swap3A_304 = tpu.vector_load %arg7[%swap3A_302, %swap3A_303] {strides = array<i32>} : memref<250x80xi32, #tpu.memory_space<vmem>>, vector<1x16xi32>,
        %swap3A_305 = vector.shape_cast %swap3A_304 : vector<1x16xi32> to vector<16xi32>
        %swap3A_306 = vector.shape_cast %shift_right_arithmetic3A_301 : vector<16xi32> to vector<1x16xi32>
        tpu.vector_store %arg7[%swap3A_302, %swap3A_303], %swap3A_306 {strides = array<i32>} : memref<250x80xi32, #tpu.memory_space<vmem>>, vector<1x16xi32>,
        %get3A_307 = arith.index_cast %add3A_240 : i32 to index
        %get3A_308 = arith.constant 48 : index
        %get3A_309 = tpu.vector_load %arg7[%get3A_307, %get3A_308] {strides = array<i32>} : memref<250x80xi32, #tpu.memory_space<vmem>>, vector<1x16xi32>,
        %get3A_310 = vector.shape_cast %get3A_309 : vector<1x16xi32> to vector<16xi32>
        %and3A_311 = arith.constant 65535 : i32
        %and3A_312 = vector.broadcast %and3A_311 : i32 to vector<16xi32>
        %and3A_313 = arith.andi %get3A_310, %and3A_312 : vector<16xi32>
        %add3A_314 = arith.addi %and3A_313, %and3A_313 : vector<16xi32>
        %add3A_315 = vector.broadcast %arg0 : i32 to vector<16xi32>
        %add3A_316 = arith.addi %add3A_314, %add3A_315 : vector<16xi32>
        %swap3A_317 = arith.index_cast %add3A_240 : i32 to index
        %swap3A_318 = arith.constant 48 : index
        %swap3A_319 = tpu.vector_load %arg6[%swap3A_317, %swap3A_318] {strides = array<i32>} : memref<250x80xi32, #tpu.memory_space<vmem>>, vector<1x16xi32>,
        %swap3A_320 = vector.shape_cast %swap3A_319 : vector<1x16xi32> to vector<16xi32>
        %swap3A_321 = vector.shape_cast %add3A_316 : vector<16xi32> to vector<1x16xi32>
        tpu.vector_store %arg6[%swap3A_317, %swap3A_318], %swap3A_321 {strides = array<i32>} : memref<250x80xi32, #tpu.memory_space<vmem>>, vector<1x16xi32>,
        %shift_right_arithmetic3A_322 = arith.constant 16 : i32
        %shift_right_arithmetic3A_323 = vector.broadcast %shift_right_arithmetic3A_322 : i32 to vector<16xi32>
        %shift_right_arithmetic3A_324 = arith.shrsi %get3A_310, %shift_right_arithmetic3A_323 : vector<16xi32>
        %swap3A_325 = arith.index_cast %add3A_240 : i32 to index
        %swap3A_326 = arith.constant 48 : index
        %swap3A_327 = tpu.vector_load %arg7[%swap3A_325, %swap3A_326] {strides = array<i32>} : memref<250x80xi32, #tpu.memory_space<vmem>>, vector<1x16xi32>,
        %swap3A_328 = vector.shape_cast %swap3A_327 : vector<1x16xi32> to vector<16xi32>
        %swap3A_329 = vector.shape_cast %shift_right_arithmetic3A_324 : vector<16xi32> to vector<1x16xi32>
        tpu.vector_store %arg7[%swap3A_325, %swap3A_326], %swap3A_329 {strides = array<i32>} : memref<250x80xi32, #tpu.memory_space<vmem>>, vector<1x16xi32>,
        %get3A_330 = arith.index_cast %add3A_240 : i32 to index
        %get3A_331 = arith.constant 64 : index
        %get3A_332 = tpu.vector_load %arg7[%get3A_330, %get3A_331] {strides = array<i32>} : memref<250x80xi32, #tpu.memory_space<vmem>>, vector<1x16xi32>,
        %get3A_333 = vector.shape_cast %get3A_332 : vector<1x16xi32> to vector<16xi32>
        %and3A_334 = arith.constant 65535 : i32
        %and3A_335 = vector.broadcast %and3A_334 : i32 to vector<16xi32>
        %and3A_336 = arith.andi %get3A_333, %and3A_335 : vector<16xi32>
        %add3A_337 = arith.addi %and3A_336, %and3A_336 : vector<16xi32>
        %add3A_338 = vector.broadcast %arg0 : i32 to vector<16xi32>
        %add3A_339 = arith.addi %add3A_337, %add3A_338 : vector<16xi32>
        %swap3A_340 = arith.index_cast %add3A_240 : i32 to index
        %swap3A_341 = arith.constant 64 : index
        %swap3A_342 = tpu.vector_load %arg6[%swap3A_340, %swap3A_341] {strides = array<i32>} : memref<250x80xi32, #tpu.memory_space<vmem>>, vector<1x16xi32>,
        %swap3A_343 = vector.shape_cast %swap3A_342 : vector<1x16xi32> to vector<16xi32>
        %swap3A_344 = vector.shape_cast %add3A_339 : vector<16xi32> to vector<1x16xi32>
        tpu.vector_store %arg6[%swap3A_340, %swap3A_341], %swap3A_344 {strides = array<i32>} : memref<250x80xi32, #tpu.memory_space<vmem>>, vector<1x16xi32>,
        %shift_right_arithmetic3A_345 = arith.constant 16 : i32
        %shift_right_arithmetic3A_346 = vector.broadcast %shift_right_arithmetic3A_345 : i32 to vector<16xi32>
        %shift_right_arithmetic3A_347 = arith.shrsi %get3A_333, %shift_right_arithmetic3A_346 : vector<16xi32>
        %swap3A_348 = arith.index_cast %add3A_240 : i32 to index
        %swap3A_349 = arith.constant 64 : index
        %swap3A_350 = tpu.vector_load %arg7[%swap3A_348, %swap3A_349] {strides = array<i32>} : memref<250x80xi32, #tpu.memory_space<vmem>>, vector<1x16xi32>,
        %swap3A_351 = vector.shape_cast %swap3A_350 : vector<1x16xi32> to vector<16xi32>
        %swap3A_352 = vector.shape_cast %shift_right_arithmetic3A_347 : vector<16xi32> to vector<1x16xi32>
        tpu.vector_store %arg7[%swap3A_348, %swap3A_349], %swap3A_352 {strides = array<i32>} : memref<250x80xi32, #tpu.memory_space<vmem>>, vector<1x16xi32>,
        %add3A_353 = arith.constant 5 : i32
        %add3A_354 = arith.addi %add3A_206, %add3A_353 : i32
        %dma_start3A_355 = arith.constant 0 : i32
        %dma_start3A_356 = tpu.memref_slice %arg6[%add3A_354, %dma_start3A_355] : memref<250x80xi32, #tpu.memory_space<vmem>> -> memref<1x80xi32, #tpu.memory_space<vmem>>
        %dma_start3A_357 = tpu.memref_squeeze %dma_start3A_356 : memref<1x80xi32, #tpu.memory_space<vmem>> -> memref<80xi32, #tpu.memory_space<vmem>>
        %dma_start3A_358 = arith.constant 0 : i32
        %dma_start3A_359 = arith.constant 0 : i32
        %dma_start3A_360 = tpu.memref_slice %arg3[%dma_start3A_358, %dma_start3A_359] : memref<20000x64xf32, #tpu.memory_space<hbm>> -> memref<20000x64xf32, #tpu.memory_space<hbm>>
        tpu.enqueue_indirect_dma source(%dma_start3A_360 : memref<20000x64xf32, #tpu.memory_space<hbm>>) target(%arg12 : memref<80x64xf32, #tpu.memory_space<vmem>>) offsets(%dma_start3A_357 : memref<80xi32, #tpu.memory_space<vmem>>) semaphore(%arg22 : memref<!tpu.dma_semaphore, #tpu.memory_space<semaphore_mem>>)
      } else {
      }
      %scan3A_238 = arith.constant 0 : i32
      scf.yield %scan3A_238 : i32
    }
    %scan3A_67 = arith.constant 50 : i32
    %barrier3A_68 = arith.constant 0 : index
    tpu.barrier barrier_id(%barrier3A_68)
    %mul3A = arith.constant 640 : i32
    %mul3A_69 = arith.muli %arg1, %mul3A : i32
    %mul3A_70 = arith.constant 64 : i32
    %mul3A_71 = arith.muli %arg0, %mul3A_70 : i32
    "tpu.region"() ({
      %run_scoped3A = tpu.sem_alloc : memref<!tpu.dma_semaphore, #tpu.memory_space<semaphore_mem>>
      %dma_start3A_72 = tpu.memref_slice %arg4[%mul3A_69, %mul3A_71] : memref<10240x128xf32, #tpu.memory_space<hbm>> -> memref<640x64xf32, #tpu.memory_space<hbm>>
      %dma_start3A_73 = arith.constant 0 : i32
      %dma_start3A_74 = tpu.memref_slice %arg16[%mul3A_69, %dma_start3A_73] : memref<10240x64xf32, #tpu.memory_space<vmem_shared>> -> memref<640x64xf32, #tpu.memory_space<vmem_shared>>
      tpu.enqueue_dma source(%dma_start3A_74 : memref<640x64xf32, #tpu.memory_space<vmem_shared>>) target(%dma_start3A_72 : memref<640x64xf32, #tpu.memory_space<hbm>>) target_semaphore(%run_scoped3A : memref<!tpu.dma_semaphore, #tpu.memory_space<semaphore_mem>>)
      %dma_wait3A = tpu.memref_slice %arg4[%mul3A_69, %mul3A_71] : memref<10240x128xf32, #tpu.memory_space<hbm>> -> memref<640x64xf32, #tpu.memory_space<hbm>>
      %dma_wait3A_75 = arith.constant 0 : i32
      %dma_wait3A_76 = tpu.memref_slice %arg16[%mul3A_69, %dma_wait3A_75] : memref<10240x64xf32, #tpu.memory_space<vmem_shared>> -> memref<640x64xf32, #tpu.memory_space<vmem_shared>>
      tpu.wait_dma2 semaphore(%run_scoped3A : memref<!tpu.dma_semaphore, #tpu.memory_space<semaphore_mem>>) src(%dma_wait3A_76 : memref<640x64xf32, #tpu.memory_space<vmem_shared>>) dst(%dma_wait3A : memref<640x64xf32, #tpu.memory_space<hbm>>)
      tpu.yield
    }) : () -> ()
    "tpu.region"() ({
      %run_scoped3A = tpu.sem_alloc : memref<!tpu.dma_semaphore, #tpu.memory_space<semaphore_mem>>
      %dma_start3A_72 = arith.constant 0 : i32
      %dma_start3A_73 = tpu.memref_slice %arg5[%arg0, %mul3A_69, %dma_start3A_72] : memref<2x10240x16xf32, #tpu.memory_space<hbm>> -> memref<1x640x16xf32, #tpu.memory_space<hbm>>
      %dma_start3A_74 = tpu.memref_squeeze %dma_start3A_73 : memref<1x640x16xf32, #tpu.memory_space<hbm>> -> memref<640x16xf32, #tpu.memory_space<hbm>>
      %dma_start3A_75 = arith.constant 0 : i32
      %dma_start3A_76 = tpu.memref_slice %arg17[%mul3A_69, %dma_start3A_75] : memref<10240x16xf32, #tpu.memory_space<vmem_shared>> -> memref<640x16xf32, #tpu.memory_space<vmem_shared>>
      tpu.enqueue_dma source(%dma_start3A_76 : memref<640x16xf32, #tpu.memory_space<vmem_shared>>) target(%dma_start3A_74 : memref<640x16xf32, #tpu.memory_space<hbm>>) target_semaphore(%run_scoped3A : memref<!tpu.dma_semaphore, #tpu.memory_space<semaphore_mem>>)
      %dma_wait3A = arith.constant 0 : i32
      %dma_wait3A_77 = tpu.memref_slice %arg5[%arg0, %mul3A_69, %dma_wait3A] : memref<2x10240x16xf32, #tpu.memory_space<hbm>> -> memref<1x640x16xf32, #tpu.memory_space<hbm>>
      %dma_wait3A_78 = tpu.memref_squeeze %dma_wait3A_77 : memref<1x640x16xf32, #tpu.memory_space<hbm>> -> memref<640x16xf32, #tpu.memory_space<hbm>>
      %dma_wait3A_79 = arith.constant 0 : i32
      %dma_wait3A_80 = tpu.memref_slice %arg17[%mul3A_69, %dma_wait3A_79] : memref<10240x16xf32, #tpu.memory_space<vmem_shared>> -> memref<640x16xf32, #tpu.memory_space<vmem_shared>>
      tpu.wait_dma2 semaphore(%run_scoped3A : memref<!tpu.dma_semaphore, #tpu.memory_space<semaphore_mem>>) src(%dma_wait3A_80 : memref<640x16xf32, #tpu.memory_space<vmem_shared>>) dst(%dma_wait3A_78 : memref<640x16xf32, #tpu.memory_space<hbm>>)
      tpu.yield
    }) : () -> ()
    return
  }
}

module attributes {stable_mosaic.version = 14 : i64} {
  func.func @_tc_self_body(%arg0: i32, %arg1: memref<400x128xf32, #tpu.memory_space<vmem>>, %arg2: memref<128x128xf32, #tpu.memory_space<vmem>>, %arg3: memref<400x128xf32, #tpu.memory_space<vmem>>) attributes {dimension_semantics = [#tpu.dimension_semantics<arbitrary>], iteration_bounds = array<i64: 25>, scalar_prefetch = 0 : i64, scratch_operands = 0 : i64, tpu.core_type = #tpu.core_type<tc>, window_params = [{transform_indices = @transform_0, window_bounds = array<i64: 400, 128>}, {pipeline_mode = #tpu.pipeline_mode<synchronous>, transform_indices = @transform_1, window_bounds = array<i64: 128, 128>}, {transform_indices = @transform_2, window_bounds = array<i64: 400, 128>}]} {
    %get3A = arith.constant 0 : index
    %get3A_0 = arith.constant 0 : index
    %get3A_1 = vector.load %arg1[%get3A, %get3A_0] : memref<400x128xf32, #tpu.memory_space<vmem>>, vector<400x128xf32>
    %get3A_2 = arith.constant 0 : index
    %get3A_3 = arith.constant 0 : index
    %get3A_4 = vector.load %arg2[%get3A_2, %get3A_3] : memref<128x128xf32, #tpu.memory_space<vmem>>, vector<128x128xf32>
    %dot_general3A = arith.constant dense<0.000000e+00> : vector<400x128xf32>
    %dot_general3A_5 = tpu.matmul %get3A_1, %get3A_4, %dot_general3A {dimension_numbers = #tpu.dot_dimension_numbers<[1], [0], [0], [1], [0, 0, 1, 1], [], []>, transpose_lhs_hint = false} : vector<400x128xf32>, vector<128x128xf32>, vector<400x128xf32> -> vector<400x128xf32>
    %swap3A = arith.constant 0 : index
    %swap3A_6 = arith.constant 0 : index
    %swap3A_7 = vector.load %arg3[%swap3A, %swap3A_6] : memref<400x128xf32, #tpu.memory_space<vmem>>, vector<400x128xf32>
    tpu.vector_store %arg3[%swap3A, %swap3A_6], %dot_general3A_5 {strides = array<i32>} : memref<400x128xf32, #tpu.memory_space<vmem>>, vector<400x128xf32>,
    return
  }
  func.func @transform_0(%arg0: i32) -> (i32, i32) {
    %c0_i32 = arith.constant 0 : i32
    %c0_i32_0 = arith.constant 0 : i32
    return %arg0, %c0_i32 : i32, i32
  }
  func.func @transform_1(%arg0: i32) -> (i32, i32) {
    %c0_i32 = arith.constant 0 : i32
    %c0_i32_0 = arith.constant 0 : i32
    %c0_i32_1 = arith.constant 0 : i32
    return %c0_i32, %c0_i32_0 : i32, i32
  }
  func.func @transform_2(%arg0: i32) -> (i32, i32) {
    %c0_i32 = arith.constant 0 : i32
    %c0_i32_0 = arith.constant 0 : i32
    return %arg0, %c0_i32 : i32, i32
  }
}

module attributes {stable_mosaic.version = 14 : i64} {
  func.func @_tc_combine_body(%arg0: i32, %arg1: memref<2000x128xf32, #tpu.memory_space<vmem>>, %arg2: memref<2000x128xf32, #tpu.memory_space<vmem>>, %arg3: memref<1x2000x16xf32, #tpu.memory_space<vmem>>, %arg4: memref<1x2000x16xf32, #tpu.memory_space<vmem>>, %arg5: memref<128x128xf32, #tpu.memory_space<vmem>>, %arg6: memref<2000x128xf32, #tpu.memory_space<vmem>>) attributes {dimension_semantics = [#tpu.dimension_semantics<arbitrary>], iteration_bounds = array<i64: 5>, scalar_prefetch = 0 : i64, scratch_operands = 0 : i64, tpu.core_type = #tpu.core_type<tc>, window_params = [{transform_indices = @transform_0, window_bounds = array<i64: 2000, 128>}, {transform_indices = @transform_1, window_bounds = array<i64: 2000, 128>}, {transform_indices = @transform_2, window_bounds = array<i64: 1, 2000, 16>}, {transform_indices = @transform_3, window_bounds = array<i64: 1, 2000, 16>}, {pipeline_mode = #tpu.pipeline_mode<synchronous>, transform_indices = @transform_4, window_bounds = array<i64: 128, 128>}, {transform_indices = @transform_5, window_bounds = array<i64: 2000, 128>}]} {
    %get3A = arith.constant 0 : index
    %get3A_0 = arith.constant 0 : index
    %get3A_1 = arith.constant 0 : index
    %get3A_2 = vector.load %arg3[%get3A, %get3A_0, %get3A_1] : memref<1x2000x16xf32, #tpu.memory_space<vmem>>, vector<1x2000x16xf32>
    %get3A_3 = vector.shape_cast %get3A_2 : vector<1x2000x16xf32> to vector<2000x16xf32>
    %get3A_4 = arith.constant 0 : index
    %get3A_5 = arith.constant 0 : index
    %get3A_6 = arith.constant 0 : index
    %get3A_7 = vector.load %arg4[%get3A_4, %get3A_5, %get3A_6] : memref<1x2000x16xf32, #tpu.memory_space<vmem>>, vector<1x2000x16xf32>
    %get3A_8 = vector.shape_cast %get3A_7 : vector<1x2000x16xf32> to vector<2000x16xf32>
    %add3A = arith.addf %get3A_3, %get3A_8 : vector<2000x16xf32>
    %reduce_sum3A = arith.constant dense<0.000000e+00> : vector<2000xf32>
    %reduce_sum3A_9 = vector.multi_reduction <add>, %add3A, %reduce_sum3A [1] : vector<2000x16xf32> to vector<2000xf32>
    %broadcast_in_dim3A = vector.shape_cast %reduce_sum3A_9 : vector<2000xf32> to vector<2000x1xf32>
    %max3A = arith.constant 1.600000e+01 : f32
    %max3A_10 = vector.broadcast %max3A : f32 to vector<2000x1xf32>
    %max3A_11 = arith.maximumf %broadcast_in_dim3A, %max3A_10 : vector<2000x1xf32>
    %div3A = arith.constant 1.600000e+01 : f32
    %div3A_12 = vector.broadcast %div3A : f32 to vector<2000x1xf32>
    %div3A_13 = arith.divf %div3A_12, %max3A_11 : vector<2000x1xf32>
    %get3A_14 = arith.constant 0 : index
    %get3A_15 = arith.constant 0 : index
    %get3A_16 = vector.load %arg2[%get3A_14, %get3A_15] : memref<2000x128xf32, #tpu.memory_space<vmem>>, vector<2000x128xf32>
    %mul3A = vector.broadcast %div3A_13 : vector<2000x1xf32> to vector<2000x128xf32>
    %mul3A_17 = arith.mulf %get3A_16, %mul3A : vector<2000x128xf32>
    %get3A_18 = arith.constant 0 : index
    %get3A_19 = arith.constant 0 : index
    %get3A_20 = vector.load %arg1[%get3A_18, %get3A_19] : memref<2000x128xf32, #tpu.memory_space<vmem>>, vector<2000x128xf32>
    %get3A_21 = arith.constant 0 : index
    %get3A_22 = arith.constant 0 : index
    %get3A_23 = vector.load %arg5[%get3A_21, %get3A_22] : memref<128x128xf32, #tpu.memory_space<vmem>>, vector<128x128xf32>
    %dot_general3A = arith.constant dense<0.000000e+00> : vector<2000x128xf32>
    %dot_general3A_24 = tpu.matmul %mul3A_17, %get3A_23, %dot_general3A {dimension_numbers = #tpu.dot_dimension_numbers<[1], [0], [0], [1], [0, 0, 1, 1], [], []>, transpose_lhs_hint = false} : vector<2000x128xf32>, vector<128x128xf32>, vector<2000x128xf32> -> vector<2000x128xf32>
    %add3A_25 = arith.addf %get3A_20, %dot_general3A_24 : vector<2000x128xf32>
    %max3A_26 = arith.constant 0.000000e+00 : f32
    %max3A_27 = vector.broadcast %max3A_26 : f32 to vector<2000x128xf32>
    %max3A_28 = arith.maximumf %add3A_25, %max3A_27 : vector<2000x128xf32>
    %swap3A = arith.constant 0 : index
    %swap3A_29 = arith.constant 0 : index
    %swap3A_30 = vector.load %arg6[%swap3A, %swap3A_29] : memref<2000x128xf32, #tpu.memory_space<vmem>>, vector<2000x128xf32>
    tpu.vector_store %arg6[%swap3A, %swap3A_29], %max3A_28 {strides = array<i32>} : memref<2000x128xf32, #tpu.memory_space<vmem>>, vector<2000x128xf32>,
    return
  }
  func.func @transform_0(%arg0: i32) -> (i32, i32) {
    %c0_i32 = arith.constant 0 : i32
    %c0_i32_0 = arith.constant 0 : i32
    return %arg0, %c0_i32 : i32, i32
  }
  func.func @transform_1(%arg0: i32) -> (i32, i32) {
    %c0_i32 = arith.constant 0 : i32
    %c0_i32_0 = arith.constant 0 : i32
    return %arg0, %c0_i32 : i32, i32
  }
  func.func @transform_2(%arg0: i32) -> (i32, i32, i32) {
    %c0_i32 = arith.constant 0 : i32
    %c0_i32_0 = arith.constant 0 : i32
    %c0_i32_1 = arith.constant 0 : i32
    return %c0_i32, %arg0, %c0_i32_0 : i32, i32, i32
  }
  func.func @transform_3(%arg0: i32) -> (i32, i32, i32) {
    %c1_i32 = arith.constant 1 : i32
    %c0_i32 = arith.constant 0 : i32
    %c0_i32_0 = arith.constant 0 : i32
    return %c1_i32, %arg0, %c0_i32 : i32, i32, i32
  }
  func.func @transform_4(%arg0: i32) -> (i32, i32) {
    %c0_i32 = arith.constant 0 : i32
    %c0_i32_0 = arith.constant 0 : i32
    %c0_i32_1 = arith.constant 0 : i32
    return %c0_i32, %c0_i32_0 : i32, i32
  }
  func.func @transform_5(%arg0: i32) -> (i32, i32) {
    %c0_i32 = arith.constant 0 : i32
    %c0_i32_0 = arith.constant 0 : i32
    return %arg0, %c0_i32 : i32, i32
  }
}

module attributes {stable_mosaic.version = 14 : i64} {
  func.func @_tc_combine_body(%arg0: i32, %arg1: memref<2000x128xf32, #tpu.memory_space<vmem>>, %arg2: memref<2000x128xf32, #tpu.memory_space<vmem>>, %arg3: memref<1x2000x16xf32, #tpu.memory_space<vmem>>, %arg4: memref<1x2000x16xf32, #tpu.memory_space<vmem>>, %arg5: memref<128x128xf32, #tpu.memory_space<vmem>>, %arg6: memref<2000x128xf32, #tpu.memory_space<vmem>>, %arg7: memref<1x128xf32, #tpu.memory_space<vmem>>) attributes {dimension_semantics = [#tpu.dimension_semantics<arbitrary>], iteration_bounds = array<i64: 5>, scalar_prefetch = 0 : i64, scratch_operands = 0 : i64, tpu.core_type = #tpu.core_type<tc>, window_params = [{transform_indices = @transform_0, window_bounds = array<i64: 2000, 128>}, {transform_indices = @transform_1, window_bounds = array<i64: 2000, 128>}, {transform_indices = @transform_2, window_bounds = array<i64: 1, 2000, 16>}, {transform_indices = @transform_3, window_bounds = array<i64: 1, 2000, 16>}, {pipeline_mode = #tpu.pipeline_mode<synchronous>, transform_indices = @transform_4, window_bounds = array<i64: 128, 128>}, {transform_indices = @transform_5, window_bounds = array<i64: 2000, 128>}, {pipeline_mode = #tpu.pipeline_mode<synchronous>, transform_indices = @transform_6, window_bounds = array<i64: 1, 128>}]} {
    %get3A = arith.constant 0 : index
    %get3A_0 = arith.constant 0 : index
    %get3A_1 = arith.constant 0 : index
    %get3A_2 = vector.load %arg3[%get3A, %get3A_0, %get3A_1] : memref<1x2000x16xf32, #tpu.memory_space<vmem>>, vector<1x2000x16xf32>
    %get3A_3 = vector.shape_cast %get3A_2 : vector<1x2000x16xf32> to vector<2000x16xf32>
    %get3A_4 = arith.constant 0 : index
    %get3A_5 = arith.constant 0 : index
    %get3A_6 = arith.constant 0 : index
    %get3A_7 = vector.load %arg4[%get3A_4, %get3A_5, %get3A_6] : memref<1x2000x16xf32, #tpu.memory_space<vmem>>, vector<1x2000x16xf32>
    %get3A_8 = vector.shape_cast %get3A_7 : vector<1x2000x16xf32> to vector<2000x16xf32>
    %add3A = arith.addf %get3A_3, %get3A_8 : vector<2000x16xf32>
    %reduce_sum3A = arith.constant dense<0.000000e+00> : vector<2000xf32>
    %reduce_sum3A_9 = vector.multi_reduction <add>, %add3A, %reduce_sum3A [1] : vector<2000x16xf32> to vector<2000xf32>
    %broadcast_in_dim3A = vector.shape_cast %reduce_sum3A_9 : vector<2000xf32> to vector<2000x1xf32>
    %max3A = arith.constant 1.600000e+01 : f32
    %max3A_10 = vector.broadcast %max3A : f32 to vector<2000x1xf32>
    %max3A_11 = arith.maximumf %broadcast_in_dim3A, %max3A_10 : vector<2000x1xf32>
    %div3A = arith.constant 1.600000e+01 : f32
    %div3A_12 = vector.broadcast %div3A : f32 to vector<2000x1xf32>
    %div3A_13 = arith.divf %div3A_12, %max3A_11 : vector<2000x1xf32>
    %get3A_14 = arith.constant 0 : index
    %get3A_15 = arith.constant 0 : index
    %get3A_16 = vector.load %arg2[%get3A_14, %get3A_15] : memref<2000x128xf32, #tpu.memory_space<vmem>>, vector<2000x128xf32>
    %mul3A = vector.broadcast %div3A_13 : vector<2000x1xf32> to vector<2000x128xf32>
    %mul3A_17 = arith.mulf %get3A_16, %mul3A : vector<2000x128xf32>
    %get3A_18 = arith.constant 0 : index
    %get3A_19 = arith.constant 0 : index
    %get3A_20 = vector.load %arg1[%get3A_18, %get3A_19] : memref<2000x128xf32, #tpu.memory_space<vmem>>, vector<2000x128xf32>
    %get3A_21 = arith.constant 0 : index
    %get3A_22 = arith.constant 0 : index
    %get3A_23 = vector.load %arg5[%get3A_21, %get3A_22] : memref<128x128xf32, #tpu.memory_space<vmem>>, vector<128x128xf32>
    %dot_general3A = arith.constant dense<0.000000e+00> : vector<2000x128xf32>
    %dot_general3A_24 = tpu.matmul %mul3A_17, %get3A_23, %dot_general3A {dimension_numbers = #tpu.dot_dimension_numbers<[1], [0], [0], [1], [0, 0, 1, 1], [], []>, transpose_lhs_hint = false} : vector<2000x128xf32>, vector<128x128xf32>, vector<2000x128xf32> -> vector<2000x128xf32>
    %add3A_25 = arith.addf %get3A_20, %dot_general3A_24 : vector<2000x128xf32>
    %swap3A = arith.constant 0 : index
    %swap3A_26 = arith.constant 0 : index
    %swap3A_27 = vector.load %arg6[%swap3A, %swap3A_26] : memref<2000x128xf32, #tpu.memory_space<vmem>>, vector<2000x128xf32>
    tpu.vector_store %arg6[%swap3A, %swap3A_26], %add3A_25 {strides = array<i32>} : memref<2000x128xf32, #tpu.memory_space<vmem>>, vector<2000x128xf32>,
    %reduce_max3A = arith.constant dense<0xFF800000> : vector<128xf32>
    %reduce_max3A_28 = vector.multi_reduction <maximumf>, %add3A_25, %reduce_max3A [0] : vector<2000x128xf32> to vector<128xf32>
    %broadcast_in_dim3A_29 = vector.shape_cast %reduce_max3A_28 : vector<128xf32> to vector<1x128xf32>
    %eq3A = arith.constant 0 : i32
    %eq3A_30 = arith.cmpi eq, %arg0, %eq3A : i32
    %convert_element_type3A = arith.extui %eq3A_30 : i1 to i32
    %cond3A = arith.constant 0 : i32
    %cond3A_31 = arith.cmpi ne, %convert_element_type3A, %cond3A : i32
    scf.if %cond3A_31 {
      %swap3A_36 = arith.constant 0 : index
      %swap3A_37 = arith.constant 0 : index
      %swap3A_38 = vector.load %arg7[%swap3A_36, %swap3A_37] : memref<1x128xf32, #tpu.memory_space<vmem>>, vector<1x128xf32>
      tpu.vector_store %arg7[%swap3A_36, %swap3A_37], %broadcast_in_dim3A_29 {strides = array<i32>} : memref<1x128xf32, #tpu.memory_space<vmem>>, vector<1x128xf32>,
    } else {
    }
    %gt3A = arith.constant 0 : i32
    %gt3A_32 = arith.cmpi sgt, %arg0, %gt3A : i32
    %convert_element_type3A_33 = arith.extui %gt3A_32 : i1 to i32
    %cond3A_34 = arith.constant 0 : i32
    %cond3A_35 = arith.cmpi ne, %convert_element_type3A_33, %cond3A_34 : i32
    scf.if %cond3A_35 {
      %get3A_36 = arith.constant 0 : index
      %get3A_37 = arith.constant 0 : index
      %get3A_38 = vector.load %arg7[%get3A_36, %get3A_37] : memref<1x128xf32, #tpu.memory_space<vmem>>, vector<1x128xf32>
      %max3A_39 = arith.maximumf %get3A_38, %broadcast_in_dim3A_29 : vector<1x128xf32>
      %swap3A_40 = arith.constant 0 : index
      %swap3A_41 = arith.constant 0 : index
      %swap3A_42 = vector.load %arg7[%swap3A_40, %swap3A_41] : memref<1x128xf32, #tpu.memory_space<vmem>>, vector<1x128xf32>
      tpu.vector_store %arg7[%swap3A_40, %swap3A_41], %max3A_39 {strides = array<i32>} : memref<1x128xf32, #tpu.memory_space<vmem>>, vector<1x128xf32>,
    } else {
    }
    return
  }
  func.func @transform_0(%arg0: i32) -> (i32, i32) {
    %c0_i32 = arith.constant 0 : i32
    %c0_i32_0 = arith.constant 0 : i32
    return %arg0, %c0_i32 : i32, i32
  }
  func.func @transform_1(%arg0: i32) -> (i32, i32) {
    %c0_i32 = arith.constant 0 : i32
    %c0_i32_0 = arith.constant 0 : i32
    return %arg0, %c0_i32 : i32, i32
  }
  func.func @transform_2(%arg0: i32) -> (i32, i32, i32) {
    %c0_i32 = arith.constant 0 : i32
    %c0_i32_0 = arith.constant 0 : i32
    %c0_i32_1 = arith.constant 0 : i32
    return %c0_i32, %arg0, %c0_i32_0 : i32, i32, i32
  }
  func.func @transform_3(%arg0: i32) -> (i32, i32, i32) {
    %c1_i32 = arith.constant 1 : i32
    %c0_i32 = arith.constant 0 : i32
    %c0_i32_0 = arith.constant 0 : i32
    return %c1_i32, %arg0, %c0_i32 : i32, i32, i32
  }
  func.func @transform_4(%arg0: i32) -> (i32, i32) {
    %c0_i32 = arith.constant 0 : i32
    %c0_i32_0 = arith.constant 0 : i32
    %c0_i32_1 = arith.constant 0 : i32
    return %c0_i32, %c0_i32_0 : i32, i32
  }
  func.func @transform_5(%arg0: i32) -> (i32, i32) {
    %c0_i32 = arith.constant 0 : i32
    %c0_i32_0 = arith.constant 0 : i32
    return %arg0, %c0_i32 : i32, i32
  }
  func.func @transform_6(%arg0: i32) -> (i32, i32) {
    %c0_i32 = arith.constant 0 : i32
    %c0_i32_0 = arith.constant 0 : i32
    %c0_i32_1 = arith.constant 0 : i32
    return %c0_i32, %c0_i32_0 : i32, i32
  }
}

</mosaic_0001>

<sc_bundles>
// kernel: kernel.11.cloned.1.call-start
scs
__scs_entry_jumppad:
0x0: {  	(pc) =	sbr.rel $0x88, $3  }
0x1: {  	(tag) =	ssettag $0x0;
	lr =	simm.s32 $0x1  }
0x2: {  	[smem:$0x3F9B] =	sst lr;
	_ =	strace $0xD0000000  }
0x3: {  	_ = 	snop  }
0x4: {  	_ = 	snop  }
0x5: {  	_ = 	snop  }
0x6: {  	_ = 	snop  }
0x7: {  	_ = 	snop  }
__scs_overlays_trampoline_lowered:
0x8: {  	[smem:$0x3FAA] =	sst s0  }
0x9: {  	[smem:$0x3FAB] =	sst s1  }
0xa: {  	[smem:$0x3FAC] =	sst s2  }
0xb: {  	[smem:$0x3FAD] =	sst s3  }
0xc: {  	[smem:$0x3FAE] =	sst s4  }
0xd: {  	[smem:$0x3FAF] =	sst s5  }
0xe: {  	[smem:$0x3FB0] =	sst s6  }
0xf: {  	[smem:$0x3FB1] =	sst s7  }
0x10: {  	[smem:$0x3FB2] =	sst s8  }
0x11: {  	[smem:$0x3FB3] =	sst s9;
	s0 =	simm.s32 @!p0 $0x0  }
0x12: {  	s1 =	sld [smem:$0x3F99];
	s0 =	simm.s32 @p0 $0x1  }
0x13: {  	[smem:$0x3FB4] =	sst s0;
	s0 =	simm.s32 @!p1 $0x0  }
0x14: {  	s2 =	sld [smem:$0x3F98];
	s0 =	simm.s32 @p1 $0x1  }
0x15: {  	[smem:$0x3FB5] =	sst s0;
	s0 =	simm.s32 @!p2 $0x0  }
0x16: {  	s3 =	sld [smem:$0x3FDB];
	s0 =	simm.s32 @p2 $0x1  }
0x17: {  	s4 =	simm.s32 $0x1BF5;
	[smem:$0x3FB7] =	sst s0  }
0x18: {  	s0 =	sld [smem:$0x3F9A];
	_ =	swait.ge [sflag:s4], $0x0  }
0x19: {  	s7 =	sld [smem:$0x3F9B]  }
0x1a: {  	s8 =	sadd.s32 $0xFFFFE003, lr  }
0x1b: {  	s9 =	sadd.s32 $0xFFFFFEF7, lr;
	s5 =	simm.s32 $0xFFFFFFFF;
	p2 =	slt.u32 s8, $0xFFFFF086  }
0x1c: {  	p1 =	slt.u32 s9, $0xF7A;
	s5 =	simm.s32 @!p2 $0x0  }
0x1d: {  	s5 =	simm.s32 @p1 $0x1;
	p0 =	seq.s32 s7, s2  }
0x1e: {  	s7 =	smul.u32 @!p0 $0xF7A, s2;
	p2 =	seq.s32 @!p0 s5, $0x0  }
0x1f: {  	s9 =	smul.u32 $0xF7A, s1;
	s8 =	simm.s32 @!p0 $0x1BF5;
	p2 =	por !p2, p0  }
0x20: {  	[sflag:s8] =	ssyncset.s32 @!p0 $0xFFFFF086;
	s6 =	sadd.s32 @!p0 s3, s7;
	s7 =	simm.s32 @!p0 $0x108  }
0x21: {  	s3 =	sadd.s32 s3, s9;
	s6 =	sadd.s32 @!p0 $0x88, s6;
	s7 =	simm.s32 @p2 $0x1082  }
0x22: {  	[simem:s7], [sflag:s8] =	dma.local @!p0 [hbm:s6], $0xF7A  }
0x23: {  	s9 =	sor.u32 $0xD0000000, s2;
	s6 =	simm.s32 $0x108;
	_ =	swait.ge @!p0 [sflag:s8], $0x0  }
0x24: {  	s3 =	sadd.s32 $0x88, s3;
	s6 =	simm.s32 @!p1 $0x1082;
	[sflag:s4] =	ssyncset.s32 $0xFFFFF086  }
0x25: {  	[simem:s6], [sflag:s4] =	dma.local [hbm:s3], $0xF7A  }
0x26: {  	[smem:$0x3F9B] =	sst s1;
	(tag) =	ssettag s2;
	_ =	strace s9  }
0x27: {  	s1 =	sld [smem:$0x3FAB]  }
0x28: {  	s2 =	sld [smem:$0x3FAC]  }
0x29: {  	s4 =	sld [smem:$0x3FAE]  }
0x2a: {  	p0 =	seq.s32 s5, $0x0;
	s5 =	sld [smem:$0x3FAF]  }
0x2b: {  	s6 =	sld [smem:$0x3FB0]  }
0x2c: {  	s7 =	sld [smem:$0x3FB1]  }
0x2d: {  	s3 =	simm.s32 $0x108;
	s8 =	sld [smem:$0x3FB2]  }
0x2e: {  	s3 =	simm.s32 @!p0 $0x1082;
	s9 =	sld [smem:$0x3FB3]  }
0x2f: {  	lr =	sadd.s32 s0, s3;
	s0 =	sld [smem:$0x3FAA]  }
0x30: {  	s3 =	sld [smem:$0x3FAD]  }
0x31: {  	[smem:$0x3FB6] =	sst s10  }
0x32: {  	s10 =	sld [smem:$0x3FB4];
	_ =	sdelay $0x3  }
0x33: {  	p0 =	seq.s32 s10, $0x1;
	s10 =	sld [smem:$0x3FB6];
	_ =	sdelay $0x3  }
0x34: {  	[smem:$0x3FB6] =	sst s10  }
0x35: {  	s10 =	sld [smem:$0x3FB5];
	_ =	sdelay $0x3  }
0x36: {  	p1 =	seq.s32 s10, $0x1;
	s10 =	sld [smem:$0x3FB6];
	_ =	sdelay $0x3  }
0x37: {  	[smem:$0x3FB6] =	sst s10  }
0x38: {  	s10 =	sld [smem:$0x3FB7]  }
0x39: {  	_ = 	snop;
	(pc) =	sbr.ind lr, $3  }
0x3a: {  	_ = 	snop  }
0x3b: {  	_ = 	snop  }
0x3c: {  	p2 =	seq.s32 s10, $0x1;
	s10 =	sld [smem:$0x3FB6]  }
0x3d: {  	_ =	shalt  }
0x3e: {  	_ =	shalt  }
0x3f: {  	_ =	shalt  }
0x40: {  	_ =	shalt  }
0x41: {  	_ =	shalt  }
0x42: {  	_ =	shalt  }
0x43: {  	_ =	shalt  }
0x44: {  	_ =	shalt  }
0x45: {  	_ =	shalt  }
0x46: {  	_ =	shalt  }
0x47: {  	_ =	shalt  }
0x48: {  	_ =	shalt  }
0x49: {  	_ =	shalt  }
0x4a: {  	_ =	shalt  }
0x4b: {  	_ =	shalt  }
0x4c: {  	_ =	shalt  }
0x4d: {  	_ =	shalt  }
0x4e: {  	_ =	shalt  }
0x4f: {  	_ =	shalt  }
0x50: {  	_ =	shalt  }
0x51: {  	_ =	shalt  }
0x52: {  	_ =	shalt  }
0x53: {  	_ =	shalt  }
0x54: {  	_ =	shalt  }
0x55: {  	_ =	shalt  }
0x56: {  	_ =	shalt  }
0x57: {  	_ =	shalt  }
0x58: {  	_ =	shalt  }
0x59: {  	_ =	shalt  }
0x5a: {  	_ =	shalt  }
0x5b: {  	_ =	shalt  }
0x5c: {  	_ =	shalt  }
0x5d: {  	_ =	shalt  }
0x5e: {  	_ =	shalt  }
0x5f: {  	_ =	shalt  }
0x60: {  	_ =	shalt  }
0x61: {  	_ =	shalt  }
0x62: {  	_ =	shalt  }
0x63: {  	_ =	shalt  }
0x64: {  	_ =	shalt  }
0x65: {  	_ =	shalt  }
0x66: {  	_ =	shalt  }
0x67: {  	_ =	shalt  }
0x68: {  	_ =	shalt  }
0x69: {  	_ =	shalt  }
0x6a: {  	_ =	shalt  }
0x6b: {  	_ =	shalt  }
0x6c: {  	_ =	shalt  }
0x6d: {  	_ =	shalt  }
0x6e: {  	_ =	shalt  }
0x6f: {  	_ =	shalt  }
0x70: {  	_ =	shalt  }
0x71: {  	_ =	shalt  }
0x72: {  	_ =	shalt  }
0x73: {  	_ =	shalt  }
0x74: {  	_ =	shalt  }
0x75: {  	_ =	shalt  }
0x76: {  	_ =	shalt  }
0x77: {  	_ =	shalt  }
0x78: {  	_ =	shalt  }
0x79: {  	_ =	shalt  }
0x7a: {  	_ =	shalt  }
0x7b: {  	_ =	shalt  }
0x7c: {  	_ =	shalt  }
0x7d: {  	_ =	shalt  }
0x7e: {  	_ =	shalt  }
0x7f: {  	_ =	shalt  }
0x80: {  	_ =	shalt  }
0x81: {  	_ =	shalt  }
0x82: {  	_ =	shalt  }
0x83: {  	_ =	shalt  }
0x84: {  	_ =	shalt  }
0x85: {  	_ =	shalt  }
0x86: {  	_ =	shalt  }
0x87: {  	_ =	shalt  }
.Lfunc_end0:
.L_simem_size_0:
called_computation.1_lowered:
.L_overlay_start_0:
0x88: {  	s2 =	sld [smem:$0x3FD9]  }
0x89: {  	s3 =	sld [smem:$0x3FFE];
	_ =	sdelay $0x1  }
0x8a: {  	s1 =	srdreg.scid  }
0x8b: {  	s0 =	sand.u32 $0x1, s1  }
0x8c: {  	s14 =	sshll.u32 s0, $0xA;
	s2 =	sadd.s32 s3, s2  }
0x8d: {  	s2 =	sadd.s32 s2, s14  }
0x8e: {  	[smem:$0x3FC2] =	sst s2  }
0x8f: {  	_ = 	snop  }
0x90: {  	s2 =	sld [smem:$0x3FD0];
	_ =	sdelay $0x2  }
0x91: {  	s15 =	simm.s32 $0xA;
	s4 =	simm.s32 $0x10  }
0x92: {  	[smem:s4], [sflag:s15] =	dma.local [hbm:s2], $0x1  }
0x93: {  	_ =	swait.eq [sflag:s15], $0x1  }
0x94: {  	[sflag:s15] =	ssyncset.done $0x0  }
0x95: {  	[sflag:s15] =	ssyncadd.s32 $0xFFFFFFFF  }
0x96: {  	s16 =	sld [smem:$0x11];
	(tm) =	ssettm $0x1  }
0x97: {  	s17 =	sld [smem:$0x3FFB];
	_ =	sdelay $0x3  }
0x98: {  	_ =	strace s17  }
0x99: {  	s3 =	sld [smem:$0x3FFC];
	_ =	sdelay $0x3  }
0x9a: {  	_ =	strace s3  }
0x9b: {  	s3 =	sld [smem:$0x3FFD];
	_ =	sdelay $0x3  }
0x9c: {  	_ =	strace s3  }
0x9d: {  	_ =	strace $0x8FFFFFFF  }
0x9e: {  	s18 =	sld [smem:$0x3FDB];
	_ =	sdelay $0x1  }
0x9f: {  	s19 =	simm.s32 $_scs_section_size  }
0xa0: {  	s5 =	simm.s32 $_size__tile_overlayer_lowered;
	s6 =	simm.s32 $_tile_overlayer_lowered  }
0xa1: {  	s22 =	simm.s32 $0x1BFF;
	s21 =	sshll.u32 s6, $0x1;
	s3 =	sadd.s32 s19, s18  }
0xa2: {  	s7 =	simm.s32 $0x0;
	s20 =	sshll.u32 s5, $0x1;
	s5 =	sadd.s32 s21, s3  }
0xa3: {  	[timem:s7], [sflag:s22] =	dma.local [hbm:s5], s20  }
0xa4: {  	_ =	swait.ge [sflag:s22], s20  }
0xa5: {  	s4 =	ssub.s32 $0x0, s20;
	[sflag:s22] =	ssyncset.done $0x0  }
0xa6: {  	[sflag:s22] =	ssyncadd.s32 s4;
	_ =	sdelay $0x1  }
0xa7: {  	s23 =	simm.s32 $0x1B8B  }
0xa8: {  	_ =	swait.ge [sflag:s23], $0x1  }
0xa9: {  	[sflag:s23] =	ssyncset.done $0x0  }
0xaa: {  	s25 =	simm.s32 $0x1B8E;
	s24 =	sld [smem:$0x3FFE];
	[sflag:s23] =	ssyncadd.s32 $0xFFFFFFFF  }
0xab: {  	s26 =	simm.s32 $execute0_lowered;
	[smem:$0x3FD2] =	sst s25  }
0xac: {  	s5 =	sshll.u32 s26, $0x1;
	_ =	strace $0x80000049;
	[dreg:$0x1] =	wrdreg $0xFFFFFFFF  }
0xad: {  	s28 =	simm.s32 $_size_execute0_lowered;
	s3 =	sadd.s32 s3, s5;
	[dreg:$0x0] =	wrdreg $0x0  }
0xae: {  	s5 =	sshll.u32 s28, $0x1;
	[dreg:$0x2] =	wrdreg s3  }
0xaf: {  	[dreg:$0x3] =	wrdreg s5  }
0xb0: {  	[dreg:$0x4] =	wrdreg $0xC0  }
0xb1: {  	_ =	task [dreg:s7], $0x5FFFF  }
0xb2: {  	[dreg:$0x1] =	wrdreg $0xFFFFFFFF  }
0xb3: {  	[dreg:$0x0] =	wrdreg $0x60  }
0xb4: {  	[dreg:$0x2] =	wrdreg s24  }
0xb5: {  	[dreg:$0x3] =	wrdreg s16  }
0xb6: {  	[dreg:$0x4] =	wrdreg $0x110400  }
0xb7: {  	[dreg:$0x5] =	wrdreg $0x9  }
0xb8: {  	_ =	task.clear_ibuf [dreg:s7], $0x6FFFF;
	_ =	strace $0x90000049  }
0xb9: {  	s29 =	simm.s32 $0x9;
	_ =	strace $0x8000004B  }
0xba: {  	_ =	swait.ge [sflag:s29], $0x1  }
0xbb: {  	[sflag:s29] =	ssyncadd.s32 $0xFFFFFFFF  }
0xbc: {  	_ =	strace $0x9000004B  }
0xbd: {  	_ =	sfence  }
0xbe: {  	s30 =	sld [smem:$0x0];
	_ =	sdelay $0x2  }
0xbf: {  	s31 =	sshll.u32 s1, $0xD;
	s1 =	sshrl.u32 s1, $0x2  }
0xc0: {  	s3 =	sand.u32 $0x4000, s31;
	s1 =	sadd.s32 s1, s30  }
0xc1: {  	s0 =	sor.u32 s3, s0;
	s1 =	sshll.u32 s1, $0x11  }
0xc2: {  	s0 =	sor.u32 s1, s0  }
0xc3: {  	s0 =	sadd.s32 $0x8F2B, s0  }
0xc4: {  	[sflag:s0] =	ssyncadd.remote.s32 $0x1  }
0xc5: {  	_ =	sfence.sel $0xFFFF  }
0xc6: {  	[dreg:$0x0] =	wrdreg $0xFFFFFFFF;
	(pc) =	sbr.abs _section_cstart, $3  }
0xc7: {  	[dreg:$0x1] =	wrdreg $0xFFFFFFFF  }
0xc8: {  	_ =	task.clear_ibuf [dreg:s7], $0x2FFFF;
	_ =	strace $0x9FFFFFFF  }
0xc9: {  	(tm) =	ssettm $0x7FFFFFFF  }
tec
execute0_lowered:
.L_overlay_start_1:
0x0: {  	(tag) =	ssettag $0x1  }
0x1: {  	s0 =	rddreg [dreg:$0x0]  }
0x2: {  	s2 =	rddreg [dreg:$0x1]  }
0x3: {  	s3 =	rddreg [dreg:$0x2];
	s8 =	stileid.u32  }
0x4: {  	s1 =	srdreg.scid;
	s4 =	simm.s32 $0x0;
	s18 =	simm.s32 $0x10040  }
0x5: {  	s19 =	simm.s32 $0x6;
	s21 =	simm.s32 $0x50;
	s22 =	simm.s32 $0x9C40  }
0x6: {  	s23 =	simm.s32 $0xB040;
	s28 =	simm.s32 $0xD840;
	s30 =	simm.s32 $0xEC40  }
0x7: {  	s31 =	simm.s32 $0x1;
	s20 =	simm.s32 $0x3;
	s5 =	smul.u32 $0x14000, s8  }
0x8: {  	s1 =	sand.u32 $0x1, s1;
	[smem:$0x7FF] =	sst s4;
	s6 =	smul.u32 $0x9C4, s8  }
0x9: {  	s24 =	smul.u32 $0x28000, s8;
	s7 =	sshll.u32 s1, $0x6;
	_ =	strace $0x8000004A  }
0xa: {  	s25 =	ssub.s32 $0x2, s1;
	s5 =	sor.u32 s7, s5;
	s6 =	sadd.s32 s6, s0  }
0xb: {  	s26 =	sshrl.u32 s25, $0x1;
	s7 =	sshrl.u32 s24, $0x2;
	s24 =	simm.s32 $0x4  }
0xc: {  	s5 =	sshrl.u32 s5, $0x3;
	s8 =	ssub.s32 s25, s26;
	s6 =	sadd.s32 $0x2E00, s6  }
0xd: {  	s25 =	simm.s32 $0xC440;
	s26 =	simm.s32 $0x5;
	s0 =	sadd.s32 s5, s0  }
0xe: {  	s5 =	sadd.s32 s7, s3;
	[dreg:$0x4] =	wrdreg s6;
	s29 =	smax.u32 s8, $0x1  }
.Ltmp0:
0xf: {  	s8 =	simm.s32 $0x8;
	s0 =	sadd.s32 $0xCC00, s0;
	(pc) =	sbr.rel .LBB2_1-.Ltmp0, $4  }
0x10: {  	[dreg:$0x6] =	wrdreg s29;
	s9 =	sadd.s32 $0x1000, s5;
	s10 =	sadd.s32 $0x2000, s5  }
0x11: {  	s11 =	sadd.s32 $0x3000, s5;
	s12 =	sadd.s32 $0x4000, s5;
	s13 =	sadd.s32 $0x5000, s5  }
0x12: {  	s14 =	sadd.s32 $0x6000, s5;
	s15 =	sadd.s32 $0x7000, s5;
	s16 =	sadd.s32 $0x8000, s5  }
0x13: {  	v1 =	vimm.f32 $0.0e+00;
	v0 =	vmov s1;
	s17 =	sadd.s32 $0x9000, s5;
	[dreg:$0x5] =	wrdreg s0;
	s0 =	simm.s32 $0x2  }
.LBB2_12:
0x14: {  	s1 =	stileid.u32  }
0x15: {  	[bflag:$0x0] =	sbarrier.arrive $0xFFFF;
	s6 =	sshrl.u32 s5, $0x3;
	s1 =	sshll.u32 s1, $0x6  }
0x16: {  	s29 =	simm.s32 $0x10;
	s7 =	rddreg [dreg:$0x5];
	s1 =	sor.u32 $0x1C06, s1  }
0x17: {  	[hbm:s7@s29], [sflag:s1] =	dma.strided [spmem:s6@s8], $0x1400, s31, $0x8   }
0x18: {  	_ =	swait.ge [sflag:s19], $0x1400  }
0x19: {  	s4 =	sadd.s32 $0x1, s4;
	s29 =	rddreg [dreg:$0x6]  }
0x1a: {  	p0 =	sne.s32 s4, s29  }
.Ltmp1:
0x1b: {  	_ = 	snop;
	(pc) =	sbr.rel @!p0 .LBB2_13-.Ltmp1, $3  }
0x1c: {  	_ =	sdelay $0x1  }
0x1d: {  	[sflag:s19] =	ssyncset.done $0x0  }
0x1e: {  	[sflag:s19] =	ssyncadd.s32 $0xFFFFEC00  }
.LBB2_1:
0x1f: {  	s6 =	simm.s32 $0x100;
	s1 =	simm.s32 $0x0  }
.LBB2_2:
0x20: {  	p0 =	sne.s32 s6, $0x3F00;
	[tilespmem:s1+$0x10070] =	vst v1;
	s29 =	smov.u32 s6;
	s6 =	sadd.s32 $0x100, s6  }
.Ltmp2:
0x21: {  	[tilespmem:s1+$0x10060] =	vst v1;
	(pc) =	sbr.rel @p0 .LBB2_2-.Ltmp2, $3  }
0x22: {  	[tilespmem:s1+$0x10040] =	vst v1  }
0x23: {  	[tilespmem:s1+$0x10050] =	vst v1;
	_ =	sdelay $0x1  }
0x24: {  	s1 =	sshra.s32 s29, $0x2  }
0x25: {  	[tilespmem:s1+$0x10070] =	vst v1  }
0x26: {  	[tilespmem:s1+$0x10060] =	vst v1  }
0x27: {  	[tilespmem:s1+$0x10040] =	vst v1  }
0x28: {  	[tilespmem:s1+$0x10050] =	vst v1  }
0x29: {  	[spmem:s5] =	stream.linear.scatter [tilespmem:s18], [sflag:$0x6], $0x1000, $0x38;
	[tilespmem:$0x1B040] =	vst v63  }
0x2a: {  	_ =	swait.ge [sflag:s19], $0x1000  }
0x2b: {  	[sflag:s19] =	ssyncset.done $0x0  }
0x2c: {  	[sflag:s19] =	ssyncadd.s32 $0xFFFFF000  }
0x2d: {  	[spmem:s9] =	stream.linear.scatter [tilespmem:s18], [sflag:$0x6], $0x1000, $0x38;
	[tilespmem:$0x1B040] =	vst v63  }
0x2e: {  	_ =	swait.ge [sflag:s19], $0x1000  }
0x2f: {  	[sflag:s19] =	ssyncset.done $0x0  }
0x30: {  	[sflag:s19] =	ssyncadd.s32 $0xFFFFF000  }
0x31: {  	[spmem:s10] =	stream.linear.scatter [tilespmem:s18], [sflag:$0x6], $0x1000, $0x38;
	[tilespmem:$0x1B040] =	vst v63  }
0x32: {  	_ =	swait.ge [sflag:s19], $0x1000  }
0x33: {  	[sflag:s19] =	ssyncset.done $0x0  }
0x34: {  	[sflag:s19] =	ssyncadd.s32 $0xFFFFF000  }
0x35: {  	[spmem:s11] =	stream.linear.scatter [tilespmem:s18], [sflag:$0x6], $0x1000, $0x38;
	[tilespmem:$0x1B040] =	vst v63  }
0x36: {  	_ =	swait.ge [sflag:s19], $0x1000  }
0x37: {  	[sflag:s19] =	ssyncset.done $0x0  }
0x38: {  	[sflag:s19] =	ssyncadd.s32 $0xFFFFF000  }
0x39: {  	[spmem:s12] =	stream.linear.scatter [tilespmem:s18], [sflag:$0x6], $0x1000, $0x38;
	[tilespmem:$0x1B040] =	vst v63  }
0x3a: {  	_ =	swait.ge [sflag:s19], $0x1000  }
0x3b: {  	[sflag:s19] =	ssyncset.done $0x0  }
0x3c: {  	[sflag:s19] =	ssyncadd.s32 $0xFFFFF000  }
0x3d: {  	[spmem:s13] =	stream.linear.scatter [tilespmem:s18], [sflag:$0x6], $0x1000, $0x38;
	[tilespmem:$0x1B040] =	vst v63  }
0x3e: {  	_ =	swait.ge [sflag:s19], $0x1000  }
0x3f: {  	[sflag:s19] =	ssyncset.done $0x0  }
0x40: {  	[sflag:s19] =	ssyncadd.s32 $0xFFFFF000  }
0x41: {  	[spmem:s14] =	stream.linear.scatter [tilespmem:s18], [sflag:$0x6], $0x1000, $0x38;
	[tilespmem:$0x1B040] =	vst v63  }
0x42: {  	_ =	swait.ge [sflag:s19], $0x1000  }
0x43: {  	[sflag:s19] =	ssyncset.done $0x0  }
0x44: {  	[sflag:s19] =	ssyncadd.s32 $0xFFFFF000  }
0x45: {  	[spmem:s15] =	stream.linear.scatter [tilespmem:s18], [sflag:$0x6], $0x1000, $0x38;
	[tilespmem:$0x1B040] =	vst v63  }
0x46: {  	_ =	swait.ge [sflag:s19], $0x1000  }
0x47: {  	[sflag:s19] =	ssyncset.done $0x0  }
0x48: {  	[sflag:s19] =	ssyncadd.s32 $0xFFFFF000  }
0x49: {  	[spmem:s16] =	stream.linear.scatter [tilespmem:s18], [sflag:$0x6], $0x1000, $0x38;
	[tilespmem:$0x1B040] =	vst v63  }
0x4a: {  	_ =	swait.ge [sflag:s19], $0x1000  }
0x4b: {  	[sflag:s19] =	ssyncset.done $0x0  }
0x4c: {  	[sflag:s19] =	ssyncadd.s32 $0xFFFFF000  }
0x4d: {  	[spmem:s17] =	stream.linear.scatter [tilespmem:s18], [sflag:$0x6], $0x1000, $0x38;
	[tilespmem:$0x1B040] =	vst v63  }
0x4e: {  	_ =	swait.ge [sflag:s19], $0x1000  }
0x4f: {  	[sflag:s19] =	ssyncset.done $0x0  }
0x50: {  	[sflag:s19] =	ssyncadd.s32 $0xFFFFF000  }
0x51: {  	[bflag:$0x0] =	sbarrier.arrive $0xFFFF  }
0x52: {  	s29 =	simm.s32 $0x0;
	s6 =	simm.s32 $0x4E20;
	s7 =	rddreg [dreg:$0x4]  }
0x53: {  	[tilespmem:s6], [sflag:$0x6] =	stream.linear.gather [hbm4b:s7+s29], $0x4E20, $0x38;
	[tilespmem:$0x1B040] =	vst v63  }
0x54: {  	_ =	swait.ge [sflag:s19], $0x4E20  }
0x55: {  	[sflag:s19] =	ssyncset.done $0x0  }
0x56: {  	[sflag:s19] =	ssyncadd.s32 $0xFFFFB1E0  }
0x57: {  	v2 =	vld [tilespmem:$0x4E20]  }
0x58: {  	v3 =	vld [tilespmem:$0x4E30];
	_ =	sdelay $0x1  }
0x59: {  	v4 =	vld [tilespmem:$0x4E40];
	_ =	sdelay $0x1  }
0x5a: {  	v6 =	vld [tilespmem:$0x4E50];
	v5 =	vshll.u32 v2, $0x1  }
0x5b: {  	v7 =	vshll.u32 v3, $0x1;
	v2 =	vshra.s32 v2, $0x10;
	v5 =	vand.u32 $0x1FFFE, v5  }
0x5c: {  	v42 =	vld [tilespmem:$0x4E60];
	v41 =	vand.u32 $0x1FFFE, v7;
	[tilespmem:$0x4E20] =	vst v2;
	v5 =	vor.u32 v0, v5  }
0x5d: {  	v43 =	vshll.u32 v4, $0x1;
	v2 =	vor.u32 v0, v41;
	[tilespmem:$0x0] =	vst v5  }
0x5e: {  	v44 =	vld [tilespmem:$0x4E70];
	[tilespmem:$0x10] =	vst v2;
	v2 =	vshra.s32 v3, $0x10;
	v3 =	vand.u32 $0x1FFFE, v43  }
0x5f: {  	[tilespmem:$0x4E30] =	vst v2;
	v2 =	vor.u32 v0, v3;
	v3 =	vshll.u32 v6, $0x1  }
0x60: {  	v45 =	vld [tilespmem:$0x4E80];
	[tilespmem:$0x20] =	vst v2;
	v2 =	vshra.s32 v4, $0x10;
	v3 =	vand.u32 $0x1FFFE, v3  }
0x61: {  	[tilespmem:$0x4E40] =	vst v2;
	v2 =	vor.u32 v0, v3;
	v3 =	vshll.u32 v42, $0x1  }
0x62: {  	v46 =	vld [tilespmem:$0x4E90];
	[tilespmem:$0x30] =	vst v2;
	v2 =	vshra.s32 v6, $0x10;
	v3 =	vand.u32 $0x1FFFE, v3  }
0x63: {  	[tilespmem:$0x4E50] =	vst v2;
	v2 =	vor.u32 v0, v3;
	v3 =	vshll.u32 v44, $0x1  }
0x64: {  	v47 =	vld [tilespmem:$0x4EA0];
	[tilespmem:$0x40] =	vst v2;
	v2 =	vshra.s32 v42, $0x10;
	v3 =	vand.u32 $0x1FFFE, v3  }
0x65: {  	[tilespmem:$0x4E60] =	vst v2;
	v2 =	vor.u32 v0, v3;
	v3 =	vshll.u32 v45, $0x1  }
0x66: {  	v48 =	vld [tilespmem:$0x4EB0];
	[tilespmem:$0x50] =	vst v2;
	v2 =	vshra.s32 v44, $0x10;
	v3 =	vand.u32 $0x1FFFE, v3  }
0x67: {  	[tilespmem:$0x4E70] =	vst v2;
	v2 =	vor.u32 v0, v3;
	v3 =	vshll.u32 v46, $0x1  }
0x68: {  	v49 =	vld [tilespmem:$0x4EC0];
	[tilespmem:$0x60] =	vst v2;
	v2 =	vshra.s32 v45, $0x10;
	v3 =	vand.u32 $0x1FFFE, v3  }
0x69: {  	[tilespmem:$0x4E80] =	vst v2;
	v2 =	vor.u32 v0, v3;
	v3 =	vshll.u32 v47, $0x1  }
0x6a: {  	v50 =	vld [tilespmem:$0x4ED0];
	[tilespmem:$0x70] =	vst v2;
	v2 =	vshra.s32 v46, $0x10;
	v3 =	vand.u32 $0x1FFFE, v3  }
0x6b: {  	[tilespmem:$0x4E90] =	vst v2;
	v2 =	vor.u32 v0, v3;
	v3 =	vshll.u32 v48, $0x1  }
0x6c: {  	v51 =	vld [tilespmem:$0x4EE0];
	[tilespmem:$0x80] =	vst v2;
	v2 =	vshra.s32 v47, $0x10;
	v3 =	vand.u32 $0x1FFFE, v3  }
0x6d: {  	[tilespmem:$0x4EA0] =	vst v2;
	v2 =	vor.u32 v0, v3;
	v3 =	vshll.u32 v49, $0x1  }
0x6e: {  	v52 =	vld [tilespmem:$0x4EF0];
	[tilespmem:$0x90] =	vst v2;
	v2 =	vshra.s32 v48, $0x10;
	v3 =	vand.u32 $0x1FFFE, v3  }
0x6f: {  	[tilespmem:$0x4EB0] =	vst v2;
	v2 =	vor.u32 v0, v3;
	v3 =	vshll.u32 v50, $0x1  }
0x70: {  	v53 =	vld [tilespmem:$0x4F00];
	[tilespmem:$0xA0] =	vst v2;
	v2 =	vshra.s32 v49, $0x10;
	v3 =	vand.u32 $0x1FFFE, v3  }
0x71: {  	[tilespmem:$0x4EC0] =	vst v2;
	v2 =	vor.u32 v0, v3;
	v3 =	vshll.u32 v51, $0x1  }
0x72: {  	v54 =	vld [tilespmem:$0x4F10];
	[tilespmem:$0xB0] =	vst v2;
	v2 =	vshra.s32 v50, $0x10;
	v3 =	vand.u32 $0x1FFFE, v3  }
0x73: {  	[tilespmem:$0x4ED0] =	vst v2;
	v2 =	vor.u32 v0, v3;
	v3 =	vshll.u32 v52, $0x1  }
0x74: {  	v55 =	vld [tilespmem:$0x4F20];
	[tilespmem:$0xC0] =	vst v2;
	v2 =	vshra.s32 v51, $0x10;
	v3 =	vand.u32 $0x1FFFE, v3  }
0x75: {  	[tilespmem:$0x4EE0] =	vst v2;
	v2 =	vor.u32 v0, v3;
	v3 =	vshll.u32 v53, $0x1  }
0x76: {  	v56 =	vld [tilespmem:$0x4F30];
	[tilespmem:$0xD0] =	vst v2;
	v2 =	vshra.s32 v52, $0x10;
	v3 =	vand.u32 $0x1FFFE, v3  }
0x77: {  	[tilespmem:$0x4EF0] =	vst v2;
	v2 =	vor.u32 v0, v3;
	v3 =	vshll.u32 v54, $0x1  }
0x78: {  	v57 =	vld [tilespmem:$0x4F40];
	[tilespmem:$0xE0] =	vst v2;
	v2 =	vshra.s32 v53, $0x10;
	v3 =	vand.u32 $0x1FFFE, v3  }
0x79: {  	[tilespmem:$0x4F00] =	vst v2;
	v2 =	vor.u32 v0, v3;
	v3 =	vshll.u32 v55, $0x1  }
0x7a: {  	v58 =	vld [tilespmem:$0x4F50];
	[tilespmem:$0xF0] =	vst v2;
	v2 =	vshra.s32 v54, $0x10;
	v3 =	vand.u32 $0x1FFFE, v3  }
0x7b: {  	[tilespmem:$0x4F10] =	vst v2;
	v2 =	vor.u32 v0, v3;
	v3 =	vshll.u32 v56, $0x1  }
0x7c: {  	v59 =	vld [tilespmem:$0x4F60];
	[tilespmem:$0x100] =	vst v2;
	v2 =	vshra.s32 v55, $0x10;
	v3 =	vand.u32 $0x1FFFE, v3  }
0x7d: {  	[tilespmem:$0x4F20] =	vst v2;
	v2 =	vor.u32 v0, v3;
	v3 =	vshll.u32 v57, $0x1  }
0x7e: {  	v60 =	vld [tilespmem:$0x4F70];
	[tilespmem:$0x110] =	vst v2;
	v2 =	vshra.s32 v56, $0x10;
	v3 =	vand.u32 $0x1FFFE, v3  }
0x7f: {  	[tilespmem:$0x4F30] =	vst v2;
	v2 =	vor.u32 v0, v3;
	v3 =	vshll.u32 v58, $0x1  }
0x80: {  	v61 =	vld [tilespmem:$0x4F80];
	[tilespmem:$0x120] =	vst v2;
	v2 =	vshra.s32 v57, $0x10;
	v3 =	vand.u32 $0x1FFFE, v3  }
0x81: {  	[tilespmem:$0x4F40] =	vst v2;
	v2 =	vor.u32 v0, v3;
	v3 =	vshll.u32 v59, $0x1  }
0x82: {  	v62 =	vld [tilespmem:$0x4F90];
	[tilespmem:$0x130] =	vst v2;
	v2 =	vshra.s32 v58, $0x10;
	v3 =	vand.u32 $0x1FFFE, v3  }
0x83: {  	[tilespmem:$0x4F50] =	vst v2;
	v2 =	vor.u32 v0, v3;
	v3 =	vshll.u32 v60, $0x1  }
0x84: {  	v63 =	vld [tilespmem:$0x4FA0];
	[tilespmem:$0x140] =	vst v2;
	v2 =	vshra.s32 v59, $0x10;
	v3 =	vand.u32 $0x1FFFE, v3  }
0x85: {  	[tilespmem:$0x4F60] =	vst v2;
	v2 =	vor.u32 v0, v3;
	v3 =	vshll.u32 v61, $0x1  }
0x86: {  	[tilespmem:$0x150] =	vst v2;
	v2 =	vshra.s32 v60, $0x10;
	v3 =	vand.u32 $0x1FFFE, v3  }
0x87: {  	[tilespmem:$0x4F70] =	vst v2;
	v2 =	vor.u32 v0, v3;
	v3 =	vshll.u32 v62, $0x1  }
0x88: {  	[tilespmem:$0x160] =	vst v2;
	v2 =	vshra.s32 v61, $0x10;
	v3 =	vand.u32 $0x1FFFE, v3  }
0x89: {  	[tilespmem:$0x4F80] =	vst v2;
	v2 =	vor.u32 v0, v3;
	v3 =	vshll.u32 v63, $0x1  }
0x8a: {  	[tilespmem:$0x170] =	vst v2;
	v2 =	vshra.s32 v62, $0x10;
	v3 =	vand.u32 $0x1FFFE, v3  }
0x8b: {  	[tilespmem:$0x4F90] =	vst v2;
	v2 =	vor.u32 v0, v3  }
0x8c: {  	[tilespmem:$0x180] =	vst v2;
	v2 =	vshra.s32 v63, $0x10  }
0x8d: {  	[tilespmem:$0x4FA0] =	vst v2  }
0x8e: {  	[tilespmem:s22], [sflag:$0x1] =	stream.indirect.gather [hbm4b:s2+s21], $0x40, s29, s21, $0xb8;
	[tilespmem:$0x1B040] =	vst v63  }
0x8f: {  	_ = 	snop  }
0x90: {  	[tilespmem:s23], [sflag:$0x2] =	stream.indirect.gather [hbm4b:s2+s21], $0x40, s21, s21, $0xb8;
	[tilespmem:$0x1B040] =	vst v63  }
0x91: {  	s7 =	simm.s32 $0xA0  }
0x92: {  	[tilespmem:s25], [sflag:$0x3] =	stream.indirect.gather [hbm4b:s2+s21], $0x40, s7, s21, $0xb8;
	[tilespmem:$0x1B040] =	vst v63  }
0x93: {  	s6 =	simm.s32 $0xF0  }
0x94: {  	[tilespmem:s28], [sflag:$0x4] =	stream.indirect.gather [hbm4b:s2+s21], $0x40, s6, s21, $0xb8;
	[tilespmem:$0x1B040] =	vst v63  }
0x95: {  	s7 =	simm.s32 $0x140  }
0x96: {  	[tilespmem:s30], [sflag:$0x5] =	stream.indirect.gather [hbm4b:s2+s21], $0x40, s7, s21, $0xb8;
	[tilespmem:$0x1B040] =	vst v63  }
.LBB2_4:
0x97: {  	_ =	swait.ge [sflag:s31], $0x1400  }
0x98: {  	s1 =	sshra.s32 s29, $0x2;
	p0 =	seq.s32 s29, $0x13240;
	[sflag:s31] =	ssyncset.done $0x0  }
.Ltmp3:
0x99: {  	s6 =	sadd.s32 $0x4E20, s1;
	[sflag:s31] =	ssyncadd.s32 $0xFFFFEC00;
	(pc) =	sbr.rel @!p0 .LBB2_5-.Ltmp3, $4  }
0x9a: {  	[spmem:s3] =	stream.indirect.scatter.add.f32 [tilespmem:s22], [sflag:$0x6], $0x40, s6, s21, $0xb8;
	[tilespmem:$0x1B040] =	vst v63  }
0x9b: {  	_ =	swait.ge [sflag:s19], $0x1400  }
0x9c: {  	[sflag:s19] =	ssyncset.done $0x0  }
0x9d: {  	s6 =	sadd.s32 $0x4E70, s1;
	[sflag:s19] =	ssyncadd.s32 $0xFFFFEC00  }
0x9e: {  	_ =	swait.ge [sflag:s0], $0x1400  }
0x9f: {  	[sflag:s0] =	ssyncset.done $0x0  }
.Ltmp4:
0xa0: {  	[sflag:s0] =	ssyncadd.s32 $0xFFFFEC00;
	(pc) =	sbr.rel .LBB2_7-.Ltmp4, $4  }
0xa1: {  	[spmem:s3] =	stream.indirect.scatter.add.f32 [tilespmem:s23], [sflag:$0x6], $0x40, s6, s21, $0xb8;
	[tilespmem:$0x1B040] =	vst v63  }
0xa2: {  	_ =	swait.ge [sflag:s19], $0x1400  }
0xa3: {  	[sflag:s19] =	ssyncset.done $0x0  }
0xa4: {  	[sflag:s19] =	ssyncadd.s32 $0xFFFFEC00  }
.LBB2_5:
0xa5: {  	v2 =	vld [tilespmem:s1+$0x4FB0]  }
0xa6: {  	v3 =	vld [tilespmem:s1+$0x4FC0];
	_ =	sdelay $0x1  }
0xa7: {  	v4 =	vld [tilespmem:s1+$0x4FD0];
	_ =	sdelay $0x1  }
0xa8: {  	v6 =	vld [tilespmem:s1+$0x4FE0];
	v5 =	vshll.u32 v2, $0x1  }
0xa9: {  	v7 =	vshll.u32 v3, $0x1;
	v2 =	vshra.s32 v2, $0x10;
	v5 =	vand.u32 $0x1FFFE, v5  }
0xaa: {  	v55 =	vld [tilespmem:s1+$0x4FF0];
	v54 =	vand.u32 $0x1FFFE, v7;
	[tilespmem:s1+$0x4FB0] =	vst v2;
	v5 =	vor.u32 v0, v5  }
0xab: {  	v56 =	vshll.u32 v4, $0x1;
	v2 =	vor.u32 v0, v54;
	[tilespmem:s1+$0x190] =	vst v5  }
0xac: {  	[tilespmem:s1+$0x1A0] =	vst v2;
	v2 =	vshra.s32 v3, $0x10;
	v3 =	vand.u32 $0x1FFFE, v56  }
0xad: {  	[tilespmem:s1+$0x4FC0] =	vst v2;
	v2 =	vor.u32 v0, v3;
	v3 =	vshll.u32 v6, $0x1  }
0xae: {  	[tilespmem:s1+$0x1B0] =	vst v2;
	v2 =	vshra.s32 v4, $0x10;
	v3 =	vand.u32 $0x1FFFE, v3  }
0xaf: {  	[tilespmem:s1+$0x4FD0] =	vst v2;
	v2 =	vor.u32 v0, v3;
	v3 =	vshll.u32 v55, $0x1  }
0xb0: {  	[tilespmem:s1+$0x1C0] =	vst v2;
	v2 =	vshra.s32 v6, $0x10;
	v3 =	vand.u32 $0x1FFFE, v3  }
0xb1: {  	[tilespmem:s1+$0x4FE0] =	vst v2;
	v2 =	vor.u32 v0, v3  }
0xb2: {  	[tilespmem:s1+$0x1D0] =	vst v2;
	v2 =	vshra.s32 v55, $0x10  }
0xb3: {  	s7 =	sadd.s32 $0x190, s1;
	[tilespmem:s1+$0x4FF0] =	vst v2  }
0xb4: {  	[tilespmem:s22], [sflag:$0x1] =	stream.indirect.gather [hbm4b:s2+s21], $0x40, s7, s21, $0xb8;
	[tilespmem:$0x1B040] =	vst v63  }
0xb5: {  	_ =	swait.ge [sflag:s0], $0x1400  }
0xb6: {  	[sflag:s0] =	ssyncset.done $0x0  }
0xb7: {  	[sflag:s0] =	ssyncadd.s32 $0xFFFFEC00  }
0xb8: {  	[spmem:s3] =	stream.indirect.scatter.add.f32 [tilespmem:s23], [sflag:$0x6], $0x40, s6, s21, $0xb8;
	[tilespmem:$0x1B040] =	vst v63  }
0xb9: {  	_ =	swait.ge [sflag:s19], $0x1400  }
0xba: {  	[sflag:s19] =	ssyncset.done $0x0  }
0xbb: {  	[sflag:s19] =	ssyncadd.s32 $0xFFFFEC00  }
0xbc: {  	v2 =	vld [tilespmem:s1+$0x5000]  }
0xbd: {  	v3 =	vld [tilespmem:s1+$0x5010];
	_ =	sdelay $0x1  }
0xbe: {  	v57 =	vld [tilespmem:s1+$0x5020];
	_ =	sdelay $0x1  }
0xbf: {  	v59 =	vld [tilespmem:s1+$0x5030];
	v58 =	vshll.u32 v2, $0x1  }
0xc0: {  	v60 =	vshll.u32 v3, $0x1;
	v2 =	vshra.s32 v2, $0x10;
	v5 =	vand.u32 $0x1FFFE, v58  }
0xc1: {  	v62 =	vld [tilespmem:s1+$0x5040];
	v61 =	vand.u32 $0x1FFFE, v60;
	[tilespmem:s1+$0x5000] =	vst v2;
	v5 =	vor.u32 v0, v5  }
0xc2: {  	v63 =	vshll.u32 v57, $0x1;
	v2 =	vor.u32 v0, v61;
	[tilespmem:s1+$0x1E0] =	vst v5  }
0xc3: {  	[tilespmem:s1+$0x1F0] =	vst v2;
	v2 =	vshra.s32 v3, $0x10;
	v3 =	vand.u32 $0x1FFFE, v63  }
0xc4: {  	[tilespmem:s1+$0x5010] =	vst v2;
	v2 =	vor.u32 v0, v3;
	v3 =	vshll.u32 v59, $0x1  }
0xc5: {  	[tilespmem:s1+$0x200] =	vst v2;
	v2 =	vshra.s32 v57, $0x10;
	v3 =	vand.u32 $0x1FFFE, v3  }
0xc6: {  	[tilespmem:s1+$0x5020] =	vst v2;
	v2 =	vor.u32 v0, v3;
	v3 =	vshll.u32 v62, $0x1  }
0xc7: {  	[tilespmem:s1+$0x210] =	vst v2;
	v2 =	vshra.s32 v59, $0x10;
	v3 =	vand.u32 $0x1FFFE, v3  }
0xc8: {  	[tilespmem:s1+$0x5030] =	vst v2;
	v2 =	vor.u32 v0, v3  }
0xc9: {  	[tilespmem:s1+$0x220] =	vst v2;
	v2 =	vshra.s32 v62, $0x10  }
0xca: {  	s7 =	sadd.s32 $0x1E0, s1;
	[tilespmem:s1+$0x5040] =	vst v2  }
0xcb: {  	[tilespmem:s23], [sflag:$0x2] =	stream.indirect.gather [hbm4b:s2+s21], $0x40, s7, s21, $0xb8;
	[tilespmem:$0x1B040] =	vst v63  }
.LBB2_7:
0xcc: {  	_ =	swait.ge [sflag:s20], $0x1400  }
0xcd: {  	[sflag:s20] =	ssyncset.done $0x0  }
.Ltmp5:
0xce: {  	s6 =	sadd.s32 $0x4EC0, s1;
	[sflag:s20] =	ssyncadd.s32 $0xFFFFEC00;
	(pc) =	sbr.rel @!p0 .LBB2_8-.Ltmp5, $4  }
0xcf: {  	[spmem:s3] =	stream.indirect.scatter.add.f32 [tilespmem:s25], [sflag:$0x6], $0x40, s6, s21, $0xb8;
	[tilespmem:$0x1B040] =	vst v63  }
0xd0: {  	_ =	swait.ge [sflag:s19], $0x1400  }
0xd1: {  	[sflag:s19] =	ssyncset.done $0x0  }
0xd2: {  	s6 =	sadd.s32 $0x4F10, s1;
	[sflag:s19] =	ssyncadd.s32 $0xFFFFEC00  }
0xd3: {  	_ =	swait.ge [sflag:s24], $0x1400  }
0xd4: {  	[sflag:s24] =	ssyncset.done $0x0  }
.Ltmp6:
0xd5: {  	[sflag:s24] =	ssyncadd.s32 $0xFFFFEC00;
	(pc) =	sbr.rel .LBB2_10-.Ltmp6, $4  }
0xd6: {  	[spmem:s3] =	stream.indirect.scatter.add.f32 [tilespmem:s28], [sflag:$0x6], $0x40, s6, s21, $0xb8;
	[tilespmem:$0x1B040] =	vst v63  }
0xd7: {  	_ =	swait.ge [sflag:s19], $0x1400  }
0xd8: {  	[sflag:s19] =	ssyncset.done $0x0  }
0xd9: {  	[sflag:s19] =	ssyncadd.s32 $0xFFFFEC00  }
.LBB2_8:
0xda: {  	v2 =	vld [tilespmem:s1+$0x5050]  }
0xdb: {  	v3 =	vld [tilespmem:s1+$0x5060];
	_ =	sdelay $0x1  }
0xdc: {  	v4 =	vld [tilespmem:s1+$0x5070];
	_ =	sdelay $0x1  }
0xdd: {  	v6 =	vld [tilespmem:s1+$0x5080];
	v5 =	vshll.u32 v2, $0x1  }
0xde: {  	v7 =	vshll.u32 v3, $0x1;
	v2 =	vshra.s32 v2, $0x10;
	v5 =	vand.u32 $0x1FFFE, v5  }
0xdf: {  	v55 =	vld [tilespmem:s1+$0x5090];
	v54 =	vand.u32 $0x1FFFE, v7;
	[tilespmem:s1+$0x5050] =	vst v2;
	v5 =	vor.u32 v0, v5  }
0xe0: {  	v56 =	vshll.u32 v4, $0x1;
	v2 =	vor.u32 v0, v54;
	[tilespmem:s1+$0x230] =	vst v5  }
0xe1: {  	[tilespmem:s1+$0x240] =	vst v2;
	v2 =	vshra.s32 v3, $0x10;
	v3 =	vand.u32 $0x1FFFE, v56  }
0xe2: {  	[tilespmem:s1+$0x5060] =	vst v2;
	v2 =	vor.u32 v0, v3;
	v3 =	vshll.u32 v6, $0x1  }
0xe3: {  	[tilespmem:s1+$0x250] =	vst v2;
	v2 =	vshra.s32 v4, $0x10;
	v3 =	vand.u32 $0x1FFFE, v3  }
0xe4: {  	[tilespmem:s1+$0x5070] =	vst v2;
	v2 =	vor.u32 v0, v3;
	v3 =	vshll.u32 v55, $0x1  }
0xe5: {  	[tilespmem:s1+$0x260] =	vst v2;
	v2 =	vshra.s32 v6, $0x10;
	v3 =	vand.u32 $0x1FFFE, v3  }
0xe6: {  	[tilespmem:s1+$0x5080] =	vst v2;
	v2 =	vor.u32 v0, v3  }
0xe7: {  	[tilespmem:s1+$0x270] =	vst v2;
	v2 =	vshra.s32 v55, $0x10  }
0xe8: {  	s7 =	sadd.s32 $0x230, s1;
	[tilespmem:s1+$0x5090] =	vst v2  }
0xe9: {  	[tilespmem:s25], [sflag:$0x3] =	stream.indirect.gather [hbm4b:s2+s21], $0x40, s7, s21, $0xb8;
	[tilespmem:$0x1B040] =	vst v63  }
0xea: {  	_ =	swait.ge [sflag:s24], $0x1400  }
0xeb: {  	[sflag:s24] =	ssyncset.done $0x0  }
0xec: {  	[sflag:s24] =	ssyncadd.s32 $0xFFFFEC00  }
0xed: {  	[spmem:s3] =	stream.indirect.scatter.add.f32 [tilespmem:s28], [sflag:$0x6], $0x40, s6, s21, $0xb8;
	[tilespmem:$0x1B040] =	vst v63  }
0xee: {  	_ =	swait.ge [sflag:s19], $0x1400  }
0xef: {  	[sflag:s19] =	ssyncset.done $0x0  }
0xf0: {  	[sflag:s19] =	ssyncadd.s32 $0xFFFFEC00  }
0xf1: {  	v2 =	vld [tilespmem:s1+$0x50A0]  }
0xf2: {  	v3 =	vld [tilespmem:s1+$0x50B0];
	_ =	sdelay $0x1  }
0xf3: {  	v57 =	vld [tilespmem:s1+$0x50C0];
	_ =	sdelay $0x1  }
0xf4: {  	v59 =	vld [tilespmem:s1+$0x50D0];
	v58 =	vshll.u32 v2, $0x1  }
0xf5: {  	v60 =	vshll.u32 v3, $0x1;
	v2 =	vshra.s32 v2, $0x10;
	v5 =	vand.u32 $0x1FFFE, v58  }
0xf6: {  	v62 =	vld [tilespmem:s1+$0x50E0];
	v61 =	vand.u32 $0x1FFFE, v60;
	[tilespmem:s1+$0x50A0] =	vst v2;
	v5 =	vor.u32 v0, v5  }
0xf7: {  	v63 =	vshll.u32 v57, $0x1;
	v2 =	vor.u32 v0, v61;
	[tilespmem:s1+$0x280] =	vst v5  }
0xf8: {  	[tilespmem:s1+$0x290] =	vst v2;
	v2 =	vshra.s32 v3, $0x10;
	v3 =	vand.u32 $0x1FFFE, v63  }
0xf9: {  	[tilespmem:s1+$0x50B0] =	vst v2;
	v2 =	vor.u32 v0, v3;
	v3 =	vshll.u32 v59, $0x1  }
0xfa: {  	[tilespmem:s1+$0x2A0] =	vst v2;
	v2 =	vshra.s32 v57, $0x10;
	v3 =	vand.u32 $0x1FFFE, v3  }
0xfb: {  	[tilespmem:s1+$0x50C0] =	vst v2;
	v2 =	vor.u32 v0, v3;
	v3 =	vshll.u32 v62, $0x1  }
0xfc: {  	[tilespmem:s1+$0x2B0] =	vst v2;
	v2 =	vshra.s32 v59, $0x10;
	v3 =	vand.u32 $0x1FFFE, v3  }
0xfd: {  	[tilespmem:s1+$0x50D0] =	vst v2;
	v2 =	vor.u32 v0, v3  }
0xfe: {  	[tilespmem:s1+$0x2C0] =	vst v2;
	v2 =	vshra.s32 v62, $0x10  }
0xff: {  	s7 =	sadd.s32 $0x280, s1;
	[tilespmem:s1+$0x50E0] =	vst v2  }
0x100: {  	[tilespmem:s28], [sflag:$0x4] =	stream.indirect.gather [hbm4b:s2+s21], $0x40, s7, s21, $0xb8;
	[tilespmem:$0x1B040] =	vst v63  }
.LBB2_10:
0x101: {  	_ =	swait.ge [sflag:s26], $0x1400  }
0x102: {  	[sflag:s26] =	ssyncset.done $0x0  }
.Ltmp7:
0x103: {  	s6 =	sadd.s32 $0x4F60, s1;
	[sflag:s26] =	ssyncadd.s32 $0xFFFFEC00;
	(pc) =	sbr.rel @p0 .LBB2_12-.Ltmp7, $4  }
0x104: {  	[spmem:s3] =	stream.indirect.scatter.add.f32 [tilespmem:s30], [sflag:$0x6], $0x40, s6, s21, $0xb8;
	[tilespmem:$0x1B040] =	vst v63  }
0x105: {  	_ =	swait.ge [sflag:s19], $0x1400  }
0x106: {  	[sflag:s19] =	ssyncset.done $0x0  }
0x107: {  	[sflag:s19] =	ssyncadd.s32 $0xFFFFEC00  }
0x108: {  	v2 =	vld [tilespmem:s1+$0x50F0]  }
0x109: {  	v3 =	vld [tilespmem:s1+$0x5100];
	_ =	sdelay $0x1  }
0x10a: {  	v4 =	vld [tilespmem:s1+$0x5110];
	_ =	sdelay $0x1  }
0x10b: {  	v6 =	vld [tilespmem:s1+$0x5120];
	v5 =	vshll.u32 v2, $0x1  }
0x10c: {  	v7 =	vshll.u32 v3, $0x1;
	v2 =	vshra.s32 v2, $0x10;
	v5 =	vand.u32 $0x1FFFE, v5  }
0x10d: {  	v62 =	vld [tilespmem:s1+$0x5130];
	v61 =	vand.u32 $0x1FFFE, v7;
	[tilespmem:s1+$0x50F0] =	vst v2;
	v5 =	vor.u32 v0, v5  }
0x10e: {  	v63 =	vshll.u32 v4, $0x1;
	v2 =	vor.u32 v0, v61;
	[tilespmem:s1+$0x2D0] =	vst v5  }
0x10f: {  	[tilespmem:s1+$0x2E0] =	vst v2;
	v2 =	vshra.s32 v3, $0x10;
	v3 =	vand.u32 $0x1FFFE, v63  }
0x110: {  	[tilespmem:s1+$0x5100] =	vst v2;
	v2 =	vor.u32 v0, v3;
	v3 =	vshll.u32 v6, $0x1  }
0x111: {  	[tilespmem:s1+$0x2F0] =	vst v2;
	v2 =	vshra.s32 v4, $0x10;
	v3 =	vand.u32 $0x1FFFE, v3  }
0x112: {  	[tilespmem:s1+$0x5110] =	vst v2;
	v2 =	vor.u32 v0, v3;
	v3 =	vshll.u32 v62, $0x1  }
.Ltmp8:
0x113: {  	[tilespmem:s1+$0x300] =	vst v2;
	v2 =	vshra.s32 v6, $0x10;
	v3 =	vand.u32 $0x1FFFE, v3;
	(pc) =	sbr.rel .LBB2_4-.Ltmp8, $4  }
0x114: {  	[tilespmem:s1+$0x5120] =	vst v2;
	v2 =	vor.u32 v0, v3  }
0x115: {  	[tilespmem:s1+$0x310] =	vst v2;
	v2 =	vshra.s32 v62, $0x10  }
0x116: {  	s6 =	sadd.s32 $0x2D0, s1;
	s29 =	sadd.s32 $0x640, s29;
	[tilespmem:s1+$0x5130] =	vst v2  }
0x117: {  	[tilespmem:s30], [sflag:$0x5] =	stream.indirect.gather [hbm4b:s2+s21], $0x40, s6, s21, $0xb8;
	[tilespmem:$0x1B040] =	vst v63  }
.LBB2_13:
0x118: {  	_ =	sfence.sel $0x180000  }
0x119: {  	[bflag:$0x0] =	sbarrier.arrive $0xFFFF  }
0x11a: {  	_ =	strace $0x9000004A  }
0x11b: {  	s0 =	stileid.u32;
	[bflag:$0x2] =	sbarrier.arrive $0xFFFF  }
0x11c: {  	p0 =	sne.s32 s0, $0x0;
	s0 =	rddreg [dreg:$0x3]  }
0x11d: {  	s0 =	sadd.s32 @!p0 $0x100000, s0  }
0x11e: {  	[sflag:s0] =	ssyncadd.tile.s32 @!p0 $0x1;
	_ =	shalt  }
.Lfunc_end2:
_tile_overlayer_lowered:
.L_overlay_start_2:
0x11f: {  	(tag) =	ssettag $0x2  }
0x120: {  	s0 =	rddreg [dreg:$0x0];
	s2 =	stileid.u32  }
0x121: {  	s1 =	rddreg [dreg:$0x1];
	p0 =	sne.s32 s2, $0x0  }
0x122: {  	s3 =	rddreg [dreg:$0x2];
	[bflag:$0x3] =	sbarrier.arrive $0xFFFF;
	s2 =	simm.s32 @!p0 $0x1C06  }
0x123: {  	[timem:s3], [sflag:s2] =	dma.local @!p0 [hbm:s0], s1  }
0x124: {  	s0 =	simm.s32 @!p0 $0x6  }
0x125: {  	_ =	swait.ge @!p0 [sflag:s0], s1  }
0x126: {  	s1 =	ssub.s32 @!p0 $0x0, s1;
	[sflag:s0] =	ssyncset.done @!p0 $0x0  }
0x127: {  	[sflag:s0] =	ssyncadd.s32 @!p0 s1  }
0x128: {  	[bflag:$0x3] =	sbarrier.arrive $0xFFFF  }
0x129: {  	_ =	shalt  }

// kernel: kernel.8.cloned.1.call-start
scs
__scs_entry_jumppad:
0x0: {  	(pc) =	sbr.rel $0x88, $3  }
0x1: {  	(tag) =	ssettag $0x0;
	lr =	simm.s32 $0x1  }
0x2: {  	[smem:$0x3F9B] =	sst lr;
	_ =	strace $0xD0000000  }
0x3: {  	_ = 	snop  }
0x4: {  	_ = 	snop  }
0x5: {  	_ = 	snop  }
0x6: {  	_ = 	snop  }
0x7: {  	_ = 	snop  }
__scs_overlays_trampoline_lowered:
0x8: {  	[smem:$0x3FAA] =	sst s0  }
0x9: {  	[smem:$0x3FAB] =	sst s1  }
0xa: {  	[smem:$0x3FAC] =	sst s2  }
0xb: {  	[smem:$0x3FAD] =	sst s3  }
0xc: {  	[smem:$0x3FAE] =	sst s4  }
0xd: {  	[smem:$0x3FAF] =	sst s5  }
0xe: {  	[smem:$0x3FB0] =	sst s6  }
0xf: {  	[smem:$0x3FB1] =	sst s7  }
0x10: {  	[smem:$0x3FB2] =	sst s8  }
0x11: {  	[smem:$0x3FB3] =	sst s9;
	s0 =	simm.s32 @!p0 $0x0  }
0x12: {  	s1 =	sld [smem:$0x3F99];
	s0 =	simm.s32 @p0 $0x1  }
0x13: {  	[smem:$0x3FB4] =	sst s0;
	s0 =	simm.s32 @!p1 $0x0  }
0x14: {  	s2 =	sld [smem:$0x3F98];
	s0 =	simm.s32 @p1 $0x1  }
0x15: {  	[smem:$0x3FB5] =	sst s0;
	s0 =	simm.s32 @!p2 $0x0  }
0x16: {  	s3 =	sld [smem:$0x3FDB];
	s0 =	simm.s32 @p2 $0x1  }
0x17: {  	s4 =	simm.s32 $0x1BF5;
	[smem:$0x3FB7] =	sst s0  }
0x18: {  	s0 =	sld [smem:$0x3F9A];
	_ =	swait.ge [sflag:s4], $0x0  }
0x19: {  	s7 =	sld [smem:$0x3F9B]  }
0x1a: {  	s8 =	sadd.s32 $0xFFFFE003, lr  }
0x1b: {  	s9 =	sadd.s32 $0xFFFFFEF7, lr;
	s5 =	simm.s32 $0xFFFFFFFF;
	p2 =	slt.u32 s8, $0xFFFFF086  }
0x1c: {  	p1 =	slt.u32 s9, $0xF7A;
	s5 =	simm.s32 @!p2 $0x0  }
0x1d: {  	s5 =	simm.s32 @p1 $0x1;
	p0 =	seq.s32 s7, s2  }
0x1e: {  	s7 =	smul.u32 @!p0 $0xF7A, s2;
	p2 =	seq.s32 @!p0 s5, $0x0  }
0x1f: {  	s9 =	smul.u32 $0xF7A, s1;
	s8 =	simm.s32 @!p0 $0x1BF5;
	p2 =	por !p2, p0  }
0x20: {  	[sflag:s8] =	ssyncset.s32 @!p0 $0xFFFFF086;
	s6 =	sadd.s32 @!p0 s3, s7;
	s7 =	simm.s32 @!p0 $0x108  }
0x21: {  	s3 =	sadd.s32 s3, s9;
	s6 =	sadd.s32 @!p0 $0x88, s6;
	s7 =	simm.s32 @p2 $0x1082  }
0x22: {  	[simem:s7], [sflag:s8] =	dma.local @!p0 [hbm:s6], $0xF7A  }
0x23: {  	s9 =	sor.u32 $0xD0000000, s2;
	s6 =	simm.s32 $0x108;
	_ =	swait.ge @!p0 [sflag:s8], $0x0  }
0x24: {  	s3 =	sadd.s32 $0x88, s3;
	s6 =	simm.s32 @!p1 $0x1082;
	[sflag:s4] =	ssyncset.s32 $0xFFFFF086  }
0x25: {  	[simem:s6], [sflag:s4] =	dma.local [hbm:s3], $0xF7A  }
0x26: {  	[smem:$0x3F9B] =	sst s1;
	(tag) =	ssettag s2;
	_ =	strace s9  }
0x27: {  	s1 =	sld [smem:$0x3FAB]  }
0x28: {  	s2 =	sld [smem:$0x3FAC]  }
0x29: {  	s4 =	sld [smem:$0x3FAE]  }
0x2a: {  	p0 =	seq.s32 s5, $0x0;
	s5 =	sld [smem:$0x3FAF]  }
0x2b: {  	s6 =	sld [smem:$0x3FB0]  }
0x2c: {  	s7 =	sld [smem:$0x3FB1]  }
0x2d: {  	s3 =	simm.s32 $0x108;
	s8 =	sld [smem:$0x3FB2]  }
0x2e: {  	s3 =	simm.s32 @!p0 $0x1082;
	s9 =	sld [smem:$0x3FB3]  }
0x2f: {  	lr =	sadd.s32 s0, s3;
	s0 =	sld [smem:$0x3FAA]  }
0x30: {  	s3 =	sld [smem:$0x3FAD]  }
0x31: {  	[smem:$0x3FB6] =	sst s10  }
0x32: {  	s10 =	sld [smem:$0x3FB4];
	_ =	sdelay $0x3  }
0x33: {  	p0 =	seq.s32 s10, $0x1;
	s10 =	sld [smem:$0x3FB6];
	_ =	sdelay $0x3  }
0x34: {  	[smem:$0x3FB6] =	sst s10  }
0x35: {  	s10 =	sld [smem:$0x3FB5];
	_ =	sdelay $0x3  }
0x36: {  	p1 =	seq.s32 s10, $0x1;
	s10 =	sld [smem:$0x3FB6];
	_ =	sdelay $0x3  }
0x37: {  	[smem:$0x3FB6] =	sst s10  }
0x38: {  	s10 =	sld [smem:$0x3FB7]  }
0x39: {  	_ = 	snop;
	(pc) =	sbr.ind lr, $3  }
0x3a: {  	_ = 	snop  }
0x3b: {  	_ = 	snop  }
0x3c: {  	p2 =	seq.s32 s10, $0x1;
	s10 =	sld [smem:$0x3FB6]  }
0x3d: {  	_ =	shalt  }
0x3e: {  	_ =	shalt  }
0x3f: {  	_ =	shalt  }
0x40: {  	_ =	shalt  }
0x41: {  	_ =	shalt  }
0x42: {  	_ =	shalt  }
0x43: {  	_ =	shalt  }
0x44: {  	_ =	shalt  }
0x45: {  	_ =	shalt  }
0x46: {  	_ =	shalt  }
0x47: {  	_ =	shalt  }
0x48: {  	_ =	shalt  }
0x49: {  	_ =	shalt  }
0x4a: {  	_ =	shalt  }
0x4b: {  	_ =	shalt  }
0x4c: {  	_ =	shalt  }
0x4d: {  	_ =	shalt  }
0x4e: {  	_ =	shalt  }
0x4f: {  	_ =	shalt  }
0x50: {  	_ =	shalt  }
0x51: {  	_ =	shalt  }
0x52: {  	_ =	shalt  }
0x53: {  	_ =	shalt  }
0x54: {  	_ =	shalt  }
0x55: {  	_ =	shalt  }
0x56: {  	_ =	shalt  }
0x57: {  	_ =	shalt  }
0x58: {  	_ =	shalt  }
0x59: {  	_ =	shalt  }
0x5a: {  	_ =	shalt  }
0x5b: {  	_ =	shalt  }
0x5c: {  	_ =	shalt  }
0x5d: {  	_ =	shalt  }
0x5e: {  	_ =	shalt  }
0x5f: {  	_ =	shalt  }
0x60: {  	_ =	shalt  }
0x61: {  	_ =	shalt  }
0x62: {  	_ =	shalt  }
0x63: {  	_ =	shalt  }
0x64: {  	_ =	shalt  }
0x65: {  	_ =	shalt  }
0x66: {  	_ =	shalt  }
0x67: {  	_ =	shalt  }
0x68: {  	_ =	shalt  }
0x69: {  	_ =	shalt  }
0x6a: {  	_ =	shalt  }
0x6b: {  	_ =	shalt  }
0x6c: {  	_ =	shalt  }
0x6d: {  	_ =	shalt  }
0x6e: {  	_ =	shalt  }
0x6f: {  	_ =	shalt  }
0x70: {  	_ =	shalt  }
0x71: {  	_ =	shalt  }
0x72: {  	_ =	shalt  }
0x73: {  	_ =	shalt  }
0x74: {  	_ =	shalt  }
0x75: {  	_ =	shalt  }
0x76: {  	_ =	shalt  }
0x77: {  	_ =	shalt  }
0x78: {  	_ =	shalt  }
0x79: {  	_ =	shalt  }
0x7a: {  	_ =	shalt  }
0x7b: {  	_ =	shalt  }
0x7c: {  	_ =	shalt  }
0x7d: {  	_ =	shalt  }
0x7e: {  	_ =	shalt  }
0x7f: {  	_ =	shalt  }
0x80: {  	_ =	shalt  }
0x81: {  	_ =	shalt  }
0x82: {  	_ =	shalt  }
0x83: {  	_ =	shalt  }
0x84: {  	_ =	shalt  }
0x85: {  	_ =	shalt  }
0x86: {  	_ =	shalt  }
0x87: {  	_ =	shalt  }
.Lfunc_end0:
.L_simem_size_0:
called_computation_lowered:
.L_overlay_start_0:
0x88: {  	s2 =	sld [smem:$0x3FD9]  }
0x89: {  	s3 =	sld [smem:$0x3FFE];
	_ =	sdelay $0x1  }
0x8a: {  	s1 =	srdreg.scid  }
0x8b: {  	s0 =	sand.u32 $0x1, s1  }
0x8c: {  	s14 =	sshll.u32 s0, $0xA;
	s2 =	sadd.s32 s3, s2  }
0x8d: {  	s2 =	sadd.s32 s2, s14  }
0x8e: {  	[smem:$0x3FC2] =	sst s2  }
0x8f: {  	_ = 	snop  }
0x90: {  	s2 =	sld [smem:$0x3FD0];
	_ =	sdelay $0x2  }
0x91: {  	s4 =	simm.s32 $0xA;
	s5 =	simm.s32 $0x10;
	s15 =	sld [smem:$0x3FC9]  }
0x92: {  	[smem:s5], [sflag:s4] =	dma.local [hbm:s2], $0x1  }
0x93: {  	_ =	swait.eq [sflag:s4], $0x1  }
0x94: {  	[sflag:s4] =	ssyncset.done $0x0  }
0x95: {  	[sflag:s4] =	ssyncadd.s32 $0xFFFFFFFF  }
0x96: {  	s16 =	sld [smem:$0x11];
	(tm) =	ssettm $0x1  }
0x97: {  	s17 =	sld [smem:$0x3FFB];
	_ =	sdelay $0x3  }
0x98: {  	_ =	strace s17  }
0x99: {  	s4 =	sld [smem:$0x3FFC];
	_ =	sdelay $0x3  }
0x9a: {  	_ =	strace s4  }
0x9b: {  	s4 =	sld [smem:$0x3FFD];
	_ =	sdelay $0x3  }
0x9c: {  	_ =	strace s4  }
0x9d: {  	_ =	strace $0x8FFFFFFF  }
0x9e: {  	s18 =	sld [smem:$0x3FDB];
	_ =	sdelay $0x1  }
0x9f: {  	s19 =	simm.s32 $_scs_section_size  }
0xa0: {  	s6 =	simm.s32 $_size__tile_overlayer_lowered;
	s7 =	simm.s32 $_tile_overlayer_lowered  }
0xa1: {  	s22 =	simm.s32 $0x1BFF;
	s21 =	sshll.u32 s7, $0x1;
	s4 =	sadd.s32 s19, s18  }
0xa2: {  	s8 =	simm.s32 $0x0;
	s20 =	sshll.u32 s6, $0x1;
	s6 =	sadd.s32 s21, s4  }
0xa3: {  	[timem:s8], [sflag:s22] =	dma.local [hbm:s6], s20  }
0xa4: {  	_ =	swait.ge [sflag:s22], s20  }
0xa5: {  	s5 =	ssub.s32 $0x0, s20;
	[sflag:s22] =	ssyncset.done $0x0  }
0xa6: {  	[sflag:s22] =	ssyncadd.s32 s5;
	_ =	sdelay $0x1  }
0xa7: {  	s23 =	simm.s32 $0x1B8B  }
0xa8: {  	_ =	swait.ge [sflag:s23], $0x1  }
0xa9: {  	[sflag:s23] =	ssyncset.done $0x0  }
0xaa: {  	s25 =	simm.s32 $0x1B8E;
	s24 =	sld [smem:$0x3FFE];
	[sflag:s23] =	ssyncadd.s32 $0xFFFFFFFF  }
0xab: {  	s26 =	simm.s32 $execute0_lowered;
	[smem:$0x3FD2] =	sst s25  }
0xac: {  	s6 =	sshll.u32 s26, $0x1;
	_ =	strace $0x80000046;
	[dreg:$0x1] =	wrdreg $0xFFFFFFFF  }
0xad: {  	s28 =	simm.s32 $_size_execute0_lowered;
	s4 =	sadd.s32 s4, s6;
	[dreg:$0x0] =	wrdreg $0x0  }
0xae: {  	s6 =	sshll.u32 s28, $0x1;
	[dreg:$0x2] =	wrdreg s4  }
0xaf: {  	[dreg:$0x3] =	wrdreg s6  }
0xb0: {  	[dreg:$0x4] =	wrdreg $0xC0  }
0xb1: {  	_ =	task [dreg:s8], $0x5FFFF  }
0xb2: {  	[dreg:$0x1] =	wrdreg $0xFFFFFFFF  }
0xb3: {  	[dreg:$0x0] =	wrdreg $0x60  }
0xb4: {  	[dreg:$0x2] =	wrdreg s24  }
0xb5: {  	[dreg:$0x3] =	wrdreg s15  }
0xb6: {  	[dreg:$0x4] =	wrdreg s16  }
0xb7: {  	[dreg:$0x5] =	wrdreg $0x119400  }
0xb8: {  	[dreg:$0x6] =	wrdreg $0x1B9400  }
0xb9: {  	[dreg:$0x7] =	wrdreg $0x9  }
0xba: {  	_ =	task.clear_ibuf [dreg:s8], $0x8FFFF;
	_ =	strace $0x90000046  }
0xbb: {  	s29 =	simm.s32 $0x9;
	_ =	strace $0x80000048  }
0xbc: {  	_ =	swait.ge [sflag:s29], $0x1  }
0xbd: {  	[sflag:s29] =	ssyncadd.s32 $0xFFFFFFFF  }
0xbe: {  	_ =	strace $0x90000048  }
0xbf: {  	_ =	sfence  }
0xc0: {  	s30 =	sld [smem:$0x0];
	_ =	sdelay $0x2  }
0xc1: {  	s31 =	sshll.u32 s1, $0xD;
	s1 =	sshrl.u32 s1, $0x2  }
0xc2: {  	s3 =	sand.u32 $0x4000, s31;
	s1 =	sadd.s32 s1, s30  }
0xc3: {  	s0 =	sor.u32 s3, s0;
	s1 =	sshll.u32 s1, $0x11  }
0xc4: {  	s0 =	sor.u32 s1, s0  }
0xc5: {  	s0 =	sadd.s32 $0x8F2B, s0  }
0xc6: {  	[sflag:s0] =	ssyncadd.remote.s32 $0x1  }
0xc7: {  	_ =	sfence.sel $0xFFFF  }
0xc8: {  	[dreg:$0x0] =	wrdreg $0xFFFFFFFF;
	(pc) =	sbr.abs _section_cstart, $3  }
0xc9: {  	[dreg:$0x1] =	wrdreg $0xFFFFFFFF  }
0xca: {  	_ =	task.clear_ibuf [dreg:s8], $0x2FFFF;
	_ =	strace $0x9FFFFFFF  }
0xcb: {  	(tm) =	ssettm $0x7FFFFFFF  }
tec
execute0_lowered:
.L_overlay_start_1:
0x0: {  	(tag) =	ssettag $0x1  }
0x1: {  	s0 =	rddreg [dreg:$0x0]  }
0x2: {  	s1 =	rddreg [dreg:$0x1];
	s14 =	stileid.u32  }
0x3: {  	s3 =	rddreg [dreg:$0x2];
	s7 =	smul.u32 $0x9C4, s14  }
0x4: {  	s2 =	rddreg [dreg:$0x3];
	s8 =	smul.u32 $0x14000, s14  }
0x5: {  	s4 =	rddreg [dreg:$0x4];
	s10 =	smul.u32 $0x280, s14  }
0x6: {  	s5 =	simm.s32 $0x0;
	s6 =	srdreg.scid;
	s13 =	smul.u32 $0x2800, s14  }
0x7: {  	[smem:$0x7FF] =	sst s5;
	s6 =	sand.u32 $0x1, s6;
	s18 =	smul.u32 $0x28000, s14  }
0x8: {  	s21 =	smul.u32 $0xA000, s14;
	_ =	strace $0x80000047;
	s9 =	sshll.u32 s6, $0x6  }
0x9: {  	s16 =	ssub.s32 $0x2, s6;
	s11 =	smul.u32 $0x28000, s6;
	s7 =	sadd.s32 s7, s0  }
0xa: {  	s8 =	sor.u32 s9, s8;
	s12 =	sshrl.u32 s16, $0x1;
	s20 =	sshrl.u32 s18, $0x2  }
0xb: {  	s23 =	sshrl.u32 s21, $0x2;
	s25 =	sor.u32 $0x40, s10;
	s29 =	sadd.s32 $0x80, s10  }
0xc: {  	s31 =	sadd.s32 $0xC0, s10;
	s15 =	sadd.s32 $0x140, s10;
	s8 =	sshrl.u32 s8, $0x3  }
0xd: {  	s17 =	ssub.s32 s16, s12;
	s7 =	sadd.s32 $0x2E00, s7;
	s19 =	sadd.s32 s13, s11  }
0xe: {  	s24 =	sadd.s32 s20, s2;
	s26 =	sshll.u32 s25, $0x6;
	s30 =	sshll.u32 s29, $0x6  }
0xf: {  	s9 =	sshll.u32 s31, $0x6;
	s11 =	sshll.u32 s31, $0x4;
	s12 =	sadd.s32 $0x100, s10  }
0x10: {  	s16 =	sshll.u32 s15, $0x6;
	s20 =	sadd.s32 $0x1C0, s10;
	s0 =	sadd.s32 s8, s0  }
0x11: {  	[dreg:$0x6] =	wrdreg s7;
	s22 =	smax.u32 s17, $0x1;
	s7 =	sshll.u32 s25, $0x4  }
0x12: {  	s17 =	sadd.s32 $0x180, s10;
	s21 =	sshll.u32 s20, $0x6;
	[dreg:$0x8] =	wrdreg s24  }
0x13: {  	s8 =	simm.s32 $0x11540;
	s0 =	sadd.s32 $0xCC00, s0;
	[dreg:$0xa] =	wrdreg s22  }
0x14: {  	s28 =	sadd.s32 s7, s4;
	s7 =	sadd.s32 s30, s2;
	[dreg:$0x7] =	wrdreg s0  }
0x15: {  	s18 =	sshll.u32 s17, $0x6;
	s22 =	sadd.s32 $0x200, s10;
	[dreg:$0xd] =	wrdreg s28  }
0x16: {  	s0 =	sshrl.u32 s19, $0x3;
	[dreg:$0xe] =	wrdreg s7;
	s7 =	sshll.u32 s12, $0x4  }
0x17: {  	s19 =	sshll.u32 s17, $0x4;
	s25 =	sshll.u32 s22, $0x6;
	s0 =	sadd.s32 s3, s0  }
0x18: {  	s28 =	sadd.s32 $0x240, s10;
	s3 =	sadd.s32 s23, s4;
	[dreg:$0x9] =	wrdreg s0  }
0x19: {  	s10 =	simm.s32 $0x50;
	s14 =	sadd.s32 s7, s4;
	[dreg:$0xb] =	wrdreg s3  }
0x1a: {  	s17 =	simm.s32 $0x2;
	s7 =	sadd.s32 s16, s2;
	[dreg:$0x13] =	wrdreg s14  }
0x1b: {  	s23 =	sshll.u32 s20, $0x4;
	s3 =	sadd.s32 s26, s2;
	[dreg:$0x14] =	wrdreg s7  }
0x1c: {  	s30 =	sshll.u32 s28, $0x6;
	s26 =	sadd.s32 s25, s2;
	[dreg:$0xc] =	wrdreg s3  }
0x1d: {  	s0 =	sadd.s32 s13, s4;
	s31 =	sadd.s32 s30, s2;
	[dreg:$0x1a] =	wrdreg s26  }
0x1e: {  	s3 =	sshll.u32 s29, $0x4;
	[dreg:$0x1c] =	wrdreg s31;
	s0 =	sshrl.u32 s0, $0x3  }
0x1f: {  	s16 =	simm.s32 $0x1;
	s3 =	sadd.s32 s3, s4;
	[dreg:$0x1e] =	wrdreg s0  }
0x20: {  	s20 =	simm.s32 $0x5;
	[dreg:$0xf] =	wrdreg s3;
	s3 =	sadd.s32 s9, s2  }
0x21: {  	s13 =	sshll.u32 s12, $0x6;
	[dreg:$0x10] =	wrdreg s3;
	s3 =	sadd.s32 s11, s4  }
0x22: {  	s29 =	sshll.u32 s22, $0x4;
	[dreg:$0x11] =	wrdreg s3;
	s3 =	sadd.s32 s13, s2  }
0x23: {  	s7 =	sadd.s32 s29, s4;
	[dreg:$0x12] =	wrdreg s3;
	s3 =	sshll.u32 s15, $0x4  }
0x24: {  	s12 =	simm.s32 $0xB040;
	[dreg:$0x1b] =	wrdreg s7;
	s3 =	sadd.s32 s3, s4  }
0x25: {  	s14 =	simm.s32 $0xD840;
	[dreg:$0x15] =	wrdreg s3;
	s3 =	sadd.s32 s18, s2  }
0x26: {  	s7 =	simm.s32 $0x6;
	[dreg:$0x16] =	wrdreg s3;
	s3 =	sadd.s32 s19, s4  }
.Ltmp0:
0x27: {  	[dreg:$0x17] =	wrdreg s3;
	s3 =	sadd.s32 s21, s2;
	(pc) =	sbr.rel .LBB2_1-.Ltmp0, $4  }
0x28: {  	s11 =	simm.s32 $0x9C40;
	[dreg:$0x18] =	wrdreg s3;
	s3 =	sadd.s32 s23, s4  }
0x29: {  	s13 =	simm.s32 $0xC440;
	[dreg:$0x19] =	wrdreg s3;
	s3 =	sshll.u32 s28, $0x4  }
0x2a: {  	s15 =	simm.s32 $0xEC40;
	s18 =	simm.s32 $0x3;
	s3 =	sadd.s32 s3, s4  }
0x2b: {  	v1 =	vimm.f32 $0.0e+00;
	v2 =	vimm.f32 $1.000000000e+00;
	v0 =	vmov s6;
	s19 =	simm.s32 $0x4;
	[dreg:$0x1d] =	wrdreg s3;
	s3 =	simm.s32 $0x10540  }
.LBB2_8:
0x2c: {  	s0 =	stileid.u32;
	[bflag:$0x0] =	sbarrier.arrive $0xFFFF;
	s22 =	simm.s32 $0x10  }
0x2d: {  	s23 =	simm.s32 $0x8;
	s0 =	sshll.u32 s0, $0x6;
	s24 =	rddreg [dreg:$0x8]  }
0x2e: {  	s21 =	rddreg [dreg:$0x7];
	s0 =	sor.u32 $0x1C06, s0;
	s9 =	sshrl.u32 s24, $0x3  }
0x2f: {  	[hbm:s21@s22], [sflag:s0] =	dma.strided [spmem:s9@s23], $0x1400, s16, $0x8   }
0x30: {  	_ =	swait.ge [sflag:s7], $0x1400  }
0x31: {  	[sflag:s7] =	ssyncset.done $0x0;
	s29 =	rddreg [dreg:$0x9]  }
0x32: {  	s30 =	rddreg [dreg:$0x1e];
	[sflag:s7] =	ssyncadd.s32 $0xFFFFEC00  }
0x33: {  	[hbm:s29], [sflag:s0] =	dma.local [spmem:s30], $0x500  }
0x34: {  	_ =	swait.ge [sflag:s7], $0x500  }
0x35: {  	s5 =	sadd.s32 $0x1, s5;
	s31 =	rddreg [dreg:$0xa]  }
0x36: {  	p0 =	sne.s32 s5, s31  }
.Ltmp1:
0x37: {  	_ = 	snop;
	(pc) =	sbr.rel @!p0 .LBB2_9-.Ltmp1, $3  }
0x38: {  	_ =	sdelay $0x1  }
0x39: {  	[sflag:s7] =	ssyncset.done $0x0  }
0x3a: {  	[sflag:s7] =	ssyncadd.s32 $0xFFFFFB00  }
.LBB2_1:
0x3b: {  	s21 =	simm.s32 $0x10560;
	s22 =	simm.s32 $0x0  }
.LBB2_2:
0x3c: {  	p0 =	sne.s32 s22, $0xFC0  }
.Ltmp2:
0x3d: {  	[tilespmem:s21+$0xFFFFFFE0] =	vst v1;
	(pc) =	sbr.rel @p0 .LBB2_2-.Ltmp2, $4  }
0x3e: {  	[tilespmem:s21+$0xFFFFFFF0] =	vst v1  }
0x3f: {  	[tilespmem:s21+$0x0] =	vst v1  }
0x40: {  	[tilespmem:s21+$0x10] =	vst v1;
	s23 =	sshra.s32 s22, $0x2  }
0x41: {  	s21 =	sadd.s32 $0x40, s21;
	s22 =	sadd.s32 $0x40, s22;
	[tilespmem:s23+$0x11540] =	vst v1  }
0x42: {  	s21 =	simm.s32 $0x40;
	s22 =	simm.s32 $0x0  }
.LBB2_4:
0x43: {  	p0 =	sne.s32 s21, $0x13C0;
	[tilespmem:s22+$0x10040] =	vst v2;
	s22 =	smov.u32 s21;
	s21 =	sadd.s32 $0x40, s21  }
.Ltmp3:
0x44: {  	(pc) =	sbr.rel @p0 .LBB2_4-.Ltmp3, $2  }
0x45: {  	_ =	sdelay $0x2  }
0x46: {  	s22 =	sshra.s32 s22, $0x2  }
0x47: {  	[tilespmem:s22+$0x10040] =	vst v2  }
0x48: {  	[spmem:s24] =	stream.linear.scatter [tilespmem:s3], [sflag:$0x6], $0x1000, $0x38;
	[tilespmem:$0x1E140] =	vst v63  }
0x49: {  	_ =	swait.ge [sflag:s7], $0x1000  }
0x4a: {  	[sflag:s7] =	ssyncset.done $0x0  }
0x4b: {  	s0 =	rddreg [dreg:$0xb];
	[sflag:s7] =	ssyncadd.s32 $0xFFFFF000  }
0x4c: {  	[spmem:s0] =	stream.linear.scatter [tilespmem:s8], [sflag:$0x6], $0x400, $0x38;
	[tilespmem:$0x1E140] =	vst v63  }
0x4d: {  	_ =	swait.ge [sflag:s7], $0x400  }
0x4e: {  	[sflag:s7] =	ssyncset.done $0x0  }
0x4f: {  	s9 =	rddreg [dreg:$0xc];
	[sflag:s7] =	ssyncadd.s32 $0xFFFFFC00  }
0x50: {  	[spmem:s9] =	stream.linear.scatter [tilespmem:s3], [sflag:$0x6], $0x1000, $0x38;
	[tilespmem:$0x1E140] =	vst v63  }
0x51: {  	_ =	swait.ge [sflag:s7], $0x1000  }
0x52: {  	[sflag:s7] =	ssyncset.done $0x0  }
0x53: {  	s21 =	rddreg [dreg:$0xd];
	[sflag:s7] =	ssyncadd.s32 $0xFFFFF000  }
0x54: {  	[spmem:s21] =	stream.linear.scatter [tilespmem:s8], [sflag:$0x6], $0x400, $0x38;
	[tilespmem:$0x1E140] =	vst v63  }
0x55: {  	_ =	swait.ge [sflag:s7], $0x400  }
0x56: {  	[sflag:s7] =	ssyncset.done $0x0  }
0x57: {  	s22 =	rddreg [dreg:$0xe];
	[sflag:s7] =	ssyncadd.s32 $0xFFFFFC00  }
0x58: {  	[spmem:s22] =	stream.linear.scatter [tilespmem:s3], [sflag:$0x6], $0x1000, $0x38;
	[tilespmem:$0x1E140] =	vst v63  }
0x59: {  	_ =	swait.ge [sflag:s7], $0x1000  }
0x5a: {  	[sflag:s7] =	ssyncset.done $0x0  }
0x5b: {  	s23 =	rddreg [dreg:$0xf];
	[sflag:s7] =	ssyncadd.s32 $0xFFFFF000  }
0x5c: {  	[spmem:s23] =	stream.linear.scatter [tilespmem:s8], [sflag:$0x6], $0x400, $0x38;
	[tilespmem:$0x1E140] =	vst v63  }
0x5d: {  	_ =	swait.ge [sflag:s7], $0x400  }
0x5e: {  	[sflag:s7] =	ssyncset.done $0x0  }
0x5f: {  	s24 =	rddreg [dreg:$0x10];
	[sflag:s7] =	ssyncadd.s32 $0xFFFFFC00  }
0x60: {  	[spmem:s24] =	stream.linear.scatter [tilespmem:s3], [sflag:$0x6], $0x1000, $0x38;
	[tilespmem:$0x1E140] =	vst v63  }
0x61: {  	_ =	swait.ge [sflag:s7], $0x1000  }
0x62: {  	[sflag:s7] =	ssyncset.done $0x0  }
0x63: {  	s25 =	rddreg [dreg:$0x11];
	[sflag:s7] =	ssyncadd.s32 $0xFFFFF000  }
0x64: {  	[spmem:s25] =	stream.linear.scatter [tilespmem:s8], [sflag:$0x6], $0x400, $0x38;
	[tilespmem:$0x1E140] =	vst v63  }
0x65: {  	_ =	swait.ge [sflag:s7], $0x400  }
0x66: {  	[sflag:s7] =	ssyncset.done $0x0  }
0x67: {  	s26 =	rddreg [dreg:$0x12];
	[sflag:s7] =	ssyncadd.s32 $0xFFFFFC00  }
0x68: {  	[spmem:s26] =	stream.linear.scatter [tilespmem:s3], [sflag:$0x6], $0x1000, $0x38;
	[tilespmem:$0x1E140] =	vst v63  }
0x69: {  	_ =	swait.ge [sflag:s7], $0x1000  }
0x6a: {  	[sflag:s7] =	ssyncset.done $0x0  }
0x6b: {  	s28 =	rddreg [dreg:$0x13];
	[sflag:s7] =	ssyncadd.s32 $0xFFFFF000  }
0x6c: {  	[spmem:s28] =	stream.linear.scatter [tilespmem:s8], [sflag:$0x6], $0x400, $0x38;
	[tilespmem:$0x1E140] =	vst v63  }
0x6d: {  	_ =	swait.ge [sflag:s7], $0x400  }
0x6e: {  	[sflag:s7] =	ssyncset.done $0x0  }
0x6f: {  	s29 =	rddreg [dreg:$0x14];
	[sflag:s7] =	ssyncadd.s32 $0xFFFFFC00  }
0x70: {  	[spmem:s29] =	stream.linear.scatter [tilespmem:s3], [sflag:$0x6], $0x1000, $0x38;
	[tilespmem:$0x1E140] =	vst v63  }
0x71: {  	_ =	swait.ge [sflag:s7], $0x1000  }
0x72: {  	[sflag:s7] =	ssyncset.done $0x0  }
0x73: {  	s30 =	rddreg [dreg:$0x15];
	[sflag:s7] =	ssyncadd.s32 $0xFFFFF000  }
0x74: {  	[spmem:s30] =	stream.linear.scatter [tilespmem:s8], [sflag:$0x6], $0x400, $0x38;
	[tilespmem:$0x1E140] =	vst v63  }
0x75: {  	_ =	swait.ge [sflag:s7], $0x400  }
0x76: {  	[sflag:s7] =	ssyncset.done $0x0  }
0x77: {  	s31 =	rddreg [dreg:$0x16];
	[sflag:s7] =	ssyncadd.s32 $0xFFFFFC00  }
0x78: {  	[spmem:s31] =	stream.linear.scatter [tilespmem:s3], [sflag:$0x6], $0x1000, $0x38;
	[tilespmem:$0x1E140] =	vst v63  }
0x79: {  	_ =	swait.ge [sflag:s7], $0x1000  }
0x7a: {  	[sflag:s7] =	ssyncset.done $0x0  }
0x7b: {  	s9 =	rddreg [dreg:$0x17];
	[sflag:s7] =	ssyncadd.s32 $0xFFFFF000  }
0x7c: {  	[spmem:s9] =	stream.linear.scatter [tilespmem:s8], [sflag:$0x6], $0x400, $0x38;
	[tilespmem:$0x1E140] =	vst v63  }
0x7d: {  	_ =	swait.ge [sflag:s7], $0x400  }
0x7e: {  	[sflag:s7] =	ssyncset.done $0x0  }
0x7f: {  	s21 =	rddreg [dreg:$0x18];
	[sflag:s7] =	ssyncadd.s32 $0xFFFFFC00  }
0x80: {  	[spmem:s21] =	stream.linear.scatter [tilespmem:s3], [sflag:$0x6], $0x1000, $0x38;
	[tilespmem:$0x1E140] =	vst v63  }
0x81: {  	_ =	swait.ge [sflag:s7], $0x1000  }
0x82: {  	[sflag:s7] =	ssyncset.done $0x0  }
0x83: {  	s22 =	rddreg [dreg:$0x19];
	[sflag:s7] =	ssyncadd.s32 $0xFFFFF000  }
0x84: {  	[spmem:s22] =	stream.linear.scatter [tilespmem:s8], [sflag:$0x6], $0x400, $0x38;
	[tilespmem:$0x1E140] =	vst v63  }
0x85: {  	_ =	swait.ge [sflag:s7], $0x400  }
0x86: {  	[sflag:s7] =	ssyncset.done $0x0  }
0x87: {  	s23 =	rddreg [dreg:$0x1a];
	[sflag:s7] =	ssyncadd.s32 $0xFFFFFC00  }
0x88: {  	[spmem:s23] =	stream.linear.scatter [tilespmem:s3], [sflag:$0x6], $0x1000, $0x38;
	[tilespmem:$0x1E140] =	vst v63  }
0x89: {  	_ =	swait.ge [sflag:s7], $0x1000  }
0x8a: {  	[sflag:s7] =	ssyncset.done $0x0  }
0x8b: {  	s24 =	rddreg [dreg:$0x1b];
	[sflag:s7] =	ssyncadd.s32 $0xFFFFF000  }
0x8c: {  	[spmem:s24] =	stream.linear.scatter [tilespmem:s8], [sflag:$0x6], $0x400, $0x38;
	[tilespmem:$0x1E140] =	vst v63  }
0x8d: {  	_ =	swait.ge [sflag:s7], $0x400  }
0x8e: {  	[sflag:s7] =	ssyncset.done $0x0  }
0x8f: {  	s25 =	rddreg [dreg:$0x1c];
	[sflag:s7] =	ssyncadd.s32 $0xFFFFFC00  }
0x90: {  	[spmem:s25] =	stream.linear.scatter [tilespmem:s3], [sflag:$0x6], $0x1000, $0x38;
	[tilespmem:$0x1E140] =	vst v63  }
0x91: {  	_ =	swait.ge [sflag:s7], $0x1000  }
0x92: {  	[sflag:s7] =	ssyncset.done $0x0  }
0x93: {  	s26 =	rddreg [dreg:$0x1d];
	[sflag:s7] =	ssyncadd.s32 $0xFFFFF000  }
0x94: {  	[spmem:s26] =	stream.linear.scatter [tilespmem:s8], [sflag:$0x6], $0x400, $0x38;
	[tilespmem:$0x1E140] =	vst v63  }
0x95: {  	_ =	swait.ge [sflag:s7], $0x400  }
0x96: {  	[sflag:s7] =	ssyncset.done $0x0  }
0x97: {  	[sflag:s7] =	ssyncadd.s32 $0xFFFFFC00  }
0x98: {  	[bflag:$0x0] =	sbarrier.arrive $0xFFFF  }
0x99: {  	s9 =	simm.s32 $0x4E20;
	s21 =	simm.s32 $0x0;
	s28 =	rddreg [dreg:$0x6]  }
0x9a: {  	[tilespmem:s9], [sflag:$0x6] =	stream.linear.gather [hbm4b:s28+s21], $0x4E20, $0x38;
	[tilespmem:$0x1E140] =	vst v63  }
0x9b: {  	_ =	swait.ge [sflag:s7], $0x4E20  }
0x9c: {  	[sflag:s7] =	ssyncset.done $0x0  }
0x9d: {  	[sflag:s7] =	ssyncadd.s32 $0xFFFFB1E0  }
0x9e: {  	v3 =	vld [tilespmem:$0x4E20]  }
0x9f: {  	v4 =	vld [tilespmem:$0x4E30];
	_ =	sdelay $0x1  }
0xa0: {  	v5 =	vld [tilespmem:$0x4E40];
	_ =	sdelay $0x1  }
0xa1: {  	v7 =	vld [tilespmem:$0x4E50];
	v6 =	vshll.u32 v3, $0x1  }
0xa2: {  	v8 =	vshll.u32 v4, $0x1;
	v3 =	vshra.s32 v3, $0x10;
	v6 =	vand.u32 $0x1FFFE, v6  }
0xa3: {  	v19 =	vld [tilespmem:$0x4E60];
	v18 =	vand.u32 $0x1FFFE, v8;
	[tilespmem:$0x4E20] =	vst v3;
	v6 =	vor.u32 v0, v6  }
0xa4: {  	v20 =	vshll.u32 v5, $0x1;
	v3 =	vor.u32 v0, v18;
	[tilespmem:$0x0] =	vst v6  }
0xa5: {  	v22 =	vld [tilespmem:$0x4E70];
	v21 =	vand.u32 $0x1FFFE, v20;
	[tilespmem:$0x10] =	vst v3;
	v3 =	vshra.s32 v4, $0x10  }
0xa6: {  	v23 =	vshll.u32 v7, $0x1;
	[tilespmem:$0x4E30] =	vst v3;
	v3 =	vor.u32 v0, v21  }
0xa7: {  	v24 =	vld [tilespmem:$0x4E80];
	v4 =	vand.u32 $0x1FFFE, v23;
	[tilespmem:$0x20] =	vst v3;
	v3 =	vshra.s32 v5, $0x10  }
0xa8: {  	v25 =	vshll.u32 v19, $0x1;
	[tilespmem:$0x4E40] =	vst v3;
	v3 =	vor.u32 v0, v4  }
0xa9: {  	v26 =	vld [tilespmem:$0x4E90];
	v4 =	vand.u32 $0x1FFFE, v25;
	[tilespmem:$0x30] =	vst v3;
	v3 =	vshra.s32 v7, $0x10  }
0xaa: {  	v27 =	vshll.u32 v22, $0x1;
	[tilespmem:$0x4E50] =	vst v3;
	v3 =	vor.u32 v0, v4  }
0xab: {  	v28 =	vld [tilespmem:$0x4EA0];
	v4 =	vand.u32 $0x1FFFE, v27;
	[tilespmem:$0x40] =	vst v3;
	v3 =	vshra.s32 v19, $0x10  }
0xac: {  	v29 =	vshll.u32 v24, $0x1;
	[tilespmem:$0x4E60] =	vst v3;
	v3 =	vor.u32 v0, v4  }
0xad: {  	v30 =	vld [tilespmem:$0x4EB0];
	v4 =	vand.u32 $0x1FFFE, v29;
	[tilespmem:$0x50] =	vst v3;
	v3 =	vshra.s32 v22, $0x10  }
0xae: {  	v31 =	vshll.u32 v26, $0x1;
	[tilespmem:$0x4E70] =	vst v3;
	v3 =	vor.u32 v0, v4  }
0xaf: {  	v32 =	vld [tilespmem:$0x4EC0];
	v4 =	vand.u32 $0x1FFFE, v31;
	[tilespmem:$0x60] =	vst v3;
	v3 =	vshra.s32 v24, $0x10  }
0xb0: {  	v33 =	vshll.u32 v28, $0x1;
	[tilespmem:$0x4E80] =	vst v3;
	v3 =	vor.u32 v0, v4  }
0xb1: {  	v34 =	vld [tilespmem:$0x4ED0];
	v4 =	vand.u32 $0x1FFFE, v33;
	[tilespmem:$0x70] =	vst v3;
	v3 =	vshra.s32 v26, $0x10  }
0xb2: {  	v35 =	vshll.u32 v30, $0x1;
	[tilespmem:$0x4E90] =	vst v3;
	v3 =	vor.u32 v0, v4  }
0xb3: {  	v36 =	vld [tilespmem:$0x4EE0];
	v4 =	vand.u32 $0x1FFFE, v35;
	[tilespmem:$0x80] =	vst v3;
	v3 =	vshra.s32 v28, $0x10  }
0xb4: {  	v37 =	vshll.u32 v32, $0x1;
	[tilespmem:$0x4EA0] =	vst v3;
	v3 =	vor.u32 v0, v4  }
0xb5: {  	v38 =	vld [tilespmem:$0x4EF0];
	v4 =	vand.u32 $0x1FFFE, v37;
	[tilespmem:$0x90] =	vst v3;
	v3 =	vshra.s32 v30, $0x10  }
0xb6: {  	v39 =	vshll.u32 v34, $0x1;
	[tilespmem:$0x4EB0] =	vst v3;
	v3 =	vor.u32 v0, v4  }
0xb7: {  	v40 =	vld [tilespmem:$0x4F00];
	v4 =	vand.u32 $0x1FFFE, v39;
	[tilespmem:$0xA0] =	vst v3;
	v3 =	vshra.s32 v32, $0x10  }
0xb8: {  	v41 =	vshll.u32 v36, $0x1;
	[tilespmem:$0x4EC0] =	vst v3;
	v3 =	vor.u32 v0, v4  }
0xb9: {  	v42 =	vld [tilespmem:$0x4F10];
	v4 =	vand.u32 $0x1FFFE, v41;
	[tilespmem:$0xB0] =	vst v3;
	v3 =	vshra.s32 v34, $0x10  }
0xba: {  	v43 =	vshll.u32 v38, $0x1;
	[tilespmem:$0x4ED0] =	vst v3;
	v3 =	vor.u32 v0, v4  }
0xbb: {  	v44 =	vld [tilespmem:$0x4F20];
	v4 =	vand.u32 $0x1FFFE, v43;
	[tilespmem:$0xC0] =	vst v3;
	v3 =	vshra.s32 v36, $0x10  }
0xbc: {  	v45 =	vshll.u32 v40, $0x1;
	[tilespmem:$0x4EE0] =	vst v3;
	v3 =	vor.u32 v0, v4  }
0xbd: {  	v46 =	vld [tilespmem:$0x4F30];
	v4 =	vand.u32 $0x1FFFE, v45;
	[tilespmem:$0xD0] =	vst v3;
	v3 =	vshra.s32 v38, $0x10  }
0xbe: {  	v47 =	vshll.u32 v42, $0x1;
	[tilespmem:$0x4EF0] =	vst v3;
	v3 =	vor.u32 v0, v4  }
0xbf: {  	v48 =	vld [tilespmem:$0x4F40];
	v4 =	vand.u32 $0x1FFFE, v47;
	[tilespmem:$0xE0] =	vst v3;
	v3 =	vshra.s32 v40, $0x10  }
0xc0: {  	v49 =	vshll.u32 v44, $0x1;
	[tilespmem:$0x4F00] =	vst v3;
	v3 =	vor.u32 v0, v4  }
0xc1: {  	v50 =	vld [tilespmem:$0x4F50];
	v4 =	vand.u32 $0x1FFFE, v49;
	[tilespmem:$0xF0] =	vst v3;
	v3 =	vshra.s32 v42, $0x10  }
0xc2: {  	v51 =	vshll.u32 v46, $0x1;
	[tilespmem:$0x4F10] =	vst v3;
	v3 =	vor.u32 v0, v4  }
0xc3: {  	v52 =	vld [tilespmem:$0x4F60];
	v4 =	vand.u32 $0x1FFFE, v51;
	[tilespmem:$0x100] =	vst v3;
	v3 =	vshra.s32 v44, $0x10  }
0xc4: {  	v53 =	vshll.u32 v48, $0x1;
	[tilespmem:$0x4F20] =	vst v3;
	v3 =	vor.u32 v0, v4  }
0xc5: {  	v54 =	vld [tilespmem:$0x4F70];
	v4 =	vand.u32 $0x1FFFE, v53;
	[tilespmem:$0x110] =	vst v3;
	v3 =	vshra.s32 v46, $0x10  }
0xc6: {  	v55 =	vshll.u32 v50, $0x1;
	[tilespmem:$0x4F30] =	vst v3;
	v3 =	vor.u32 v0, v4  }
0xc7: {  	v56 =	vld [tilespmem:$0x4F80];
	v4 =	vand.u32 $0x1FFFE, v55;
	[tilespmem:$0x120] =	vst v3;
	v3 =	vshra.s32 v48, $0x10  }
0xc8: {  	v57 =	vshll.u32 v52, $0x1;
	[tilespmem:$0x4F40] =	vst v3;
	v3 =	vor.u32 v0, v4  }
0xc9: {  	v58 =	vld [tilespmem:$0x4F90];
	v4 =	vand.u32 $0x1FFFE, v57;
	[tilespmem:$0x130] =	vst v3;
	v3 =	vshra.s32 v50, $0x10  }
0xca: {  	v59 =	vshll.u32 v54, $0x1;
	[tilespmem:$0x4F50] =	vst v3;
	v3 =	vor.u32 v0, v4  }
0xcb: {  	v60 =	vld [tilespmem:$0x4FA0];
	v4 =	vand.u32 $0x1FFFE, v59;
	[tilespmem:$0x140] =	vst v3;
	v3 =	vshra.s32 v52, $0x10  }
0xcc: {  	v61 =	vshll.u32 v56, $0x1;
	[tilespmem:$0x4F60] =	vst v3;
	v3 =	vor.u32 v0, v4  }
0xcd: {  	v4 =	vand.u32 $0x1FFFE, v61;
	[tilespmem:$0x150] =	vst v3;
	v3 =	vshra.s32 v54, $0x10  }
0xce: {  	v62 =	vshll.u32 v58, $0x1;
	[tilespmem:$0x4F70] =	vst v3;
	v3 =	vor.u32 v0, v4  }
0xcf: {  	v4 =	vand.u32 $0x1FFFE, v62;
	[tilespmem:$0x160] =	vst v3;
	v3 =	vshra.s32 v56, $0x10  }
0xd0: {  	v63 =	vshll.u32 v60, $0x1;
	[tilespmem:$0x4F80] =	vst v3;
	v3 =	vor.u32 v0, v4  }
0xd1: {  	v4 =	vand.u32 $0x1FFFE, v63;
	[tilespmem:$0x170] =	vst v3;
	v3 =	vshra.s32 v58, $0x10  }
0xd2: {  	[tilespmem:$0x4F90] =	vst v3;
	v3 =	vor.u32 v0, v4  }
0xd3: {  	[tilespmem:$0x180] =	vst v3;
	v3 =	vshra.s32 v60, $0x10  }
0xd4: {  	[tilespmem:$0x4FA0] =	vst v3  }
0xd5: {  	[tilespmem:s11], [sflag:$0x1] =	stream.indirect.gather [hbm4b:s1+s10], $0x40, s21, s10, $0xb8;
	[tilespmem:$0x1E140] =	vst v63  }
0xd6: {  	_ = 	snop  }
0xd7: {  	[tilespmem:s12], [sflag:$0x2] =	stream.indirect.gather [hbm4b:s1+s10], $0x40, s10, s10, $0xb8;
	[tilespmem:$0x1E140] =	vst v63  }
0xd8: {  	s29 =	simm.s32 $0xA0  }
0xd9: {  	[tilespmem:s13], [sflag:$0x3] =	stream.indirect.gather [hbm4b:s1+s10], $0x40, s29, s10, $0xb8;
	[tilespmem:$0x1E140] =	vst v63  }
0xda: {  	s30 =	simm.s32 $0xF0  }
0xdb: {  	[tilespmem:s14], [sflag:$0x4] =	stream.indirect.gather [hbm4b:s1+s10], $0x40, s30, s10, $0xb8;
	[tilespmem:$0x1E140] =	vst v63  }
0xdc: {  	s31 =	simm.s32 $0x140;
	s22 =	simm.s32 $0x0  }
0xdd: {  	[tilespmem:s15], [sflag:$0x5] =	stream.indirect.gather [hbm4b:s1+s10], $0x40, s31, s10, $0xb8;
	[tilespmem:$0x1E140] =	vst v63  }
.LBB2_6:
0xde: {  	_ =	swait.ge [sflag:s16], $0x1400;
	s23 =	sand.u32 $0x1, s22  }
0xdf: {  	[sflag:s16] =	ssyncset.done $0x0;
	p0 =	sne.s32 s6, s23  }
0xe0: {  	[sflag:s16] =	ssyncadd.s32 $0xFFFFEC00;
	s24 =	sshra.s32 @!p0 s21, $0x2;
	s25 =	simm.s32 @!p0 $0x50  }
0xe1: {  	s28 =	simm.s32 @!p0 $0x10040;
	s26 =	simm.s32 @!p0 $0x6;
	s23 =	sadd.s32 @!p0 $0x4E20, s24  }
0xe2: {  	[spmem:s4] =	stream.indirect.scatter.add.f32 @!p0 [tilespmem:s28], [sflag:$0x6], $0x10, s23, s25, $0xb8;
	[tilespmem:$0x1E140] =	vst v63  }
0xe3: {  	_ =	swait.ge @!p0 [sflag:s26], $0x500  }
0xe4: {  	s23 =	sshra.s32 s21, $0x2;
	[sflag:s26] =	ssyncset.done @!p0 $0x0  }
0xe5: {  	s29 =	sadd.s32 $0x4E20, s23;
	[sflag:s26] =	ssyncadd.s32 @!p0 $0xFFFFFB00  }
0xe6: {  	[spmem:s2] =	stream.indirect.scatter.add.f32 [tilespmem:s11], [sflag:$0x6], $0x40, s29, s10, $0xb8;
	[tilespmem:$0x1E140] =	vst v63  }
0xe7: {  	_ =	swait.ge [sflag:s7], $0x1400  }
0xe8: {  	p1 =	seq.s32 s21, $0x13240;
	[sflag:s7] =	ssyncset.done $0x0  }
0xe9: {  	s29 =	sshra.s32 @!p1 s21, $0x2;
	[sflag:s7] =	ssyncadd.s32 $0xFFFFEC00  }
0xea: {  	v3 =	vld @!p1 [tilespmem:s29+$0x4FB0];
	_ =	sdelay $0x1  }
0xeb: {  	v4 =	vld @!p1 [tilespmem:s29+$0x4FC0];
	_ =	sdelay $0x1  }
0xec: {  	v5 =	vld @!p1 [tilespmem:s29+$0x4FD0]  }
0xed: {  	v6 =	vshll.u32 @!p1 v3, $0x1  }
0xee: {  	v7 =	vld @!p1 [tilespmem:s29+$0x4FE0];
	v6 =	vand.u32 @!p1 $0x1FFFE, v6  }
0xef: {  	v8 =	vshll.u32 @!p1 v4, $0x1;
	v6 =	vor.u32 @!p1 v0, v6  }
0xf0: {  	v3 =	vshra.s32 @!p1 v3, $0x10;
	[tilespmem:s29+$0x190] =	vst @!p1 v6;
	v6 =	vand.u32 @!p1 $0x1FFFE, v8;
	v8 =	vld @!p1 [tilespmem:s29+$0x4FF0]  }
0xf1: {  	[tilespmem:s29+$0x4FB0] =	vst @!p1 v3;
	v3 =	vor.u32 @!p1 v0, v6;
	v6 =	vshll.u32 @!p1 v5, $0x1  }
0xf2: {  	[tilespmem:s29+$0x1A0] =	vst @!p1 v3;
	v3 =	vshra.s32 @!p1 v4, $0x10;
	v4 =	vand.u32 @!p1 $0x1FFFE, v6  }
0xf3: {  	[tilespmem:s29+$0x4FC0] =	vst @!p1 v3;
	v3 =	vor.u32 @!p1 v0, v4;
	v4 =	vshll.u32 @!p1 v7, $0x1  }
0xf4: {  	[tilespmem:s29+$0x1B0] =	vst @!p1 v3;
	v3 =	vshra.s32 @!p1 v5, $0x10;
	v4 =	vand.u32 @!p1 $0x1FFFE, v4  }
0xf5: {  	[tilespmem:s29+$0x4FD0] =	vst @!p1 v3;
	v3 =	vor.u32 @!p1 v0, v4;
	v4 =	vshll.u32 @!p1 v8, $0x1  }
0xf6: {  	[tilespmem:s29+$0x1C0] =	vst @!p1 v3;
	v3 =	vshra.s32 @!p1 v7, $0x10;
	v4 =	vand.u32 @!p1 $0x1FFFE, v4  }
0xf7: {  	[tilespmem:s29+$0x4FE0] =	vst @!p1 v3;
	v3 =	vor.u32 @!p1 v0, v4  }
0xf8: {  	s9 =	sxor.u32 $0xFFFFFFFF, s22;
	[tilespmem:s29+$0x1D0] =	vst @!p1 v3;
	v3 =	vshra.s32 @!p1 v8, $0x10  }
0xf9: {  	s30 =	simm.s32 @!p1 $0x50;
	s0 =	simm.s32 @!p1 $0x9C40;
	s31 =	sadd.s32 @!p1 $0x190, s29;
	[tilespmem:s29+$0x4FF0] =	vst @!p1 v3  }
0xfa: {  	[tilespmem:s0], [sflag:$0x1] =	stream.indirect.gather @!p1 [hbm4b:s1+s30], $0x40, s31, s30, $0xb8;
	[tilespmem:$0x1E140] =	vst v63  }
0xfb: {  	s0 =	sand.u32 $0x1, s9  }
0xfc: {  	_ =	swait.ge [sflag:s17], $0x1400;
	p2 =	sne.s32 s6, s0  }
0xfd: {  	[sflag:s17] =	ssyncset.done $0x0;
	s0 =	sshra.s32 @!p2 s21, $0x2;
	s31 =	simm.s32 @!p2 $0x50  }
0xfe: {  	s9 =	simm.s32 @!p2 $0x10040;
	[sflag:s17] =	ssyncadd.s32 $0xFFFFEC00;
	s0 =	sadd.s32 @!p2 $0x4E70, s0  }
0xff: {  	[spmem:s4] =	stream.indirect.scatter.add.f32 @!p2 [tilespmem:s9], [sflag:$0x6], $0x10, s0, s31, $0xb8;
	[tilespmem:$0x1E140] =	vst v63  }
0x100: {  	s0 =	simm.s32 @!p2 $0x6  }
0x101: {  	_ =	swait.ge @!p2 [sflag:s0], $0x500  }
0x102: {  	[sflag:s0] =	ssyncset.done @!p2 $0x0  }
0x103: {  	s31 =	sadd.s32 $0x4E70, s23;
	[sflag:s0] =	ssyncadd.s32 @!p2 $0xFFFFFB00  }
0x104: {  	[spmem:s2] =	stream.indirect.scatter.add.f32 [tilespmem:s12], [sflag:$0x6], $0x40, s31, s10, $0xb8;
	[tilespmem:$0x1E140] =	vst v63  }
0x105: {  	_ =	swait.ge [sflag:s7], $0x1400  }
0x106: {  	[sflag:s7] =	ssyncset.done $0x0  }
0x107: {  	[sflag:s7] =	ssyncadd.s32 $0xFFFFEC00  }
0x108: {  	v3 =	vld @!p1 [tilespmem:s29+$0x5000];
	_ =	sdelay $0x1  }
0x109: {  	v4 =	vld @!p1 [tilespmem:s29+$0x5010];
	_ =	sdelay $0x1  }
0x10a: {  	v5 =	vld @!p1 [tilespmem:s29+$0x5020]  }
0x10b: {  	v6 =	vshll.u32 @!p1 v3, $0x1  }
0x10c: {  	v7 =	vld @!p1 [tilespmem:s29+$0x5030];
	v6 =	vand.u32 @!p1 $0x1FFFE, v6  }
0x10d: {  	v8 =	vshll.u32 @!p1 v4, $0x1;
	v6 =	vor.u32 @!p1 v0, v6  }
0x10e: {  	v3 =	vshra.s32 @!p1 v3, $0x10;
	[tilespmem:s29+$0x1E0] =	vst @!p1 v6;
	v6 =	vand.u32 @!p1 $0x1FFFE, v8;
	v8 =	vld @!p1 [tilespmem:s29+$0x5040]  }
0x10f: {  	[tilespmem:s29+$0x5000] =	vst @!p1 v3;
	v3 =	vor.u32 @!p1 v0, v6;
	v6 =	vshll.u32 @!p1 v5, $0x1  }
0x110: {  	[tilespmem:s29+$0x1F0] =	vst @!p1 v3;
	v3 =	vshra.s32 @!p1 v4, $0x10;
	v4 =	vand.u32 @!p1 $0x1FFFE, v6  }
0x111: {  	[tilespmem:s29+$0x5010] =	vst @!p1 v3;
	v3 =	vor.u32 @!p1 v0, v4;
	v4 =	vshll.u32 @!p1 v7, $0x1  }
0x112: {  	[tilespmem:s29+$0x200] =	vst @!p1 v3;
	v3 =	vshra.s32 @!p1 v5, $0x10;
	v4 =	vand.u32 @!p1 $0x1FFFE, v4  }
0x113: {  	[tilespmem:s29+$0x5020] =	vst @!p1 v3;
	v3 =	vor.u32 @!p1 v0, v4;
	v4 =	vshll.u32 @!p1 v8, $0x1  }
0x114: {  	[tilespmem:s29+$0x210] =	vst @!p1 v3;
	v3 =	vshra.s32 @!p1 v7, $0x10;
	v4 =	vand.u32 @!p1 $0x1FFFE, v4  }
0x115: {  	[tilespmem:s29+$0x5030] =	vst @!p1 v3;
	v3 =	vor.u32 @!p1 v0, v4  }
0x116: {  	[tilespmem:s29+$0x220] =	vst @!p1 v3;
	v3 =	vshra.s32 @!p1 v8, $0x10  }
0x117: {  	s9 =	simm.s32 @!p1 $0xB040;
	s0 =	sadd.s32 @!p1 $0x1E0, s29;
	[tilespmem:s29+$0x5040] =	vst @!p1 v3  }
0x118: {  	[tilespmem:s9], [sflag:$0x2] =	stream.indirect.gather @!p1 [hbm4b:s1+s30], $0x40, s0, s30, $0xb8;
	[tilespmem:$0x1E140] =	vst v63  }
0x119: {  	_ =	swait.ge [sflag:s18], $0x1400  }
0x11a: {  	[sflag:s18] =	ssyncset.done $0x0  }
0x11b: {  	s0 =	sadd.s32 @!p0 $0x4EC0, s24;
	[sflag:s18] =	ssyncadd.s32 $0xFFFFEC00  }
0x11c: {  	[spmem:s4] =	stream.indirect.scatter.add.f32 @!p0 [tilespmem:s28], [sflag:$0x6], $0x10, s0, s25, $0xb8;
	[tilespmem:$0x1E140] =	vst v63  }
0x11d: {  	_ =	swait.ge @!p0 [sflag:s26], $0x500  }
0x11e: {  	[sflag:s26] =	ssyncset.done @!p0 $0x0  }
0x11f: {  	s9 =	sadd.s32 $0x4EC0, s23;
	[sflag:s26] =	ssyncadd.s32 @!p0 $0xFFFFFB00  }
0x120: {  	[spmem:s2] =	stream.indirect.scatter.add.f32 [tilespmem:s13], [sflag:$0x6], $0x40, s9, s10, $0xb8;
	[tilespmem:$0x1E140] =	vst v63  }
0x121: {  	_ =	swait.ge [sflag:s7], $0x1400  }
0x122: {  	[sflag:s7] =	ssyncset.done $0x0  }
0x123: {  	[sflag:s7] =	ssyncadd.s32 $0xFFFFEC00  }
0x124: {  	v3 =	vld @!p1 [tilespmem:s29+$0x5050];
	_ =	sdelay $0x1  }
0x125: {  	v4 =	vld @!p1 [tilespmem:s29+$0x5060];
	_ =	sdelay $0x1  }
0x126: {  	v5 =	vld @!p1 [tilespmem:s29+$0x5070]  }
0x127: {  	v6 =	vshll.u32 @!p1 v3, $0x1  }
0x128: {  	v7 =	vld @!p1 [tilespmem:s29+$0x5080];
	v6 =	vand.u32 @!p1 $0x1FFFE, v6  }
0x129: {  	v8 =	vshll.u32 @!p1 v4, $0x1;
	v6 =	vor.u32 @!p1 v0, v6  }
0x12a: {  	v3 =	vshra.s32 @!p1 v3, $0x10;
	[tilespmem:s29+$0x230] =	vst @!p1 v6;
	v6 =	vand.u32 @!p1 $0x1FFFE, v8;
	v8 =	vld @!p1 [tilespmem:s29+$0x5090]  }
0x12b: {  	[tilespmem:s29+$0x5050] =	vst @!p1 v3;
	v3 =	vor.u32 @!p1 v0, v6;
	v6 =	vshll.u32 @!p1 v5, $0x1  }
0x12c: {  	[tilespmem:s29+$0x240] =	vst @!p1 v3;
	v3 =	vshra.s32 @!p1 v4, $0x10;
	v4 =	vand.u32 @!p1 $0x1FFFE, v6  }
0x12d: {  	[tilespmem:s29+$0x5060] =	vst @!p1 v3;
	v3 =	vor.u32 @!p1 v0, v4;
	v4 =	vshll.u32 @!p1 v7, $0x1  }
0x12e: {  	[tilespmem:s29+$0x250] =	vst @!p1 v3;
	v3 =	vshra.s32 @!p1 v5, $0x10;
	v4 =	vand.u32 @!p1 $0x1FFFE, v4  }
0x12f: {  	[tilespmem:s29+$0x5070] =	vst @!p1 v3;
	v3 =	vor.u32 @!p1 v0, v4;
	v4 =	vshll.u32 @!p1 v8, $0x1  }
0x130: {  	[tilespmem:s29+$0x260] =	vst @!p1 v3;
	v3 =	vshra.s32 @!p1 v7, $0x10;
	v4 =	vand.u32 @!p1 $0x1FFFE, v4  }
0x131: {  	[tilespmem:s29+$0x5080] =	vst @!p1 v3;
	v3 =	vor.u32 @!p1 v0, v4  }
0x132: {  	[tilespmem:s29+$0x270] =	vst @!p1 v3;
	v3 =	vshra.s32 @!p1 v8, $0x10  }
0x133: {  	s31 =	sadd.s32 $0xFFFFFFFF, s22;
	s0 =	sadd.s32 @!p1 $0x230, s29;
	s9 =	simm.s32 @!p1 $0xC440;
	[tilespmem:s29+$0x5090] =	vst @!p1 v3  }
0x134: {  	[tilespmem:s9], [sflag:$0x3] =	stream.indirect.gather @!p1 [hbm4b:s1+s30], $0x40, s0, s30, $0xb8;
	[tilespmem:$0x1E140] =	vst v63  }
0x135: {  	s0 =	sand.u32 $0x1, s31  }
0x136: {  	_ =	swait.ge [sflag:s19], $0x1400;
	p2 =	sne.s32 s6, s0  }
0x137: {  	[sflag:s19] =	ssyncset.done $0x0;
	s0 =	sshra.s32 @!p2 s21, $0x2;
	s9 =	simm.s32 @!p2 $0x50  }
0x138: {  	s31 =	simm.s32 @!p2 $0x10040;
	[sflag:s19] =	ssyncadd.s32 $0xFFFFEC00;
	s0 =	sadd.s32 @!p2 $0x4F10, s0  }
0x139: {  	[spmem:s4] =	stream.indirect.scatter.add.f32 @!p2 [tilespmem:s31], [sflag:$0x6], $0x10, s0, s9, $0xb8;
	[tilespmem:$0x1E140] =	vst v63  }
0x13a: {  	s0 =	simm.s32 @!p2 $0x6  }
0x13b: {  	_ =	swait.ge @!p2 [sflag:s0], $0x500  }
0x13c: {  	[sflag:s0] =	ssyncset.done @!p2 $0x0  }
0x13d: {  	s9 =	sadd.s32 $0x4F10, s23;
	[sflag:s0] =	ssyncadd.s32 @!p2 $0xFFFFFB00  }
0x13e: {  	[spmem:s2] =	stream.indirect.scatter.add.f32 [tilespmem:s14], [sflag:$0x6], $0x40, s9, s10, $0xb8;
	[tilespmem:$0x1E140] =	vst v63  }
0x13f: {  	_ =	swait.ge [sflag:s7], $0x1400  }
0x140: {  	[sflag:s7] =	ssyncset.done $0x0  }
0x141: {  	[sflag:s7] =	ssyncadd.s32 $0xFFFFEC00  }
0x142: {  	v3 =	vld @!p1 [tilespmem:s29+$0x50A0];
	_ =	sdelay $0x1  }
0x143: {  	v4 =	vld @!p1 [tilespmem:s29+$0x50B0];
	_ =	sdelay $0x1  }
0x144: {  	v5 =	vld @!p1 [tilespmem:s29+$0x50C0]  }
0x145: {  	v6 =	vshll.u32 @!p1 v3, $0x1  }
0x146: {  	v7 =	vld @!p1 [tilespmem:s29+$0x50D0];
	v6 =	vand.u32 @!p1 $0x1FFFE, v6  }
0x147: {  	v8 =	vshll.u32 @!p1 v4, $0x1;
	v6 =	vor.u32 @!p1 v0, v6  }
0x148: {  	v3 =	vshra.s32 @!p1 v3, $0x10;
	[tilespmem:s29+$0x280] =	vst @!p1 v6;
	v6 =	vand.u32 @!p1 $0x1FFFE, v8;
	v8 =	vld @!p1 [tilespmem:s29+$0x50E0]  }
0x149: {  	[tilespmem:s29+$0x50A0] =	vst @!p1 v3;
	v3 =	vor.u32 @!p1 v0, v6;
	v6 =	vshll.u32 @!p1 v5, $0x1  }
0x14a: {  	[tilespmem:s29+$0x290] =	vst @!p1 v3;
	v3 =	vshra.s32 @!p1 v4, $0x10;
	v4 =	vand.u32 @!p1 $0x1FFFE, v6  }
0x14b: {  	[tilespmem:s29+$0x50B0] =	vst @!p1 v3;
	v3 =	vor.u32 @!p1 v0, v4;
	v4 =	vshll.u32 @!p1 v7, $0x1  }
0x14c: {  	[tilespmem:s29+$0x2A0] =	vst @!p1 v3;
	v3 =	vshra.s32 @!p1 v5, $0x10;
	v4 =	vand.u32 @!p1 $0x1FFFE, v4  }
0x14d: {  	[tilespmem:s29+$0x50C0] =	vst @!p1 v3;
	v3 =	vor.u32 @!p1 v0, v4;
	v4 =	vshll.u32 @!p1 v8, $0x1  }
0x14e: {  	[tilespmem:s29+$0x2B0] =	vst @!p1 v3;
	v3 =	vshra.s32 @!p1 v7, $0x10;
	v4 =	vand.u32 @!p1 $0x1FFFE, v4  }
0x14f: {  	[tilespmem:s29+$0x50D0] =	vst @!p1 v3;
	v3 =	vor.u32 @!p1 v0, v4  }
0x150: {  	[tilespmem:s29+$0x2C0] =	vst @!p1 v3;
	v3 =	vshra.s32 @!p1 v8, $0x10  }
0x151: {  	s0 =	sadd.s32 @!p1 $0x280, s29;
	s9 =	simm.s32 @!p1 $0xD840;
	[tilespmem:s29+$0x50E0] =	vst @!p1 v3  }
0x152: {  	[tilespmem:s9], [sflag:$0x4] =	stream.indirect.gather @!p1 [hbm4b:s1+s30], $0x40, s0, s30, $0xb8;
	[tilespmem:$0x1E140] =	vst v63  }
0x153: {  	_ =	swait.ge [sflag:s20], $0x1400  }
0x154: {  	[sflag:s20] =	ssyncset.done $0x0  }
0x155: {  	s0 =	sadd.s32 @!p0 $0x4F60, s24;
	[sflag:s20] =	ssyncadd.s32 $0xFFFFEC00  }
0x156: {  	[spmem:s4] =	stream.indirect.scatter.add.f32 @!p0 [tilespmem:s28], [sflag:$0x6], $0x10, s0, s25, $0xb8;
	[tilespmem:$0x1E140] =	vst v63  }
0x157: {  	_ =	swait.ge @!p0 [sflag:s26], $0x500  }
0x158: {  	[sflag:s26] =	ssyncset.done @!p0 $0x0  }
.Ltmp4:
0x159: {  	s31 =	sadd.s32 $0x4F60, s23;
	[sflag:s26] =	ssyncadd.s32 @!p0 $0xFFFFFB00;
	(pc) =	sbr.rel @p1 .LBB2_8-.Ltmp4, $4  }
0x15a: {  	[spmem:s2] =	stream.indirect.scatter.add.f32 [tilespmem:s15], [sflag:$0x6], $0x40, s31, s10, $0xb8;
	[tilespmem:$0x1E140] =	vst v63  }
0x15b: {  	_ =	swait.ge [sflag:s7], $0x1400  }
0x15c: {  	[sflag:s7] =	ssyncset.done $0x0  }
0x15d: {  	[sflag:s7] =	ssyncadd.s32 $0xFFFFEC00  }
0x15e: {  	v3 =	vld [tilespmem:s23+$0x50F0]  }
0x15f: {  	v4 =	vld [tilespmem:s23+$0x5100];
	_ =	sdelay $0x1  }
0x160: {  	v5 =	vld [tilespmem:s23+$0x5110];
	_ =	sdelay $0x1  }
0x161: {  	v7 =	vld [tilespmem:s23+$0x5120];
	v6 =	vshll.u32 v3, $0x1  }
0x162: {  	v8 =	vshll.u32 v4, $0x1;
	v3 =	vshra.s32 v3, $0x10;
	v6 =	vand.u32 $0x1FFFE, v6  }
0x163: {  	v59 =	vld [tilespmem:s23+$0x5130];
	v58 =	vand.u32 $0x1FFFE, v8;
	[tilespmem:s23+$0x50F0] =	vst v3;
	v6 =	vor.u32 v0, v6  }
0x164: {  	v60 =	vshll.u32 v5, $0x1;
	v3 =	vor.u32 v0, v58;
	[tilespmem:s23+$0x2D0] =	vst v6  }
0x165: {  	v61 =	vand.u32 $0x1FFFE, v60;
	[tilespmem:s23+$0x2E0] =	vst v3;
	v3 =	vshra.s32 v4, $0x10  }
0x166: {  	v62 =	vshll.u32 v7, $0x1;
	[tilespmem:s23+$0x5100] =	vst v3;
	v3 =	vor.u32 v0, v61  }
0x167: {  	v4 =	vand.u32 $0x1FFFE, v62;
	[tilespmem:s23+$0x2F0] =	vst v3;
	v3 =	vshra.s32 v5, $0x10  }
0x168: {  	v63 =	vshll.u32 v59, $0x1;
	[tilespmem:s23+$0x5110] =	vst v3;
	v3 =	vor.u32 v0, v4  }
.Ltmp5:
0x169: {  	v4 =	vand.u32 $0x1FFFE, v63;
	[tilespmem:s23+$0x300] =	vst v3;
	v3 =	vshra.s32 v7, $0x10;
	(pc) =	sbr.rel .LBB2_6-.Ltmp5, $4  }
0x16a: {  	[tilespmem:s23+$0x5120] =	vst v3;
	v3 =	vor.u32 v0, v4  }
0x16b: {  	[tilespmem:s23+$0x310] =	vst v3;
	v3 =	vshra.s32 v59, $0x10  }
0x16c: {  	s0 =	sadd.s32 $0x2D0, s23;
	s22 =	sadd.s32 $0x5, s22;
	s21 =	sadd.s32 $0x640, s21;
	[tilespmem:s23+$0x5130] =	vst v3  }
0x16d: {  	[tilespmem:s15], [sflag:$0x5] =	stream.indirect.gather [hbm4b:s1+s10], $0x40, s0, s10, $0xb8;
	[tilespmem:$0x1E140] =	vst v63  }
.LBB2_9:
0x16e: {  	_ =	sfence.sel $0x180000  }
0x16f: {  	[bflag:$0x0] =	sbarrier.arrive $0xFFFF  }
0x170: {  	_ =	strace $0x90000047  }
0x171: {  	s0 =	stileid.u32;
	[bflag:$0x2] =	sbarrier.arrive $0xFFFF  }
0x172: {  	p0 =	sne.s32 s0, $0x0;
	s0 =	rddreg [dreg:$0x5]  }
0x173: {  	s0 =	sadd.s32 @!p0 $0x100000, s0  }
0x174: {  	[sflag:s0] =	ssyncadd.tile.s32 @!p0 $0x1;
	_ =	shalt  }
.Lfunc_end2:
_tile_overlayer_lowered:
.L_overlay_start_2:
0x175: {  	(tag) =	ssettag $0x2  }
0x176: {  	s0 =	rddreg [dreg:$0x0];
	s2 =	stileid.u32  }
0x177: {  	s1 =	rddreg [dreg:$0x1];
	p0 =	sne.s32 s2, $0x0  }
0x178: {  	s3 =	rddreg [dreg:$0x2];
	[bflag:$0x3] =	sbarrier.arrive $0xFFFF;
	s2 =	simm.s32 @!p0 $0x1C06  }
0x179: {  	[timem:s3], [sflag:s2] =	dma.local @!p0 [hbm:s0], s1  }
0x17a: {  	s0 =	simm.s32 @!p0 $0x6  }
0x17b: {  	_ =	swait.ge @!p0 [sflag:s0], s1  }
0x17c: {  	s1 =	ssub.s32 @!p0 $0x0, s1;
	[sflag:s0] =	ssyncset.done @!p0 $0x0  }
0x17d: {  	[sflag:s0] =	ssyncadd.s32 @!p0 s1  }
0x17e: {  	[bflag:$0x3] =	sbarrier.arrive $0xFFFF  }
0x17f: {  	_ =	shalt  }

</sc_bundles>
